<compile_context>
chip_gen: v7x
topology: tpu7x:2x2x1
jax: 0.10.2.dev20260603
libtpu: 0.0.44.dev20260713+nightly
codegen_flags: <defaults>
</compile_context>

<pallas_src>
import functools

import jax
import jax.numpy as jnp
from jax import lax
from jax.experimental import pallas as pl
from jax.experimental.pallas import tpu as pltpu
from jax.experimental.pallas import tpu_sc as plsc

N = 10000
E = 320000
IN_DIM = 128
D = 129
DP = 144
DS = 160
NP = 10240
NCLS = 70
T = 4
N_LAYERS = 2
STEP = 0.1
VTH = 1.0

NCORES = 2
NSUB = 16
NW = NCORES * NSUB
EPW = E // NW
NSLOT = 5
ROWS_PER_SUB = NP // NSUB

_mesh = plsc.VectorSubcoreMesh(core_axis_name="c", subcore_axis_name="s")


def _make_msgpass(dtype, width, lanes, K, BLK):
    NBLK = EPW // (BLK * K)
    zsteps = width // lanes

    def body(edges_hbm, x_hbm, out_hbm,
             src_s, dst_s, r0, r1, r2, r3, r4, acc_sh,
             g0, g1, g2, g3, g4, s0, s1, s2, s3, s4):
        rows = (r0, r1, r2, r3, r4)
        gs = (g0, g1, g2, g3, g4)
        ss = (s0, s1, s2, s3, s4)
        c = lax.axis_index("c")
        sid = lax.axis_index("s")
        wid = sid * NCORES + c

        def zb(i, _):
            r0[i // zsteps, pl.ds((i % zsteps) * lanes, lanes)] = (
                jnp.zeros((lanes,), dtype))
            return 0
        lax.fori_loop(0, K * zsteps, zb, 0)

        def zcp(j, _):
            pltpu.sync_copy(
                r0, acc_sh.at[pl.ds(sid * ROWS_PER_SUB + j * K, K)])
            return 0
        lax.fori_loop(0, ROWS_PER_SUB // K, zcp, 0)

        plsc.subcore_barrier()

        ROUNDS = BLK // NSLOT

        def blk(b, _):
            base = wid * EPW + b * BLK * K
            pltpu.sync_copy(edges_hbm.at[0, pl.ds(base, BLK * K)], src_s)
            pltpu.sync_copy(edges_hbm.at[1, pl.ds(base, BLK * K)], dst_s)
            for k in range(NSLOT - 1):
                pltpu.async_copy(
                    x_hbm.at[src_s.at[pl.ds(k * K, K)]], rows[k], gs[k])

            def rnd(i, _):
                j = NSLOT * i
                for k in range(NSLOT):
                    km1 = (k - 1) % NSLOT
                    pltpu.make_async_copy(
                        x_hbm.at[src_s.at[pl.ds((j + k) * K, K)]],
                        rows[k], gs[k]).wait()
                    pltpu.async_copy(
                        rows[k], acc_sh.at[dst_s.at[pl.ds((j + k) * K, K)]],
                        ss[k], add=True)
                    if k == 0:
                        @pl.when(i > 0)
                        def _():
                            pltpu.make_async_copy(
                                rows[km1],
                                acc_sh.at[dst_s.at[pl.ds((j - 1) * K, K)]],
                                ss[km1]).wait()
                        pltpu.async_copy(
                            x_hbm.at[src_s.at[
                                pl.ds((j + NSLOT - 1) * K, K)]],
                            rows[km1], gs[km1])
                    else:
                        pltpu.make_async_copy(
                            rows[km1],
                            acc_sh.at[dst_s.at[pl.ds((j + k - 1) * K, K)]],
                            ss[km1]).wait()

                        @pl.when(i < ROUNDS - 1)
                        def _():
                            pltpu.async_copy(
                                x_hbm.at[src_s.at[
                                    pl.ds((j + k + NSLOT - 1) * K, K)]],
                                rows[km1], gs[km1])
                return 0
            lax.fori_loop(0, ROUNDS, rnd, 0)

            pltpu.make_async_copy(
                rows[(BLK - 1) % NSLOT],
                acc_sh.at[dst_s.at[pl.ds((BLK - 1) * K, K)]],
                ss[(BLK - 1) % NSLOT]).wait()
            return 0
        lax.fori_loop(0, NBLK, blk, 0)

        plsc.subcore_barrier()
        pltpu.sync_copy(
            acc_sh.at[pl.ds(sid * ROWS_PER_SUB, ROWS_PER_SUB)],
            out_hbm.at[c, pl.ds(sid * ROWS_PER_SUB, ROWS_PER_SUB)])

    return functools.partial(
        pl.kernel,
        out_type=jax.ShapeDtypeStruct((NCORES, NP, width), dtype),
        mesh=_mesh,
        scratch_types=[
            pltpu.VMEM((BLK * K,), jnp.int32),
            pltpu.VMEM((BLK * K,), jnp.int32),
            pltpu.VMEM((K, width), dtype),
            pltpu.VMEM((K, width), dtype),
            pltpu.VMEM((K, width), dtype),
            pltpu.VMEM((K, width), dtype),
            pltpu.VMEM((K, width), dtype),
            pltpu.VMEM_SHARED((NP, width), dtype),
            pltpu.SemaphoreType.DMA,
            pltpu.SemaphoreType.DMA,
            pltpu.SemaphoreType.DMA,
            pltpu.SemaphoreType.DMA,
            pltpu.SemaphoreType.DMA,
            pltpu.SemaphoreType.DMA,
            pltpu.SemaphoreType.DMA,
            pltpu.SemaphoreType.DMA,
            pltpu.SemaphoreType.DMA,
            pltpu.SemaphoreType.DMA,
        ],
        compiler_params=pltpu.CompilerParams(use_tc_tiling_on_sc=False),
    )(body)


_msgpass_f32 = _make_msgpass(jnp.float32, DP, 16, K=40, BLK=50)
_msgpass_s16 = _make_msgpass(jnp.int16, DS, 32, K=80, BLK=25)


def _col_ids(shape):
    return lax.broadcasted_iota(jnp.int32, shape, len(shape) - 1)


def _if_dynamics(agg):
    v = jnp.zeros_like(agg)
    ssum = jnp.zeros_like(agg)
    for _ in range(T):
        v = v + agg
        spk = (v >= VTH).astype(jnp.float32)
        v = v - spk * VTH
        ssum = ssum + spk
    return ssum


def _projx(t):
    ids = _col_ids(t.shape)
    rest = jnp.where((ids >= 1) & (ids < D), t, 0.0)
    rss = jnp.sum(rest * rest, axis=-1, keepdims=True)
    x0 = jnp.sqrt(1.0 + rss)
    return jnp.where(ids == 0, x0, rest)


def _to_s16_padded(xs):
    if xs.shape[1] == DS:
        return xs.astype(jnp.int16)
    return jnp.concatenate(
        [xs.astype(jnp.int16),
         jnp.zeros((xs.shape[0], DS - xs.shape[1]), jnp.int16)], axis=1)


NB = 16
BR = NP // NB


def _encode_body(f_ref, w_ref, out_ref):
    mm = jnp.dot(f_ref[...], w_ref[...], preferred_element_type=jnp.float32)
    out_ref[...] = mm + (_col_ids(mm.shape) == D).astype(jnp.float32)


_encode = pl.pallas_call(
    _encode_body,
    grid=(NB,),
    in_specs=[
        pl.BlockSpec((BR, IN_DIM), lambda i: (i, 0)),
        pl.BlockSpec((IN_DIM, DP), lambda i: (0, 0)),
    ],
    out_specs=pl.BlockSpec((BR, DP), lambda i: (i, 0)),
    out_shape=jax.ShapeDtypeStruct((NP, DP), jnp.float32),
)


def _stage0_body(p_ref, x_ref, z_ref, dinv_ref):
    ssum = p_ref[0] + p_ref[1]
    deg = ssum[:, D:D + 1]
    dinv = 1.0 / jnp.maximum(deg, 1.0)
    agg = ssum * dinv
    xs = _if_dynamics(agg)
    xs = jnp.where(_col_ids(xs.shape) < D, xs, 0.0)
    x_ref[...] = _to_s16_padded(xs)
    z_ref[...] = _projx(xs * STEP)
    dinv_ref[...] = dinv


_stage0 = pl.pallas_call(
    _stage0_body,
    grid=(NB,),
    in_specs=[
        pl.BlockSpec((2, BR, DP), lambda i: (0, i, 0)),
    ],
    out_specs=(
        pl.BlockSpec((BR, DS), lambda i: (i, 0)),
        pl.BlockSpec((BR, DP), lambda i: (i, 0)),
        pl.BlockSpec((BR, 1), lambda i: (i, 0)),
    ),
    out_shape=(
        jax.ShapeDtypeStruct((NP, DS), jnp.int16),
        jax.ShapeDtypeStruct((NP, DP), jnp.float32),
        jax.ShapeDtypeStruct((NP, 1), jnp.float32),
    ),
)


def _layer_agg(p_ref, w_ref, dinv_ref):
    m = (p_ref[0] + p_ref[1]).astype(jnp.float32)
    mm = jnp.dot(m, w_ref[...], preferred_element_type=jnp.float32)
    agg = mm * dinv_ref[...]
    xs = _if_dynamics(agg)
    return jnp.where(_col_ids(xs.shape) < D, xs, 0.0)


def _stage1_body(p_ref, w_ref, z_in_ref, dinv_ref, x_ref, z_ref):
    xs = _layer_agg(p_ref, w_ref, dinv_ref)
    x_ref[...] = _to_s16_padded(xs)
    z_ref[...] = _projx(z_in_ref[...] + xs[:, :DP] * STEP)


_stage1 = pl.pallas_call(
    _stage1_body,
    grid=(NB,),
    in_specs=[
        pl.BlockSpec((2, BR, DS), lambda i: (0, i, 0)),
        pl.BlockSpec((DS, DS), lambda i: (0, 0)),
        pl.BlockSpec((BR, DP), lambda i: (i, 0)),
        pl.BlockSpec((BR, 1), lambda i: (i, 0)),
    ],
    out_specs=(
        pl.BlockSpec((BR, DS), lambda i: (i, 0)),
        pl.BlockSpec((BR, DP), lambda i: (i, 0)),
    ),
    out_shape=(
        jax.ShapeDtypeStruct((NP, DS), jnp.int16),
        jax.ShapeDtypeStruct((NP, DP), jnp.float32),
    ),
)


def _final_body(p_ref, w_ref, z_in_ref, dinv_ref, pts_ref, out_ref):
    xs = _layer_agg(p_ref, w_ref, dinv_ref)
    z = _projx(z_in_ref[...] + xs[:, :DP] * STEP)
    q = _projx(pts_ref[...])
    ids = _col_ids(z.shape)
    zneg = jnp.where(ids == 0, -z, z)
    inner = lax.dot_general(zneg, q, (((1,), (1,)), ((), ())),
                            preferred_element_type=jnp.float32)
    c = jnp.maximum(-inner, 1.0 + 1e-5)
    out_ref[...] = -jnp.log(c + jnp.sqrt((c - 1.0) * (c + 1.0)))


_final = pl.pallas_call(
    _final_body,
    grid=(NB,),
    in_specs=[
        pl.BlockSpec((2, BR, DS), lambda i: (0, i, 0)),
        pl.BlockSpec((DS, DS), lambda i: (0, 0)),
        pl.BlockSpec((BR, DP), lambda i: (i, 0)),
        pl.BlockSpec((BR, 1), lambda i: (i, 0)),
        pl.BlockSpec((128, DP), lambda i: (0, 0)),
    ],
    out_specs=pl.BlockSpec((BR, 128), lambda i: (i, 0)),
    out_shape=jax.ShapeDtypeStruct((NP, 128), jnp.float32),
)


def kernel(features, edge_index, W_enc, W_layers, points):
    f_p = jnp.zeros((NP, IN_DIM), jnp.float32).at[:N].set(features)
    we_p = jnp.zeros((IN_DIM, DP), jnp.float32).at[:, :D].set(W_enc)
    wl_p = jnp.zeros((N_LAYERS, DS, DS), jnp.float32).at[:, :D, :D].set(W_layers)
    pts_p = jnp.zeros((128, DP), jnp.float32).at[:NCLS, :D].set(points)

    x0 = _encode(f_p, we_p)
    p0 = _msgpass_f32(edge_index, x0)
    x1, z0, dinv = _stage0(p0)
    p1 = _msgpass_s16(edge_index, x1)
    x2, z1 = _stage1(p1, wl_p[0], z0, dinv)
    p2 = _msgpass_s16(edge_index, x2)
    return _final(p2, wl_p[1], z1, dinv, pts_p)[:N, :NCLS]

# --- scband reference (transcript-rebuilt; emitter-appended) ---
"""Pipeline reference for scband-riemannian-spike-gnn-64484638982233 (READ-ONLY COPY).

The authoritative reference and input builder live on the scoring server;
editing this copy changes nothing except your own understanding.
"""

import jax, jax.numpy as jnp
import numpy as np

N = 10000
E = 320000
IN_DIM = 128
EMBED = 128
D = EMBED + 1  # Lorentz manifold adds time dimension (embed_dim += 1)
NC = 70
T = 4
N_LAYERS = 2
STEP = 0.1
VTH = 1.0
DELTA = 0.05


def projx(x):
    # Lorentz projection: x0 = sqrt(1 + ||x_rest||^2)
    rest = x[..., 1:]
    x0 = jnp.sqrt(1.0 + jnp.sum(rest * rest, axis=-1, keepdims=True))
    return jnp.concatenate([x0, rest], axis=-1)


def lorentz_dist(x, y):
    inner = -x[..., 0] * y[..., 0] + jnp.sum(x[..., 1:] * y[..., 1:], axis=-1)
    return jnp.arccosh(jnp.clip(-inner, 1.0 + 1e-5, None))


def spike(v):
    # IF neuron with surrogate-gradient sigmoid (forward = hard heaviside)
    hard = (v >= VTH).astype(v.dtype)
    soft = jax.nn.sigmoid((v - VTH) / DELTA)
    return jax.lax.stop_gradient(hard - soft) + soft


def if_dynamics(h, src, dst, deg_inv):
    # T-step integrate-and-fire with mean neighbor aggregation each step
    v = jnp.zeros_like(h)
    s_sum = jnp.zeros_like(h)
    for _ in range(T):
        agg = jax.ops.segment_sum(h[src], dst, num_segments=N) * deg_inv
        v = v + agg
        s = spike(v)
        v = v - s * VTH
        s_sum = s_sum + s
    return s_sum


def setup_inputs(seed: int = 0) -> dict:
    key = jax.random.key(seed)
    ks = jax.random.split(key, 5)
    features = jax.random.normal(ks[0], (N, IN_DIM), dtype=jnp.float32)
    edge_index = jax.random.randint(ks[1], (2, E), 0, N, dtype=jnp.int32)
    W_enc = jax.random.normal(ks[2], (IN_DIM, D), dtype=jnp.float32) / np.sqrt(IN_DIM)
    W_layers = jax.random.normal(ks[3], (N_LAYERS, D, D), dtype=jnp.float32) / np.sqrt(D)
    points = jax.random.normal(ks[4], (NC, D), dtype=jnp.float32) / np.sqrt(D)
    return {"features": features, "edge_index": edge_index, "W_enc": W_enc, "W_layers": W_layers, "points": points}


def reference(features, edge_index, W_enc, W_layers, points):
    src = edge_index[0]
    dst = edge_index[1]
    deg = jax.ops.segment_sum(jnp.ones((E,), jnp.float32), dst, num_segments=N)
    deg_inv = (1.0 / jnp.clip(deg, 1.0, None))[:, None]
    # RSEncoderLayer: linear encode + spiking message passing
    h = features @ W_enc
    x_s = if_dynamics(h, src, dst, deg_inv)
    z = projx(x_s * STEP)
    # RiemannianSGNNLayer stack
    for i in range(N_LAYERS):
        h = x_s @ W_layers[i]
        x_s = if_dynamics(h, src, dst, deg_inv)
        z = projx(z + x_s * STEP)
    # RiemannianClassifier: negative Lorentz distance to class prototypes
    logits = -lorentz_dist(projx(points)[None, :, :], z[:, None, :])
    return logits

if __name__ == "__main__":
    import jax
    _d = setup_inputs()
    print(jax.jit(kernel)(*tuple(_d.values())))

</pallas_src>

<mosaic_0001>
#map = affine_map<(d0, d1) -> (0, 0)>
#map1 = affine_map<(d0, d1) -> (0, 0, 0)>
module attributes {stable_mosaic.version = 14 : i64} {
  func.func @body(%arg0: i32, %arg1: i32, %arg2: memref<2x320000xi32, #tpu.memory_space<hbm>>, %arg3: memref<10240x160xi16, #tpu.memory_space<hbm>>, %arg4: memref<2x10240x160xi16, #tpu.memory_space<hbm>>, %arg5: memref<2000xi32, #tpu.memory_space<vmem>>, %arg6: memref<2000xi32, #tpu.memory_space<vmem>>, %arg7: memref<80x160xi16, #tpu.memory_space<vmem>>, %arg8: memref<80x160xi16, #tpu.memory_space<vmem>>, %arg9: memref<80x160xi16, #tpu.memory_space<vmem>>, %arg10: memref<80x160xi16, #tpu.memory_space<vmem>>, %arg11: memref<80x160xi16, #tpu.memory_space<vmem>>, %arg12: memref<10240x160xi16, #tpu.memory_space<vmem_shared>>, %arg13: memref<!tpu.dma_semaphore, #tpu.memory_space<semaphore_mem>>, %arg14: memref<!tpu.dma_semaphore, #tpu.memory_space<semaphore_mem>>, %arg15: memref<!tpu.dma_semaphore, #tpu.memory_space<semaphore_mem>>, %arg16: memref<!tpu.dma_semaphore, #tpu.memory_space<semaphore_mem>>, %arg17: memref<!tpu.dma_semaphore, #tpu.memory_space<semaphore_mem>>, %arg18: memref<!tpu.dma_semaphore, #tpu.memory_space<semaphore_mem>>, %arg19: memref<!tpu.dma_semaphore, #tpu.memory_space<semaphore_mem>>, %arg20: memref<!tpu.dma_semaphore, #tpu.memory_space<semaphore_mem>>, %arg21: memref<!tpu.dma_semaphore, #tpu.memory_space<semaphore_mem>>, %arg22: memref<!tpu.dma_semaphore, #tpu.memory_space<semaphore_mem>>) attributes {dimension_semantics = [#tpu.dimension_semantics<core_parallel>, #tpu.dimension_semantics<subcore_parallel>], iteration_bounds = array<i64: 2, 16>, scalar_prefetch = 0 : i64, scratch_operands = 18 : i64, tpu.core_type = #tpu.core_type<sc_vector_subcore>, window_params = [{transform_indices = #map}, {transform_indices = #map}, {transform_indices = #map1}]} {
    %mul3A = arith.constant 2 : i32
    %mul3A_0 = arith.muli %arg1, %mul3A : i32
    %add3A = arith.addi %mul3A_0, %arg0 : i32
    %scan3A = arith.constant 0 : i32
    %scan3A_1 = arith.constant 0 : i32
    %scan3A_2 = arith.constant 400 : i32
    %scan3A_3 = arith.addi %scan3A_1, %scan3A_2 : i32
    %scan3A_4 = arith.constant 1 : i32
    %scan3A_5 = scf.for %scan3A_26 = %scan3A_1 to %scan3A_3 step %scan3A_4 iter_args(%scan3A_27 = %scan3A) -> (i32)  : i32 {
      %broadcast_in_dim3A = arith.constant 0 : i16
      %broadcast_in_dim3A_28 = vector.broadcast %broadcast_in_dim3A : i16 to vector<32xi16>
      %jit3A = arith.constant 5 : i32
      %div3A = arith.divsi %scan3A_26, %jit3A : i32
      %sign3A = arith.constant 0 : i32
      %sign3A_29 = arith.cmpi sgt, %scan3A_26, %sign3A : i32
      %sign3A_30 = arith.extui %sign3A_29 : i1 to i32
      %sign3A_31 = arith.constant 0 : i32
      %sign3A_32 = arith.cmpi slt, %scan3A_26, %sign3A_31 : i32
      %sign3A_33 = arith.extui %sign3A_32 : i1 to i32
      %sign3A_34 = arith.subi %sign3A_30, %sign3A_33 : i32
      %sign3A_35 = arith.constant 0 : i32
      %sign3A_36 = arith.cmpi sgt, %jit3A, %sign3A_35 : i32
      %sign3A_37 = arith.extui %sign3A_36 : i1 to i32
      %sign3A_38 = arith.constant 0 : i32
      %sign3A_39 = arith.cmpi slt, %jit3A, %sign3A_38 : i32
      %sign3A_40 = arith.extui %sign3A_39 : i1 to i32
      %sign3A_41 = arith.subi %sign3A_37, %sign3A_40 : i32
      %ne3A = arith.cmpi ne, %sign3A_34, %sign3A_41 : i32
      %rem3A = arith.remsi %scan3A_26, %jit3A : i32
      %ne3A_42 = arith.constant 0 : i32
      %ne3A_43 = arith.cmpi ne, %rem3A, %ne3A_42 : i32
      %and3A = arith.andi %ne3A, %ne3A_43 : i1
      %sub3A = arith.constant 1 : i32
      %sub3A_44 = arith.subi %div3A, %sub3A : i32
      %select_n3A = arith.select %and3A, %sub3A_44, %div3A : i32
      %jit3A_45 = arith.constant 5 : i32
      %eq3A = arith.constant 0 : i32
      %eq3A_46 = arith.cmpi eq, %jit3A_45, %eq3A : i32
      %jit3A_47 = arith.constant 1 : i32
      %select_n3A_48 = arith.select %eq3A_46, %jit3A_47, %jit3A_45 : i32
      %rem3A_49 = arith.remsi %scan3A_26, %select_n3A_48 : i32
      %ne3A_50 = arith.constant 0 : i32
      %ne3A_51 = arith.cmpi ne, %rem3A_49, %ne3A_50 : i32
      %lt3A = arith.constant 0 : i32
      %lt3A_52 = arith.cmpi slt, %rem3A_49, %lt3A : i32
      %lt3A_53 = arith.constant 0 : i32
      %lt3A_54 = arith.cmpi slt, %select_n3A_48, %lt3A_53 : i32
      %ne3A_55 = arith.xori %lt3A_52, %lt3A_54 : i1
      %and3A_56 = arith.andi %ne3A_55, %ne3A_51 : i1
      %add3A_57 = arith.addi %rem3A_49, %select_n3A_48 : i32
      %select_n3A_58 = arith.select %and3A_56, %add3A_57, %rem3A_49 : i32
      %mul3A_59 = arith.constant 32 : i32
      %mul3A_60 = arith.muli %select_n3A_58, %mul3A_59 : i32
      %swap3A = arith.index_cast %select_n3A : i32 to index
      %swap3A_61 = arith.index_cast %mul3A_60 : i32 to index
      %swap3A_62 = tpu.vector_load %arg7[%swap3A, %swap3A_61] {strides = array<i32>} : memref<80x160xi16, #tpu.memory_space<vmem>>, vector<1x32xi16>,
      %swap3A_63 = vector.shape_cast %swap3A_62 : vector<1x32xi16> to vector<32xi16>
      %swap3A_64 = vector.shape_cast %broadcast_in_dim3A_28 : vector<32xi16> to vector<1x32xi16>
      tpu.vector_store %arg7[%swap3A, %swap3A_61], %swap3A_64 {strides = array<i32>} : memref<80x160xi16, #tpu.memory_space<vmem>>, vector<1x32xi16>,
      %scan3A_65 = arith.constant 0 : i32
      scf.yield %scan3A_65 : i32
    }
    %scan3A_6 = arith.constant 400 : i32
    %scan3A_7 = arith.constant 0 : i32
    %scan3A_8 = arith.constant 0 : i32
    %scan3A_9 = arith.constant 8 : i32
    %scan3A_10 = arith.addi %scan3A_8, %scan3A_9 : i32
    %scan3A_11 = arith.constant 1 : i32
    %scan3A_12 = scf.for %scan3A_26 = %scan3A_8 to %scan3A_10 step %scan3A_11 iter_args(%scan3A_27 = %scan3A_7) -> (i32)  : i32 {
      %mul3A_28 = arith.constant 640 : i32
      %mul3A_29 = arith.muli %arg1, %mul3A_28 : i32
      %mul3A_30 = arith.constant 80 : i32
      %mul3A_31 = arith.muli %scan3A_26, %mul3A_30 : i32
      %add3A_32 = arith.addi %mul3A_29, %mul3A_31 : i32
      "tpu.region"() ({
        %run_scoped3A = tpu.sem_alloc : memref<!tpu.dma_semaphore, #tpu.memory_space<semaphore_mem>>
        %dma_start3A = arith.constant 0 : i32
        %dma_start3A_34 = tpu.memref_slice %arg12[%add3A_32, %dma_start3A] : memref<10240x160xi16, #tpu.memory_space<vmem_shared>> -> memref<80x160xi16, #tpu.memory_space<vmem_shared>>
        %dma_start3A_35 = arith.constant 0 : i32
        %dma_start3A_36 = tpu.memref_slice %arg12[%add3A_32, %dma_start3A_35] : memref<10240x160xi16, #tpu.memory_space<vmem_shared>> -> memref<80x160xi16, #tpu.memory_space<vmem_shared>>
        tpu.enqueue_dma source(%arg7 : memref<80x160xi16, #tpu.memory_space<vmem>>) target(%dma_start3A_36 : memref<80x160xi16, #tpu.memory_space<vmem_shared>>) target_semaphore(%run_scoped3A : memref<!tpu.dma_semaphore, #tpu.memory_space<semaphore_mem>>)
        %dma_wait3A = arith.constant 0 : i32
        %dma_wait3A_37 = tpu.memref_slice %arg12[%add3A_32, %dma_wait3A] : memref<10240x160xi16, #tpu.memory_space<vmem_shared>> -> memref<80x160xi16, #tpu.memory_space<vmem_shared>>
        %dma_wait3A_38 = arith.constant 0 : i32
        %dma_wait3A_39 = tpu.memref_slice %arg12[%add3A_32, %dma_wait3A_38] : memref<10240x160xi16, #tpu.memory_space<vmem_shared>> -> memref<80x160xi16, #tpu.memory_space<vmem_shared>>
        tpu.wait_dma2 semaphore(%run_scoped3A : memref<!tpu.dma_semaphore, #tpu.memory_space<semaphore_mem>>) src(%arg7 : memref<80x160xi16, #tpu.memory_space<vmem>>) dst(%dma_wait3A_39 : memref<80x160xi16, #tpu.memory_space<vmem_shared>>)
        tpu.yield
      }) : () -> ()
      %scan3A_33 = arith.constant 0 : i32
      scf.yield %scan3A_33 : i32
    }
    %scan3A_13 = arith.constant 8 : i32
    %barrier3A = arith.constant 0 : index
    tpu.barrier barrier_id(%barrier3A)
    %scan3A_14 = arith.constant 0 : i32
    %scan3A_15 = arith.constant 0 : i32
    %scan3A_16 = arith.constant 5 : i32
    %scan3A_17 = arith.addi %scan3A_15, %scan3A_16 : i32
    %scan3A_18 = arith.constant 1 : i32
    %scan3A_19 = scf.for %scan3A_26 = %scan3A_15 to %scan3A_17 step %scan3A_18 iter_args(%scan3A_27 = %scan3A_14) -> (i32)  : i32 {
      %mul3A_28 = arith.constant 10000 : i32
      %mul3A_29 = arith.muli %add3A, %mul3A_28 : i32
      %mul3A_30 = arith.constant 25 : i32
      %mul3A_31 = arith.muli %scan3A_26, %mul3A_30 : i32
      %mul3A_32 = arith.constant 80 : i32
      %mul3A_33 = arith.muli %mul3A_31, %mul3A_32 : i32
      %add3A_34 = arith.addi %mul3A_29, %mul3A_33 : i32
      %run_scoped3A = arith.constant 0 : i32
      "tpu.region"() ({
        %run_scoped3A_67 = tpu.sem_alloc : memref<!tpu.dma_semaphore, #tpu.memory_space<semaphore_mem>>
        %dma_start3A_68 = tpu.memref_slice %arg2[%run_scoped3A, %add3A_34] : memref<2x320000xi32, #tpu.memory_space<hbm>> -> memref<1x2000xi32, #tpu.memory_space<hbm>>
        %dma_start3A_69 = tpu.memref_squeeze %dma_start3A_68 : memref<1x2000xi32, #tpu.memory_space<hbm>> -> memref<2000xi32, #tpu.memory_space<hbm>>
        %dma_start3A_70 = tpu.memref_slice %arg2[%run_scoped3A, %add3A_34] : memref<2x320000xi32, #tpu.memory_space<hbm>> -> memref<1x2000xi32, #tpu.memory_space<hbm>>
        %dma_start3A_71 = tpu.memref_squeeze %dma_start3A_70 : memref<1x2000xi32, #tpu.memory_space<hbm>> -> memref<2000xi32, #tpu.memory_space<hbm>>
        tpu.enqueue_dma source(%dma_start3A_71 : memref<2000xi32, #tpu.memory_space<hbm>>) target(%arg5 : memref<2000xi32, #tpu.memory_space<vmem>>) target_semaphore(%run_scoped3A_67 : memref<!tpu.dma_semaphore, #tpu.memory_space<semaphore_mem>>)
        %dma_wait3A_72 = tpu.memref_slice %arg2[%run_scoped3A, %add3A_34] : memref<2x320000xi32, #tpu.memory_space<hbm>> -> memref<1x2000xi32, #tpu.memory_space<hbm>>
        %dma_wait3A_73 = tpu.memref_squeeze %dma_wait3A_72 : memref<1x2000xi32, #tpu.memory_space<hbm>> -> memref<2000xi32, #tpu.memory_space<hbm>>
        %dma_wait3A_74 = tpu.memref_slice %arg2[%run_scoped3A, %add3A_34] : memref<2x320000xi32, #tpu.memory_space<hbm>> -> memref<1x2000xi32, #tpu.memory_space<hbm>>
        %dma_wait3A_75 = tpu.memref_squeeze %dma_wait3A_74 : memref<1x2000xi32, #tpu.memory_space<hbm>> -> memref<2000xi32, #tpu.memory_space<hbm>>
        tpu.wait_dma2 semaphore(%run_scoped3A_67 : memref<!tpu.dma_semaphore, #tpu.memory_space<semaphore_mem>>) src(%dma_wait3A_75 : memref<2000xi32, #tpu.memory_space<hbm>>) dst(%arg5 : memref<2000xi32, #tpu.memory_space<vmem>>)
        tpu.yield
      }) : () -> ()
      %run_scoped3A_35 = arith.constant 1 : i32
      "tpu.region"() ({
        %run_scoped3A_67 = tpu.sem_alloc : memref<!tpu.dma_semaphore, #tpu.memory_space<semaphore_mem>>
        %dma_start3A_68 = tpu.memref_slice %arg2[%run_scoped3A_35, %add3A_34] : memref<2x320000xi32, #tpu.memory_space<hbm>> -> memref<1x2000xi32, #tpu.memory_space<hbm>>
        %dma_start3A_69 = tpu.memref_squeeze %dma_start3A_68 : memref<1x2000xi32, #tpu.memory_space<hbm>> -> memref<2000xi32, #tpu.memory_space<hbm>>
        %dma_start3A_70 = tpu.memref_slice %arg2[%run_scoped3A_35, %add3A_34] : memref<2x320000xi32, #tpu.memory_space<hbm>> -> memref<1x2000xi32, #tpu.memory_space<hbm>>
        %dma_start3A_71 = tpu.memref_squeeze %dma_start3A_70 : memref<1x2000xi32, #tpu.memory_space<hbm>> -> memref<2000xi32, #tpu.memory_space<hbm>>
        tpu.enqueue_dma source(%dma_start3A_71 : memref<2000xi32, #tpu.memory_space<hbm>>) target(%arg6 : memref<2000xi32, #tpu.memory_space<vmem>>) target_semaphore(%run_scoped3A_67 : memref<!tpu.dma_semaphore, #tpu.memory_space<semaphore_mem>>)
        %dma_wait3A_72 = tpu.memref_slice %arg2[%run_scoped3A_35, %add3A_34] : memref<2x320000xi32, #tpu.memory_space<hbm>> -> memref<1x2000xi32, #tpu.memory_space<hbm>>
        %dma_wait3A_73 = tpu.memref_squeeze %dma_wait3A_72 : memref<1x2000xi32, #tpu.memory_space<hbm>> -> memref<2000xi32, #tpu.memory_space<hbm>>
        %dma_wait3A_74 = tpu.memref_slice %arg2[%run_scoped3A_35, %add3A_34] : memref<2x320000xi32, #tpu.memory_space<hbm>> -> memref<1x2000xi32, #tpu.memory_space<hbm>>
        %dma_wait3A_75 = tpu.memref_squeeze %dma_wait3A_74 : memref<1x2000xi32, #tpu.memory_space<hbm>> -> memref<2000xi32, #tpu.memory_space<hbm>>
        tpu.wait_dma2 semaphore(%run_scoped3A_67 : memref<!tpu.dma_semaphore, #tpu.memory_space<semaphore_mem>>) src(%dma_wait3A_75 : memref<2000xi32, #tpu.memory_space<hbm>>) dst(%arg6 : memref<2000xi32, #tpu.memory_space<vmem>>)
        tpu.yield
      }) : () -> ()
      %dma_start3A = arith.constant 0 : i32
      %dma_start3A_36 = tpu.memref_slice %arg5[%dma_start3A] : memref<2000xi32, #tpu.memory_space<vmem>> -> memref<80xi32, #tpu.memory_space<vmem>>
      %dma_start3A_37 = arith.constant 0 : i32
      %dma_start3A_38 = arith.constant 0 : i32
      %dma_start3A_39 = tpu.memref_slice %arg3[%dma_start3A_37, %dma_start3A_38] : memref<10240x160xi16, #tpu.memory_space<hbm>> -> memref<10240x160xi16, #tpu.memory_space<hbm>>
      tpu.enqueue_indirect_dma source(%dma_start3A_39 : memref<10240x160xi16, #tpu.memory_space<hbm>>) target(%arg7 : memref<80x160xi16, #tpu.memory_space<vmem>>) offsets(%dma_start3A_36 : memref<80xi32, #tpu.memory_space<vmem>>) semaphore(%arg13 : memref<!tpu.dma_semaphore, #tpu.memory_space<semaphore_mem>>)
      %dma_start3A_40 = arith.constant 80 : i32
      %dma_start3A_41 = tpu.memref_slice %arg5[%dma_start3A_40] : memref<2000xi32, #tpu.memory_space<vmem>> -> memref<80xi32, #tpu.memory_space<vmem>>
      %dma_start3A_42 = arith.constant 0 : i32
      %dma_start3A_43 = arith.constant 0 : i32
      %dma_start3A_44 = tpu.memref_slice %arg3[%dma_start3A_42, %dma_start3A_43] : memref<10240x160xi16, #tpu.memory_space<hbm>> -> memref<10240x160xi16, #tpu.memory_space<hbm>>
      tpu.enqueue_indirect_dma source(%dma_start3A_44 : memref<10240x160xi16, #tpu.memory_space<hbm>>) target(%arg8 : memref<80x160xi16, #tpu.memory_space<vmem>>) offsets(%dma_start3A_41 : memref<80xi32, #tpu.memory_space<vmem>>) semaphore(%arg14 : memref<!tpu.dma_semaphore, #tpu.memory_space<semaphore_mem>>)
      %dma_start3A_45 = arith.constant 160 : i32
      %dma_start3A_46 = tpu.memref_slice %arg5[%dma_start3A_45] : memref<2000xi32, #tpu.memory_space<vmem>> -> memref<80xi32, #tpu.memory_space<vmem>>
      %dma_start3A_47 = arith.constant 0 : i32
      %dma_start3A_48 = arith.constant 0 : i32
      %dma_start3A_49 = tpu.memref_slice %arg3[%dma_start3A_47, %dma_start3A_48] : memref<10240x160xi16, #tpu.memory_space<hbm>> -> memref<10240x160xi16, #tpu.memory_space<hbm>>
      tpu.enqueue_indirect_dma source(%dma_start3A_49 : memref<10240x160xi16, #tpu.memory_space<hbm>>) target(%arg9 : memref<80x160xi16, #tpu.memory_space<vmem>>) offsets(%dma_start3A_46 : memref<80xi32, #tpu.memory_space<vmem>>) semaphore(%arg15 : memref<!tpu.dma_semaphore, #tpu.memory_space<semaphore_mem>>)
      %dma_start3A_50 = arith.constant 240 : i32
      %dma_start3A_51 = tpu.memref_slice %arg5[%dma_start3A_50] : memref<2000xi32, #tpu.memory_space<vmem>> -> memref<80xi32, #tpu.memory_space<vmem>>
      %dma_start3A_52 = arith.constant 0 : i32
      %dma_start3A_53 = arith.constant 0 : i32
      %dma_start3A_54 = tpu.memref_slice %arg3[%dma_start3A_52, %dma_start3A_53] : memref<10240x160xi16, #tpu.memory_space<hbm>> -> memref<10240x160xi16, #tpu.memory_space<hbm>>
      tpu.enqueue_indirect_dma source(%dma_start3A_54 : memref<10240x160xi16, #tpu.memory_space<hbm>>) target(%arg10 : memref<80x160xi16, #tpu.memory_space<vmem>>) offsets(%dma_start3A_51 : memref<80xi32, #tpu.memory_space<vmem>>) semaphore(%arg16 : memref<!tpu.dma_semaphore, #tpu.memory_space<semaphore_mem>>)
      %scan3A_55 = arith.constant 0 : i32
      %scan3A_56 = arith.constant 0 : i32
      %scan3A_57 = arith.constant 5 : i32
      %scan3A_58 = arith.addi %scan3A_56, %scan3A_57 : i32
      %scan3A_59 = arith.constant 1 : i32
      %scan3A_60 = scf.for %scan3A_67 = %scan3A_56 to %scan3A_58 step %scan3A_59 iter_args(%scan3A_68 = %scan3A_55) -> (i32)  : i32 {
        %mul3A_69 = arith.constant 5 : i32
        %mul3A_70 = arith.muli %mul3A_69, %scan3A_67 : i32
        %add3A_71 = arith.constant 0 : i32
        %add3A_72 = arith.addi %mul3A_70, %add3A_71 : i32
        %mul3A_73 = arith.constant 80 : i32
        %mul3A_74 = arith.muli %add3A_72, %mul3A_73 : i32
        %dma_wait3A_75 = tpu.memref_slice %arg5[%mul3A_74] : memref<2000xi32, #tpu.memory_space<vmem>> -> memref<80xi32, #tpu.memory_space<vmem>>
        %dma_wait3A_76 = arith.constant 0 : i32
        %dma_wait3A_77 = arith.constant 0 : i32
        %dma_wait3A_78 = tpu.memref_slice %arg3[%dma_wait3A_76, %dma_wait3A_77] : memref<10240x160xi16, #tpu.memory_space<hbm>> -> memref<10240x160xi16, #tpu.memory_space<hbm>>
        tpu.wait_indirect_dma semaphore(%arg13 : memref<!tpu.dma_semaphore, #tpu.memory_space<semaphore_mem>>) src(%dma_wait3A_78 : memref<10240x160xi16, #tpu.memory_space<hbm>>) dst(%arg7 : memref<80x160xi16, #tpu.memory_space<vmem>>)
        %add3A_79 = arith.constant 0 : i32
        %add3A_80 = arith.addi %mul3A_70, %add3A_79 : i32
        %mul3A_81 = arith.constant 80 : i32
        %mul3A_82 = arith.muli %add3A_80, %mul3A_81 : i32
        %dma_start3A_83 = tpu.memref_slice %arg6[%mul3A_82] : memref<2000xi32, #tpu.memory_space<vmem>> -> memref<80xi32, #tpu.memory_space<vmem>>
        %dma_start3A_84 = arith.constant 0 : i32
        %dma_start3A_85 = arith.constant 0 : i32
        %dma_start3A_86 = tpu.memref_slice %arg12[%dma_start3A_84, %dma_start3A_85] : memref<10240x160xi16, #tpu.memory_space<vmem_shared>> -> memref<10240x160xi16, #tpu.memory_space<vmem_shared>>
        tpu.enqueue_indirect_dma source(%arg7 : memref<80x160xi16, #tpu.memory_space<vmem>>) target(%dma_start3A_86 : memref<10240x160xi16, #tpu.memory_space<vmem_shared>>) offsets(%dma_start3A_83 : memref<80xi32, #tpu.memory_space<vmem>>) semaphore(%arg18 : memref<!tpu.dma_semaphore, #tpu.memory_space<semaphore_mem>>) {add = true}
        %gt3A = arith.constant 0 : i32
        %gt3A_87 = arith.cmpi sgt, %scan3A_67, %gt3A : i32
        %convert_element_type3A = arith.extui %gt3A_87 : i1 to i32
        %cond3A = arith.constant 0 : i32
        %cond3A_88 = arith.cmpi ne, %convert_element_type3A, %cond3A : i32
        scf.if %cond3A_88 {
          %sub3A_222 = arith.constant 1 : i32
          %sub3A_223 = arith.subi %mul3A_70, %sub3A_222 : i32
          %mul3A_224 = arith.constant 80 : i32
          %mul3A_225 = arith.muli %sub3A_223, %mul3A_224 : i32
          %dma_wait3A_226 = tpu.memref_slice %arg6[%mul3A_225] : memref<2000xi32, #tpu.memory_space<vmem>> -> memref<80xi32, #tpu.memory_space<vmem>>
          %dma_wait3A_227 = arith.constant 0 : i32
          %dma_wait3A_228 = arith.constant 0 : i32
          %dma_wait3A_229 = tpu.memref_slice %arg12[%dma_wait3A_227, %dma_wait3A_228] : memref<10240x160xi16, #tpu.memory_space<vmem_shared>> -> memref<10240x160xi16, #tpu.memory_space<vmem_shared>>
          tpu.wait_indirect_dma semaphore(%arg22 : memref<!tpu.dma_semaphore, #tpu.memory_space<semaphore_mem>>) src(%arg11 : memref<80x160xi16, #tpu.memory_space<vmem>>) dst(%dma_wait3A_229 : memref<10240x160xi16, #tpu.memory_space<vmem_shared>>)
        } else {
        }
        %add3A_89 = arith.constant 5 : i32
        %add3A_90 = arith.addi %mul3A_70, %add3A_89 : i32
        %sub3A = arith.constant 1 : i32
        %sub3A_91 = arith.subi %add3A_90, %sub3A : i32
        %mul3A_92 = arith.constant 80 : i32
        %mul3A_93 = arith.muli %sub3A_91, %mul3A_92 : i32
        %dma_start3A_94 = tpu.memref_slice %arg5[%mul3A_93] : memref<2000xi32, #tpu.memory_space<vmem>> -> memref<80xi32, #tpu.memory_space<vmem>>
        %dma_start3A_95 = arith.constant 0 : i32
        %dma_start3A_96 = arith.constant 0 : i32
        %dma_start3A_97 = tpu.memref_slice %arg3[%dma_start3A_95, %dma_start3A_96] : memref<10240x160xi16, #tpu.memory_space<hbm>> -> memref<10240x160xi16, #tpu.memory_space<hbm>>
        tpu.enqueue_indirect_dma source(%dma_start3A_97 : memref<10240x160xi16, #tpu.memory_space<hbm>>) target(%arg11 : memref<80x160xi16, #tpu.memory_space<vmem>>) offsets(%dma_start3A_94 : memref<80xi32, #tpu.memory_space<vmem>>) semaphore(%arg17 : memref<!tpu.dma_semaphore, #tpu.memory_space<semaphore_mem>>)
        %add3A_98 = arith.constant 1 : i32
        %add3A_99 = arith.addi %mul3A_70, %add3A_98 : i32
        %mul3A_100 = arith.constant 80 : i32
        %mul3A_101 = arith.muli %add3A_99, %mul3A_100 : i32
        %dma_wait3A_102 = tpu.memref_slice %arg5[%mul3A_101] : memref<2000xi32, #tpu.memory_space<vmem>> -> memref<80xi32, #tpu.memory_space<vmem>>
        %dma_wait3A_103 = arith.constant 0 : i32
        %dma_wait3A_104 = arith.constant 0 : i32
        %dma_wait3A_105 = tpu.memref_slice %arg3[%dma_wait3A_103, %dma_wait3A_104] : memref<10240x160xi16, #tpu.memory_space<hbm>> -> memref<10240x160xi16, #tpu.memory_space<hbm>>
        tpu.wait_indirect_dma semaphore(%arg14 : memref<!tpu.dma_semaphore, #tpu.memory_space<semaphore_mem>>) src(%dma_wait3A_105 : memref<10240x160xi16, #tpu.memory_space<hbm>>) dst(%arg8 : memref<80x160xi16, #tpu.memory_space<vmem>>)
        %add3A_106 = arith.constant 1 : i32
        %add3A_107 = arith.addi %mul3A_70, %add3A_106 : i32
        %mul3A_108 = arith.constant 80 : i32
        %mul3A_109 = arith.muli %add3A_107, %mul3A_108 : i32
        %dma_start3A_110 = tpu.memref_slice %arg6[%mul3A_109] : memref<2000xi32, #tpu.memory_space<vmem>> -> memref<80xi32, #tpu.memory_space<vmem>>
        %dma_start3A_111 = arith.constant 0 : i32
        %dma_start3A_112 = arith.constant 0 : i32
        %dma_start3A_113 = tpu.memref_slice %arg12[%dma_start3A_111, %dma_start3A_112] : memref<10240x160xi16, #tpu.memory_space<vmem_shared>> -> memref<10240x160xi16, #tpu.memory_space<vmem_shared>>
        tpu.enqueue_indirect_dma source(%arg8 : memref<80x160xi16, #tpu.memory_space<vmem>>) target(%dma_start3A_113 : memref<10240x160xi16, #tpu.memory_space<vmem_shared>>) offsets(%dma_start3A_110 : memref<80xi32, #tpu.memory_space<vmem>>) semaphore(%arg19 : memref<!tpu.dma_semaphore, #tpu.memory_space<semaphore_mem>>) {add = true}
        %add3A_114 = arith.constant 1 : i32
        %add3A_115 = arith.addi %mul3A_70, %add3A_114 : i32
        %sub3A_116 = arith.constant 1 : i32
        %sub3A_117 = arith.subi %add3A_115, %sub3A_116 : i32
        %mul3A_118 = arith.constant 80 : i32
        %mul3A_119 = arith.muli %sub3A_117, %mul3A_118 : i32
        %dma_wait3A_120 = tpu.memref_slice %arg6[%mul3A_119] : memref<2000xi32, #tpu.memory_space<vmem>> -> memref<80xi32, #tpu.memory_space<vmem>>
        %dma_wait3A_121 = arith.constant 0 : i32
        %dma_wait3A_122 = arith.constant 0 : i32
        %dma_wait3A_123 = tpu.memref_slice %arg12[%dma_wait3A_121, %dma_wait3A_122] : memref<10240x160xi16, #tpu.memory_space<vmem_shared>> -> memref<10240x160xi16, #tpu.memory_space<vmem_shared>>
        tpu.wait_indirect_dma semaphore(%arg18 : memref<!tpu.dma_semaphore, #tpu.memory_space<semaphore_mem>>) src(%arg7 : memref<80x160xi16, #tpu.memory_space<vmem>>) dst(%dma_wait3A_123 : memref<10240x160xi16, #tpu.memory_space<vmem_shared>>)
        %lt3A = arith.constant 4 : i32
        %lt3A_124 = arith.cmpi slt, %scan3A_67, %lt3A : i32
        %convert_element_type3A_125 = arith.extui %lt3A_124 : i1 to i32
        %cond3A_126 = arith.constant 0 : i32
        %cond3A_127 = arith.cmpi ne, %convert_element_type3A_125, %cond3A_126 : i32
        scf.if %cond3A_127 {
          %add3A_222 = arith.constant 1 : i32
          %add3A_223 = arith.addi %mul3A_70, %add3A_222 : i32
          %add3A_224 = arith.constant 5 : i32
          %add3A_225 = arith.addi %add3A_223, %add3A_224 : i32
          %sub3A_226 = arith.constant 1 : i32
          %sub3A_227 = arith.subi %add3A_225, %sub3A_226 : i32
          %mul3A_228 = arith.constant 80 : i32
          %mul3A_229 = arith.muli %sub3A_227, %mul3A_228 : i32
          %dma_start3A_230 = tpu.memref_slice %arg5[%mul3A_229] : memref<2000xi32, #tpu.memory_space<vmem>> -> memref<80xi32, #tpu.memory_space<vmem>>
          %dma_start3A_231 = arith.constant 0 : i32
          %dma_start3A_232 = arith.constant 0 : i32
          %dma_start3A_233 = tpu.memref_slice %arg3[%dma_start3A_231, %dma_start3A_232] : memref<10240x160xi16, #tpu.memory_space<hbm>> -> memref<10240x160xi16, #tpu.memory_space<hbm>>
          tpu.enqueue_indirect_dma source(%dma_start3A_233 : memref<10240x160xi16, #tpu.memory_space<hbm>>) target(%arg7 : memref<80x160xi16, #tpu.memory_space<vmem>>) offsets(%dma_start3A_230 : memref<80xi32, #tpu.memory_space<vmem>>) semaphore(%arg13 : memref<!tpu.dma_semaphore, #tpu.memory_space<semaphore_mem>>)
        } else {
        }
        %add3A_128 = arith.constant 2 : i32
        %add3A_129 = arith.addi %mul3A_70, %add3A_128 : i32
        %mul3A_130 = arith.constant 80 : i32
        %mul3A_131 = arith.muli %add3A_129, %mul3A_130 : i32
        %dma_wait3A_132 = tpu.memref_slice %arg5[%mul3A_131] : memref<2000xi32, #tpu.memory_space<vmem>> -> memref<80xi32, #tpu.memory_space<vmem>>
        %dma_wait3A_133 = arith.constant 0 : i32
        %dma_wait3A_134 = arith.constant 0 : i32
        %dma_wait3A_135 = tpu.memref_slice %arg3[%dma_wait3A_133, %dma_wait3A_134] : memref<10240x160xi16, #tpu.memory_space<hbm>> -> memref<10240x160xi16, #tpu.memory_space<hbm>>
        tpu.wait_indirect_dma semaphore(%arg15 : memref<!tpu.dma_semaphore, #tpu.memory_space<semaphore_mem>>) src(%dma_wait3A_135 : memref<10240x160xi16, #tpu.memory_space<hbm>>) dst(%arg9 : memref<80x160xi16, #tpu.memory_space<vmem>>)
        %add3A_136 = arith.constant 2 : i32
        %add3A_137 = arith.addi %mul3A_70, %add3A_136 : i32
        %mul3A_138 = arith.constant 80 : i32
        %mul3A_139 = arith.muli %add3A_137, %mul3A_138 : i32
        %dma_start3A_140 = tpu.memref_slice %arg6[%mul3A_139] : memref<2000xi32, #tpu.memory_space<vmem>> -> memref<80xi32, #tpu.memory_space<vmem>>
        %dma_start3A_141 = arith.constant 0 : i32
        %dma_start3A_142 = arith.constant 0 : i32
        %dma_start3A_143 = tpu.memref_slice %arg12[%dma_start3A_141, %dma_start3A_142] : memref<10240x160xi16, #tpu.memory_space<vmem_shared>> -> memref<10240x160xi16, #tpu.memory_space<vmem_shared>>
        tpu.enqueue_indirect_dma source(%arg9 : memref<80x160xi16, #tpu.memory_space<vmem>>) target(%dma_start3A_143 : memref<10240x160xi16, #tpu.memory_space<vmem_shared>>) offsets(%dma_start3A_140 : memref<80xi32, #tpu.memory_space<vmem>>) semaphore(%arg20 : memref<!tpu.dma_semaphore, #tpu.memory_space<semaphore_mem>>) {add = true}
        %add3A_144 = arith.constant 2 : i32
        %add3A_145 = arith.addi %mul3A_70, %add3A_144 : i32
        %sub3A_146 = arith.constant 1 : i32
        %sub3A_147 = arith.subi %add3A_145, %sub3A_146 : i32
        %mul3A_148 = arith.constant 80 : i32
        %mul3A_149 = arith.muli %sub3A_147, %mul3A_148 : i32
        %dma_wait3A_150 = tpu.memref_slice %arg6[%mul3A_149] : memref<2000xi32, #tpu.memory_space<vmem>> -> memref<80xi32, #tpu.memory_space<vmem>>
        %dma_wait3A_151 = arith.constant 0 : i32
        %dma_wait3A_152 = arith.constant 0 : i32
        %dma_wait3A_153 = tpu.memref_slice %arg12[%dma_wait3A_151, %dma_wait3A_152] : memref<10240x160xi16, #tpu.memory_space<vmem_shared>> -> memref<10240x160xi16, #tpu.memory_space<vmem_shared>>
        tpu.wait_indirect_dma semaphore(%arg19 : memref<!tpu.dma_semaphore, #tpu.memory_space<semaphore_mem>>) src(%arg8 : memref<80x160xi16, #tpu.memory_space<vmem>>) dst(%dma_wait3A_153 : memref<10240x160xi16, #tpu.memory_space<vmem_shared>>)
        %lt3A_154 = arith.constant 4 : i32
        %lt3A_155 = arith.cmpi slt, %scan3A_67, %lt3A_154 : i32
        %convert_element_type3A_156 = arith.extui %lt3A_155 : i1 to i32
        %cond3A_157 = arith.constant 0 : i32
        %cond3A_158 = arith.cmpi ne, %convert_element_type3A_156, %cond3A_157 : i32
        scf.if %cond3A_158 {
          %add3A_222 = arith.constant 2 : i32
          %add3A_223 = arith.addi %mul3A_70, %add3A_222 : i32
          %add3A_224 = arith.constant 5 : i32
          %add3A_225 = arith.addi %add3A_223, %add3A_224 : i32
          %sub3A_226 = arith.constant 1 : i32
          %sub3A_227 = arith.subi %add3A_225, %sub3A_226 : i32
          %mul3A_228 = arith.constant 80 : i32
          %mul3A_229 = arith.muli %sub3A_227, %mul3A_228 : i32
          %dma_start3A_230 = tpu.memref_slice %arg5[%mul3A_229] : memref<2000xi32, #tpu.memory_space<vmem>> -> memref<80xi32, #tpu.memory_space<vmem>>
          %dma_start3A_231 = arith.constant 0 : i32
          %dma_start3A_232 = arith.constant 0 : i32
          %dma_start3A_233 = tpu.memref_slice %arg3[%dma_start3A_231, %dma_start3A_232] : memref<10240x160xi16, #tpu.memory_space<hbm>> -> memref<10240x160xi16, #tpu.memory_space<hbm>>
          tpu.enqueue_indirect_dma source(%dma_start3A_233 : memref<10240x160xi16, #tpu.memory_space<hbm>>) target(%arg8 : memref<80x160xi16, #tpu.memory_space<vmem>>) offsets(%dma_start3A_230 : memref<80xi32, #tpu.memory_space<vmem>>) semaphore(%arg14 : memref<!tpu.dma_semaphore, #tpu.memory_space<semaphore_mem>>)
        } else {
        }
        %add3A_159 = arith.constant 3 : i32
        %add3A_160 = arith.addi %mul3A_70, %add3A_159 : i32
        %mul3A_161 = arith.constant 80 : i32
        %mul3A_162 = arith.muli %add3A_160, %mul3A_161 : i32
        %dma_wait3A_163 = tpu.memref_slice %arg5[%mul3A_162] : memref<2000xi32, #tpu.memory_space<vmem>> -> memref<80xi32, #tpu.memory_space<vmem>>
        %dma_wait3A_164 = arith.constant 0 : i32
        %dma_wait3A_165 = arith.constant 0 : i32
        %dma_wait3A_166 = tpu.memref_slice %arg3[%dma_wait3A_164, %dma_wait3A_165] : memref<10240x160xi16, #tpu.memory_space<hbm>> -> memref<10240x160xi16, #tpu.memory_space<hbm>>
        tpu.wait_indirect_dma semaphore(%arg16 : memref<!tpu.dma_semaphore, #tpu.memory_space<semaphore_mem>>) src(%dma_wait3A_166 : memref<10240x160xi16, #tpu.memory_space<hbm>>) dst(%arg10 : memref<80x160xi16, #tpu.memory_space<vmem>>)
        %add3A_167 = arith.constant 3 : i32
        %add3A_168 = arith.addi %mul3A_70, %add3A_167 : i32
        %mul3A_169 = arith.constant 80 : i32
        %mul3A_170 = arith.muli %add3A_168, %mul3A_169 : i32
        %dma_start3A_171 = tpu.memref_slice %arg6[%mul3A_170] : memref<2000xi32, #tpu.memory_space<vmem>> -> memref<80xi32, #tpu.memory_space<vmem>>
        %dma_start3A_172 = arith.constant 0 : i32
        %dma_start3A_173 = arith.constant 0 : i32
        %dma_start3A_174 = tpu.memref_slice %arg12[%dma_start3A_172, %dma_start3A_173] : memref<10240x160xi16, #tpu.memory_space<vmem_shared>> -> memref<10240x160xi16, #tpu.memory_space<vmem_shared>>
        tpu.enqueue_indirect_dma source(%arg10 : memref<80x160xi16, #tpu.memory_space<vmem>>) target(%dma_start3A_174 : memref<10240x160xi16, #tpu.memory_space<vmem_shared>>) offsets(%dma_start3A_171 : memref<80xi32, #tpu.memory_space<vmem>>) semaphore(%arg21 : memref<!tpu.dma_semaphore, #tpu.memory_space<semaphore_mem>>) {add = true}
        %add3A_175 = arith.constant 3 : i32
        %add3A_176 = arith.addi %mul3A_70, %add3A_175 : i32
        %sub3A_177 = arith.constant 1 : i32
        %sub3A_178 = arith.subi %add3A_176, %sub3A_177 : i32
        %mul3A_179 = arith.constant 80 : i32
        %mul3A_180 = arith.muli %sub3A_178, %mul3A_179 : i32
        %dma_wait3A_181 = tpu.memref_slice %arg6[%mul3A_180] : memref<2000xi32, #tpu.memory_space<vmem>> -> memref<80xi32, #tpu.memory_space<vmem>>
        %dma_wait3A_182 = arith.constant 0 : i32
        %dma_wait3A_183 = arith.constant 0 : i32
        %dma_wait3A_184 = tpu.memref_slice %arg12[%dma_wait3A_182, %dma_wait3A_183] : memref<10240x160xi16, #tpu.memory_space<vmem_shared>> -> memref<10240x160xi16, #tpu.memory_space<vmem_shared>>
        tpu.wait_indirect_dma semaphore(%arg20 : memref<!tpu.dma_semaphore, #tpu.memory_space<semaphore_mem>>) src(%arg9 : memref<80x160xi16, #tpu.memory_space<vmem>>) dst(%dma_wait3A_184 : memref<10240x160xi16, #tpu.memory_space<vmem_shared>>)
        %lt3A_185 = arith.constant 4 : i32
        %lt3A_186 = arith.cmpi slt, %scan3A_67, %lt3A_185 : i32
        %convert_element_type3A_187 = arith.extui %lt3A_186 : i1 to i32
        %cond3A_188 = arith.constant 0 : i32
        %cond3A_189 = arith.cmpi ne, %convert_element_type3A_187, %cond3A_188 : i32
        scf.if %cond3A_189 {
          %add3A_222 = arith.constant 3 : i32
          %add3A_223 = arith.addi %mul3A_70, %add3A_222 : i32
          %add3A_224 = arith.constant 5 : i32
          %add3A_225 = arith.addi %add3A_223, %add3A_224 : i32
          %sub3A_226 = arith.constant 1 : i32
          %sub3A_227 = arith.subi %add3A_225, %sub3A_226 : i32
          %mul3A_228 = arith.constant 80 : i32
          %mul3A_229 = arith.muli %sub3A_227, %mul3A_228 : i32
          %dma_start3A_230 = tpu.memref_slice %arg5[%mul3A_229] : memref<2000xi32, #tpu.memory_space<vmem>> -> memref<80xi32, #tpu.memory_space<vmem>>
          %dma_start3A_231 = arith.constant 0 : i32
          %dma_start3A_232 = arith.constant 0 : i32
          %dma_start3A_233 = tpu.memref_slice %arg3[%dma_start3A_231, %dma_start3A_232] : memref<10240x160xi16, #tpu.memory_space<hbm>> -> memref<10240x160xi16, #tpu.memory_space<hbm>>
          tpu.enqueue_indirect_dma source(%dma_start3A_233 : memref<10240x160xi16, #tpu.memory_space<hbm>>) target(%arg9 : memref<80x160xi16, #tpu.memory_space<vmem>>) offsets(%dma_start3A_230 : memref<80xi32, #tpu.memory_space<vmem>>) semaphore(%arg15 : memref<!tpu.dma_semaphore, #tpu.memory_space<semaphore_mem>>)
        } else {
        }
        %add3A_190 = arith.constant 4 : i32
        %add3A_191 = arith.addi %mul3A_70, %add3A_190 : i32
        %mul3A_192 = arith.constant 80 : i32
        %mul3A_193 = arith.muli %add3A_191, %mul3A_192 : i32
        %dma_wait3A_194 = tpu.memref_slice %arg5[%mul3A_193] : memref<2000xi32, #tpu.memory_space<vmem>> -> memref<80xi32, #tpu.memory_space<vmem>>
        %dma_wait3A_195 = arith.constant 0 : i32
        %dma_wait3A_196 = arith.constant 0 : i32
        %dma_wait3A_197 = tpu.memref_slice %arg3[%dma_wait3A_195, %dma_wait3A_196] : memref<10240x160xi16, #tpu.memory_space<hbm>> -> memref<10240x160xi16, #tpu.memory_space<hbm>>
        tpu.wait_indirect_dma semaphore(%arg17 : memref<!tpu.dma_semaphore, #tpu.memory_space<semaphore_mem>>) src(%dma_wait3A_197 : memref<10240x160xi16, #tpu.memory_space<hbm>>) dst(%arg11 : memref<80x160xi16, #tpu.memory_space<vmem>>)
        %add3A_198 = arith.constant 4 : i32
        %add3A_199 = arith.addi %mul3A_70, %add3A_198 : i32
        %mul3A_200 = arith.constant 80 : i32
        %mul3A_201 = arith.muli %add3A_199, %mul3A_200 : i32
        %dma_start3A_202 = tpu.memref_slice %arg6[%mul3A_201] : memref<2000xi32, #tpu.memory_space<vmem>> -> memref<80xi32, #tpu.memory_space<vmem>>
        %dma_start3A_203 = arith.constant 0 : i32
        %dma_start3A_204 = arith.constant 0 : i32
        %dma_start3A_205 = tpu.memref_slice %arg12[%dma_start3A_203, %dma_start3A_204] : memref<10240x160xi16, #tpu.memory_space<vmem_shared>> -> memref<10240x160xi16, #tpu.memory_space<vmem_shared>>
        tpu.enqueue_indirect_dma source(%arg11 : memref<80x160xi16, #tpu.memory_space<vmem>>) target(%dma_start3A_205 : memref<10240x160xi16, #tpu.memory_space<vmem_shared>>) offsets(%dma_start3A_202 : memref<80xi32, #tpu.memory_space<vmem>>) semaphore(%arg22 : memref<!tpu.dma_semaphore, #tpu.memory_space<semaphore_mem>>) {add = true}
        %add3A_206 = arith.constant 4 : i32
        %add3A_207 = arith.addi %mul3A_70, %add3A_206 : i32
        %sub3A_208 = arith.constant 1 : i32
        %sub3A_209 = arith.subi %add3A_207, %sub3A_208 : i32
        %mul3A_210 = arith.constant 80 : i32
        %mul3A_211 = arith.muli %sub3A_209, %mul3A_210 : i32
        %dma_wait3A_212 = tpu.memref_slice %arg6[%mul3A_211] : memref<2000xi32, #tpu.memory_space<vmem>> -> memref<80xi32, #tpu.memory_space<vmem>>
        %dma_wait3A_213 = arith.constant 0 : i32
        %dma_wait3A_214 = arith.constant 0 : i32
        %dma_wait3A_215 = tpu.memref_slice %arg12[%dma_wait3A_213, %dma_wait3A_214] : memref<10240x160xi16, #tpu.memory_space<vmem_shared>> -> memref<10240x160xi16, #tpu.memory_space<vmem_shared>>
        tpu.wait_indirect_dma semaphore(%arg21 : memref<!tpu.dma_semaphore, #tpu.memory_space<semaphore_mem>>) src(%arg10 : memref<80x160xi16, #tpu.memory_space<vmem>>) dst(%dma_wait3A_215 : memref<10240x160xi16, #tpu.memory_space<vmem_shared>>)
        %lt3A_216 = arith.constant 4 : i32
        %lt3A_217 = arith.cmpi slt, %scan3A_67, %lt3A_216 : i32
        %convert_element_type3A_218 = arith.extui %lt3A_217 : i1 to i32
        %cond3A_219 = arith.constant 0 : i32
        %cond3A_220 = arith.cmpi ne, %convert_element_type3A_218, %cond3A_219 : i32
        scf.if %cond3A_220 {
          %add3A_222 = arith.constant 4 : i32
          %add3A_223 = arith.addi %mul3A_70, %add3A_222 : i32
          %add3A_224 = arith.constant 5 : i32
          %add3A_225 = arith.addi %add3A_223, %add3A_224 : i32
          %sub3A_226 = arith.constant 1 : i32
          %sub3A_227 = arith.subi %add3A_225, %sub3A_226 : i32
          %mul3A_228 = arith.constant 80 : i32
          %mul3A_229 = arith.muli %sub3A_227, %mul3A_228 : i32
          %dma_start3A_230 = tpu.memref_slice %arg5[%mul3A_229] : memref<2000xi32, #tpu.memory_space<vmem>> -> memref<80xi32, #tpu.memory_space<vmem>>
          %dma_start3A_231 = arith.constant 0 : i32
          %dma_start3A_232 = arith.constant 0 : i32
          %dma_start3A_233 = tpu.memref_slice %arg3[%dma_start3A_231, %dma_start3A_232] : memref<10240x160xi16, #tpu.memory_space<hbm>> -> memref<10240x160xi16, #tpu.memory_space<hbm>>
          tpu.enqueue_indirect_dma source(%dma_start3A_233 : memref<10240x160xi16, #tpu.memory_space<hbm>>) target(%arg10 : memref<80x160xi16, #tpu.memory_space<vmem>>) offsets(%dma_start3A_230 : memref<80xi32, #tpu.memory_space<vmem>>) semaphore(%arg16 : memref<!tpu.dma_semaphore, #tpu.memory_space<semaphore_mem>>)
        } else {
        }
        %scan3A_221 = arith.constant 0 : i32
        scf.yield %scan3A_221 : i32
      }
      %scan3A_61 = arith.constant 5 : i32
      %dma_wait3A = arith.constant 1920 : i32
      %dma_wait3A_62 = tpu.memref_slice %arg6[%dma_wait3A] : memref<2000xi32, #tpu.memory_space<vmem>> -> memref<80xi32, #tpu.memory_space<vmem>>
      %dma_wait3A_63 = arith.constant 0 : i32
      %dma_wait3A_64 = arith.constant 0 : i32
      %dma_wait3A_65 = tpu.memref_slice %arg12[%dma_wait3A_63, %dma_wait3A_64] : memref<10240x160xi16, #tpu.memory_space<vmem_shared>> -> memref<10240x160xi16, #tpu.memory_space<vmem_shared>>
      tpu.wait_indirect_dma semaphore(%arg22 : memref<!tpu.dma_semaphore, #tpu.memory_space<semaphore_mem>>) src(%arg11 : memref<80x160xi16, #tpu.memory_space<vmem>>) dst(%dma_wait3A_65 : memref<10240x160xi16, #tpu.memory_space<vmem_shared>>)
      %scan3A_66 = arith.constant 0 : i32
      scf.yield %scan3A_66 : i32
    }
    %scan3A_20 = arith.constant 5 : i32
    %barrier3A_21 = arith.constant 0 : index
    tpu.barrier barrier_id(%barrier3A_21)
    %mul3A_22 = arith.constant 640 : i32
    %mul3A_23 = arith.muli %arg1, %mul3A_22 : i32
    %mul3A_24 = arith.constant 640 : i32
    %mul3A_25 = arith.muli %arg1, %mul3A_24 : i32
    "tpu.region"() ({
      %run_scoped3A = tpu.sem_alloc : memref<!tpu.dma_semaphore, #tpu.memory_space<semaphore_mem>>
      %dma_start3A = arith.constant 0 : i32
      %dma_start3A_26 = tpu.memref_slice %arg4[%arg0, %mul3A_25, %dma_start3A] : memref<2x10240x160xi16, #tpu.memory_space<hbm>> -> memref<1x640x160xi16, #tpu.memory_space<hbm>>
      %dma_start3A_27 = tpu.memref_squeeze %dma_start3A_26 : memref<1x640x160xi16, #tpu.memory_space<hbm>> -> memref<640x160xi16, #tpu.memory_space<hbm>>
      %dma_start3A_28 = arith.constant 0 : i32
      %dma_start3A_29 = tpu.memref_slice %arg12[%mul3A_23, %dma_start3A_28] : memref<10240x160xi16, #tpu.memory_space<vmem_shared>> -> memref<640x160xi16, #tpu.memory_space<vmem_shared>>
      tpu.enqueue_dma source(%dma_start3A_29 : memref<640x160xi16, #tpu.memory_space<vmem_shared>>) target(%dma_start3A_27 : memref<640x160xi16, #tpu.memory_space<hbm>>) target_semaphore(%run_scoped3A : memref<!tpu.dma_semaphore, #tpu.memory_space<semaphore_mem>>)
      %dma_wait3A = arith.constant 0 : i32
      %dma_wait3A_30 = tpu.memref_slice %arg4[%arg0, %mul3A_25, %dma_wait3A] : memref<2x10240x160xi16, #tpu.memory_space<hbm>> -> memref<1x640x160xi16, #tpu.memory_space<hbm>>
      %dma_wait3A_31 = tpu.memref_squeeze %dma_wait3A_30 : memref<1x640x160xi16, #tpu.memory_space<hbm>> -> memref<640x160xi16, #tpu.memory_space<hbm>>
      %dma_wait3A_32 = arith.constant 0 : i32
      %dma_wait3A_33 = tpu.memref_slice %arg12[%mul3A_23, %dma_wait3A_32] : memref<10240x160xi16, #tpu.memory_space<vmem_shared>> -> memref<640x160xi16, #tpu.memory_space<vmem_shared>>
      tpu.wait_dma2 semaphore(%run_scoped3A : memref<!tpu.dma_semaphore, #tpu.memory_space<semaphore_mem>>) src(%dma_wait3A_33 : memref<640x160xi16, #tpu.memory_space<vmem_shared>>) dst(%dma_wait3A_31 : memref<640x160xi16, #tpu.memory_space<hbm>>)
      tpu.yield
    }) : () -> ()
    return
  }
}

#map = affine_map<(d0, d1) -> (0, 0)>
#map1 = affine_map<(d0, d1) -> (0, 0, 0)>
module attributes {stable_mosaic.version = 14 : i64} {
  func.func @body(%arg0: i32, %arg1: i32, %arg2: memref<2x320000xi32, #tpu.memory_space<hbm>>, %arg3: memref<10240x144xf32, #tpu.memory_space<hbm>>, %arg4: memref<2x10240x144xf32, #tpu.memory_space<hbm>>, %arg5: memref<2000xi32, #tpu.memory_space<vmem>>, %arg6: memref<2000xi32, #tpu.memory_space<vmem>>, %arg7: memref<40x144xf32, #tpu.memory_space<vmem>>, %arg8: memref<40x144xf32, #tpu.memory_space<vmem>>, %arg9: memref<40x144xf32, #tpu.memory_space<vmem>>, %arg10: memref<40x144xf32, #tpu.memory_space<vmem>>, %arg11: memref<40x144xf32, #tpu.memory_space<vmem>>, %arg12: memref<10240x144xf32, #tpu.memory_space<vmem_shared>>, %arg13: memref<!tpu.dma_semaphore, #tpu.memory_space<semaphore_mem>>, %arg14: memref<!tpu.dma_semaphore, #tpu.memory_space<semaphore_mem>>, %arg15: memref<!tpu.dma_semaphore, #tpu.memory_space<semaphore_mem>>, %arg16: memref<!tpu.dma_semaphore, #tpu.memory_space<semaphore_mem>>, %arg17: memref<!tpu.dma_semaphore, #tpu.memory_space<semaphore_mem>>, %arg18: memref<!tpu.dma_semaphore, #tpu.memory_space<semaphore_mem>>, %arg19: memref<!tpu.dma_semaphore, #tpu.memory_space<semaphore_mem>>, %arg20: memref<!tpu.dma_semaphore, #tpu.memory_space<semaphore_mem>>, %arg21: memref<!tpu.dma_semaphore, #tpu.memory_space<semaphore_mem>>, %arg22: memref<!tpu.dma_semaphore, #tpu.memory_space<semaphore_mem>>) attributes {dimension_semantics = [#tpu.dimension_semantics<core_parallel>, #tpu.dimension_semantics<subcore_parallel>], iteration_bounds = array<i64: 2, 16>, scalar_prefetch = 0 : i64, scratch_operands = 18 : i64, tpu.core_type = #tpu.core_type<sc_vector_subcore>, window_params = [{transform_indices = #map}, {transform_indices = #map}, {transform_indices = #map1}]} {
    %mul3A = arith.constant 2 : i32
    %mul3A_0 = arith.muli %arg1, %mul3A : i32
    %add3A = arith.addi %mul3A_0, %arg0 : i32
    %scan3A = arith.constant 0 : i32
    %scan3A_1 = arith.constant 0 : i32
    %scan3A_2 = arith.constant 360 : i32
    %scan3A_3 = arith.addi %scan3A_1, %scan3A_2 : i32
    %scan3A_4 = arith.constant 1 : i32
    %scan3A_5 = scf.for %scan3A_26 = %scan3A_1 to %scan3A_3 step %scan3A_4 iter_args(%scan3A_27 = %scan3A) -> (i32)  : i32 {
      %broadcast_in_dim3A = arith.constant 0.000000e+00 : f32
      %broadcast_in_dim3A_28 = vector.broadcast %broadcast_in_dim3A : f32 to vector<16xf32>
      %jit3A = arith.constant 9 : i32
      %div3A = arith.divsi %scan3A_26, %jit3A : i32
      %sign3A = arith.constant 0 : i32
      %sign3A_29 = arith.cmpi sgt, %scan3A_26, %sign3A : i32
      %sign3A_30 = arith.extui %sign3A_29 : i1 to i32
      %sign3A_31 = arith.constant 0 : i32
      %sign3A_32 = arith.cmpi slt, %scan3A_26, %sign3A_31 : i32
      %sign3A_33 = arith.extui %sign3A_32 : i1 to i32
      %sign3A_34 = arith.subi %sign3A_30, %sign3A_33 : i32
      %sign3A_35 = arith.constant 0 : i32
      %sign3A_36 = arith.cmpi sgt, %jit3A, %sign3A_35 : i32
      %sign3A_37 = arith.extui %sign3A_36 : i1 to i32
      %sign3A_38 = arith.constant 0 : i32
      %sign3A_39 = arith.cmpi slt, %jit3A, %sign3A_38 : i32
      %sign3A_40 = arith.extui %sign3A_39 : i1 to i32
      %sign3A_41 = arith.subi %sign3A_37, %sign3A_40 : i32
      %ne3A = arith.cmpi ne, %sign3A_34, %sign3A_41 : i32
      %rem3A = arith.remsi %scan3A_26, %jit3A : i32
      %ne3A_42 = arith.constant 0 : i32
      %ne3A_43 = arith.cmpi ne, %rem3A, %ne3A_42 : i32
      %and3A = arith.andi %ne3A, %ne3A_43 : i1
      %sub3A = arith.constant 1 : i32
      %sub3A_44 = arith.subi %div3A, %sub3A : i32
      %select_n3A = arith.select %and3A, %sub3A_44, %div3A : i32
      %jit3A_45 = arith.constant 9 : i32
      %eq3A = arith.constant 0 : i32
      %eq3A_46 = arith.cmpi eq, %jit3A_45, %eq3A : i32
      %jit3A_47 = arith.constant 1 : i32
      %select_n3A_48 = arith.select %eq3A_46, %jit3A_47, %jit3A_45 : i32
      %rem3A_49 = arith.remsi %scan3A_26, %select_n3A_48 : i32
      %ne3A_50 = arith.constant 0 : i32
      %ne3A_51 = arith.cmpi ne, %rem3A_49, %ne3A_50 : i32
      %lt3A = arith.constant 0 : i32
      %lt3A_52 = arith.cmpi slt, %rem3A_49, %lt3A : i32
      %lt3A_53 = arith.constant 0 : i32
      %lt3A_54 = arith.cmpi slt, %select_n3A_48, %lt3A_53 : i32
      %ne3A_55 = arith.xori %lt3A_52, %lt3A_54 : i1
      %and3A_56 = arith.andi %ne3A_55, %ne3A_51 : i1
      %add3A_57 = arith.addi %rem3A_49, %select_n3A_48 : i32
      %select_n3A_58 = arith.select %and3A_56, %add3A_57, %rem3A_49 : i32
      %mul3A_59 = arith.constant 16 : i32
      %mul3A_60 = arith.muli %select_n3A_58, %mul3A_59 : i32
      %swap3A = arith.index_cast %select_n3A : i32 to index
      %swap3A_61 = arith.index_cast %mul3A_60 : i32 to index
      %swap3A_62 = tpu.vector_load %arg7[%swap3A, %swap3A_61] {strides = array<i32>} : memref<40x144xf32, #tpu.memory_space<vmem>>, vector<1x16xf32>,
      %swap3A_63 = vector.shape_cast %swap3A_62 : vector<1x16xf32> to vector<16xf32>
      %swap3A_64 = vector.shape_cast %broadcast_in_dim3A_28 : vector<16xf32> to vector<1x16xf32>
      tpu.vector_store %arg7[%swap3A, %swap3A_61], %swap3A_64 {strides = array<i32>} : memref<40x144xf32, #tpu.memory_space<vmem>>, vector<1x16xf32>,
      %scan3A_65 = arith.constant 0 : i32
      scf.yield %scan3A_65 : i32
    }
    %scan3A_6 = arith.constant 360 : i32
    %scan3A_7 = arith.constant 0 : i32
    %scan3A_8 = arith.constant 0 : i32
    %scan3A_9 = arith.constant 16 : i32
    %scan3A_10 = arith.addi %scan3A_8, %scan3A_9 : i32
    %scan3A_11 = arith.constant 1 : i32
    %scan3A_12 = scf.for %scan3A_26 = %scan3A_8 to %scan3A_10 step %scan3A_11 iter_args(%scan3A_27 = %scan3A_7) -> (i32)  : i32 {
      %mul3A_28 = arith.constant 640 : i32
      %mul3A_29 = arith.muli %arg1, %mul3A_28 : i32
      %mul3A_30 = arith.constant 40 : i32
      %mul3A_31 = arith.muli %scan3A_26, %mul3A_30 : i32
      %add3A_32 = arith.addi %mul3A_29, %mul3A_31 : i32
      "tpu.region"() ({
        %run_scoped3A = tpu.sem_alloc : memref<!tpu.dma_semaphore, #tpu.memory_space<semaphore_mem>>
        %dma_start3A = arith.constant 0 : i32
        %dma_start3A_34 = tpu.memref_slice %arg12[%add3A_32, %dma_start3A] : memref<10240x144xf32, #tpu.memory_space<vmem_shared>> -> memref<40x144xf32, #tpu.memory_space<vmem_shared>>
        %dma_start3A_35 = arith.constant 0 : i32
        %dma_start3A_36 = tpu.memref_slice %arg12[%add3A_32, %dma_start3A_35] : memref<10240x144xf32, #tpu.memory_space<vmem_shared>> -> memref<40x144xf32, #tpu.memory_space<vmem_shared>>
        tpu.enqueue_dma source(%arg7 : memref<40x144xf32, #tpu.memory_space<vmem>>) target(%dma_start3A_36 : memref<40x144xf32, #tpu.memory_space<vmem_shared>>) target_semaphore(%run_scoped3A : memref<!tpu.dma_semaphore, #tpu.memory_space<semaphore_mem>>)
        %dma_wait3A = arith.constant 0 : i32
        %dma_wait3A_37 = tpu.memref_slice %arg12[%add3A_32, %dma_wait3A] : memref<10240x144xf32, #tpu.memory_space<vmem_shared>> -> memref<40x144xf32, #tpu.memory_space<vmem_shared>>
        %dma_wait3A_38 = arith.constant 0 : i32
        %dma_wait3A_39 = tpu.memref_slice %arg12[%add3A_32, %dma_wait3A_38] : memref<10240x144xf32, #tpu.memory_space<vmem_shared>> -> memref<40x144xf32, #tpu.memory_space<vmem_shared>>
        tpu.wait_dma2 semaphore(%run_scoped3A : memref<!tpu.dma_semaphore, #tpu.memory_space<semaphore_mem>>) src(%arg7 : memref<40x144xf32, #tpu.memory_space<vmem>>) dst(%dma_wait3A_39 : memref<40x144xf32, #tpu.memory_space<vmem_shared>>)
        tpu.yield
      }) : () -> ()
      %scan3A_33 = arith.constant 0 : i32
      scf.yield %scan3A_33 : i32
    }
    %scan3A_13 = arith.constant 16 : i32
    %barrier3A = arith.constant 0 : index
    tpu.barrier barrier_id(%barrier3A)
    %scan3A_14 = arith.constant 0 : i32
    %scan3A_15 = arith.constant 0 : i32
    %scan3A_16 = arith.constant 5 : i32
    %scan3A_17 = arith.addi %scan3A_15, %scan3A_16 : i32
    %scan3A_18 = arith.constant 1 : i32
    %scan3A_19 = scf.for %scan3A_26 = %scan3A_15 to %scan3A_17 step %scan3A_18 iter_args(%scan3A_27 = %scan3A_14) -> (i32)  : i32 {
      %mul3A_28 = arith.constant 10000 : i32
      %mul3A_29 = arith.muli %add3A, %mul3A_28 : i32
      %mul3A_30 = arith.constant 50 : i32
      %mul3A_31 = arith.muli %scan3A_26, %mul3A_30 : i32
      %mul3A_32 = arith.constant 40 : i32
      %mul3A_33 = arith.muli %mul3A_31, %mul3A_32 : i32
      %add3A_34 = arith.addi %mul3A_29, %mul3A_33 : i32
      %run_scoped3A = arith.constant 0 : i32
      "tpu.region"() ({
        %run_scoped3A_67 = tpu.sem_alloc : memref<!tpu.dma_semaphore, #tpu.memory_space<semaphore_mem>>
        %dma_start3A_68 = tpu.memref_slice %arg2[%run_scoped3A, %add3A_34] : memref<2x320000xi32, #tpu.memory_space<hbm>> -> memref<1x2000xi32, #tpu.memory_space<hbm>>
        %dma_start3A_69 = tpu.memref_squeeze %dma_start3A_68 : memref<1x2000xi32, #tpu.memory_space<hbm>> -> memref<2000xi32, #tpu.memory_space<hbm>>
        %dma_start3A_70 = tpu.memref_slice %arg2[%run_scoped3A, %add3A_34] : memref<2x320000xi32, #tpu.memory_space<hbm>> -> memref<1x2000xi32, #tpu.memory_space<hbm>>
        %dma_start3A_71 = tpu.memref_squeeze %dma_start3A_70 : memref<1x2000xi32, #tpu.memory_space<hbm>> -> memref<2000xi32, #tpu.memory_space<hbm>>
        tpu.enqueue_dma source(%dma_start3A_71 : memref<2000xi32, #tpu.memory_space<hbm>>) target(%arg5 : memref<2000xi32, #tpu.memory_space<vmem>>) target_semaphore(%run_scoped3A_67 : memref<!tpu.dma_semaphore, #tpu.memory_space<semaphore_mem>>)
        %dma_wait3A_72 = tpu.memref_slice %arg2[%run_scoped3A, %add3A_34] : memref<2x320000xi32, #tpu.memory_space<hbm>> -> memref<1x2000xi32, #tpu.memory_space<hbm>>
        %dma_wait3A_73 = tpu.memref_squeeze %dma_wait3A_72 : memref<1x2000xi32, #tpu.memory_space<hbm>> -> memref<2000xi32, #tpu.memory_space<hbm>>
        %dma_wait3A_74 = tpu.memref_slice %arg2[%run_scoped3A, %add3A_34] : memref<2x320000xi32, #tpu.memory_space<hbm>> -> memref<1x2000xi32, #tpu.memory_space<hbm>>
        %dma_wait3A_75 = tpu.memref_squeeze %dma_wait3A_74 : memref<1x2000xi32, #tpu.memory_space<hbm>> -> memref<2000xi32, #tpu.memory_space<hbm>>
        tpu.wait_dma2 semaphore(%run_scoped3A_67 : memref<!tpu.dma_semaphore, #tpu.memory_space<semaphore_mem>>) src(%dma_wait3A_75 : memref<2000xi32, #tpu.memory_space<hbm>>) dst(%arg5 : memref<2000xi32, #tpu.memory_space<vmem>>)
        tpu.yield
      }) : () -> ()
      %run_scoped3A_35 = arith.constant 1 : i32
      "tpu.region"() ({
        %run_scoped3A_67 = tpu.sem_alloc : memref<!tpu.dma_semaphore, #tpu.memory_space<semaphore_mem>>
        %dma_start3A_68 = tpu.memref_slice %arg2[%run_scoped3A_35, %add3A_34] : memref<2x320000xi32, #tpu.memory_space<hbm>> -> memref<1x2000xi32, #tpu.memory_space<hbm>>
        %dma_start3A_69 = tpu.memref_squeeze %dma_start3A_68 : memref<1x2000xi32, #tpu.memory_space<hbm>> -> memref<2000xi32, #tpu.memory_space<hbm>>
        %dma_start3A_70 = tpu.memref_slice %arg2[%run_scoped3A_35, %add3A_34] : memref<2x320000xi32, #tpu.memory_space<hbm>> -> memref<1x2000xi32, #tpu.memory_space<hbm>>
        %dma_start3A_71 = tpu.memref_squeeze %dma_start3A_70 : memref<1x2000xi32, #tpu.memory_space<hbm>> -> memref<2000xi32, #tpu.memory_space<hbm>>
        tpu.enqueue_dma source(%dma_start3A_71 : memref<2000xi32, #tpu.memory_space<hbm>>) target(%arg6 : memref<2000xi32, #tpu.memory_space<vmem>>) target_semaphore(%run_scoped3A_67 : memref<!tpu.dma_semaphore, #tpu.memory_space<semaphore_mem>>)
        %dma_wait3A_72 = tpu.memref_slice %arg2[%run_scoped3A_35, %add3A_34] : memref<2x320000xi32, #tpu.memory_space<hbm>> -> memref<1x2000xi32, #tpu.memory_space<hbm>>
        %dma_wait3A_73 = tpu.memref_squeeze %dma_wait3A_72 : memref<1x2000xi32, #tpu.memory_space<hbm>> -> memref<2000xi32, #tpu.memory_space<hbm>>
        %dma_wait3A_74 = tpu.memref_slice %arg2[%run_scoped3A_35, %add3A_34] : memref<2x320000xi32, #tpu.memory_space<hbm>> -> memref<1x2000xi32, #tpu.memory_space<hbm>>
        %dma_wait3A_75 = tpu.memref_squeeze %dma_wait3A_74 : memref<1x2000xi32, #tpu.memory_space<hbm>> -> memref<2000xi32, #tpu.memory_space<hbm>>
        tpu.wait_dma2 semaphore(%run_scoped3A_67 : memref<!tpu.dma_semaphore, #tpu.memory_space<semaphore_mem>>) src(%dma_wait3A_75 : memref<2000xi32, #tpu.memory_space<hbm>>) dst(%arg6 : memref<2000xi32, #tpu.memory_space<vmem>>)
        tpu.yield
      }) : () -> ()
      %dma_start3A = arith.constant 0 : i32
      %dma_start3A_36 = tpu.memref_slice %arg5[%dma_start3A] : memref<2000xi32, #tpu.memory_space<vmem>> -> memref<40xi32, #tpu.memory_space<vmem>>
      %dma_start3A_37 = arith.constant 0 : i32
      %dma_start3A_38 = arith.constant 0 : i32
      %dma_start3A_39 = tpu.memref_slice %arg3[%dma_start3A_37, %dma_start3A_38] : memref<10240x144xf32, #tpu.memory_space<hbm>> -> memref<10240x144xf32, #tpu.memory_space<hbm>>
      tpu.enqueue_indirect_dma source(%dma_start3A_39 : memref<10240x144xf32, #tpu.memory_space<hbm>>) target(%arg7 : memref<40x144xf32, #tpu.memory_space<vmem>>) offsets(%dma_start3A_36 : memref<40xi32, #tpu.memory_space<vmem>>) semaphore(%arg13 : memref<!tpu.dma_semaphore, #tpu.memory_space<semaphore_mem>>)
      %dma_start3A_40 = arith.constant 40 : i32
      %dma_start3A_41 = tpu.memref_slice %arg5[%dma_start3A_40] : memref<2000xi32, #tpu.memory_space<vmem>> -> memref<40xi32, #tpu.memory_space<vmem>>
      %dma_start3A_42 = arith.constant 0 : i32
      %dma_start3A_43 = arith.constant 0 : i32
      %dma_start3A_44 = tpu.memref_slice %arg3[%dma_start3A_42, %dma_start3A_43] : memref<10240x144xf32, #tpu.memory_space<hbm>> -> memref<10240x144xf32, #tpu.memory_space<hbm>>
      tpu.enqueue_indirect_dma source(%dma_start3A_44 : memref<10240x144xf32, #tpu.memory_space<hbm>>) target(%arg8 : memref<40x144xf32, #tpu.memory_space<vmem>>) offsets(%dma_start3A_41 : memref<40xi32, #tpu.memory_space<vmem>>) semaphore(%arg14 : memref<!tpu.dma_semaphore, #tpu.memory_space<semaphore_mem>>)
      %dma_start3A_45 = arith.constant 80 : i32
      %dma_start3A_46 = tpu.memref_slice %arg5[%dma_start3A_45] : memref<2000xi32, #tpu.memory_space<vmem>> -> memref<40xi32, #tpu.memory_space<vmem>>
      %dma_start3A_47 = arith.constant 0 : i32
      %dma_start3A_48 = arith.constant 0 : i32
      %dma_start3A_49 = tpu.memref_slice %arg3[%dma_start3A_47, %dma_start3A_48] : memref<10240x144xf32, #tpu.memory_space<hbm>> -> memref<10240x144xf32, #tpu.memory_space<hbm>>
      tpu.enqueue_indirect_dma source(%dma_start3A_49 : memref<10240x144xf32, #tpu.memory_space<hbm>>) target(%arg9 : memref<40x144xf32, #tpu.memory_space<vmem>>) offsets(%dma_start3A_46 : memref<40xi32, #tpu.memory_space<vmem>>) semaphore(%arg15 : memref<!tpu.dma_semaphore, #tpu.memory_space<semaphore_mem>>)
      %dma_start3A_50 = arith.constant 120 : i32
      %dma_start3A_51 = tpu.memref_slice %arg5[%dma_start3A_50] : memref<2000xi32, #tpu.memory_space<vmem>> -> memref<40xi32, #tpu.memory_space<vmem>>
      %dma_start3A_52 = arith.constant 0 : i32
      %dma_start3A_53 = arith.constant 0 : i32
      %dma_start3A_54 = tpu.memref_slice %arg3[%dma_start3A_52, %dma_start3A_53] : memref<10240x144xf32, #tpu.memory_space<hbm>> -> memref<10240x144xf32, #tpu.memory_space<hbm>>
      tpu.enqueue_indirect_dma source(%dma_start3A_54 : memref<10240x144xf32, #tpu.memory_space<hbm>>) target(%arg10 : memref<40x144xf32, #tpu.memory_space<vmem>>) offsets(%dma_start3A_51 : memref<40xi32, #tpu.memory_space<vmem>>) semaphore(%arg16 : memref<!tpu.dma_semaphore, #tpu.memory_space<semaphore_mem>>)
      %scan3A_55 = arith.constant 0 : i32
      %scan3A_56 = arith.constant 0 : i32
      %scan3A_57 = arith.constant 10 : i32
      %scan3A_58 = arith.addi %scan3A_56, %scan3A_57 : i32
      %scan3A_59 = arith.constant 1 : i32
      %scan3A_60 = scf.for %scan3A_67 = %scan3A_56 to %scan3A_58 step %scan3A_59 iter_args(%scan3A_68 = %scan3A_55) -> (i32)  : i32 {
        %mul3A_69 = arith.constant 5 : i32
        %mul3A_70 = arith.muli %mul3A_69, %scan3A_67 : i32
        %add3A_71 = arith.constant 0 : i32
        %add3A_72 = arith.addi %mul3A_70, %add3A_71 : i32
        %mul3A_73 = arith.constant 40 : i32
        %mul3A_74 = arith.muli %add3A_72, %mul3A_73 : i32
        %dma_wait3A_75 = tpu.memref_slice %arg5[%mul3A_74] : memref<2000xi32, #tpu.memory_space<vmem>> -> memref<40xi32, #tpu.memory_space<vmem>>
        %dma_wait3A_76 = arith.constant 0 : i32
        %dma_wait3A_77 = arith.constant 0 : i32
        %dma_wait3A_78 = tpu.memref_slice %arg3[%dma_wait3A_76, %dma_wait3A_77] : memref<10240x144xf32, #tpu.memory_space<hbm>> -> memref<10240x144xf32, #tpu.memory_space<hbm>>
        tpu.wait_indirect_dma semaphore(%arg13 : memref<!tpu.dma_semaphore, #tpu.memory_space<semaphore_mem>>) src(%dma_wait3A_78 : memref<10240x144xf32, #tpu.memory_space<hbm>>) dst(%arg7 : memref<40x144xf32, #tpu.memory_space<vmem>>)
        %add3A_79 = arith.constant 0 : i32
        %add3A_80 = arith.addi %mul3A_70, %add3A_79 : i32
        %mul3A_81 = arith.constant 40 : i32
        %mul3A_82 = arith.muli %add3A_80, %mul3A_81 : i32
        %dma_start3A_83 = tpu.memref_slice %arg6[%mul3A_82] : memref<2000xi32, #tpu.memory_space<vmem>> -> memref<40xi32, #tpu.memory_space<vmem>>
        %dma_start3A_84 = arith.constant 0 : i32
        %dma_start3A_85 = arith.constant 0 : i32
        %dma_start3A_86 = tpu.memref_slice %arg12[%dma_start3A_84, %dma_start3A_85] : memref<10240x144xf32, #tpu.memory_space<vmem_shared>> -> memref<10240x144xf32, #tpu.memory_space<vmem_shared>>
        tpu.enqueue_indirect_dma source(%arg7 : memref<40x144xf32, #tpu.memory_space<vmem>>) target(%dma_start3A_86 : memref<10240x144xf32, #tpu.memory_space<vmem_shared>>) offsets(%dma_start3A_83 : memref<40xi32, #tpu.memory_space<vmem>>) semaphore(%arg18 : memref<!tpu.dma_semaphore, #tpu.memory_space<semaphore_mem>>) {add = true}
        %gt3A = arith.constant 0 : i32
        %gt3A_87 = arith.cmpi sgt, %scan3A_67, %gt3A : i32
        %convert_element_type3A = arith.extui %gt3A_87 : i1 to i32
        %cond3A = arith.constant 0 : i32
        %cond3A_88 = arith.cmpi ne, %convert_element_type3A, %cond3A : i32
        scf.if %cond3A_88 {
          %sub3A_222 = arith.constant 1 : i32
          %sub3A_223 = arith.subi %mul3A_70, %sub3A_222 : i32
          %mul3A_224 = arith.constant 40 : i32
          %mul3A_225 = arith.muli %sub3A_223, %mul3A_224 : i32
          %dma_wait3A_226 = tpu.memref_slice %arg6[%mul3A_225] : memref<2000xi32, #tpu.memory_space<vmem>> -> memref<40xi32, #tpu.memory_space<vmem>>
          %dma_wait3A_227 = arith.constant 0 : i32
          %dma_wait3A_228 = arith.constant 0 : i32
          %dma_wait3A_229 = tpu.memref_slice %arg12[%dma_wait3A_227, %dma_wait3A_228] : memref<10240x144xf32, #tpu.memory_space<vmem_shared>> -> memref<10240x144xf32, #tpu.memory_space<vmem_shared>>
          tpu.wait_indirect_dma semaphore(%arg22 : memref<!tpu.dma_semaphore, #tpu.memory_space<semaphore_mem>>) src(%arg11 : memref<40x144xf32, #tpu.memory_space<vmem>>) dst(%dma_wait3A_229 : memref<10240x144xf32, #tpu.memory_space<vmem_shared>>)
        } else {
        }
        %add3A_89 = arith.constant 5 : i32
        %add3A_90 = arith.addi %mul3A_70, %add3A_89 : i32
        %sub3A = arith.constant 1 : i32
        %sub3A_91 = arith.subi %add3A_90, %sub3A : i32
        %mul3A_92 = arith.constant 40 : i32
        %mul3A_93 = arith.muli %sub3A_91, %mul3A_92 : i32
        %dma_start3A_94 = tpu.memref_slice %arg5[%mul3A_93] : memref<2000xi32, #tpu.memory_space<vmem>> -> memref<40xi32, #tpu.memory_space<vmem>>
        %dma_start3A_95 = arith.constant 0 : i32
        %dma_start3A_96 = arith.constant 0 : i32
        %dma_start3A_97 = tpu.memref_slice %arg3[%dma_start3A_95, %dma_start3A_96] : memref<10240x144xf32, #tpu.memory_space<hbm>> -> memref<10240x144xf32, #tpu.memory_space<hbm>>
        tpu.enqueue_indirect_dma source(%dma_start3A_97 : memref<10240x144xf32, #tpu.memory_space<hbm>>) target(%arg11 : memref<40x144xf32, #tpu.memory_space<vmem>>) offsets(%dma_start3A_94 : memref<40xi32, #tpu.memory_space<vmem>>) semaphore(%arg17 : memref<!tpu.dma_semaphore, #tpu.memory_space<semaphore_mem>>)
        %add3A_98 = arith.constant 1 : i32
        %add3A_99 = arith.addi %mul3A_70, %add3A_98 : i32
        %mul3A_100 = arith.constant 40 : i32
        %mul3A_101 = arith.muli %add3A_99, %mul3A_100 : i32
        %dma_wait3A_102 = tpu.memref_slice %arg5[%mul3A_101] : memref<2000xi32, #tpu.memory_space<vmem>> -> memref<40xi32, #tpu.memory_space<vmem>>
        %dma_wait3A_103 = arith.constant 0 : i32
        %dma_wait3A_104 = arith.constant 0 : i32
        %dma_wait3A_105 = tpu.memref_slice %arg3[%dma_wait3A_103, %dma_wait3A_104] : memref<10240x144xf32, #tpu.memory_space<hbm>> -> memref<10240x144xf32, #tpu.memory_space<hbm>>
        tpu.wait_indirect_dma semaphore(%arg14 : memref<!tpu.dma_semaphore, #tpu.memory_space<semaphore_mem>>) src(%dma_wait3A_105 : memref<10240x144xf32, #tpu.memory_space<hbm>>) dst(%arg8 : memref<40x144xf32, #tpu.memory_space<vmem>>)
        %add3A_106 = arith.constant 1 : i32
        %add3A_107 = arith.addi %mul3A_70, %add3A_106 : i32
        %mul3A_108 = arith.constant 40 : i32
        %mul3A_109 = arith.muli %add3A_107, %mul3A_108 : i32
        %dma_start3A_110 = tpu.memref_slice %arg6[%mul3A_109] : memref<2000xi32, #tpu.memory_space<vmem>> -> memref<40xi32, #tpu.memory_space<vmem>>
        %dma_start3A_111 = arith.constant 0 : i32
        %dma_start3A_112 = arith.constant 0 : i32
        %dma_start3A_113 = tpu.memref_slice %arg12[%dma_start3A_111, %dma_start3A_112] : memref<10240x144xf32, #tpu.memory_space<vmem_shared>> -> memref<10240x144xf32, #tpu.memory_space<vmem_shared>>
        tpu.enqueue_indirect_dma source(%arg8 : memref<40x144xf32, #tpu.memory_space<vmem>>) target(%dma_start3A_113 : memref<10240x144xf32, #tpu.memory_space<vmem_shared>>) offsets(%dma_start3A_110 : memref<40xi32, #tpu.memory_space<vmem>>) semaphore(%arg19 : memref<!tpu.dma_semaphore, #tpu.memory_space<semaphore_mem>>) {add = true}
        %add3A_114 = arith.constant 1 : i32
        %add3A_115 = arith.addi %mul3A_70, %add3A_114 : i32
        %sub3A_116 = arith.constant 1 : i32
        %sub3A_117 = arith.subi %add3A_115, %sub3A_116 : i32
        %mul3A_118 = arith.constant 40 : i32
        %mul3A_119 = arith.muli %sub3A_117, %mul3A_118 : i32
        %dma_wait3A_120 = tpu.memref_slice %arg6[%mul3A_119] : memref<2000xi32, #tpu.memory_space<vmem>> -> memref<40xi32, #tpu.memory_space<vmem>>
        %dma_wait3A_121 = arith.constant 0 : i32
        %dma_wait3A_122 = arith.constant 0 : i32
        %dma_wait3A_123 = tpu.memref_slice %arg12[%dma_wait3A_121, %dma_wait3A_122] : memref<10240x144xf32, #tpu.memory_space<vmem_shared>> -> memref<10240x144xf32, #tpu.memory_space<vmem_shared>>
        tpu.wait_indirect_dma semaphore(%arg18 : memref<!tpu.dma_semaphore, #tpu.memory_space<semaphore_mem>>) src(%arg7 : memref<40x144xf32, #tpu.memory_space<vmem>>) dst(%dma_wait3A_123 : memref<10240x144xf32, #tpu.memory_space<vmem_shared>>)
        %lt3A = arith.constant 9 : i32
        %lt3A_124 = arith.cmpi slt, %scan3A_67, %lt3A : i32
        %convert_element_type3A_125 = arith.extui %lt3A_124 : i1 to i32
        %cond3A_126 = arith.constant 0 : i32
        %cond3A_127 = arith.cmpi ne, %convert_element_type3A_125, %cond3A_126 : i32
        scf.if %cond3A_127 {
          %add3A_222 = arith.constant 1 : i32
          %add3A_223 = arith.addi %mul3A_70, %add3A_222 : i32
          %add3A_224 = arith.constant 5 : i32
          %add3A_225 = arith.addi %add3A_223, %add3A_224 : i32
          %sub3A_226 = arith.constant 1 : i32
          %sub3A_227 = arith.subi %add3A_225, %sub3A_226 : i32
          %mul3A_228 = arith.constant 40 : i32
          %mul3A_229 = arith.muli %sub3A_227, %mul3A_228 : i32
          %dma_start3A_230 = tpu.memref_slice %arg5[%mul3A_229] : memref<2000xi32, #tpu.memory_space<vmem>> -> memref<40xi32, #tpu.memory_space<vmem>>
          %dma_start3A_231 = arith.constant 0 : i32
          %dma_start3A_232 = arith.constant 0 : i32
          %dma_start3A_233 = tpu.memref_slice %arg3[%dma_start3A_231, %dma_start3A_232] : memref<10240x144xf32, #tpu.memory_space<hbm>> -> memref<10240x144xf32, #tpu.memory_space<hbm>>
          tpu.enqueue_indirect_dma source(%dma_start3A_233 : memref<10240x144xf32, #tpu.memory_space<hbm>>) target(%arg7 : memref<40x144xf32, #tpu.memory_space<vmem>>) offsets(%dma_start3A_230 : memref<40xi32, #tpu.memory_space<vmem>>) semaphore(%arg13 : memref<!tpu.dma_semaphore, #tpu.memory_space<semaphore_mem>>)
        } else {
        }
        %add3A_128 = arith.constant 2 : i32
        %add3A_129 = arith.addi %mul3A_70, %add3A_128 : i32
        %mul3A_130 = arith.constant 40 : i32
        %mul3A_131 = arith.muli %add3A_129, %mul3A_130 : i32
        %dma_wait3A_132 = tpu.memref_slice %arg5[%mul3A_131] : memref<2000xi32, #tpu.memory_space<vmem>> -> memref<40xi32, #tpu.memory_space<vmem>>
        %dma_wait3A_133 = arith.constant 0 : i32
        %dma_wait3A_134 = arith.constant 0 : i32
        %dma_wait3A_135 = tpu.memref_slice %arg3[%dma_wait3A_133, %dma_wait3A_134] : memref<10240x144xf32, #tpu.memory_space<hbm>> -> memref<10240x144xf32, #tpu.memory_space<hbm>>
        tpu.wait_indirect_dma semaphore(%arg15 : memref<!tpu.dma_semaphore, #tpu.memory_space<semaphore_mem>>) src(%dma_wait3A_135 : memref<10240x144xf32, #tpu.memory_space<hbm>>) dst(%arg9 : memref<40x144xf32, #tpu.memory_space<vmem>>)
        %add3A_136 = arith.constant 2 : i32
        %add3A_137 = arith.addi %mul3A_70, %add3A_136 : i32
        %mul3A_138 = arith.constant 40 : i32
        %mul3A_139 = arith.muli %add3A_137, %mul3A_138 : i32
        %dma_start3A_140 = tpu.memref_slice %arg6[%mul3A_139] : memref<2000xi32, #tpu.memory_space<vmem>> -> memref<40xi32, #tpu.memory_space<vmem>>
        %dma_start3A_141 = arith.constant 0 : i32
        %dma_start3A_142 = arith.constant 0 : i32
        %dma_start3A_143 = tpu.memref_slice %arg12[%dma_start3A_141, %dma_start3A_142] : memref<10240x144xf32, #tpu.memory_space<vmem_shared>> -> memref<10240x144xf32, #tpu.memory_space<vmem_shared>>
        tpu.enqueue_indirect_dma source(%arg9 : memref<40x144xf32, #tpu.memory_space<vmem>>) target(%dma_start3A_143 : memref<10240x144xf32, #tpu.memory_space<vmem_shared>>) offsets(%dma_start3A_140 : memref<40xi32, #tpu.memory_space<vmem>>) semaphore(%arg20 : memref<!tpu.dma_semaphore, #tpu.memory_space<semaphore_mem>>) {add = true}
        %add3A_144 = arith.constant 2 : i32
        %add3A_145 = arith.addi %mul3A_70, %add3A_144 : i32
        %sub3A_146 = arith.constant 1 : i32
        %sub3A_147 = arith.subi %add3A_145, %sub3A_146 : i32
        %mul3A_148 = arith.constant 40 : i32
        %mul3A_149 = arith.muli %sub3A_147, %mul3A_148 : i32
        %dma_wait3A_150 = tpu.memref_slice %arg6[%mul3A_149] : memref<2000xi32, #tpu.memory_space<vmem>> -> memref<40xi32, #tpu.memory_space<vmem>>
        %dma_wait3A_151 = arith.constant 0 : i32
        %dma_wait3A_152 = arith.constant 0 : i32
        %dma_wait3A_153 = tpu.memref_slice %arg12[%dma_wait3A_151, %dma_wait3A_152] : memref<10240x144xf32, #tpu.memory_space<vmem_shared>> -> memref<10240x144xf32, #tpu.memory_space<vmem_shared>>
        tpu.wait_indirect_dma semaphore(%arg19 : memref<!tpu.dma_semaphore, #tpu.memory_space<semaphore_mem>>) src(%arg8 : memref<40x144xf32, #tpu.memory_space<vmem>>) dst(%dma_wait3A_153 : memref<10240x144xf32, #tpu.memory_space<vmem_shared>>)
        %lt3A_154 = arith.constant 9 : i32
        %lt3A_155 = arith.cmpi slt, %scan3A_67, %lt3A_154 : i32
        %convert_element_type3A_156 = arith.extui %lt3A_155 : i1 to i32
        %cond3A_157 = arith.constant 0 : i32
        %cond3A_158 = arith.cmpi ne, %convert_element_type3A_156, %cond3A_157 : i32
        scf.if %cond3A_158 {
          %add3A_222 = arith.constant 2 : i32
          %add3A_223 = arith.addi %mul3A_70, %add3A_222 : i32
          %add3A_224 = arith.constant 5 : i32
          %add3A_225 = arith.addi %add3A_223, %add3A_224 : i32
          %sub3A_226 = arith.constant 1 : i32
          %sub3A_227 = arith.subi %add3A_225, %sub3A_226 : i32
          %mul3A_228 = arith.constant 40 : i32
          %mul3A_229 = arith.muli %sub3A_227, %mul3A_228 : i32
          %dma_start3A_230 = tpu.memref_slice %arg5[%mul3A_229] : memref<2000xi32, #tpu.memory_space<vmem>> -> memref<40xi32, #tpu.memory_space<vmem>>
          %dma_start3A_231 = arith.constant 0 : i32
          %dma_start3A_232 = arith.constant 0 : i32
          %dma_start3A_233 = tpu.memref_slice %arg3[%dma_start3A_231, %dma_start3A_232] : memref<10240x144xf32, #tpu.memory_space<hbm>> -> memref<10240x144xf32, #tpu.memory_space<hbm>>
          tpu.enqueue_indirect_dma source(%dma_start3A_233 : memref<10240x144xf32, #tpu.memory_space<hbm>>) target(%arg8 : memref<40x144xf32, #tpu.memory_space<vmem>>) offsets(%dma_start3A_230 : memref<40xi32, #tpu.memory_space<vmem>>) semaphore(%arg14 : memref<!tpu.dma_semaphore, #tpu.memory_space<semaphore_mem>>)
        } else {
        }
        %add3A_159 = arith.constant 3 : i32
        %add3A_160 = arith.addi %mul3A_70, %add3A_159 : i32
        %mul3A_161 = arith.constant 40 : i32
        %mul3A_162 = arith.muli %add3A_160, %mul3A_161 : i32
        %dma_wait3A_163 = tpu.memref_slice %arg5[%mul3A_162] : memref<2000xi32, #tpu.memory_space<vmem>> -> memref<40xi32, #tpu.memory_space<vmem>>
        %dma_wait3A_164 = arith.constant 0 : i32
        %dma_wait3A_165 = arith.constant 0 : i32
        %dma_wait3A_166 = tpu.memref_slice %arg3[%dma_wait3A_164, %dma_wait3A_165] : memref<10240x144xf32, #tpu.memory_space<hbm>> -> memref<10240x144xf32, #tpu.memory_space<hbm>>
        tpu.wait_indirect_dma semaphore(%arg16 : memref<!tpu.dma_semaphore, #tpu.memory_space<semaphore_mem>>) src(%dma_wait3A_166 : memref<10240x144xf32, #tpu.memory_space<hbm>>) dst(%arg10 : memref<40x144xf32, #tpu.memory_space<vmem>>)
        %add3A_167 = arith.constant 3 : i32
        %add3A_168 = arith.addi %mul3A_70, %add3A_167 : i32
        %mul3A_169 = arith.constant 40 : i32
        %mul3A_170 = arith.muli %add3A_168, %mul3A_169 : i32
        %dma_start3A_171 = tpu.memref_slice %arg6[%mul3A_170] : memref<2000xi32, #tpu.memory_space<vmem>> -> memref<40xi32, #tpu.memory_space<vmem>>
        %dma_start3A_172 = arith.constant 0 : i32
        %dma_start3A_173 = arith.constant 0 : i32
        %dma_start3A_174 = tpu.memref_slice %arg12[%dma_start3A_172, %dma_start3A_173] : memref<10240x144xf32, #tpu.memory_space<vmem_shared>> -> memref<10240x144xf32, #tpu.memory_space<vmem_shared>>
        tpu.enqueue_indirect_dma source(%arg10 : memref<40x144xf32, #tpu.memory_space<vmem>>) target(%dma_start3A_174 : memref<10240x144xf32, #tpu.memory_space<vmem_shared>>) offsets(%dma_start3A_171 : memref<40xi32, #tpu.memory_space<vmem>>) semaphore(%arg21 : memref<!tpu.dma_semaphore, #tpu.memory_space<semaphore_mem>>) {add = true}
        %add3A_175 = arith.constant 3 : i32
        %add3A_176 = arith.addi %mul3A_70, %add3A_175 : i32
        %sub3A_177 = arith.constant 1 : i32
        %sub3A_178 = arith.subi %add3A_176, %sub3A_177 : i32
        %mul3A_179 = arith.constant 40 : i32
        %mul3A_180 = arith.muli %sub3A_178, %mul3A_179 : i32
        %dma_wait3A_181 = tpu.memref_slice %arg6[%mul3A_180] : memref<2000xi32, #tpu.memory_space<vmem>> -> memref<40xi32, #tpu.memory_space<vmem>>
        %dma_wait3A_182 = arith.constant 0 : i32
        %dma_wait3A_183 = arith.constant 0 : i32
        %dma_wait3A_184 = tpu.memref_slice %arg12[%dma_wait3A_182, %dma_wait3A_183] : memref<10240x144xf32, #tpu.memory_space<vmem_shared>> -> memref<10240x144xf32, #tpu.memory_space<vmem_shared>>
        tpu.wait_indirect_dma semaphore(%arg20 : memref<!tpu.dma_semaphore, #tpu.memory_space<semaphore_mem>>) src(%arg9 : memref<40x144xf32, #tpu.memory_space<vmem>>) dst(%dma_wait3A_184 : memref<10240x144xf32, #tpu.memory_space<vmem_shared>>)
        %lt3A_185 = arith.constant 9 : i32
        %lt3A_186 = arith.cmpi slt, %scan3A_67, %lt3A_185 : i32
        %convert_element_type3A_187 = arith.extui %lt3A_186 : i1 to i32
        %cond3A_188 = arith.constant 0 : i32
        %cond3A_189 = arith.cmpi ne, %convert_element_type3A_187, %cond3A_188 : i32
        scf.if %cond3A_189 {
          %add3A_222 = arith.constant 3 : i32
          %add3A_223 = arith.addi %mul3A_70, %add3A_222 : i32
          %add3A_224 = arith.constant 5 : i32
          %add3A_225 = arith.addi %add3A_223, %add3A_224 : i32
          %sub3A_226 = arith.constant 1 : i32
          %sub3A_227 = arith.subi %add3A_225, %sub3A_226 : i32
          %mul3A_228 = arith.constant 40 : i32
          %mul3A_229 = arith.muli %sub3A_227, %mul3A_228 : i32
          %dma_start3A_230 = tpu.memref_slice %arg5[%mul3A_229] : memref<2000xi32, #tpu.memory_space<vmem>> -> memref<40xi32, #tpu.memory_space<vmem>>
          %dma_start3A_231 = arith.constant 0 : i32
          %dma_start3A_232 = arith.constant 0 : i32
          %dma_start3A_233 = tpu.memref_slice %arg3[%dma_start3A_231, %dma_start3A_232] : memref<10240x144xf32, #tpu.memory_space<hbm>> -> memref<10240x144xf32, #tpu.memory_space<hbm>>
          tpu.enqueue_indirect_dma source(%dma_start3A_233 : memref<10240x144xf32, #tpu.memory_space<hbm>>) target(%arg9 : memref<40x144xf32, #tpu.memory_space<vmem>>) offsets(%dma_start3A_230 : memref<40xi32, #tpu.memory_space<vmem>>) semaphore(%arg15 : memref<!tpu.dma_semaphore, #tpu.memory_space<semaphore_mem>>)
        } else {
        }
        %add3A_190 = arith.constant 4 : i32
        %add3A_191 = arith.addi %mul3A_70, %add3A_190 : i32
        %mul3A_192 = arith.constant 40 : i32
        %mul3A_193 = arith.muli %add3A_191, %mul3A_192 : i32
        %dma_wait3A_194 = tpu.memref_slice %arg5[%mul3A_193] : memref<2000xi32, #tpu.memory_space<vmem>> -> memref<40xi32, #tpu.memory_space<vmem>>
        %dma_wait3A_195 = arith.constant 0 : i32
        %dma_wait3A_196 = arith.constant 0 : i32
        %dma_wait3A_197 = tpu.memref_slice %arg3[%dma_wait3A_195, %dma_wait3A_196] : memref<10240x144xf32, #tpu.memory_space<hbm>> -> memref<10240x144xf32, #tpu.memory_space<hbm>>
        tpu.wait_indirect_dma semaphore(%arg17 : memref<!tpu.dma_semaphore, #tpu.memory_space<semaphore_mem>>) src(%dma_wait3A_197 : memref<10240x144xf32, #tpu.memory_space<hbm>>) dst(%arg11 : memref<40x144xf32, #tpu.memory_space<vmem>>)
        %add3A_198 = arith.constant 4 : i32
        %add3A_199 = arith.addi %mul3A_70, %add3A_198 : i32
        %mul3A_200 = arith.constant 40 : i32
        %mul3A_201 = arith.muli %add3A_199, %mul3A_200 : i32
        %dma_start3A_202 = tpu.memref_slice %arg6[%mul3A_201] : memref<2000xi32, #tpu.memory_space<vmem>> -> memref<40xi32, #tpu.memory_space<vmem>>
        %dma_start3A_203 = arith.constant 0 : i32
        %dma_start3A_204 = arith.constant 0 : i32
        %dma_start3A_205 = tpu.memref_slice %arg12[%dma_start3A_203, %dma_start3A_204] : memref<10240x144xf32, #tpu.memory_space<vmem_shared>> -> memref<10240x144xf32, #tpu.memory_space<vmem_shared>>
        tpu.enqueue_indirect_dma source(%arg11 : memref<40x144xf32, #tpu.memory_space<vmem>>) target(%dma_start3A_205 : memref<10240x144xf32, #tpu.memory_space<vmem_shared>>) offsets(%dma_start3A_202 : memref<40xi32, #tpu.memory_space<vmem>>) semaphore(%arg22 : memref<!tpu.dma_semaphore, #tpu.memory_space<semaphore_mem>>) {add = true}
        %add3A_206 = arith.constant 4 : i32
        %add3A_207 = arith.addi %mul3A_70, %add3A_206 : i32
        %sub3A_208 = arith.constant 1 : i32
        %sub3A_209 = arith.subi %add3A_207, %sub3A_208 : i32
        %mul3A_210 = arith.constant 40 : i32
        %mul3A_211 = arith.muli %sub3A_209, %mul3A_210 : i32
        %dma_wait3A_212 = tpu.memref_slice %arg6[%mul3A_211] : memref<2000xi32, #tpu.memory_space<vmem>> -> memref<40xi32, #tpu.memory_space<vmem>>
        %dma_wait3A_213 = arith.constant 0 : i32
        %dma_wait3A_214 = arith.constant 0 : i32
        %dma_wait3A_215 = tpu.memref_slice %arg12[%dma_wait3A_213, %dma_wait3A_214] : memref<10240x144xf32, #tpu.memory_space<vmem_shared>> -> memref<10240x144xf32, #tpu.memory_space<vmem_shared>>
        tpu.wait_indirect_dma semaphore(%arg21 : memref<!tpu.dma_semaphore, #tpu.memory_space<semaphore_mem>>) src(%arg10 : memref<40x144xf32, #tpu.memory_space<vmem>>) dst(%dma_wait3A_215 : memref<10240x144xf32, #tpu.memory_space<vmem_shared>>)
        %lt3A_216 = arith.constant 9 : i32
        %lt3A_217 = arith.cmpi slt, %scan3A_67, %lt3A_216 : i32
        %convert_element_type3A_218 = arith.extui %lt3A_217 : i1 to i32
        %cond3A_219 = arith.constant 0 : i32
        %cond3A_220 = arith.cmpi ne, %convert_element_type3A_218, %cond3A_219 : i32
        scf.if %cond3A_220 {
          %add3A_222 = arith.constant 4 : i32
          %add3A_223 = arith.addi %mul3A_70, %add3A_222 : i32
          %add3A_224 = arith.constant 5 : i32
          %add3A_225 = arith.addi %add3A_223, %add3A_224 : i32
          %sub3A_226 = arith.constant 1 : i32
          %sub3A_227 = arith.subi %add3A_225, %sub3A_226 : i32
          %mul3A_228 = arith.constant 40 : i32
          %mul3A_229 = arith.muli %sub3A_227, %mul3A_228 : i32
          %dma_start3A_230 = tpu.memref_slice %arg5[%mul3A_229] : memref<2000xi32, #tpu.memory_space<vmem>> -> memref<40xi32, #tpu.memory_space<vmem>>
          %dma_start3A_231 = arith.constant 0 : i32
          %dma_start3A_232 = arith.constant 0 : i32
          %dma_start3A_233 = tpu.memref_slice %arg3[%dma_start3A_231, %dma_start3A_232] : memref<10240x144xf32, #tpu.memory_space<hbm>> -> memref<10240x144xf32, #tpu.memory_space<hbm>>
          tpu.enqueue_indirect_dma source(%dma_start3A_233 : memref<10240x144xf32, #tpu.memory_space<hbm>>) target(%arg10 : memref<40x144xf32, #tpu.memory_space<vmem>>) offsets(%dma_start3A_230 : memref<40xi32, #tpu.memory_space<vmem>>) semaphore(%arg16 : memref<!tpu.dma_semaphore, #tpu.memory_space<semaphore_mem>>)
        } else {
        }
        %scan3A_221 = arith.constant 0 : i32
        scf.yield %scan3A_221 : i32
      }
      %scan3A_61 = arith.constant 10 : i32
      %dma_wait3A = arith.constant 1960 : i32
      %dma_wait3A_62 = tpu.memref_slice %arg6[%dma_wait3A] : memref<2000xi32, #tpu.memory_space<vmem>> -> memref<40xi32, #tpu.memory_space<vmem>>
      %dma_wait3A_63 = arith.constant 0 : i32
      %dma_wait3A_64 = arith.constant 0 : i32
      %dma_wait3A_65 = tpu.memref_slice %arg12[%dma_wait3A_63, %dma_wait3A_64] : memref<10240x144xf32, #tpu.memory_space<vmem_shared>> -> memref<10240x144xf32, #tpu.memory_space<vmem_shared>>
      tpu.wait_indirect_dma semaphore(%arg22 : memref<!tpu.dma_semaphore, #tpu.memory_space<semaphore_mem>>) src(%arg11 : memref<40x144xf32, #tpu.memory_space<vmem>>) dst(%dma_wait3A_65 : memref<10240x144xf32, #tpu.memory_space<vmem_shared>>)
      %scan3A_66 = arith.constant 0 : i32
      scf.yield %scan3A_66 : i32
    }
    %scan3A_20 = arith.constant 5 : i32
    %barrier3A_21 = arith.constant 0 : index
    tpu.barrier barrier_id(%barrier3A_21)
    %mul3A_22 = arith.constant 640 : i32
    %mul3A_23 = arith.muli %arg1, %mul3A_22 : i32
    %mul3A_24 = arith.constant 640 : i32
    %mul3A_25 = arith.muli %arg1, %mul3A_24 : i32
    "tpu.region"() ({
      %run_scoped3A = tpu.sem_alloc : memref<!tpu.dma_semaphore, #tpu.memory_space<semaphore_mem>>
      %dma_start3A = arith.constant 0 : i32
      %dma_start3A_26 = tpu.memref_slice %arg4[%arg0, %mul3A_25, %dma_start3A] : memref<2x10240x144xf32, #tpu.memory_space<hbm>> -> memref<1x640x144xf32, #tpu.memory_space<hbm>>
      %dma_start3A_27 = tpu.memref_squeeze %dma_start3A_26 : memref<1x640x144xf32, #tpu.memory_space<hbm>> -> memref<640x144xf32, #tpu.memory_space<hbm>>
      %dma_start3A_28 = arith.constant 0 : i32
      %dma_start3A_29 = tpu.memref_slice %arg12[%mul3A_23, %dma_start3A_28] : memref<10240x144xf32, #tpu.memory_space<vmem_shared>> -> memref<640x144xf32, #tpu.memory_space<vmem_shared>>
      tpu.enqueue_dma source(%dma_start3A_29 : memref<640x144xf32, #tpu.memory_space<vmem_shared>>) target(%dma_start3A_27 : memref<640x144xf32, #tpu.memory_space<hbm>>) target_semaphore(%run_scoped3A : memref<!tpu.dma_semaphore, #tpu.memory_space<semaphore_mem>>)
      %dma_wait3A = arith.constant 0 : i32
      %dma_wait3A_30 = tpu.memref_slice %arg4[%arg0, %mul3A_25, %dma_wait3A] : memref<2x10240x144xf32, #tpu.memory_space<hbm>> -> memref<1x640x144xf32, #tpu.memory_space<hbm>>
      %dma_wait3A_31 = tpu.memref_squeeze %dma_wait3A_30 : memref<1x640x144xf32, #tpu.memory_space<hbm>> -> memref<640x144xf32, #tpu.memory_space<hbm>>
      %dma_wait3A_32 = arith.constant 0 : i32
      %dma_wait3A_33 = tpu.memref_slice %arg12[%mul3A_23, %dma_wait3A_32] : memref<10240x144xf32, #tpu.memory_space<vmem_shared>> -> memref<640x144xf32, #tpu.memory_space<vmem_shared>>
      tpu.wait_dma2 semaphore(%run_scoped3A : memref<!tpu.dma_semaphore, #tpu.memory_space<semaphore_mem>>) src(%dma_wait3A_33 : memref<640x144xf32, #tpu.memory_space<vmem_shared>>) dst(%dma_wait3A_31 : memref<640x144xf32, #tpu.memory_space<hbm>>)
      tpu.yield
    }) : () -> ()
    return
  }
}

#map = affine_map<(d0, d1) -> (0, 0)>
#map1 = affine_map<(d0, d1) -> (0, 0, 0)>
module attributes {stable_mosaic.version = 14 : i64} {
  func.func @body(%arg0: i32, %arg1: i32, %arg2: memref<2x320000xi32, #tpu.memory_space<hbm>>, %arg3: memref<10240x160xi16, #tpu.memory_space<hbm>>, %arg4: memref<2x10240x160xi16, #tpu.memory_space<hbm>>, %arg5: memref<2000xi32, #tpu.memory_space<vmem>>, %arg6: memref<2000xi32, #tpu.memory_space<vmem>>, %arg7: memref<80x160xi16, #tpu.memory_space<vmem>>, %arg8: memref<80x160xi16, #tpu.memory_space<vmem>>, %arg9: memref<80x160xi16, #tpu.memory_space<vmem>>, %arg10: memref<80x160xi16, #tpu.memory_space<vmem>>, %arg11: memref<80x160xi16, #tpu.memory_space<vmem>>, %arg12: memref<10240x160xi16, #tpu.memory_space<vmem_shared>>, %arg13: memref<!tpu.dma_semaphore, #tpu.memory_space<semaphore_mem>>, %arg14: memref<!tpu.dma_semaphore, #tpu.memory_space<semaphore_mem>>, %arg15: memref<!tpu.dma_semaphore, #tpu.memory_space<semaphore_mem>>, %arg16: memref<!tpu.dma_semaphore, #tpu.memory_space<semaphore_mem>>, %arg17: memref<!tpu.dma_semaphore, #tpu.memory_space<semaphore_mem>>, %arg18: memref<!tpu.dma_semaphore, #tpu.memory_space<semaphore_mem>>, %arg19: memref<!tpu.dma_semaphore, #tpu.memory_space<semaphore_mem>>, %arg20: memref<!tpu.dma_semaphore, #tpu.memory_space<semaphore_mem>>, %arg21: memref<!tpu.dma_semaphore, #tpu.memory_space<semaphore_mem>>, %arg22: memref<!tpu.dma_semaphore, #tpu.memory_space<semaphore_mem>>) attributes {dimension_semantics = [#tpu.dimension_semantics<core_parallel>, #tpu.dimension_semantics<subcore_parallel>], iteration_bounds = array<i64: 2, 16>, scalar_prefetch = 0 : i64, scratch_operands = 18 : i64, tpu.core_type = #tpu.core_type<sc_vector_subcore>, window_params = [{transform_indices = #map}, {transform_indices = #map}, {transform_indices = #map1}]} {
    %mul3A = arith.constant 2 : i32
    %mul3A_0 = arith.muli %arg1, %mul3A : i32
    %add3A = arith.addi %mul3A_0, %arg0 : i32
    %scan3A = arith.constant 0 : i32
    %scan3A_1 = arith.constant 0 : i32
    %scan3A_2 = arith.constant 400 : i32
    %scan3A_3 = arith.addi %scan3A_1, %scan3A_2 : i32
    %scan3A_4 = arith.constant 1 : i32
    %scan3A_5 = scf.for %scan3A_26 = %scan3A_1 to %scan3A_3 step %scan3A_4 iter_args(%scan3A_27 = %scan3A) -> (i32)  : i32 {
      %broadcast_in_dim3A = arith.constant 0 : i16
      %broadcast_in_dim3A_28 = vector.broadcast %broadcast_in_dim3A : i16 to vector<32xi16>
      %jit3A = arith.constant 5 : i32
      %div3A = arith.divsi %scan3A_26, %jit3A : i32
      %sign3A = arith.constant 0 : i32
      %sign3A_29 = arith.cmpi sgt, %scan3A_26, %sign3A : i32
      %sign3A_30 = arith.extui %sign3A_29 : i1 to i32
      %sign3A_31 = arith.constant 0 : i32
      %sign3A_32 = arith.cmpi slt, %scan3A_26, %sign3A_31 : i32
      %sign3A_33 = arith.extui %sign3A_32 : i1 to i32
      %sign3A_34 = arith.subi %sign3A_30, %sign3A_33 : i32
      %sign3A_35 = arith.constant 0 : i32
      %sign3A_36 = arith.cmpi sgt, %jit3A, %sign3A_35 : i32
      %sign3A_37 = arith.extui %sign3A_36 : i1 to i32
      %sign3A_38 = arith.constant 0 : i32
      %sign3A_39 = arith.cmpi slt, %jit3A, %sign3A_38 : i32
      %sign3A_40 = arith.extui %sign3A_39 : i1 to i32
      %sign3A_41 = arith.subi %sign3A_37, %sign3A_40 : i32
      %ne3A = arith.cmpi ne, %sign3A_34, %sign3A_41 : i32
      %rem3A = arith.remsi %scan3A_26, %jit3A : i32
      %ne3A_42 = arith.constant 0 : i32
      %ne3A_43 = arith.cmpi ne, %rem3A, %ne3A_42 : i32
      %and3A = arith.andi %ne3A, %ne3A_43 : i1
      %sub3A = arith.constant 1 : i32
      %sub3A_44 = arith.subi %div3A, %sub3A : i32
      %select_n3A = arith.select %and3A, %sub3A_44, %div3A : i32
      %jit3A_45 = arith.constant 5 : i32
      %eq3A = arith.constant 0 : i32
      %eq3A_46 = arith.cmpi eq, %jit3A_45, %eq3A : i32
      %jit3A_47 = arith.constant 1 : i32
      %select_n3A_48 = arith.select %eq3A_46, %jit3A_47, %jit3A_45 : i32
      %rem3A_49 = arith.remsi %scan3A_26, %select_n3A_48 : i32
      %ne3A_50 = arith.constant 0 : i32
      %ne3A_51 = arith.cmpi ne, %rem3A_49, %ne3A_50 : i32
      %lt3A = arith.constant 0 : i32
      %lt3A_52 = arith.cmpi slt, %rem3A_49, %lt3A : i32
      %lt3A_53 = arith.constant 0 : i32
      %lt3A_54 = arith.cmpi slt, %select_n3A_48, %lt3A_53 : i32
      %ne3A_55 = arith.xori %lt3A_52, %lt3A_54 : i1
      %and3A_56 = arith.andi %ne3A_55, %ne3A_51 : i1
      %add3A_57 = arith.addi %rem3A_49, %select_n3A_48 : i32
      %select_n3A_58 = arith.select %and3A_56, %add3A_57, %rem3A_49 : i32
      %mul3A_59 = arith.constant 32 : i32
      %mul3A_60 = arith.muli %select_n3A_58, %mul3A_59 : i32
      %swap3A = arith.index_cast %select_n3A : i32 to index
      %swap3A_61 = arith.index_cast %mul3A_60 : i32 to index
      %swap3A_62 = tpu.vector_load %arg7[%swap3A, %swap3A_61] {strides = array<i32>} : memref<80x160xi16, #tpu.memory_space<vmem>>, vector<1x32xi16>,
      %swap3A_63 = vector.shape_cast %swap3A_62 : vector<1x32xi16> to vector<32xi16>
      %swap3A_64 = vector.shape_cast %broadcast_in_dim3A_28 : vector<32xi16> to vector<1x32xi16>
      tpu.vector_store %arg7[%swap3A, %swap3A_61], %swap3A_64 {strides = array<i32>} : memref<80x160xi16, #tpu.memory_space<vmem>>, vector<1x32xi16>,
      %scan3A_65 = arith.constant 0 : i32
      scf.yield %scan3A_65 : i32
    }
    %scan3A_6 = arith.constant 400 : i32
    %scan3A_7 = arith.constant 0 : i32
    %scan3A_8 = arith.constant 0 : i32
    %scan3A_9 = arith.constant 8 : i32
    %scan3A_10 = arith.addi %scan3A_8, %scan3A_9 : i32
    %scan3A_11 = arith.constant 1 : i32
    %scan3A_12 = scf.for %scan3A_26 = %scan3A_8 to %scan3A_10 step %scan3A_11 iter_args(%scan3A_27 = %scan3A_7) -> (i32)  : i32 {
      %mul3A_28 = arith.constant 640 : i32
      %mul3A_29 = arith.muli %arg1, %mul3A_28 : i32
      %mul3A_30 = arith.constant 80 : i32
      %mul3A_31 = arith.muli %scan3A_26, %mul3A_30 : i32
      %add3A_32 = arith.addi %mul3A_29, %mul3A_31 : i32
      "tpu.region"() ({
        %run_scoped3A = tpu.sem_alloc : memref<!tpu.dma_semaphore, #tpu.memory_space<semaphore_mem>>
        %dma_start3A = arith.constant 0 : i32
        %dma_start3A_34 = tpu.memref_slice %arg12[%add3A_32, %dma_start3A] : memref<10240x160xi16, #tpu.memory_space<vmem_shared>> -> memref<80x160xi16, #tpu.memory_space<vmem_shared>>
        %dma_start3A_35 = arith.constant 0 : i32
        %dma_start3A_36 = tpu.memref_slice %arg12[%add3A_32, %dma_start3A_35] : memref<10240x160xi16, #tpu.memory_space<vmem_shared>> -> memref<80x160xi16, #tpu.memory_space<vmem_shared>>
        tpu.enqueue_dma source(%arg7 : memref<80x160xi16, #tpu.memory_space<vmem>>) target(%dma_start3A_36 : memref<80x160xi16, #tpu.memory_space<vmem_shared>>) target_semaphore(%run_scoped3A : memref<!tpu.dma_semaphore, #tpu.memory_space<semaphore_mem>>)
        %dma_wait3A = arith.constant 0 : i32
        %dma_wait3A_37 = tpu.memref_slice %arg12[%add3A_32, %dma_wait3A] : memref<10240x160xi16, #tpu.memory_space<vmem_shared>> -> memref<80x160xi16, #tpu.memory_space<vmem_shared>>
        %dma_wait3A_38 = arith.constant 0 : i32
        %dma_wait3A_39 = tpu.memref_slice %arg12[%add3A_32, %dma_wait3A_38] : memref<10240x160xi16, #tpu.memory_space<vmem_shared>> -> memref<80x160xi16, #tpu.memory_space<vmem_shared>>
        tpu.wait_dma2 semaphore(%run_scoped3A : memref<!tpu.dma_semaphore, #tpu.memory_space<semaphore_mem>>) src(%arg7 : memref<80x160xi16, #tpu.memory_space<vmem>>) dst(%dma_wait3A_39 : memref<80x160xi16, #tpu.memory_space<vmem_shared>>)
        tpu.yield
      }) : () -> ()
      %scan3A_33 = arith.constant 0 : i32
      scf.yield %scan3A_33 : i32
    }
    %scan3A_13 = arith.constant 8 : i32
    %barrier3A = arith.constant 0 : index
    tpu.barrier barrier_id(%barrier3A)
    %scan3A_14 = arith.constant 0 : i32
    %scan3A_15 = arith.constant 0 : i32
    %scan3A_16 = arith.constant 5 : i32
    %scan3A_17 = arith.addi %scan3A_15, %scan3A_16 : i32
    %scan3A_18 = arith.constant 1 : i32
    %scan3A_19 = scf.for %scan3A_26 = %scan3A_15 to %scan3A_17 step %scan3A_18 iter_args(%scan3A_27 = %scan3A_14) -> (i32)  : i32 {
      %mul3A_28 = arith.constant 10000 : i32
      %mul3A_29 = arith.muli %add3A, %mul3A_28 : i32
      %mul3A_30 = arith.constant 25 : i32
      %mul3A_31 = arith.muli %scan3A_26, %mul3A_30 : i32
      %mul3A_32 = arith.constant 80 : i32
      %mul3A_33 = arith.muli %mul3A_31, %mul3A_32 : i32
      %add3A_34 = arith.addi %mul3A_29, %mul3A_33 : i32
      %run_scoped3A = arith.constant 0 : i32
      "tpu.region"() ({
        %run_scoped3A_67 = tpu.sem_alloc : memref<!tpu.dma_semaphore, #tpu.memory_space<semaphore_mem>>
        %dma_start3A_68 = tpu.memref_slice %arg2[%run_scoped3A, %add3A_34] : memref<2x320000xi32, #tpu.memory_space<hbm>> -> memref<1x2000xi32, #tpu.memory_space<hbm>>
        %dma_start3A_69 = tpu.memref_squeeze %dma_start3A_68 : memref<1x2000xi32, #tpu.memory_space<hbm>> -> memref<2000xi32, #tpu.memory_space<hbm>>
        %dma_start3A_70 = tpu.memref_slice %arg2[%run_scoped3A, %add3A_34] : memref<2x320000xi32, #tpu.memory_space<hbm>> -> memref<1x2000xi32, #tpu.memory_space<hbm>>
        %dma_start3A_71 = tpu.memref_squeeze %dma_start3A_70 : memref<1x2000xi32, #tpu.memory_space<hbm>> -> memref<2000xi32, #tpu.memory_space<hbm>>
        tpu.enqueue_dma source(%dma_start3A_71 : memref<2000xi32, #tpu.memory_space<hbm>>) target(%arg5 : memref<2000xi32, #tpu.memory_space<vmem>>) target_semaphore(%run_scoped3A_67 : memref<!tpu.dma_semaphore, #tpu.memory_space<semaphore_mem>>)
        %dma_wait3A_72 = tpu.memref_slice %arg2[%run_scoped3A, %add3A_34] : memref<2x320000xi32, #tpu.memory_space<hbm>> -> memref<1x2000xi32, #tpu.memory_space<hbm>>
        %dma_wait3A_73 = tpu.memref_squeeze %dma_wait3A_72 : memref<1x2000xi32, #tpu.memory_space<hbm>> -> memref<2000xi32, #tpu.memory_space<hbm>>
        %dma_wait3A_74 = tpu.memref_slice %arg2[%run_scoped3A, %add3A_34] : memref<2x320000xi32, #tpu.memory_space<hbm>> -> memref<1x2000xi32, #tpu.memory_space<hbm>>
        %dma_wait3A_75 = tpu.memref_squeeze %dma_wait3A_74 : memref<1x2000xi32, #tpu.memory_space<hbm>> -> memref<2000xi32, #tpu.memory_space<hbm>>
        tpu.wait_dma2 semaphore(%run_scoped3A_67 : memref<!tpu.dma_semaphore, #tpu.memory_space<semaphore_mem>>) src(%dma_wait3A_75 : memref<2000xi32, #tpu.memory_space<hbm>>) dst(%arg5 : memref<2000xi32, #tpu.memory_space<vmem>>)
        tpu.yield
      }) : () -> ()
      %run_scoped3A_35 = arith.constant 1 : i32
      "tpu.region"() ({
        %run_scoped3A_67 = tpu.sem_alloc : memref<!tpu.dma_semaphore, #tpu.memory_space<semaphore_mem>>
        %dma_start3A_68 = tpu.memref_slice %arg2[%run_scoped3A_35, %add3A_34] : memref<2x320000xi32, #tpu.memory_space<hbm>> -> memref<1x2000xi32, #tpu.memory_space<hbm>>
        %dma_start3A_69 = tpu.memref_squeeze %dma_start3A_68 : memref<1x2000xi32, #tpu.memory_space<hbm>> -> memref<2000xi32, #tpu.memory_space<hbm>>
        %dma_start3A_70 = tpu.memref_slice %arg2[%run_scoped3A_35, %add3A_34] : memref<2x320000xi32, #tpu.memory_space<hbm>> -> memref<1x2000xi32, #tpu.memory_space<hbm>>
        %dma_start3A_71 = tpu.memref_squeeze %dma_start3A_70 : memref<1x2000xi32, #tpu.memory_space<hbm>> -> memref<2000xi32, #tpu.memory_space<hbm>>
        tpu.enqueue_dma source(%dma_start3A_71 : memref<2000xi32, #tpu.memory_space<hbm>>) target(%arg6 : memref<2000xi32, #tpu.memory_space<vmem>>) target_semaphore(%run_scoped3A_67 : memref<!tpu.dma_semaphore, #tpu.memory_space<semaphore_mem>>)
        %dma_wait3A_72 = tpu.memref_slice %arg2[%run_scoped3A_35, %add3A_34] : memref<2x320000xi32, #tpu.memory_space<hbm>> -> memref<1x2000xi32, #tpu.memory_space<hbm>>
        %dma_wait3A_73 = tpu.memref_squeeze %dma_wait3A_72 : memref<1x2000xi32, #tpu.memory_space<hbm>> -> memref<2000xi32, #tpu.memory_space<hbm>>
        %dma_wait3A_74 = tpu.memref_slice %arg2[%run_scoped3A_35, %add3A_34] : memref<2x320000xi32, #tpu.memory_space<hbm>> -> memref<1x2000xi32, #tpu.memory_space<hbm>>
        %dma_wait3A_75 = tpu.memref_squeeze %dma_wait3A_74 : memref<1x2000xi32, #tpu.memory_space<hbm>> -> memref<2000xi32, #tpu.memory_space<hbm>>
        tpu.wait_dma2 semaphore(%run_scoped3A_67 : memref<!tpu.dma_semaphore, #tpu.memory_space<semaphore_mem>>) src(%dma_wait3A_75 : memref<2000xi32, #tpu.memory_space<hbm>>) dst(%arg6 : memref<2000xi32, #tpu.memory_space<vmem>>)
        tpu.yield
      }) : () -> ()
      %dma_start3A = arith.constant 0 : i32
      %dma_start3A_36 = tpu.memref_slice %arg5[%dma_start3A] : memref<2000xi32, #tpu.memory_space<vmem>> -> memref<80xi32, #tpu.memory_space<vmem>>
      %dma_start3A_37 = arith.constant 0 : i32
      %dma_start3A_38 = arith.constant 0 : i32
      %dma_start3A_39 = tpu.memref_slice %arg3[%dma_start3A_37, %dma_start3A_38] : memref<10240x160xi16, #tpu.memory_space<hbm>> -> memref<10240x160xi16, #tpu.memory_space<hbm>>
      tpu.enqueue_indirect_dma source(%dma_start3A_39 : memref<10240x160xi16, #tpu.memory_space<hbm>>) target(%arg7 : memref<80x160xi16, #tpu.memory_space<vmem>>) offsets(%dma_start3A_36 : memref<80xi32, #tpu.memory_space<vmem>>) semaphore(%arg13 : memref<!tpu.dma_semaphore, #tpu.memory_space<semaphore_mem>>)
      %dma_start3A_40 = arith.constant 80 : i32
      %dma_start3A_41 = tpu.memref_slice %arg5[%dma_start3A_40] : memref<2000xi32, #tpu.memory_space<vmem>> -> memref<80xi32, #tpu.memory_space<vmem>>
      %dma_start3A_42 = arith.constant 0 : i32
      %dma_start3A_43 = arith.constant 0 : i32
      %dma_start3A_44 = tpu.memref_slice %arg3[%dma_start3A_42, %dma_start3A_43] : memref<10240x160xi16, #tpu.memory_space<hbm>> -> memref<10240x160xi16, #tpu.memory_space<hbm>>
      tpu.enqueue_indirect_dma source(%dma_start3A_44 : memref<10240x160xi16, #tpu.memory_space<hbm>>) target(%arg8 : memref<80x160xi16, #tpu.memory_space<vmem>>) offsets(%dma_start3A_41 : memref<80xi32, #tpu.memory_space<vmem>>) semaphore(%arg14 : memref<!tpu.dma_semaphore, #tpu.memory_space<semaphore_mem>>)
      %dma_start3A_45 = arith.constant 160 : i32
      %dma_start3A_46 = tpu.memref_slice %arg5[%dma_start3A_45] : memref<2000xi32, #tpu.memory_space<vmem>> -> memref<80xi32, #tpu.memory_space<vmem>>
      %dma_start3A_47 = arith.constant 0 : i32
      %dma_start3A_48 = arith.constant 0 : i32
      %dma_start3A_49 = tpu.memref_slice %arg3[%dma_start3A_47, %dma_start3A_48] : memref<10240x160xi16, #tpu.memory_space<hbm>> -> memref<10240x160xi16, #tpu.memory_space<hbm>>
      tpu.enqueue_indirect_dma source(%dma_start3A_49 : memref<10240x160xi16, #tpu.memory_space<hbm>>) target(%arg9 : memref<80x160xi16, #tpu.memory_space<vmem>>) offsets(%dma_start3A_46 : memref<80xi32, #tpu.memory_space<vmem>>) semaphore(%arg15 : memref<!tpu.dma_semaphore, #tpu.memory_space<semaphore_mem>>)
      %dma_start3A_50 = arith.constant 240 : i32
      %dma_start3A_51 = tpu.memref_slice %arg5[%dma_start3A_50] : memref<2000xi32, #tpu.memory_space<vmem>> -> memref<80xi32, #tpu.memory_space<vmem>>
      %dma_start3A_52 = arith.constant 0 : i32
      %dma_start3A_53 = arith.constant 0 : i32
      %dma_start3A_54 = tpu.memref_slice %arg3[%dma_start3A_52, %dma_start3A_53] : memref<10240x160xi16, #tpu.memory_space<hbm>> -> memref<10240x160xi16, #tpu.memory_space<hbm>>
      tpu.enqueue_indirect_dma source(%dma_start3A_54 : memref<10240x160xi16, #tpu.memory_space<hbm>>) target(%arg10 : memref<80x160xi16, #tpu.memory_space<vmem>>) offsets(%dma_start3A_51 : memref<80xi32, #tpu.memory_space<vmem>>) semaphore(%arg16 : memref<!tpu.dma_semaphore, #tpu.memory_space<semaphore_mem>>)
      %scan3A_55 = arith.constant 0 : i32
      %scan3A_56 = arith.constant 0 : i32
      %scan3A_57 = arith.constant 5 : i32
      %scan3A_58 = arith.addi %scan3A_56, %scan3A_57 : i32
      %scan3A_59 = arith.constant 1 : i32
      %scan3A_60 = scf.for %scan3A_67 = %scan3A_56 to %scan3A_58 step %scan3A_59 iter_args(%scan3A_68 = %scan3A_55) -> (i32)  : i32 {
        %mul3A_69 = arith.constant 5 : i32
        %mul3A_70 = arith.muli %mul3A_69, %scan3A_67 : i32
        %add3A_71 = arith.constant 0 : i32
        %add3A_72 = arith.addi %mul3A_70, %add3A_71 : i32
        %mul3A_73 = arith.constant 80 : i32
        %mul3A_74 = arith.muli %add3A_72, %mul3A_73 : i32
        %dma_wait3A_75 = tpu.memref_slice %arg5[%mul3A_74] : memref<2000xi32, #tpu.memory_space<vmem>> -> memref<80xi32, #tpu.memory_space<vmem>>
        %dma_wait3A_76 = arith.constant 0 : i32
        %dma_wait3A_77 = arith.constant 0 : i32
        %dma_wait3A_78 = tpu.memref_slice %arg3[%dma_wait3A_76, %dma_wait3A_77] : memref<10240x160xi16, #tpu.memory_space<hbm>> -> memref<10240x160xi16, #tpu.memory_space<hbm>>
        tpu.wait_indirect_dma semaphore(%arg13 : memref<!tpu.dma_semaphore, #tpu.memory_space<semaphore_mem>>) src(%dma_wait3A_78 : memref<10240x160xi16, #tpu.memory_space<hbm>>) dst(%arg7 : memref<80x160xi16, #tpu.memory_space<vmem>>)
        %add3A_79 = arith.constant 0 : i32
        %add3A_80 = arith.addi %mul3A_70, %add3A_79 : i32
        %mul3A_81 = arith.constant 80 : i32
        %mul3A_82 = arith.muli %add3A_80, %mul3A_81 : i32
        %dma_start3A_83 = tpu.memref_slice %arg6[%mul3A_82] : memref<2000xi32, #tpu.memory_space<vmem>> -> memref<80xi32, #tpu.memory_space<vmem>>
        %dma_start3A_84 = arith.constant 0 : i32
        %dma_start3A_85 = arith.constant 0 : i32
        %dma_start3A_86 = tpu.memref_slice %arg12[%dma_start3A_84, %dma_start3A_85] : memref<10240x160xi16, #tpu.memory_space<vmem_shared>> -> memref<10240x160xi16, #tpu.memory_space<vmem_shared>>
        tpu.enqueue_indirect_dma source(%arg7 : memref<80x160xi16, #tpu.memory_space<vmem>>) target(%dma_start3A_86 : memref<10240x160xi16, #tpu.memory_space<vmem_shared>>) offsets(%dma_start3A_83 : memref<80xi32, #tpu.memory_space<vmem>>) semaphore(%arg18 : memref<!tpu.dma_semaphore, #tpu.memory_space<semaphore_mem>>) {add = true}
        %gt3A = arith.constant 0 : i32
        %gt3A_87 = arith.cmpi sgt, %scan3A_67, %gt3A : i32
        %convert_element_type3A = arith.extui %gt3A_87 : i1 to i32
        %cond3A = arith.constant 0 : i32
        %cond3A_88 = arith.cmpi ne, %convert_element_type3A, %cond3A : i32
        scf.if %cond3A_88 {
          %sub3A_222 = arith.constant 1 : i32
          %sub3A_223 = arith.subi %mul3A_70, %sub3A_222 : i32
          %mul3A_224 = arith.constant 80 : i32
          %mul3A_225 = arith.muli %sub3A_223, %mul3A_224 : i32
          %dma_wait3A_226 = tpu.memref_slice %arg6[%mul3A_225] : memref<2000xi32, #tpu.memory_space<vmem>> -> memref<80xi32, #tpu.memory_space<vmem>>
          %dma_wait3A_227 = arith.constant 0 : i32
          %dma_wait3A_228 = arith.constant 0 : i32
          %dma_wait3A_229 = tpu.memref_slice %arg12[%dma_wait3A_227, %dma_wait3A_228] : memref<10240x160xi16, #tpu.memory_space<vmem_shared>> -> memref<10240x160xi16, #tpu.memory_space<vmem_shared>>
          tpu.wait_indirect_dma semaphore(%arg22 : memref<!tpu.dma_semaphore, #tpu.memory_space<semaphore_mem>>) src(%arg11 : memref<80x160xi16, #tpu.memory_space<vmem>>) dst(%dma_wait3A_229 : memref<10240x160xi16, #tpu.memory_space<vmem_shared>>)
        } else {
        }
        %add3A_89 = arith.constant 5 : i32
        %add3A_90 = arith.addi %mul3A_70, %add3A_89 : i32
        %sub3A = arith.constant 1 : i32
        %sub3A_91 = arith.subi %add3A_90, %sub3A : i32
        %mul3A_92 = arith.constant 80 : i32
        %mul3A_93 = arith.muli %sub3A_91, %mul3A_92 : i32
        %dma_start3A_94 = tpu.memref_slice %arg5[%mul3A_93] : memref<2000xi32, #tpu.memory_space<vmem>> -> memref<80xi32, #tpu.memory_space<vmem>>
        %dma_start3A_95 = arith.constant 0 : i32
        %dma_start3A_96 = arith.constant 0 : i32
        %dma_start3A_97 = tpu.memref_slice %arg3[%dma_start3A_95, %dma_start3A_96] : memref<10240x160xi16, #tpu.memory_space<hbm>> -> memref<10240x160xi16, #tpu.memory_space<hbm>>
        tpu.enqueue_indirect_dma source(%dma_start3A_97 : memref<10240x160xi16, #tpu.memory_space<hbm>>) target(%arg11 : memref<80x160xi16, #tpu.memory_space<vmem>>) offsets(%dma_start3A_94 : memref<80xi32, #tpu.memory_space<vmem>>) semaphore(%arg17 : memref<!tpu.dma_semaphore, #tpu.memory_space<semaphore_mem>>)
        %add3A_98 = arith.constant 1 : i32
        %add3A_99 = arith.addi %mul3A_70, %add3A_98 : i32
        %mul3A_100 = arith.constant 80 : i32
        %mul3A_101 = arith.muli %add3A_99, %mul3A_100 : i32
        %dma_wait3A_102 = tpu.memref_slice %arg5[%mul3A_101] : memref<2000xi32, #tpu.memory_space<vmem>> -> memref<80xi32, #tpu.memory_space<vmem>>
        %dma_wait3A_103 = arith.constant 0 : i32
        %dma_wait3A_104 = arith.constant 0 : i32
        %dma_wait3A_105 = tpu.memref_slice %arg3[%dma_wait3A_103, %dma_wait3A_104] : memref<10240x160xi16, #tpu.memory_space<hbm>> -> memref<10240x160xi16, #tpu.memory_space<hbm>>
        tpu.wait_indirect_dma semaphore(%arg14 : memref<!tpu.dma_semaphore, #tpu.memory_space<semaphore_mem>>) src(%dma_wait3A_105 : memref<10240x160xi16, #tpu.memory_space<hbm>>) dst(%arg8 : memref<80x160xi16, #tpu.memory_space<vmem>>)
        %add3A_106 = arith.constant 1 : i32
        %add3A_107 = arith.addi %mul3A_70, %add3A_106 : i32
        %mul3A_108 = arith.constant 80 : i32
        %mul3A_109 = arith.muli %add3A_107, %mul3A_108 : i32
        %dma_start3A_110 = tpu.memref_slice %arg6[%mul3A_109] : memref<2000xi32, #tpu.memory_space<vmem>> -> memref<80xi32, #tpu.memory_space<vmem>>
        %dma_start3A_111 = arith.constant 0 : i32
        %dma_start3A_112 = arith.constant 0 : i32
        %dma_start3A_113 = tpu.memref_slice %arg12[%dma_start3A_111, %dma_start3A_112] : memref<10240x160xi16, #tpu.memory_space<vmem_shared>> -> memref<10240x160xi16, #tpu.memory_space<vmem_shared>>
        tpu.enqueue_indirect_dma source(%arg8 : memref<80x160xi16, #tpu.memory_space<vmem>>) target(%dma_start3A_113 : memref<10240x160xi16, #tpu.memory_space<vmem_shared>>) offsets(%dma_start3A_110 : memref<80xi32, #tpu.memory_space<vmem>>) semaphore(%arg19 : memref<!tpu.dma_semaphore, #tpu.memory_space<semaphore_mem>>) {add = true}
        %add3A_114 = arith.constant 1 : i32
        %add3A_115 = arith.addi %mul3A_70, %add3A_114 : i32
        %sub3A_116 = arith.constant 1 : i32
        %sub3A_117 = arith.subi %add3A_115, %sub3A_116 : i32
        %mul3A_118 = arith.constant 80 : i32
        %mul3A_119 = arith.muli %sub3A_117, %mul3A_118 : i32
        %dma_wait3A_120 = tpu.memref_slice %arg6[%mul3A_119] : memref<2000xi32, #tpu.memory_space<vmem>> -> memref<80xi32, #tpu.memory_space<vmem>>
        %dma_wait3A_121 = arith.constant 0 : i32
        %dma_wait3A_122 = arith.constant 0 : i32
        %dma_wait3A_123 = tpu.memref_slice %arg12[%dma_wait3A_121, %dma_wait3A_122] : memref<10240x160xi16, #tpu.memory_space<vmem_shared>> -> memref<10240x160xi16, #tpu.memory_space<vmem_shared>>
        tpu.wait_indirect_dma semaphore(%arg18 : memref<!tpu.dma_semaphore, #tpu.memory_space<semaphore_mem>>) src(%arg7 : memref<80x160xi16, #tpu.memory_space<vmem>>) dst(%dma_wait3A_123 : memref<10240x160xi16, #tpu.memory_space<vmem_shared>>)
        %lt3A = arith.constant 4 : i32
        %lt3A_124 = arith.cmpi slt, %scan3A_67, %lt3A : i32
        %convert_element_type3A_125 = arith.extui %lt3A_124 : i1 to i32
        %cond3A_126 = arith.constant 0 : i32
        %cond3A_127 = arith.cmpi ne, %convert_element_type3A_125, %cond3A_126 : i32
        scf.if %cond3A_127 {
          %add3A_222 = arith.constant 1 : i32
          %add3A_223 = arith.addi %mul3A_70, %add3A_222 : i32
          %add3A_224 = arith.constant 5 : i32
          %add3A_225 = arith.addi %add3A_223, %add3A_224 : i32
          %sub3A_226 = arith.constant 1 : i32
          %sub3A_227 = arith.subi %add3A_225, %sub3A_226 : i32
          %mul3A_228 = arith.constant 80 : i32
          %mul3A_229 = arith.muli %sub3A_227, %mul3A_228 : i32
          %dma_start3A_230 = tpu.memref_slice %arg5[%mul3A_229] : memref<2000xi32, #tpu.memory_space<vmem>> -> memref<80xi32, #tpu.memory_space<vmem>>
          %dma_start3A_231 = arith.constant 0 : i32
          %dma_start3A_232 = arith.constant 0 : i32
          %dma_start3A_233 = tpu.memref_slice %arg3[%dma_start3A_231, %dma_start3A_232] : memref<10240x160xi16, #tpu.memory_space<hbm>> -> memref<10240x160xi16, #tpu.memory_space<hbm>>
          tpu.enqueue_indirect_dma source(%dma_start3A_233 : memref<10240x160xi16, #tpu.memory_space<hbm>>) target(%arg7 : memref<80x160xi16, #tpu.memory_space<vmem>>) offsets(%dma_start3A_230 : memref<80xi32, #tpu.memory_space<vmem>>) semaphore(%arg13 : memref<!tpu.dma_semaphore, #tpu.memory_space<semaphore_mem>>)
        } else {
        }
        %add3A_128 = arith.constant 2 : i32
        %add3A_129 = arith.addi %mul3A_70, %add3A_128 : i32
        %mul3A_130 = arith.constant 80 : i32
        %mul3A_131 = arith.muli %add3A_129, %mul3A_130 : i32
        %dma_wait3A_132 = tpu.memref_slice %arg5[%mul3A_131] : memref<2000xi32, #tpu.memory_space<vmem>> -> memref<80xi32, #tpu.memory_space<vmem>>
        %dma_wait3A_133 = arith.constant 0 : i32
        %dma_wait3A_134 = arith.constant 0 : i32
        %dma_wait3A_135 = tpu.memref_slice %arg3[%dma_wait3A_133, %dma_wait3A_134] : memref<10240x160xi16, #tpu.memory_space<hbm>> -> memref<10240x160xi16, #tpu.memory_space<hbm>>
        tpu.wait_indirect_dma semaphore(%arg15 : memref<!tpu.dma_semaphore, #tpu.memory_space<semaphore_mem>>) src(%dma_wait3A_135 : memref<10240x160xi16, #tpu.memory_space<hbm>>) dst(%arg9 : memref<80x160xi16, #tpu.memory_space<vmem>>)
        %add3A_136 = arith.constant 2 : i32
        %add3A_137 = arith.addi %mul3A_70, %add3A_136 : i32
        %mul3A_138 = arith.constant 80 : i32
        %mul3A_139 = arith.muli %add3A_137, %mul3A_138 : i32
        %dma_start3A_140 = tpu.memref_slice %arg6[%mul3A_139] : memref<2000xi32, #tpu.memory_space<vmem>> -> memref<80xi32, #tpu.memory_space<vmem>>
        %dma_start3A_141 = arith.constant 0 : i32
        %dma_start3A_142 = arith.constant 0 : i32
        %dma_start3A_143 = tpu.memref_slice %arg12[%dma_start3A_141, %dma_start3A_142] : memref<10240x160xi16, #tpu.memory_space<vmem_shared>> -> memref<10240x160xi16, #tpu.memory_space<vmem_shared>>
        tpu.enqueue_indirect_dma source(%arg9 : memref<80x160xi16, #tpu.memory_space<vmem>>) target(%dma_start3A_143 : memref<10240x160xi16, #tpu.memory_space<vmem_shared>>) offsets(%dma_start3A_140 : memref<80xi32, #tpu.memory_space<vmem>>) semaphore(%arg20 : memref<!tpu.dma_semaphore, #tpu.memory_space<semaphore_mem>>) {add = true}
        %add3A_144 = arith.constant 2 : i32
        %add3A_145 = arith.addi %mul3A_70, %add3A_144 : i32
        %sub3A_146 = arith.constant 1 : i32
        %sub3A_147 = arith.subi %add3A_145, %sub3A_146 : i32
        %mul3A_148 = arith.constant 80 : i32
        %mul3A_149 = arith.muli %sub3A_147, %mul3A_148 : i32
        %dma_wait3A_150 = tpu.memref_slice %arg6[%mul3A_149] : memref<2000xi32, #tpu.memory_space<vmem>> -> memref<80xi32, #tpu.memory_space<vmem>>
        %dma_wait3A_151 = arith.constant 0 : i32
        %dma_wait3A_152 = arith.constant 0 : i32
        %dma_wait3A_153 = tpu.memref_slice %arg12[%dma_wait3A_151, %dma_wait3A_152] : memref<10240x160xi16, #tpu.memory_space<vmem_shared>> -> memref<10240x160xi16, #tpu.memory_space<vmem_shared>>
        tpu.wait_indirect_dma semaphore(%arg19 : memref<!tpu.dma_semaphore, #tpu.memory_space<semaphore_mem>>) src(%arg8 : memref<80x160xi16, #tpu.memory_space<vmem>>) dst(%dma_wait3A_153 : memref<10240x160xi16, #tpu.memory_space<vmem_shared>>)
        %lt3A_154 = arith.constant 4 : i32
        %lt3A_155 = arith.cmpi slt, %scan3A_67, %lt3A_154 : i32
        %convert_element_type3A_156 = arith.extui %lt3A_155 : i1 to i32
        %cond3A_157 = arith.constant 0 : i32
        %cond3A_158 = arith.cmpi ne, %convert_element_type3A_156, %cond3A_157 : i32
        scf.if %cond3A_158 {
          %add3A_222 = arith.constant 2 : i32
          %add3A_223 = arith.addi %mul3A_70, %add3A_222 : i32
          %add3A_224 = arith.constant 5 : i32
          %add3A_225 = arith.addi %add3A_223, %add3A_224 : i32
          %sub3A_226 = arith.constant 1 : i32
          %sub3A_227 = arith.subi %add3A_225, %sub3A_226 : i32
          %mul3A_228 = arith.constant 80 : i32
          %mul3A_229 = arith.muli %sub3A_227, %mul3A_228 : i32
          %dma_start3A_230 = tpu.memref_slice %arg5[%mul3A_229] : memref<2000xi32, #tpu.memory_space<vmem>> -> memref<80xi32, #tpu.memory_space<vmem>>
          %dma_start3A_231 = arith.constant 0 : i32
          %dma_start3A_232 = arith.constant 0 : i32
          %dma_start3A_233 = tpu.memref_slice %arg3[%dma_start3A_231, %dma_start3A_232] : memref<10240x160xi16, #tpu.memory_space<hbm>> -> memref<10240x160xi16, #tpu.memory_space<hbm>>
          tpu.enqueue_indirect_dma source(%dma_start3A_233 : memref<10240x160xi16, #tpu.memory_space<hbm>>) target(%arg8 : memref<80x160xi16, #tpu.memory_space<vmem>>) offsets(%dma_start3A_230 : memref<80xi32, #tpu.memory_space<vmem>>) semaphore(%arg14 : memref<!tpu.dma_semaphore, #tpu.memory_space<semaphore_mem>>)
        } else {
        }
        %add3A_159 = arith.constant 3 : i32
        %add3A_160 = arith.addi %mul3A_70, %add3A_159 : i32
        %mul3A_161 = arith.constant 80 : i32
        %mul3A_162 = arith.muli %add3A_160, %mul3A_161 : i32
        %dma_wait3A_163 = tpu.memref_slice %arg5[%mul3A_162] : memref<2000xi32, #tpu.memory_space<vmem>> -> memref<80xi32, #tpu.memory_space<vmem>>
        %dma_wait3A_164 = arith.constant 0 : i32
        %dma_wait3A_165 = arith.constant 0 : i32
        %dma_wait3A_166 = tpu.memref_slice %arg3[%dma_wait3A_164, %dma_wait3A_165] : memref<10240x160xi16, #tpu.memory_space<hbm>> -> memref<10240x160xi16, #tpu.memory_space<hbm>>
        tpu.wait_indirect_dma semaphore(%arg16 : memref<!tpu.dma_semaphore, #tpu.memory_space<semaphore_mem>>) src(%dma_wait3A_166 : memref<10240x160xi16, #tpu.memory_space<hbm>>) dst(%arg10 : memref<80x160xi16, #tpu.memory_space<vmem>>)
        %add3A_167 = arith.constant 3 : i32
        %add3A_168 = arith.addi %mul3A_70, %add3A_167 : i32
        %mul3A_169 = arith.constant 80 : i32
        %mul3A_170 = arith.muli %add3A_168, %mul3A_169 : i32
        %dma_start3A_171 = tpu.memref_slice %arg6[%mul3A_170] : memref<2000xi32, #tpu.memory_space<vmem>> -> memref<80xi32, #tpu.memory_space<vmem>>
        %dma_start3A_172 = arith.constant 0 : i32
        %dma_start3A_173 = arith.constant 0 : i32
        %dma_start3A_174 = tpu.memref_slice %arg12[%dma_start3A_172, %dma_start3A_173] : memref<10240x160xi16, #tpu.memory_space<vmem_shared>> -> memref<10240x160xi16, #tpu.memory_space<vmem_shared>>
        tpu.enqueue_indirect_dma source(%arg10 : memref<80x160xi16, #tpu.memory_space<vmem>>) target(%dma_start3A_174 : memref<10240x160xi16, #tpu.memory_space<vmem_shared>>) offsets(%dma_start3A_171 : memref<80xi32, #tpu.memory_space<vmem>>) semaphore(%arg21 : memref<!tpu.dma_semaphore, #tpu.memory_space<semaphore_mem>>) {add = true}
        %add3A_175 = arith.constant 3 : i32
        %add3A_176 = arith.addi %mul3A_70, %add3A_175 : i32
        %sub3A_177 = arith.constant 1 : i32
        %sub3A_178 = arith.subi %add3A_176, %sub3A_177 : i32
        %mul3A_179 = arith.constant 80 : i32
        %mul3A_180 = arith.muli %sub3A_178, %mul3A_179 : i32
        %dma_wait3A_181 = tpu.memref_slice %arg6[%mul3A_180] : memref<2000xi32, #tpu.memory_space<vmem>> -> memref<80xi32, #tpu.memory_space<vmem>>
        %dma_wait3A_182 = arith.constant 0 : i32
        %dma_wait3A_183 = arith.constant 0 : i32
        %dma_wait3A_184 = tpu.memref_slice %arg12[%dma_wait3A_182, %dma_wait3A_183] : memref<10240x160xi16, #tpu.memory_space<vmem_shared>> -> memref<10240x160xi16, #tpu.memory_space<vmem_shared>>
        tpu.wait_indirect_dma semaphore(%arg20 : memref<!tpu.dma_semaphore, #tpu.memory_space<semaphore_mem>>) src(%arg9 : memref<80x160xi16, #tpu.memory_space<vmem>>) dst(%dma_wait3A_184 : memref<10240x160xi16, #tpu.memory_space<vmem_shared>>)
        %lt3A_185 = arith.constant 4 : i32
        %lt3A_186 = arith.cmpi slt, %scan3A_67, %lt3A_185 : i32
        %convert_element_type3A_187 = arith.extui %lt3A_186 : i1 to i32
        %cond3A_188 = arith.constant 0 : i32
        %cond3A_189 = arith.cmpi ne, %convert_element_type3A_187, %cond3A_188 : i32
        scf.if %cond3A_189 {
          %add3A_222 = arith.constant 3 : i32
          %add3A_223 = arith.addi %mul3A_70, %add3A_222 : i32
          %add3A_224 = arith.constant 5 : i32
          %add3A_225 = arith.addi %add3A_223, %add3A_224 : i32
          %sub3A_226 = arith.constant 1 : i32
          %sub3A_227 = arith.subi %add3A_225, %sub3A_226 : i32
          %mul3A_228 = arith.constant 80 : i32
          %mul3A_229 = arith.muli %sub3A_227, %mul3A_228 : i32
          %dma_start3A_230 = tpu.memref_slice %arg5[%mul3A_229] : memref<2000xi32, #tpu.memory_space<vmem>> -> memref<80xi32, #tpu.memory_space<vmem>>
          %dma_start3A_231 = arith.constant 0 : i32
          %dma_start3A_232 = arith.constant 0 : i32
          %dma_start3A_233 = tpu.memref_slice %arg3[%dma_start3A_231, %dma_start3A_232] : memref<10240x160xi16, #tpu.memory_space<hbm>> -> memref<10240x160xi16, #tpu.memory_space<hbm>>
          tpu.enqueue_indirect_dma source(%dma_start3A_233 : memref<10240x160xi16, #tpu.memory_space<hbm>>) target(%arg9 : memref<80x160xi16, #tpu.memory_space<vmem>>) offsets(%dma_start3A_230 : memref<80xi32, #tpu.memory_space<vmem>>) semaphore(%arg15 : memref<!tpu.dma_semaphore, #tpu.memory_space<semaphore_mem>>)
        } else {
        }
        %add3A_190 = arith.constant 4 : i32
        %add3A_191 = arith.addi %mul3A_70, %add3A_190 : i32
        %mul3A_192 = arith.constant 80 : i32
        %mul3A_193 = arith.muli %add3A_191, %mul3A_192 : i32
        %dma_wait3A_194 = tpu.memref_slice %arg5[%mul3A_193] : memref<2000xi32, #tpu.memory_space<vmem>> -> memref<80xi32, #tpu.memory_space<vmem>>
        %dma_wait3A_195 = arith.constant 0 : i32
        %dma_wait3A_196 = arith.constant 0 : i32
        %dma_wait3A_197 = tpu.memref_slice %arg3[%dma_wait3A_195, %dma_wait3A_196] : memref<10240x160xi16, #tpu.memory_space<hbm>> -> memref<10240x160xi16, #tpu.memory_space<hbm>>
        tpu.wait_indirect_dma semaphore(%arg17 : memref<!tpu.dma_semaphore, #tpu.memory_space<semaphore_mem>>) src(%dma_wait3A_197 : memref<10240x160xi16, #tpu.memory_space<hbm>>) dst(%arg11 : memref<80x160xi16, #tpu.memory_space<vmem>>)
        %add3A_198 = arith.constant 4 : i32
        %add3A_199 = arith.addi %mul3A_70, %add3A_198 : i32
        %mul3A_200 = arith.constant 80 : i32
        %mul3A_201 = arith.muli %add3A_199, %mul3A_200 : i32
        %dma_start3A_202 = tpu.memref_slice %arg6[%mul3A_201] : memref<2000xi32, #tpu.memory_space<vmem>> -> memref<80xi32, #tpu.memory_space<vmem>>
        %dma_start3A_203 = arith.constant 0 : i32
        %dma_start3A_204 = arith.constant 0 : i32
        %dma_start3A_205 = tpu.memref_slice %arg12[%dma_start3A_203, %dma_start3A_204] : memref<10240x160xi16, #tpu.memory_space<vmem_shared>> -> memref<10240x160xi16, #tpu.memory_space<vmem_shared>>
        tpu.enqueue_indirect_dma source(%arg11 : memref<80x160xi16, #tpu.memory_space<vmem>>) target(%dma_start3A_205 : memref<10240x160xi16, #tpu.memory_space<vmem_shared>>) offsets(%dma_start3A_202 : memref<80xi32, #tpu.memory_space<vmem>>) semaphore(%arg22 : memref<!tpu.dma_semaphore, #tpu.memory_space<semaphore_mem>>) {add = true}
        %add3A_206 = arith.constant 4 : i32
        %add3A_207 = arith.addi %mul3A_70, %add3A_206 : i32
        %sub3A_208 = arith.constant 1 : i32
        %sub3A_209 = arith.subi %add3A_207, %sub3A_208 : i32
        %mul3A_210 = arith.constant 80 : i32
        %mul3A_211 = arith.muli %sub3A_209, %mul3A_210 : i32
        %dma_wait3A_212 = tpu.memref_slice %arg6[%mul3A_211] : memref<2000xi32, #tpu.memory_space<vmem>> -> memref<80xi32, #tpu.memory_space<vmem>>
        %dma_wait3A_213 = arith.constant 0 : i32
        %dma_wait3A_214 = arith.constant 0 : i32
        %dma_wait3A_215 = tpu.memref_slice %arg12[%dma_wait3A_213, %dma_wait3A_214] : memref<10240x160xi16, #tpu.memory_space<vmem_shared>> -> memref<10240x160xi16, #tpu.memory_space<vmem_shared>>
        tpu.wait_indirect_dma semaphore(%arg21 : memref<!tpu.dma_semaphore, #tpu.memory_space<semaphore_mem>>) src(%arg10 : memref<80x160xi16, #tpu.memory_space<vmem>>) dst(%dma_wait3A_215 : memref<10240x160xi16, #tpu.memory_space<vmem_shared>>)
        %lt3A_216 = arith.constant 4 : i32
        %lt3A_217 = arith.cmpi slt, %scan3A_67, %lt3A_216 : i32
        %convert_element_type3A_218 = arith.extui %lt3A_217 : i1 to i32
        %cond3A_219 = arith.constant 0 : i32
        %cond3A_220 = arith.cmpi ne, %convert_element_type3A_218, %cond3A_219 : i32
        scf.if %cond3A_220 {
          %add3A_222 = arith.constant 4 : i32
          %add3A_223 = arith.addi %mul3A_70, %add3A_222 : i32
          %add3A_224 = arith.constant 5 : i32
          %add3A_225 = arith.addi %add3A_223, %add3A_224 : i32
          %sub3A_226 = arith.constant 1 : i32
          %sub3A_227 = arith.subi %add3A_225, %sub3A_226 : i32
          %mul3A_228 = arith.constant 80 : i32
          %mul3A_229 = arith.muli %sub3A_227, %mul3A_228 : i32
          %dma_start3A_230 = tpu.memref_slice %arg5[%mul3A_229] : memref<2000xi32, #tpu.memory_space<vmem>> -> memref<80xi32, #tpu.memory_space<vmem>>
          %dma_start3A_231 = arith.constant 0 : i32
          %dma_start3A_232 = arith.constant 0 : i32
          %dma_start3A_233 = tpu.memref_slice %arg3[%dma_start3A_231, %dma_start3A_232] : memref<10240x160xi16, #tpu.memory_space<hbm>> -> memref<10240x160xi16, #tpu.memory_space<hbm>>
          tpu.enqueue_indirect_dma source(%dma_start3A_233 : memref<10240x160xi16, #tpu.memory_space<hbm>>) target(%arg10 : memref<80x160xi16, #tpu.memory_space<vmem>>) offsets(%dma_start3A_230 : memref<80xi32, #tpu.memory_space<vmem>>) semaphore(%arg16 : memref<!tpu.dma_semaphore, #tpu.memory_space<semaphore_mem>>)
        } else {
        }
        %scan3A_221 = arith.constant 0 : i32
        scf.yield %scan3A_221 : i32
      }
      %scan3A_61 = arith.constant 5 : i32
      %dma_wait3A = arith.constant 1920 : i32
      %dma_wait3A_62 = tpu.memref_slice %arg6[%dma_wait3A] : memref<2000xi32, #tpu.memory_space<vmem>> -> memref<80xi32, #tpu.memory_space<vmem>>
      %dma_wait3A_63 = arith.constant 0 : i32
      %dma_wait3A_64 = arith.constant 0 : i32
      %dma_wait3A_65 = tpu.memref_slice %arg12[%dma_wait3A_63, %dma_wait3A_64] : memref<10240x160xi16, #tpu.memory_space<vmem_shared>> -> memref<10240x160xi16, #tpu.memory_space<vmem_shared>>
      tpu.wait_indirect_dma semaphore(%arg22 : memref<!tpu.dma_semaphore, #tpu.memory_space<semaphore_mem>>) src(%arg11 : memref<80x160xi16, #tpu.memory_space<vmem>>) dst(%dma_wait3A_65 : memref<10240x160xi16, #tpu.memory_space<vmem_shared>>)
      %scan3A_66 = arith.constant 0 : i32
      scf.yield %scan3A_66 : i32
    }
    %scan3A_20 = arith.constant 5 : i32
    %barrier3A_21 = arith.constant 0 : index
    tpu.barrier barrier_id(%barrier3A_21)
    %mul3A_22 = arith.constant 640 : i32
    %mul3A_23 = arith.muli %arg1, %mul3A_22 : i32
    %mul3A_24 = arith.constant 640 : i32
    %mul3A_25 = arith.muli %arg1, %mul3A_24 : i32
    "tpu.region"() ({
      %run_scoped3A = tpu.sem_alloc : memref<!tpu.dma_semaphore, #tpu.memory_space<semaphore_mem>>
      %dma_start3A = arith.constant 0 : i32
      %dma_start3A_26 = tpu.memref_slice %arg4[%arg0, %mul3A_25, %dma_start3A] : memref<2x10240x160xi16, #tpu.memory_space<hbm>> -> memref<1x640x160xi16, #tpu.memory_space<hbm>>
      %dma_start3A_27 = tpu.memref_squeeze %dma_start3A_26 : memref<1x640x160xi16, #tpu.memory_space<hbm>> -> memref<640x160xi16, #tpu.memory_space<hbm>>
      %dma_start3A_28 = arith.constant 0 : i32
      %dma_start3A_29 = tpu.memref_slice %arg12[%mul3A_23, %dma_start3A_28] : memref<10240x160xi16, #tpu.memory_space<vmem_shared>> -> memref<640x160xi16, #tpu.memory_space<vmem_shared>>
      tpu.enqueue_dma source(%dma_start3A_29 : memref<640x160xi16, #tpu.memory_space<vmem_shared>>) target(%dma_start3A_27 : memref<640x160xi16, #tpu.memory_space<hbm>>) target_semaphore(%run_scoped3A : memref<!tpu.dma_semaphore, #tpu.memory_space<semaphore_mem>>)
      %dma_wait3A = arith.constant 0 : i32
      %dma_wait3A_30 = tpu.memref_slice %arg4[%arg0, %mul3A_25, %dma_wait3A] : memref<2x10240x160xi16, #tpu.memory_space<hbm>> -> memref<1x640x160xi16, #tpu.memory_space<hbm>>
      %dma_wait3A_31 = tpu.memref_squeeze %dma_wait3A_30 : memref<1x640x160xi16, #tpu.memory_space<hbm>> -> memref<640x160xi16, #tpu.memory_space<hbm>>
      %dma_wait3A_32 = arith.constant 0 : i32
      %dma_wait3A_33 = tpu.memref_slice %arg12[%mul3A_23, %dma_wait3A_32] : memref<10240x160xi16, #tpu.memory_space<vmem_shared>> -> memref<640x160xi16, #tpu.memory_space<vmem_shared>>
      tpu.wait_dma2 semaphore(%run_scoped3A : memref<!tpu.dma_semaphore, #tpu.memory_space<semaphore_mem>>) src(%dma_wait3A_33 : memref<640x160xi16, #tpu.memory_space<vmem_shared>>) dst(%dma_wait3A_31 : memref<640x160xi16, #tpu.memory_space<hbm>>)
      tpu.yield
    }) : () -> ()
    return
  }
}

module attributes {stable_mosaic.version = 14 : i64} {
  func.func @_encode_body(%arg0: i32, %arg1: memref<640x128xf32, #tpu.memory_space<vmem>>, %arg2: memref<128x144xf32, #tpu.memory_space<vmem>>, %arg3: memref<640x144xf32, #tpu.memory_space<vmem>>) attributes {dimension_semantics = [#tpu.dimension_semantics<arbitrary>], iteration_bounds = array<i64: 16>, scalar_prefetch = 0 : i64, scratch_operands = 0 : i64, tpu.core_type = #tpu.core_type<tc>, window_params = [{transform_indices = @transform_0, window_bounds = array<i64: 640, 128>}, {pipeline_mode = #tpu.pipeline_mode<synchronous>, transform_indices = @transform_1, window_bounds = array<i64: 128, 144>}, {transform_indices = @transform_2, window_bounds = array<i64: 640, 144>}]} {
    %get3A = arith.constant 0 : index
    %get3A_0 = arith.constant 0 : index
    %get3A_1 = vector.load %arg1[%get3A, %get3A_0] : memref<640x128xf32, #tpu.memory_space<vmem>>, vector<640x128xf32>
    %get3A_2 = arith.constant 0 : index
    %get3A_3 = arith.constant 0 : index
    %get3A_4 = vector.load %arg2[%get3A_2, %get3A_3] : memref<128x144xf32, #tpu.memory_space<vmem>>, vector<128x144xf32>
    %dot_general3A = arith.constant dense<0.000000e+00> : vector<640x144xf32>
    %dot_general3A_5 = tpu.matmul %get3A_1, %get3A_4, %dot_general3A {dimension_numbers = #tpu.dot_dimension_numbers<[1], [0], [0], [1], [0, 0, 1, 1], [], []>, transpose_lhs_hint = false} : vector<640x128xf32>, vector<128x144xf32>, vector<640x144xf32> -> vector<640x144xf32>
    %iota3A = tpu.iota {dimensions = array<i32: 1>} : vector<640x144xi32>
    %eq3A = arith.constant 129 : i32
    %eq3A_6 = vector.broadcast %eq3A : i32 to vector<640x144xi32>
    %eq3A_7 = arith.cmpi eq, %iota3A, %eq3A_6 : vector<640x144xi32>
    %convert_element_type3A = arith.extui %eq3A_7 : vector<640x144xi1> to vector<640x144xi32>
    %convert_element_type3A_8 = arith.sitofp %convert_element_type3A : vector<640x144xi32> to vector<640x144xf32>
    %add3A = arith.addf %dot_general3A_5, %convert_element_type3A_8 : vector<640x144xf32>
    %swap3A = arith.constant 0 : index
    %swap3A_9 = arith.constant 0 : index
    %swap3A_10 = vector.load %arg3[%swap3A, %swap3A_9] : memref<640x144xf32, #tpu.memory_space<vmem>>, vector<640x144xf32>
    tpu.vector_store %arg3[%swap3A, %swap3A_9], %add3A {strides = array<i32>} : memref<640x144xf32, #tpu.memory_space<vmem>>, vector<640x144xf32>,
    return
  }
  func.func @transform_0(%arg0: i32) -> (i32, i32) {
    %c0_i32 = arith.constant 0 : i32
    %c0_i32_0 = arith.constant 0 : i32
    return %arg0, %c0_i32 : i32, i32
  }
  func.func @transform_1(%arg0: i32) -> (i32, i32) {
    %c0_i32 = arith.constant 0 : i32
    %c0_i32_0 = arith.constant 0 : i32
    %c0_i32_1 = arith.constant 0 : i32
    return %c0_i32, %c0_i32_0 : i32, i32
  }
  func.func @transform_2(%arg0: i32) -> (i32, i32) {
    %c0_i32 = arith.constant 0 : i32
    %c0_i32_0 = arith.constant 0 : i32
    return %arg0, %c0_i32 : i32, i32
  }
}

module attributes {stable_mosaic.version = 14 : i64} {
  func.func @_stage0_body(%arg0: i32, %arg1: memref<2x640x144xf32, #tpu.memory_space<vmem>>, %arg2: memref<640x160xi16, #tpu.memory_space<vmem>>, %arg3: memref<640x144xf32, #tpu.memory_space<vmem>>, %arg4: memref<640x1xf32, #tpu.memory_space<vmem>>) attributes {dimension_semantics = [#tpu.dimension_semantics<arbitrary>], iteration_bounds = array<i64: 16>, scalar_prefetch = 0 : i64, scratch_operands = 0 : i64, tpu.core_type = #tpu.core_type<tc>, window_params = [{transform_indices = @transform_0, window_bounds = array<i64: 2, 640, 144>}, {transform_indices = @transform_1, window_bounds = array<i64: 640, 160>}, {transform_indices = @transform_2, window_bounds = array<i64: 640, 144>}, {transform_indices = @transform_3, window_bounds = array<i64: 640, 1>}]} {
    %get3A = arith.constant 0 : index
    %get3A_0 = arith.constant 0 : index
    %get3A_1 = arith.constant 0 : index
    %get3A_2 = vector.load %arg1[%get3A, %get3A_0, %get3A_1] : memref<2x640x144xf32, #tpu.memory_space<vmem>>, vector<1x640x144xf32>
    %get3A_3 = vector.shape_cast %get3A_2 : vector<1x640x144xf32> to vector<640x144xf32>
    %get3A_4 = arith.constant 1 : index
    %get3A_5 = arith.constant 0 : index
    %get3A_6 = arith.constant 0 : index
    %get3A_7 = vector.load %arg1[%get3A_4, %get3A_5, %get3A_6] : memref<2x640x144xf32, #tpu.memory_space<vmem>>, vector<1x640x144xf32>
    %get3A_8 = vector.shape_cast %get3A_7 : vector<1x640x144xf32> to vector<640x144xf32>
    %add3A = arith.addf %get3A_3, %get3A_8 : vector<640x144xf32>
    %slice3A = vector.extract_strided_slice %add3A {offsets = [0, 129], sizes = [640, 1], strides = [1, 1]} : vector<640x144xf32> to vector<640x1xf32>
    %max3A = arith.constant 1.000000e+00 : f32
    %max3A_9 = vector.broadcast %max3A : f32 to vector<640x1xf32>
    %max3A_10 = arith.maximumf %slice3A, %max3A_9 : vector<640x1xf32>
    %div3A = arith.constant 1.000000e+00 : f32
    %div3A_11 = vector.broadcast %div3A : f32 to vector<640x1xf32>
    %div3A_12 = arith.divf %div3A_11, %max3A_10 : vector<640x1xf32>
    %mul3A = vector.broadcast %div3A_12 : vector<640x1xf32> to vector<640x144xf32>
    %mul3A_13 = arith.mulf %add3A, %mul3A : vector<640x144xf32>
    %broadcast_in_dim3A = arith.constant 0.000000e+00 : f32
    %broadcast_in_dim3A_14 = vector.broadcast %broadcast_in_dim3A : f32 to vector<640x144xf32>
    %broadcast_in_dim3A_15 = arith.constant 0.000000e+00 : f32
    %broadcast_in_dim3A_16 = vector.broadcast %broadcast_in_dim3A_15 : f32 to vector<640x144xf32>
    %add3A_17 = arith.addf %broadcast_in_dim3A_14, %mul3A_13 : vector<640x144xf32>
    %ge3A = arith.constant 1.000000e+00 : f32
    %ge3A_18 = vector.broadcast %ge3A : f32 to vector<640x144xf32>
    %ge3A_19 = arith.cmpf oge, %add3A_17, %ge3A_18 : vector<640x144xf32>
    %convert_element_type3A = arith.extui %ge3A_19 : vector<640x144xi1> to vector<640x144xi32>
    %convert_element_type3A_20 = arith.sitofp %convert_element_type3A : vector<640x144xi32> to vector<640x144xf32>
    %mul3A_21 = arith.constant 1.000000e+00 : f32
    %mul3A_22 = vector.broadcast %mul3A_21 : f32 to vector<640x144xf32>
    %mul3A_23 = arith.mulf %convert_element_type3A_20, %mul3A_22 : vector<640x144xf32>
    %sub3A = arith.subf %add3A_17, %mul3A_23 : vector<640x144xf32>
    %add3A_24 = arith.addf %broadcast_in_dim3A_16, %convert_element_type3A_20 : vector<640x144xf32>
    %add3A_25 = arith.addf %sub3A, %mul3A_13 : vector<640x144xf32>
    %ge3A_26 = arith.constant 1.000000e+00 : f32
    %ge3A_27 = vector.broadcast %ge3A_26 : f32 to vector<640x144xf32>
    %ge3A_28 = arith.cmpf oge, %add3A_25, %ge3A_27 : vector<640x144xf32>
    %convert_element_type3A_29 = arith.extui %ge3A_28 : vector<640x144xi1> to vector<640x144xi32>
    %convert_element_type3A_30 = arith.sitofp %convert_element_type3A_29 : vector<640x144xi32> to vector<640x144xf32>
    %mul3A_31 = arith.constant 1.000000e+00 : f32
    %mul3A_32 = vector.broadcast %mul3A_31 : f32 to vector<640x144xf32>
    %mul3A_33 = arith.mulf %convert_element_type3A_30, %mul3A_32 : vector<640x144xf32>
    %sub3A_34 = arith.subf %add3A_25, %mul3A_33 : vector<640x144xf32>
    %add3A_35 = arith.addf %add3A_24, %convert_element_type3A_30 : vector<640x144xf32>
    %add3A_36 = arith.addf %sub3A_34, %mul3A_13 : vector<640x144xf32>
    %ge3A_37 = arith.constant 1.000000e+00 : f32
    %ge3A_38 = vector.broadcast %ge3A_37 : f32 to vector<640x144xf32>
    %ge3A_39 = arith.cmpf oge, %add3A_36, %ge3A_38 : vector<640x144xf32>
    %convert_element_type3A_40 = arith.extui %ge3A_39 : vector<640x144xi1> to vector<640x144xi32>
    %convert_element_type3A_41 = arith.sitofp %convert_element_type3A_40 : vector<640x144xi32> to vector<640x144xf32>
    %mul3A_42 = arith.constant 1.000000e+00 : f32
    %mul3A_43 = vector.broadcast %mul3A_42 : f32 to vector<640x144xf32>
    %mul3A_44 = arith.mulf %convert_element_type3A_41, %mul3A_43 : vector<640x144xf32>
    %sub3A_45 = arith.subf %add3A_36, %mul3A_44 : vector<640x144xf32>
    %add3A_46 = arith.addf %add3A_35, %convert_element_type3A_41 : vector<640x144xf32>
    %add3A_47 = arith.addf %sub3A_45, %mul3A_13 : vector<640x144xf32>
    %ge3A_48 = arith.constant 1.000000e+00 : f32
    %ge3A_49 = vector.broadcast %ge3A_48 : f32 to vector<640x144xf32>
    %ge3A_50 = arith.cmpf oge, %add3A_47, %ge3A_49 : vector<640x144xf32>
    %convert_element_type3A_51 = arith.extui %ge3A_50 : vector<640x144xi1> to vector<640x144xi32>
    %convert_element_type3A_52 = arith.sitofp %convert_element_type3A_51 : vector<640x144xi32> to vector<640x144xf32>
    %add3A_53 = arith.addf %add3A_46, %convert_element_type3A_52 : vector<640x144xf32>
    %iota3A = tpu.iota {dimensions = array<i32: 1>} : vector<640x144xi32>
    %lt3A = arith.constant 129 : i32
    %lt3A_54 = vector.broadcast %lt3A : i32 to vector<640x144xi32>
    %lt3A_55 = arith.cmpi slt, %iota3A, %lt3A_54 : vector<640x144xi32>
    %jit3A = arith.constant 0.000000e+00 : f32
    %broadcast_in_dim3A_56 = vector.broadcast %jit3A : f32 to vector<640x144xf32>
    %select_n3A = arith.select %lt3A_55, %add3A_53, %broadcast_in_dim3A_56 : vector<640x144xi1>, vector<640x144xf32>
    %convert_element_type3A_57 = arith.fptosi %select_n3A : vector<640x144xf32> to vector<640x144xi16>
    %broadcast_in_dim3A_58 = arith.constant 0 : i16
    %broadcast_in_dim3A_59 = vector.broadcast %broadcast_in_dim3A_58 : i16 to vector<640x16xi16>
    %concatenate3A = tpu.concatenate %convert_element_type3A_57, %broadcast_in_dim3A_59 in 1 : vector<640x144xi16>, vector<640x16xi16> -> vector<640x160xi16>
    %swap3A = arith.constant 0 : index
    %swap3A_60 = arith.constant 0 : index
    %swap3A_61 = vector.load %arg2[%swap3A, %swap3A_60] : memref<640x160xi16, #tpu.memory_space<vmem>>, vector<640x160xi16>
    tpu.vector_store %arg2[%swap3A, %swap3A_60], %concatenate3A {strides = array<i32>} : memref<640x160xi16, #tpu.memory_space<vmem>>, vector<640x160xi16>,
    %mul3A_62 = arith.constant 1.000000e-01 : f32
    %mul3A_63 = vector.broadcast %mul3A_62 : f32 to vector<640x144xf32>
    %mul3A_64 = arith.mulf %select_n3A, %mul3A_63 : vector<640x144xf32>
    %iota3A_65 = tpu.iota {dimensions = array<i32: 1>} : vector<640x144xi32>
    %ge3A_66 = arith.constant 1 : i32
    %ge3A_67 = vector.broadcast %ge3A_66 : i32 to vector<640x144xi32>
    %ge3A_68 = arith.cmpi sge, %iota3A_65, %ge3A_67 : vector<640x144xi32>
    %lt3A_69 = arith.constant 129 : i32
    %lt3A_70 = vector.broadcast %lt3A_69 : i32 to vector<640x144xi32>
    %lt3A_71 = arith.cmpi slt, %iota3A_65, %lt3A_70 : vector<640x144xi32>
    %and3A = arith.andi %ge3A_68, %lt3A_71 : vector<640x144xi1>
    %jit3A_72 = arith.constant 0.000000e+00 : f32
    %broadcast_in_dim3A_73 = vector.broadcast %jit3A_72 : f32 to vector<640x144xf32>
    %select_n3A_74 = arith.select %and3A, %mul3A_64, %broadcast_in_dim3A_73 : vector<640x144xi1>, vector<640x144xf32>
    %mul3A_75 = arith.mulf %select_n3A_74, %select_n3A_74 : vector<640x144xf32>
    %reduce_sum3A = arith.constant dense<0.000000e+00> : vector<640xf32>
    %reduce_sum3A_76 = vector.multi_reduction <add>, %mul3A_75, %reduce_sum3A [1] : vector<640x144xf32> to vector<640xf32>
    %broadcast_in_dim3A_77 = vector.shape_cast %reduce_sum3A_76 : vector<640xf32> to vector<640x1xf32>
    %add3A_78 = arith.constant 1.000000e+00 : f32
    %add3A_79 = vector.broadcast %add3A_78 : f32 to vector<640x1xf32>
    %add3A_80 = arith.addf %add3A_79, %broadcast_in_dim3A_77 : vector<640x1xf32>
    %sqrt3A = math.sqrt %add3A_80 : vector<640x1xf32>
    %eq3A = arith.constant 0 : i32
    %eq3A_81 = vector.broadcast %eq3A : i32 to vector<640x144xi32>
    %eq3A_82 = arith.cmpi eq, %iota3A_65, %eq3A_81 : vector<640x144xi32>
    %broadcast_in_dim3A_83 = vector.shape_cast %sqrt3A : vector<640x1xf32> to vector<640x1xf32>
    %broadcast_in_dim3A_84 = vector.broadcast %broadcast_in_dim3A_83 : vector<640x1xf32> to vector<640x144xf32>
    %select_n3A_85 = arith.select %eq3A_82, %broadcast_in_dim3A_84, %select_n3A_74 : vector<640x144xi1>, vector<640x144xf32>
    %swap3A_86 = arith.constant 0 : index
    %swap3A_87 = arith.constant 0 : index
    %swap3A_88 = vector.load %arg3[%swap3A_86, %swap3A_87] : memref<640x144xf32, #tpu.memory_space<vmem>>, vector<640x144xf32>
    tpu.vector_store %arg3[%swap3A_86, %swap3A_87], %select_n3A_85 {strides = array<i32>} : memref<640x144xf32, #tpu.memory_space<vmem>>, vector<640x144xf32>,
    %swap3A_89 = arith.constant 0 : index
    %swap3A_90 = arith.constant 0 : index
    %swap3A_91 = vector.load %arg4[%swap3A_89, %swap3A_90] : memref<640x1xf32, #tpu.memory_space<vmem>>, vector<640x1xf32>
    tpu.vector_store %arg4[%swap3A_89, %swap3A_90], %div3A_12 {strides = array<i32>} : memref<640x1xf32, #tpu.memory_space<vmem>>, vector<640x1xf32>,
    return
  }
  func.func @transform_0(%arg0: i32) -> (i32, i32, i32) {
    %c0_i32 = arith.constant 0 : i32
    %c0_i32_0 = arith.constant 0 : i32
    %c0_i32_1 = arith.constant 0 : i32
    return %c0_i32, %arg0, %c0_i32_0 : i32, i32, i32
  }
  func.func @transform_1(%arg0: i32) -> (i32, i32) {
    %c0_i32 = arith.constant 0 : i32
    %c0_i32_0 = arith.constant 0 : i32
    return %arg0, %c0_i32 : i32, i32
  }
  func.func @transform_2(%arg0: i32) -> (i32, i32) {
    %c0_i32 = arith.constant 0 : i32
    %c0_i32_0 = arith.constant 0 : i32
    return %arg0, %c0_i32 : i32, i32
  }
  func.func @transform_3(%arg0: i32) -> (i32, i32) {
    %c0_i32 = arith.constant 0 : i32
    %c0_i32_0 = arith.constant 0 : i32
    return %arg0, %c0_i32 : i32, i32
  }
}

module attributes {stable_mosaic.version = 14 : i64} {
  func.func @_stage1_body(%arg0: i32, %arg1: memref<2x640x160xi16, #tpu.memory_space<vmem>>, %arg2: memref<160x160xf32, #tpu.memory_space<vmem>>, %arg3: memref<640x144xf32, #tpu.memory_space<vmem>>, %arg4: memref<640x1xf32, #tpu.memory_space<vmem>>, %arg5: memref<640x160xi16, #tpu.memory_space<vmem>>, %arg6: memref<640x144xf32, #tpu.memory_space<vmem>>) attributes {dimension_semantics = [#tpu.dimension_semantics<arbitrary>], iteration_bounds = array<i64: 16>, scalar_prefetch = 0 : i64, scratch_operands = 0 : i64, tpu.core_type = #tpu.core_type<tc>, window_params = [{transform_indices = @transform_0, window_bounds = array<i64: 2, 640, 160>}, {pipeline_mode = #tpu.pipeline_mode<synchronous>, transform_indices = @transform_1, window_bounds = array<i64: 160, 160>}, {transform_indices = @transform_2, window_bounds = array<i64: 640, 144>}, {transform_indices = @transform_3, window_bounds = array<i64: 640, 1>}, {transform_indices = @transform_4, window_bounds = array<i64: 640, 160>}, {transform_indices = @transform_5, window_bounds = array<i64: 640, 144>}]} {
    %get3A = arith.constant 0 : index
    %get3A_0 = arith.constant 0 : index
    %get3A_1 = arith.constant 0 : index
    %get3A_2 = vector.load %arg1[%get3A, %get3A_0, %get3A_1] : memref<2x640x160xi16, #tpu.memory_space<vmem>>, vector<1x640x160xi16>
    %get3A_3 = vector.shape_cast %get3A_2 : vector<1x640x160xi16> to vector<640x160xi16>
    %get3A_4 = arith.constant 1 : index
    %get3A_5 = arith.constant 0 : index
    %get3A_6 = arith.constant 0 : index
    %get3A_7 = vector.load %arg1[%get3A_4, %get3A_5, %get3A_6] : memref<2x640x160xi16, #tpu.memory_space<vmem>>, vector<1x640x160xi16>
    %get3A_8 = vector.shape_cast %get3A_7 : vector<1x640x160xi16> to vector<640x160xi16>
    %add3A = arith.addi %get3A_3, %get3A_8 : vector<640x160xi16>
    %convert_element_type3A = arith.sitofp %add3A : vector<640x160xi16> to vector<640x160xf32>
    %get3A_9 = arith.constant 0 : index
    %get3A_10 = arith.constant 0 : index
    %get3A_11 = vector.load %arg2[%get3A_9, %get3A_10] : memref<160x160xf32, #tpu.memory_space<vmem>>, vector<160x160xf32>
    %dot_general3A = arith.constant dense<0.000000e+00> : vector<640x160xf32>
    %dot_general3A_12 = tpu.matmul %convert_element_type3A, %get3A_11, %dot_general3A {dimension_numbers = #tpu.dot_dimension_numbers<[1], [0], [0], [1], [0, 0, 1, 1], [], []>, transpose_lhs_hint = false} : vector<640x160xf32>, vector<160x160xf32>, vector<640x160xf32> -> vector<640x160xf32>
    %get3A_13 = arith.constant 0 : index
    %get3A_14 = arith.constant 0 : index
    %get3A_15 = vector.load %arg4[%get3A_13, %get3A_14] : memref<640x1xf32, #tpu.memory_space<vmem>>, vector<640x1xf32>
    %mul3A = vector.broadcast %get3A_15 : vector<640x1xf32> to vector<640x160xf32>
    %mul3A_16 = arith.mulf %dot_general3A_12, %mul3A : vector<640x160xf32>
    %broadcast_in_dim3A = arith.constant 0.000000e+00 : f32
    %broadcast_in_dim3A_17 = vector.broadcast %broadcast_in_dim3A : f32 to vector<640x160xf32>
    %broadcast_in_dim3A_18 = arith.constant 0.000000e+00 : f32
    %broadcast_in_dim3A_19 = vector.broadcast %broadcast_in_dim3A_18 : f32 to vector<640x160xf32>
    %add3A_20 = arith.addf %broadcast_in_dim3A_17, %mul3A_16 : vector<640x160xf32>
    %ge3A = arith.constant 1.000000e+00 : f32
    %ge3A_21 = vector.broadcast %ge3A : f32 to vector<640x160xf32>
    %ge3A_22 = arith.cmpf oge, %add3A_20, %ge3A_21 : vector<640x160xf32>
    %convert_element_type3A_23 = arith.extui %ge3A_22 : vector<640x160xi1> to vector<640x160xi32>
    %convert_element_type3A_24 = arith.sitofp %convert_element_type3A_23 : vector<640x160xi32> to vector<640x160xf32>
    %mul3A_25 = arith.constant 1.000000e+00 : f32
    %mul3A_26 = vector.broadcast %mul3A_25 : f32 to vector<640x160xf32>
    %mul3A_27 = arith.mulf %convert_element_type3A_24, %mul3A_26 : vector<640x160xf32>
    %sub3A = arith.subf %add3A_20, %mul3A_27 : vector<640x160xf32>
    %add3A_28 = arith.addf %broadcast_in_dim3A_19, %convert_element_type3A_24 : vector<640x160xf32>
    %add3A_29 = arith.addf %sub3A, %mul3A_16 : vector<640x160xf32>
    %ge3A_30 = arith.constant 1.000000e+00 : f32
    %ge3A_31 = vector.broadcast %ge3A_30 : f32 to vector<640x160xf32>
    %ge3A_32 = arith.cmpf oge, %add3A_29, %ge3A_31 : vector<640x160xf32>
    %convert_element_type3A_33 = arith.extui %ge3A_32 : vector<640x160xi1> to vector<640x160xi32>
    %convert_element_type3A_34 = arith.sitofp %convert_element_type3A_33 : vector<640x160xi32> to vector<640x160xf32>
    %mul3A_35 = arith.constant 1.000000e+00 : f32
    %mul3A_36 = vector.broadcast %mul3A_35 : f32 to vector<640x160xf32>
    %mul3A_37 = arith.mulf %convert_element_type3A_34, %mul3A_36 : vector<640x160xf32>
    %sub3A_38 = arith.subf %add3A_29, %mul3A_37 : vector<640x160xf32>
    %add3A_39 = arith.addf %add3A_28, %convert_element_type3A_34 : vector<640x160xf32>
    %add3A_40 = arith.addf %sub3A_38, %mul3A_16 : vector<640x160xf32>
    %ge3A_41 = arith.constant 1.000000e+00 : f32
    %ge3A_42 = vector.broadcast %ge3A_41 : f32 to vector<640x160xf32>
    %ge3A_43 = arith.cmpf oge, %add3A_40, %ge3A_42 : vector<640x160xf32>
    %convert_element_type3A_44 = arith.extui %ge3A_43 : vector<640x160xi1> to vector<640x160xi32>
    %convert_element_type3A_45 = arith.sitofp %convert_element_type3A_44 : vector<640x160xi32> to vector<640x160xf32>
    %mul3A_46 = arith.constant 1.000000e+00 : f32
    %mul3A_47 = vector.broadcast %mul3A_46 : f32 to vector<640x160xf32>
    %mul3A_48 = arith.mulf %convert_element_type3A_45, %mul3A_47 : vector<640x160xf32>
    %sub3A_49 = arith.subf %add3A_40, %mul3A_48 : vector<640x160xf32>
    %add3A_50 = arith.addf %add3A_39, %convert_element_type3A_45 : vector<640x160xf32>
    %add3A_51 = arith.addf %sub3A_49, %mul3A_16 : vector<640x160xf32>
    %ge3A_52 = arith.constant 1.000000e+00 : f32
    %ge3A_53 = vector.broadcast %ge3A_52 : f32 to vector<640x160xf32>
    %ge3A_54 = arith.cmpf oge, %add3A_51, %ge3A_53 : vector<640x160xf32>
    %convert_element_type3A_55 = arith.extui %ge3A_54 : vector<640x160xi1> to vector<640x160xi32>
    %convert_element_type3A_56 = arith.sitofp %convert_element_type3A_55 : vector<640x160xi32> to vector<640x160xf32>
    %add3A_57 = arith.addf %add3A_50, %convert_element_type3A_56 : vector<640x160xf32>
    %iota3A = tpu.iota {dimensions = array<i32: 1>} : vector<640x160xi32>
    %lt3A = arith.constant 129 : i32
    %lt3A_58 = vector.broadcast %lt3A : i32 to vector<640x160xi32>
    %lt3A_59 = arith.cmpi slt, %iota3A, %lt3A_58 : vector<640x160xi32>
    %jit3A = arith.constant 0.000000e+00 : f32
    %broadcast_in_dim3A_60 = vector.broadcast %jit3A : f32 to vector<640x160xf32>
    %select_n3A = arith.select %lt3A_59, %add3A_57, %broadcast_in_dim3A_60 : vector<640x160xi1>, vector<640x160xf32>
    %convert_element_type3A_61 = arith.fptosi %select_n3A : vector<640x160xf32> to vector<640x160xi16>
    %swap3A = arith.constant 0 : index
    %swap3A_62 = arith.constant 0 : index
    %swap3A_63 = vector.load %arg5[%swap3A, %swap3A_62] : memref<640x160xi16, #tpu.memory_space<vmem>>, vector<640x160xi16>
    tpu.vector_store %arg5[%swap3A, %swap3A_62], %convert_element_type3A_61 {strides = array<i32>} : memref<640x160xi16, #tpu.memory_space<vmem>>, vector<640x160xi16>,
    %get3A_64 = arith.constant 0 : index
    %get3A_65 = arith.constant 0 : index
    %get3A_66 = vector.load %arg3[%get3A_64, %get3A_65] : memref<640x144xf32, #tpu.memory_space<vmem>>, vector<640x144xf32>
    %slice3A = vector.extract_strided_slice %select_n3A {offsets = [0, 0], sizes = [640, 144], strides = [1, 1]} : vector<640x160xf32> to vector<640x144xf32>
    %mul3A_67 = arith.constant 1.000000e-01 : f32
    %mul3A_68 = vector.broadcast %mul3A_67 : f32 to vector<640x144xf32>
    %mul3A_69 = arith.mulf %slice3A, %mul3A_68 : vector<640x144xf32>
    %add3A_70 = arith.addf %get3A_66, %mul3A_69 : vector<640x144xf32>
    %iota3A_71 = tpu.iota {dimensions = array<i32: 1>} : vector<640x144xi32>
    %ge3A_72 = arith.constant 1 : i32
    %ge3A_73 = vector.broadcast %ge3A_72 : i32 to vector<640x144xi32>
    %ge3A_74 = arith.cmpi sge, %iota3A_71, %ge3A_73 : vector<640x144xi32>
    %lt3A_75 = arith.constant 129 : i32
    %lt3A_76 = vector.broadcast %lt3A_75 : i32 to vector<640x144xi32>
    %lt3A_77 = arith.cmpi slt, %iota3A_71, %lt3A_76 : vector<640x144xi32>
    %and3A = arith.andi %ge3A_74, %lt3A_77 : vector<640x144xi1>
    %jit3A_78 = arith.constant 0.000000e+00 : f32
    %broadcast_in_dim3A_79 = vector.broadcast %jit3A_78 : f32 to vector<640x144xf32>
    %select_n3A_80 = arith.select %and3A, %add3A_70, %broadcast_in_dim3A_79 : vector<640x144xi1>, vector<640x144xf32>
    %mul3A_81 = arith.mulf %select_n3A_80, %select_n3A_80 : vector<640x144xf32>
    %reduce_sum3A = arith.constant dense<0.000000e+00> : vector<640xf32>
    %reduce_sum3A_82 = vector.multi_reduction <add>, %mul3A_81, %reduce_sum3A [1] : vector<640x144xf32> to vector<640xf32>
    %broadcast_in_dim3A_83 = vector.shape_cast %reduce_sum3A_82 : vector<640xf32> to vector<640x1xf32>
    %add3A_84 = arith.constant 1.000000e+00 : f32
    %add3A_85 = vector.broadcast %add3A_84 : f32 to vector<640x1xf32>
    %add3A_86 = arith.addf %add3A_85, %broadcast_in_dim3A_83 : vector<640x1xf32>
    %sqrt3A = math.sqrt %add3A_86 : vector<640x1xf32>
    %eq3A = arith.constant 0 : i32
    %eq3A_87 = vector.broadcast %eq3A : i32 to vector<640x144xi32>
    %eq3A_88 = arith.cmpi eq, %iota3A_71, %eq3A_87 : vector<640x144xi32>
    %broadcast_in_dim3A_89 = vector.shape_cast %sqrt3A : vector<640x1xf32> to vector<640x1xf32>
    %broadcast_in_dim3A_90 = vector.broadcast %broadcast_in_dim3A_89 : vector<640x1xf32> to vector<640x144xf32>
    %select_n3A_91 = arith.select %eq3A_88, %broadcast_in_dim3A_90, %select_n3A_80 : vector<640x144xi1>, vector<640x144xf32>
    %swap3A_92 = arith.constant 0 : index
    %swap3A_93 = arith.constant 0 : index
    %swap3A_94 = vector.load %arg6[%swap3A_92, %swap3A_93] : memref<640x144xf32, #tpu.memory_space<vmem>>, vector<640x144xf32>
    tpu.vector_store %arg6[%swap3A_92, %swap3A_93], %select_n3A_91 {strides = array<i32>} : memref<640x144xf32, #tpu.memory_space<vmem>>, vector<640x144xf32>,
    return
  }
  func.func @transform_0(%arg0: i32) -> (i32, i32, i32) {
    %c0_i32 = arith.constant 0 : i32
    %c0_i32_0 = arith.constant 0 : i32
    %c0_i32_1 = arith.constant 0 : i32
    return %c0_i32, %arg0, %c0_i32_0 : i32, i32, i32
  }
  func.func @transform_1(%arg0: i32) -> (i32, i32) {
    %c0_i32 = arith.constant 0 : i32
    %c0_i32_0 = arith.constant 0 : i32
    %c0_i32_1 = arith.constant 0 : i32
    return %c0_i32, %c0_i32_0 : i32, i32
  }
  func.func @transform_2(%arg0: i32) -> (i32, i32) {
    %c0_i32 = arith.constant 0 : i32
    %c0_i32_0 = arith.constant 0 : i32
    return %arg0, %c0_i32 : i32, i32
  }
  func.func @transform_3(%arg0: i32) -> (i32, i32) {
    %c0_i32 = arith.constant 0 : i32
    %c0_i32_0 = arith.constant 0 : i32
    return %arg0, %c0_i32 : i32, i32
  }
  func.func @transform_4(%arg0: i32) -> (i32, i32) {
    %c0_i32 = arith.constant 0 : i32
    %c0_i32_0 = arith.constant 0 : i32
    return %arg0, %c0_i32 : i32, i32
  }
  func.func @transform_5(%arg0: i32) -> (i32, i32) {
    %c0_i32 = arith.constant 0 : i32
    %c0_i32_0 = arith.constant 0 : i32
    return %arg0, %c0_i32 : i32, i32
  }
}

module attributes {stable_mosaic.version = 14 : i64} {
  func.func @_final_body(%arg0: i32, %arg1: memref<2x640x160xi16, #tpu.memory_space<vmem>>, %arg2: memref<160x160xf32, #tpu.memory_space<vmem>>, %arg3: memref<640x144xf32, #tpu.memory_space<vmem>>, %arg4: memref<640x1xf32, #tpu.memory_space<vmem>>, %arg5: memref<128x144xf32, #tpu.memory_space<vmem>>, %arg6: memref<640x128xf32, #tpu.memory_space<vmem>>) attributes {dimension_semantics = [#tpu.dimension_semantics<arbitrary>], iteration_bounds = array<i64: 16>, scalar_prefetch = 0 : i64, scratch_operands = 0 : i64, tpu.core_type = #tpu.core_type<tc>, window_params = [{transform_indices = @transform_0, window_bounds = array<i64: 2, 640, 160>}, {pipeline_mode = #tpu.pipeline_mode<synchronous>, transform_indices = @transform_1, window_bounds = array<i64: 160, 160>}, {transform_indices = @transform_2, window_bounds = array<i64: 640, 144>}, {transform_indices = @transform_3, window_bounds = array<i64: 640, 1>}, {pipeline_mode = #tpu.pipeline_mode<synchronous>, transform_indices = @transform_4, window_bounds = array<i64: 128, 144>}, {transform_indices = @transform_5, window_bounds = array<i64: 640, 128>}]} {
    %get3A = arith.constant 0 : index
    %get3A_0 = arith.constant 0 : index
    %get3A_1 = arith.constant 0 : index
    %get3A_2 = vector.load %arg1[%get3A, %get3A_0, %get3A_1] : memref<2x640x160xi16, #tpu.memory_space<vmem>>, vector<1x640x160xi16>
    %get3A_3 = vector.shape_cast %get3A_2 : vector<1x640x160xi16> to vector<640x160xi16>
    %get3A_4 = arith.constant 1 : index
    %get3A_5 = arith.constant 0 : index
    %get3A_6 = arith.constant 0 : index
    %get3A_7 = vector.load %arg1[%get3A_4, %get3A_5, %get3A_6] : memref<2x640x160xi16, #tpu.memory_space<vmem>>, vector<1x640x160xi16>
    %get3A_8 = vector.shape_cast %get3A_7 : vector<1x640x160xi16> to vector<640x160xi16>
    %add3A = arith.addi %get3A_3, %get3A_8 : vector<640x160xi16>
    %convert_element_type3A = arith.sitofp %add3A : vector<640x160xi16> to vector<640x160xf32>
    %get3A_9 = arith.constant 0 : index
    %get3A_10 = arith.constant 0 : index
    %get3A_11 = vector.load %arg2[%get3A_9, %get3A_10] : memref<160x160xf32, #tpu.memory_space<vmem>>, vector<160x160xf32>
    %dot_general3A = arith.constant dense<0.000000e+00> : vector<640x160xf32>
    %dot_general3A_12 = tpu.matmul %convert_element_type3A, %get3A_11, %dot_general3A {dimension_numbers = #tpu.dot_dimension_numbers<[1], [0], [0], [1], [0, 0, 1, 1], [], []>, transpose_lhs_hint = false} : vector<640x160xf32>, vector<160x160xf32>, vector<640x160xf32> -> vector<640x160xf32>
    %get3A_13 = arith.constant 0 : index
    %get3A_14 = arith.constant 0 : index
    %get3A_15 = vector.load %arg4[%get3A_13, %get3A_14] : memref<640x1xf32, #tpu.memory_space<vmem>>, vector<640x1xf32>
    %mul3A = vector.broadcast %get3A_15 : vector<640x1xf32> to vector<640x160xf32>
    %mul3A_16 = arith.mulf %dot_general3A_12, %mul3A : vector<640x160xf32>
    %broadcast_in_dim3A = arith.constant 0.000000e+00 : f32
    %broadcast_in_dim3A_17 = vector.broadcast %broadcast_in_dim3A : f32 to vector<640x160xf32>
    %broadcast_in_dim3A_18 = arith.constant 0.000000e+00 : f32
    %broadcast_in_dim3A_19 = vector.broadcast %broadcast_in_dim3A_18 : f32 to vector<640x160xf32>
    %add3A_20 = arith.addf %broadcast_in_dim3A_17, %mul3A_16 : vector<640x160xf32>
    %ge3A = arith.constant 1.000000e+00 : f32
    %ge3A_21 = vector.broadcast %ge3A : f32 to vector<640x160xf32>
    %ge3A_22 = arith.cmpf oge, %add3A_20, %ge3A_21 : vector<640x160xf32>
    %convert_element_type3A_23 = arith.extui %ge3A_22 : vector<640x160xi1> to vector<640x160xi32>
    %convert_element_type3A_24 = arith.sitofp %convert_element_type3A_23 : vector<640x160xi32> to vector<640x160xf32>
    %mul3A_25 = arith.constant 1.000000e+00 : f32
    %mul3A_26 = vector.broadcast %mul3A_25 : f32 to vector<640x160xf32>
    %mul3A_27 = arith.mulf %convert_element_type3A_24, %mul3A_26 : vector<640x160xf32>
    %sub3A = arith.subf %add3A_20, %mul3A_27 : vector<640x160xf32>
    %add3A_28 = arith.addf %broadcast_in_dim3A_19, %convert_element_type3A_24 : vector<640x160xf32>
    %add3A_29 = arith.addf %sub3A, %mul3A_16 : vector<640x160xf32>
    %ge3A_30 = arith.constant 1.000000e+00 : f32
    %ge3A_31 = vector.broadcast %ge3A_30 : f32 to vector<640x160xf32>
    %ge3A_32 = arith.cmpf oge, %add3A_29, %ge3A_31 : vector<640x160xf32>
    %convert_element_type3A_33 = arith.extui %ge3A_32 : vector<640x160xi1> to vector<640x160xi32>
    %convert_element_type3A_34 = arith.sitofp %convert_element_type3A_33 : vector<640x160xi32> to vector<640x160xf32>
    %mul3A_35 = arith.constant 1.000000e+00 : f32
    %mul3A_36 = vector.broadcast %mul3A_35 : f32 to vector<640x160xf32>
    %mul3A_37 = arith.mulf %convert_element_type3A_34, %mul3A_36 : vector<640x160xf32>
    %sub3A_38 = arith.subf %add3A_29, %mul3A_37 : vector<640x160xf32>
    %add3A_39 = arith.addf %add3A_28, %convert_element_type3A_34 : vector<640x160xf32>
    %add3A_40 = arith.addf %sub3A_38, %mul3A_16 : vector<640x160xf32>
    %ge3A_41 = arith.constant 1.000000e+00 : f32
    %ge3A_42 = vector.broadcast %ge3A_41 : f32 to vector<640x160xf32>
    %ge3A_43 = arith.cmpf oge, %add3A_40, %ge3A_42 : vector<640x160xf32>
    %convert_element_type3A_44 = arith.extui %ge3A_43 : vector<640x160xi1> to vector<640x160xi32>
    %convert_element_type3A_45 = arith.sitofp %convert_element_type3A_44 : vector<640x160xi32> to vector<640x160xf32>
    %mul3A_46 = arith.constant 1.000000e+00 : f32
    %mul3A_47 = vector.broadcast %mul3A_46 : f32 to vector<640x160xf32>
    %mul3A_48 = arith.mulf %convert_element_type3A_45, %mul3A_47 : vector<640x160xf32>
    %sub3A_49 = arith.subf %add3A_40, %mul3A_48 : vector<640x160xf32>
    %add3A_50 = arith.addf %add3A_39, %convert_element_type3A_45 : vector<640x160xf32>
    %add3A_51 = arith.addf %sub3A_49, %mul3A_16 : vector<640x160xf32>
    %ge3A_52 = arith.constant 1.000000e+00 : f32
    %ge3A_53 = vector.broadcast %ge3A_52 : f32 to vector<640x160xf32>
    %ge3A_54 = arith.cmpf oge, %add3A_51, %ge3A_53 : vector<640x160xf32>
    %convert_element_type3A_55 = arith.extui %ge3A_54 : vector<640x160xi1> to vector<640x160xi32>
    %convert_element_type3A_56 = arith.sitofp %convert_element_type3A_55 : vector<640x160xi32> to vector<640x160xf32>
    %add3A_57 = arith.addf %add3A_50, %convert_element_type3A_56 : vector<640x160xf32>
    %iota3A = tpu.iota {dimensions = array<i32: 1>} : vector<640x160xi32>
    %lt3A = arith.constant 129 : i32
    %lt3A_58 = vector.broadcast %lt3A : i32 to vector<640x160xi32>
    %lt3A_59 = arith.cmpi slt, %iota3A, %lt3A_58 : vector<640x160xi32>
    %jit3A = arith.constant 0.000000e+00 : f32
    %broadcast_in_dim3A_60 = vector.broadcast %jit3A : f32 to vector<640x160xf32>
    %select_n3A = arith.select %lt3A_59, %add3A_57, %broadcast_in_dim3A_60 : vector<640x160xi1>, vector<640x160xf32>
    %get3A_61 = arith.constant 0 : index
    %get3A_62 = arith.constant 0 : index
    %get3A_63 = vector.load %arg3[%get3A_61, %get3A_62] : memref<640x144xf32, #tpu.memory_space<vmem>>, vector<640x144xf32>
    %slice3A = vector.extract_strided_slice %select_n3A {offsets = [0, 0], sizes = [640, 144], strides = [1, 1]} : vector<640x160xf32> to vector<640x144xf32>
    %mul3A_64 = arith.constant 1.000000e-01 : f32
    %mul3A_65 = vector.broadcast %mul3A_64 : f32 to vector<640x144xf32>
    %mul3A_66 = arith.mulf %slice3A, %mul3A_65 : vector<640x144xf32>
    %add3A_67 = arith.addf %get3A_63, %mul3A_66 : vector<640x144xf32>
    %iota3A_68 = tpu.iota {dimensions = array<i32: 1>} : vector<640x144xi32>
    %ge3A_69 = arith.constant 1 : i32
    %ge3A_70 = vector.broadcast %ge3A_69 : i32 to vector<640x144xi32>
    %ge3A_71 = arith.cmpi sge, %iota3A_68, %ge3A_70 : vector<640x144xi32>
    %lt3A_72 = arith.constant 129 : i32
    %lt3A_73 = vector.broadcast %lt3A_72 : i32 to vector<640x144xi32>
    %lt3A_74 = arith.cmpi slt, %iota3A_68, %lt3A_73 : vector<640x144xi32>
    %and3A = arith.andi %ge3A_71, %lt3A_74 : vector<640x144xi1>
    %jit3A_75 = arith.constant 0.000000e+00 : f32
    %broadcast_in_dim3A_76 = vector.broadcast %jit3A_75 : f32 to vector<640x144xf32>
    %select_n3A_77 = arith.select %and3A, %add3A_67, %broadcast_in_dim3A_76 : vector<640x144xi1>, vector<640x144xf32>
    %mul3A_78 = arith.mulf %select_n3A_77, %select_n3A_77 : vector<640x144xf32>
    %reduce_sum3A = arith.constant dense<0.000000e+00> : vector<640xf32>
    %reduce_sum3A_79 = vector.multi_reduction <add>, %mul3A_78, %reduce_sum3A [1] : vector<640x144xf32> to vector<640xf32>
    %broadcast_in_dim3A_80 = vector.shape_cast %reduce_sum3A_79 : vector<640xf32> to vector<640x1xf32>
    %add3A_81 = arith.constant 1.000000e+00 : f32
    %add3A_82 = vector.broadcast %add3A_81 : f32 to vector<640x1xf32>
    %add3A_83 = arith.addf %add3A_82, %broadcast_in_dim3A_80 : vector<640x1xf32>
    %sqrt3A = math.sqrt %add3A_83 : vector<640x1xf32>
    %eq3A = arith.constant 0 : i32
    %eq3A_84 = vector.broadcast %eq3A : i32 to vector<640x144xi32>
    %eq3A_85 = arith.cmpi eq, %iota3A_68, %eq3A_84 : vector<640x144xi32>
    %broadcast_in_dim3A_86 = vector.shape_cast %sqrt3A : vector<640x1xf32> to vector<640x1xf32>
    %broadcast_in_dim3A_87 = vector.broadcast %broadcast_in_dim3A_86 : vector<640x1xf32> to vector<640x144xf32>
    %select_n3A_88 = arith.select %eq3A_85, %broadcast_in_dim3A_87, %select_n3A_77 : vector<640x144xi1>, vector<640x144xf32>
    %get3A_89 = arith.constant 0 : index
    %get3A_90 = arith.constant 0 : index
    %get3A_91 = vector.load %arg5[%get3A_89, %get3A_90] : memref<128x144xf32, #tpu.memory_space<vmem>>, vector<128x144xf32>
    %iota3A_92 = tpu.iota {dimensions = array<i32: 1>} : vector<128x144xi32>
    %ge3A_93 = arith.constant 1 : i32
    %ge3A_94 = vector.broadcast %ge3A_93 : i32 to vector<128x144xi32>
    %ge3A_95 = arith.cmpi sge, %iota3A_92, %ge3A_94 : vector<128x144xi32>
    %lt3A_96 = arith.constant 129 : i32
    %lt3A_97 = vector.broadcast %lt3A_96 : i32 to vector<128x144xi32>
    %lt3A_98 = arith.cmpi slt, %iota3A_92, %lt3A_97 : vector<128x144xi32>
    %and3A_99 = arith.andi %ge3A_95, %lt3A_98 : vector<128x144xi1>
    %jit3A_100 = arith.constant 0.000000e+00 : f32
    %broadcast_in_dim3A_101 = vector.broadcast %jit3A_100 : f32 to vector<128x144xf32>
    %select_n3A_102 = arith.select %and3A_99, %get3A_91, %broadcast_in_dim3A_101 : vector<128x144xi1>, vector<128x144xf32>
    %mul3A_103 = arith.mulf %select_n3A_102, %select_n3A_102 : vector<128x144xf32>
    %reduce_sum3A_104 = arith.constant dense<0.000000e+00> : vector<128xf32>
    %reduce_sum3A_105 = vector.multi_reduction <add>, %mul3A_103, %reduce_sum3A_104 [1] : vector<128x144xf32> to vector<128xf32>
    %broadcast_in_dim3A_106 = vector.shape_cast %reduce_sum3A_105 : vector<128xf32> to vector<128x1xf32>
    %add3A_107 = arith.constant 1.000000e+00 : f32
    %add3A_108 = vector.broadcast %add3A_107 : f32 to vector<128x1xf32>
    %add3A_109 = arith.addf %add3A_108, %broadcast_in_dim3A_106 : vector<128x1xf32>
    %sqrt3A_110 = math.sqrt %add3A_109 : vector<128x1xf32>
    %eq3A_111 = arith.constant 0 : i32
    %eq3A_112 = vector.broadcast %eq3A_111 : i32 to vector<128x144xi32>
    %eq3A_113 = arith.cmpi eq, %iota3A_92, %eq3A_112 : vector<128x144xi32>
    %broadcast_in_dim3A_114 = vector.shape_cast %sqrt3A_110 : vector<128x1xf32> to vector<128x1xf32>
    %broadcast_in_dim3A_115 = vector.broadcast %broadcast_in_dim3A_114 : vector<128x1xf32> to vector<128x144xf32>
    %select_n3A_116 = arith.select %eq3A_113, %broadcast_in_dim3A_115, %select_n3A_102 : vector<128x144xi1>, vector<128x144xf32>
    %iota3A_117 = tpu.iota {dimensions = array<i32: 1>} : vector<640x144xi32>
    %eq3A_118 = arith.constant 0 : i32
    %eq3A_119 = vector.broadcast %eq3A_118 : i32 to vector<640x144xi32>
    %eq3A_120 = arith.cmpi eq, %iota3A_117, %eq3A_119 : vector<640x144xi32>
    %neg3A = arith.constant 0.000000e+00 : f32
    %neg3A_121 = vector.broadcast %neg3A : f32 to vector<640x144xf32>
    %neg3A_122 = arith.subf %neg3A_121, %select_n3A_88 : vector<640x144xf32>
    %select_n3A_123 = arith.select %eq3A_120, %neg3A_122, %select_n3A_88 : vector<640x144xi1>, vector<640x144xf32>
    %dot_general3A_124 = arith.constant dense<0.000000e+00> : vector<640x128xf32>
    %dot_general3A_125 = tpu.matmul %select_n3A_123, %select_n3A_116, %dot_general3A_124 {dimension_numbers = #tpu.dot_dimension_numbers<[1], [1], [0], [0], [0, 0, 1, 0], [], []>, transpose_lhs_hint = false} : vector<640x144xf32>, vector<128x144xf32>, vector<640x128xf32> -> vector<640x128xf32>
    %neg3A_126 = arith.constant 0.000000e+00 : f32
    %neg3A_127 = vector.broadcast %neg3A_126 : f32 to vector<640x128xf32>
    %neg3A_128 = arith.subf %neg3A_127, %dot_general3A_125 : vector<640x128xf32>
    %max3A = arith.constant 1.000010e+00 : f32
    %max3A_129 = vector.broadcast %max3A : f32 to vector<640x128xf32>
    %max3A_130 = arith.maximumf %neg3A_128, %max3A_129 : vector<640x128xf32>
    %sub3A_131 = arith.constant 1.000000e+00 : f32
    %sub3A_132 = vector.broadcast %sub3A_131 : f32 to vector<640x128xf32>
    %sub3A_133 = arith.subf %max3A_130, %sub3A_132 : vector<640x128xf32>
    %add3A_134 = arith.constant 1.000000e+00 : f32
    %add3A_135 = vector.broadcast %add3A_134 : f32 to vector<640x128xf32>
    %add3A_136 = arith.addf %max3A_130, %add3A_135 : vector<640x128xf32>
    %mul3A_137 = arith.mulf %sub3A_133, %add3A_136 : vector<640x128xf32>
    %sqrt3A_138 = math.sqrt %mul3A_137 : vector<640x128xf32>
    %add3A_139 = arith.addf %max3A_130, %sqrt3A_138 : vector<640x128xf32>
    %log3A = math.log %add3A_139 : vector<640x128xf32>
    %neg3A_140 = arith.constant 0.000000e+00 : f32
    %neg3A_141 = vector.broadcast %neg3A_140 : f32 to vector<640x128xf32>
    %neg3A_142 = arith.subf %neg3A_141, %log3A : vector<640x128xf32>
    %swap3A = arith.constant 0 : index
    %swap3A_143 = arith.constant 0 : index
    %swap3A_144 = vector.load %arg6[%swap3A, %swap3A_143] : memref<640x128xf32, #tpu.memory_space<vmem>>, vector<640x128xf32>
    tpu.vector_store %arg6[%swap3A, %swap3A_143], %neg3A_142 {strides = array<i32>} : memref<640x128xf32, #tpu.memory_space<vmem>>, vector<640x128xf32>,
    return
  }
  func.func @transform_0(%arg0: i32) -> (i32, i32, i32) {
    %c0_i32 = arith.constant 0 : i32
    %c0_i32_0 = arith.constant 0 : i32
    %c0_i32_1 = arith.constant 0 : i32
    return %c0_i32, %arg0, %c0_i32_0 : i32, i32, i32
  }
  func.func @transform_1(%arg0: i32) -> (i32, i32) {
    %c0_i32 = arith.constant 0 : i32
    %c0_i32_0 = arith.constant 0 : i32
    %c0_i32_1 = arith.constant 0 : i32
    return %c0_i32, %c0_i32_0 : i32, i32
  }
  func.func @transform_2(%arg0: i32) -> (i32, i32) {
    %c0_i32 = arith.constant 0 : i32
    %c0_i32_0 = arith.constant 0 : i32
    return %arg0, %c0_i32 : i32, i32
  }
  func.func @transform_3(%arg0: i32) -> (i32, i32) {
    %c0_i32 = arith.constant 0 : i32
    %c0_i32_0 = arith.constant 0 : i32
    return %arg0, %c0_i32 : i32, i32
  }
  func.func @transform_4(%arg0: i32) -> (i32, i32) {
    %c0_i32 = arith.constant 0 : i32
    %c0_i32_0 = arith.constant 0 : i32
    %c0_i32_1 = arith.constant 0 : i32
    return %c0_i32, %c0_i32_0 : i32, i32
  }
  func.func @transform_5(%arg0: i32) -> (i32, i32) {
    %c0_i32 = arith.constant 0 : i32
    %c0_i32_0 = arith.constant 0 : i32
    return %arg0, %c0_i32 : i32, i32
  }
}

</mosaic_0001>

<sc_bundles>
// kernel: kernel.12.cloned.1.call-start
scs
__scs_entry_jumppad:
0x0: {  	(pc) =	sbr.rel $0x88, $3  }
0x1: {  	(tag) =	ssettag $0x0;
	lr =	simm.s32 $0x1  }
0x2: {  	[smem:$0x3F9C] =	sst lr;
	_ =	strace $0xD0000000  }
0x3: {  	_ = 	snop  }
0x4: {  	_ = 	snop  }
0x5: {  	_ = 	snop  }
0x6: {  	_ = 	snop  }
0x7: {  	_ = 	snop  }
__scs_overlays_trampoline_lowered:
0x8: {  	[smem:$0x3FAB] =	sst s0  }
0x9: {  	[smem:$0x3FAC] =	sst s1  }
0xa: {  	[smem:$0x3FAD] =	sst s2  }
0xb: {  	[smem:$0x3FAE] =	sst s3  }
0xc: {  	[smem:$0x3FAF] =	sst s4  }
0xd: {  	[smem:$0x3FB0] =	sst s5  }
0xe: {  	[smem:$0x3FB1] =	sst s6  }
0xf: {  	[smem:$0x3FB2] =	sst s7  }
0x10: {  	[smem:$0x3FB3] =	sst s8  }
0x11: {  	[smem:$0x3FB4] =	sst s9;
	s0 =	simm.s32 @!p0 $0x0  }
0x12: {  	s1 =	sld [smem:$0x3F9A];
	s0 =	simm.s32 @p0 $0x1  }
0x13: {  	[smem:$0x3FB5] =	sst s0;
	s0 =	simm.s32 @!p1 $0x0  }
0x14: {  	s2 =	sld [smem:$0x3F99];
	s0 =	simm.s32 @p1 $0x1  }
0x15: {  	[smem:$0x3FB6] =	sst s0;
	s0 =	simm.s32 @!p2 $0x0  }
0x16: {  	s3 =	sld [smem:$0x3FDB];
	s0 =	simm.s32 @p2 $0x1  }
0x17: {  	s4 =	simm.s32 $0x1BF5;
	[smem:$0x3FB8] =	sst s0  }
0x18: {  	s0 =	sld [smem:$0x3F9B];
	_ =	swait.ge [sflag:s4], $0x0  }
0x19: {  	s7 =	sld [smem:$0x3F9C]  }
0x1a: {  	s8 =	sadd.s32 $0xFFFFE003, lr  }
0x1b: {  	s9 =	sadd.s32 $0xFFFFFEF7, lr;
	s5 =	simm.s32 $0xFFFFFFFF;
	p2 =	slt.u32 s8, $0xFFFFF086  }
0x1c: {  	p1 =	slt.u32 s9, $0xF7A;
	s5 =	simm.s32 @!p2 $0x0  }
0x1d: {  	s5 =	simm.s32 @p1 $0x1;
	p0 =	seq.s32 s7, s2  }
0x1e: {  	s7 =	smul.u32 @!p0 $0xF7A, s2;
	p2 =	seq.s32 @!p0 s5, $0x0  }
0x1f: {  	s9 =	smul.u32 $0xF7A, s1;
	s8 =	simm.s32 @!p0 $0x1BF5;
	p2 =	por !p2, p0  }
0x20: {  	[sflag:s8] =	ssyncset.s32 @!p0 $0xFFFFF086;
	s6 =	sadd.s32 @!p0 s3, s7;
	s7 =	simm.s32 @!p0 $0x108  }
0x21: {  	s3 =	sadd.s32 s3, s9;
	s6 =	sadd.s32 @!p0 $0x88, s6;
	s7 =	simm.s32 @p2 $0x1082  }
0x22: {  	[simem:s7], [sflag:s8] =	dma.local @!p0 [hbm:s6], $0xF7A  }
0x23: {  	s9 =	sor.u32 $0xD0000000, s2;
	s6 =	simm.s32 $0x108;
	_ =	swait.ge @!p0 [sflag:s8], $0x0  }
0x24: {  	s3 =	sadd.s32 $0x88, s3;
	s6 =	simm.s32 @!p1 $0x1082;
	[sflag:s4] =	ssyncset.s32 $0xFFFFF086  }
0x25: {  	[simem:s6], [sflag:s4] =	dma.local [hbm:s3], $0xF7A  }
0x26: {  	[smem:$0x3F9C] =	sst s1;
	(tag) =	ssettag s2;
	_ =	strace s9  }
0x27: {  	s1 =	sld [smem:$0x3FAC]  }
0x28: {  	s2 =	sld [smem:$0x3FAD]  }
0x29: {  	s4 =	sld [smem:$0x3FAF]  }
0x2a: {  	p0 =	seq.s32 s5, $0x0;
	s5 =	sld [smem:$0x3FB0]  }
0x2b: {  	s6 =	sld [smem:$0x3FB1]  }
0x2c: {  	s7 =	sld [smem:$0x3FB2]  }
0x2d: {  	s3 =	simm.s32 $0x108;
	s8 =	sld [smem:$0x3FB3]  }
0x2e: {  	s3 =	simm.s32 @!p0 $0x1082;
	s9 =	sld [smem:$0x3FB4]  }
0x2f: {  	lr =	sadd.s32 s0, s3;
	s0 =	sld [smem:$0x3FAB]  }
0x30: {  	s3 =	sld [smem:$0x3FAE]  }
0x31: {  	[smem:$0x3FB7] =	sst s10  }
0x32: {  	s10 =	sld [smem:$0x3FB5];
	_ =	sdelay $0x3  }
0x33: {  	p0 =	seq.s32 s10, $0x1;
	s10 =	sld [smem:$0x3FB7];
	_ =	sdelay $0x3  }
0x34: {  	[smem:$0x3FB7] =	sst s10  }
0x35: {  	s10 =	sld [smem:$0x3FB6];
	_ =	sdelay $0x3  }
0x36: {  	p1 =	seq.s32 s10, $0x1;
	s10 =	sld [smem:$0x3FB7];
	_ =	sdelay $0x3  }
0x37: {  	[smem:$0x3FB7] =	sst s10  }
0x38: {  	s10 =	sld [smem:$0x3FB8]  }
0x39: {  	_ = 	snop;
	(pc) =	sbr.ind lr, $3  }
0x3a: {  	_ = 	snop  }
0x3b: {  	_ = 	snop  }
0x3c: {  	p2 =	seq.s32 s10, $0x1;
	s10 =	sld [smem:$0x3FB7]  }
0x3d: {  	_ =	shalt  }
0x3e: {  	_ =	shalt  }
0x3f: {  	_ =	shalt  }
0x40: {  	_ =	shalt  }
0x41: {  	_ =	shalt  }
0x42: {  	_ =	shalt  }
0x43: {  	_ =	shalt  }
0x44: {  	_ =	shalt  }
0x45: {  	_ =	shalt  }
0x46: {  	_ =	shalt  }
0x47: {  	_ =	shalt  }
0x48: {  	_ =	shalt  }
0x49: {  	_ =	shalt  }
0x4a: {  	_ =	shalt  }
0x4b: {  	_ =	shalt  }
0x4c: {  	_ =	shalt  }
0x4d: {  	_ =	shalt  }
0x4e: {  	_ =	shalt  }
0x4f: {  	_ =	shalt  }
0x50: {  	_ =	shalt  }
0x51: {  	_ =	shalt  }
0x52: {  	_ =	shalt  }
0x53: {  	_ =	shalt  }
0x54: {  	_ =	shalt  }
0x55: {  	_ =	shalt  }
0x56: {  	_ =	shalt  }
0x57: {  	_ =	shalt  }
0x58: {  	_ =	shalt  }
0x59: {  	_ =	shalt  }
0x5a: {  	_ =	shalt  }
0x5b: {  	_ =	shalt  }
0x5c: {  	_ =	shalt  }
0x5d: {  	_ =	shalt  }
0x5e: {  	_ =	shalt  }
0x5f: {  	_ =	shalt  }
0x60: {  	_ =	shalt  }
0x61: {  	_ =	shalt  }
0x62: {  	_ =	shalt  }
0x63: {  	_ =	shalt  }
0x64: {  	_ =	shalt  }
0x65: {  	_ =	shalt  }
0x66: {  	_ =	shalt  }
0x67: {  	_ =	shalt  }
0x68: {  	_ =	shalt  }
0x69: {  	_ =	shalt  }
0x6a: {  	_ =	shalt  }
0x6b: {  	_ =	shalt  }
0x6c: {  	_ =	shalt  }
0x6d: {  	_ =	shalt  }
0x6e: {  	_ =	shalt  }
0x6f: {  	_ =	shalt  }
0x70: {  	_ =	shalt  }
0x71: {  	_ =	shalt  }
0x72: {  	_ =	shalt  }
0x73: {  	_ =	shalt  }
0x74: {  	_ =	shalt  }
0x75: {  	_ =	shalt  }
0x76: {  	_ =	shalt  }
0x77: {  	_ =	shalt  }
0x78: {  	_ =	shalt  }
0x79: {  	_ =	shalt  }
0x7a: {  	_ =	shalt  }
0x7b: {  	_ =	shalt  }
0x7c: {  	_ =	shalt  }
0x7d: {  	_ =	shalt  }
0x7e: {  	_ =	shalt  }
0x7f: {  	_ =	shalt  }
0x80: {  	_ =	shalt  }
0x81: {  	_ =	shalt  }
0x82: {  	_ =	shalt  }
0x83: {  	_ =	shalt  }
0x84: {  	_ =	shalt  }
0x85: {  	_ =	shalt  }
0x86: {  	_ =	shalt  }
0x87: {  	_ =	shalt  }
.Lfunc_end0:
.L_simem_size_0:
called_computation.1_lowered:
.L_overlay_start_0:
0x88: {  	s2 =	sld [smem:$0x3FD9]  }
0x89: {  	s3 =	sld [smem:$0x3FFE];
	_ =	sdelay $0x1  }
0x8a: {  	s1 =	srdreg.scid  }
0x8b: {  	s0 =	sand.u32 $0x1, s1  }
0x8c: {  	s17 =	sshll.u32 s0, $0xA;
	s2 =	sadd.s32 s3, s2  }
0x8d: {  	s2 =	sadd.s32 s2, s17  }
0x8e: {  	[smem:$0x3FC3] =	sst s2  }
0x8f: {  	_ = 	snop  }
0x90: {  	s2 =	sld [smem:$0x3FD0];
	(tm) =	ssettm $0x1  }
0x91: {  	s18 =	sld [smem:$0x3FFB];
	_ =	sdelay $0x3  }
0x92: {  	_ =	strace s18  }
0x93: {  	s3 =	sld [smem:$0x3FFC];
	_ =	sdelay $0x3  }
0x94: {  	_ =	strace s3  }
0x95: {  	s3 =	sld [smem:$0x3FFD];
	_ =	sdelay $0x3  }
0x96: {  	_ =	strace s3  }
0x97: {  	_ =	strace $0x8FFFFFFF  }
0x98: {  	s19 =	sld [smem:$0x3FDB];
	_ =	sdelay $0x1  }
0x99: {  	s4 =	simm.s32 $_scs_section_size  }
0x9a: {  	s5 =	simm.s32 $_size__tile_overlayer_lowered;
	s6 =	simm.s32 $_tile_overlayer_lowered  }
0x9b: {  	s22 =	simm.s32 $0x1BFF;
	s21 =	sshll.u32 s6, $0x1;
	s3 =	sadd.s32 s4, s19  }
0x9c: {  	s7 =	simm.s32 $0x0;
	s20 =	sshll.u32 s5, $0x1;
	s5 =	sadd.s32 s21, s3  }
0x9d: {  	[timem:s7], [sflag:s22] =	dma.local [hbm:s5], s20  }
0x9e: {  	_ =	swait.ge [sflag:s22], s20  }
0x9f: {  	s4 =	ssub.s32 $0x0, s20;
	[sflag:s22] =	ssyncset.done $0x0  }
0xa0: {  	[sflag:s22] =	ssyncadd.s32 s4;
	_ =	sdelay $0x1  }
0xa1: {  	s23 =	simm.s32 $0x1B8B  }
0xa2: {  	_ =	swait.ge [sflag:s23], $0x1  }
0xa3: {  	[sflag:s23] =	ssyncset.done $0x0  }
0xa4: {  	s25 =	simm.s32 $0x1B8E;
	s24 =	sld [smem:$0x3FFE];
	[sflag:s23] =	ssyncadd.s32 $0xFFFFFFFF  }
0xa5: {  	s26 =	simm.s32 $execute0_lowered;
	[smem:$0x3FD2] =	sst s25  }
0xa6: {  	s5 =	sshll.u32 s26, $0x1;
	_ =	strace $0x80000049;
	[dreg:$0x1] =	wrdreg $0xFFFFFFFF  }
0xa7: {  	s28 =	simm.s32 $_size_execute0_lowered;
	s3 =	sadd.s32 s3, s5;
	[dreg:$0x0] =	wrdreg $0x0  }
0xa8: {  	s5 =	sshll.u32 s28, $0x1;
	[dreg:$0x2] =	wrdreg s3  }
0xa9: {  	[dreg:$0x3] =	wrdreg s5  }
0xaa: {  	[dreg:$0x4] =	wrdreg $0xC0  }
0xab: {  	_ =	task [dreg:s7], $0x5FFFF  }
0xac: {  	[dreg:$0x1] =	wrdreg $0xFFFFFFFF  }
0xad: {  	[dreg:$0x0] =	wrdreg $0x60  }
0xae: {  	[dreg:$0x2] =	wrdreg s2  }
0xaf: {  	[dreg:$0x3] =	wrdreg s24  }
0xb0: {  	[dreg:$0x4] =	wrdreg $0x8CA00  }
0xb1: {  	[dreg:$0x5] =	wrdreg $0x9  }
0xb2: {  	_ =	task.clear_ibuf [dreg:s7], $0x6FFFF;
	_ =	strace $0x90000049  }
0xb3: {  	s29 =	simm.s32 $0x9;
	_ =	strace $0x8000004B  }
0xb4: {  	_ =	swait.ge [sflag:s29], $0x1  }
0xb5: {  	[sflag:s29] =	ssyncadd.s32 $0xFFFFFFFF  }
0xb6: {  	_ =	strace $0x9000004B  }
0xb7: {  	_ =	sfence  }
0xb8: {  	s30 =	sld [smem:$0x0];
	_ =	sdelay $0x2  }
0xb9: {  	s31 =	sshll.u32 s1, $0xD;
	s1 =	sshrl.u32 s1, $0x2  }
0xba: {  	s3 =	sand.u32 $0x4000, s31;
	s1 =	sadd.s32 s1, s30  }
0xbb: {  	s0 =	sor.u32 s3, s0;
	s1 =	sshll.u32 s1, $0x11  }
0xbc: {  	s0 =	sor.u32 s1, s0  }
0xbd: {  	s0 =	sadd.s32 $0x8F2B, s0  }
0xbe: {  	[sflag:s0] =	ssyncadd.remote.s32 $0x1  }
0xbf: {  	_ =	sfence.sel $0xFFFF  }
0xc0: {  	[dreg:$0x0] =	wrdreg $0xFFFFFFFF;
	(pc) =	sbr.abs _section_cstart, $3  }
0xc1: {  	[dreg:$0x1] =	wrdreg $0xFFFFFFFF  }
0xc2: {  	_ =	task.clear_ibuf [dreg:s7], $0x2FFFF;
	_ =	strace $0x9FFFFFFF  }
0xc3: {  	(tm) =	ssettm $0x7FFFFFFF  }
tec
execute0_lowered:
.L_overlay_start_1:
0x0: {  	(tag) =	ssettag $0x1  }
0x1: {  	s1 =	rddreg [dreg:$0x0]  }
0x2: {  	s5 =	rddreg [dreg:$0x1]  }
0x3: {  	s2 =	rddreg [dreg:$0x2];
	s3 =	simm.s32 $0x0  }
0x4: {  	s13 =	simm.s32 $0xA0;
	[smem:$0x7FF] =	sst s3  }
0x5: {  	s14 =	simm.s32 $0xF0;
	_ =	strace $0x8000004A;
	[dreg:$0x6] =	wrdreg s13  }
0x6: {  	s15 =	simm.s32 $0x140;
	[dreg:$0x7] =	wrdreg s14  }
0x7: {  	s16 =	simm.s32 $0x820;
	[dreg:$0x8] =	wrdreg s15  }
0x8: {  	s17 =	simm.s32 $0x190;
	[dreg:$0x9] =	wrdreg s16  }
0x9: {  	s18 =	simm.s32 $0x870;
	[dreg:$0xa] =	wrdreg s17  }
0xa: {  	s19 =	simm.s32 $0x1E0;
	[dreg:$0xb] =	wrdreg s18  }
0xb: {  	s20 =	simm.s32 $0x8C0;
	[dreg:$0xc] =	wrdreg s19  }
0xc: {  	s21 =	simm.s32 $0x230;
	[dreg:$0xd] =	wrdreg s20  }
0xd: {  	s23 =	simm.s32 $0x910;
	[dreg:$0xe] =	wrdreg s21  }
0xe: {  	s24 =	simm.s32 $0x280;
	[dreg:$0xf] =	wrdreg s23  }
0xf: {  	s25 =	simm.s32 $0x960;
	[dreg:$0x10] =	wrdreg s24  }
0x10: {  	s26 =	simm.s32 $0x2D0;
	[dreg:$0x11] =	wrdreg s25  }
0x11: {  	s9 =	simm.s32 $0x9B0;
	[dreg:$0x12] =	wrdreg s26  }
0x12: {  	s10 =	simm.s32 $0x320;
	[dreg:$0x13] =	wrdreg s9  }
0x13: {  	s11 =	simm.s32 $0xA00;
	[dreg:$0x14] =	wrdreg s10  }
0x14: {  	[dreg:$0x15] =	wrdreg s11;
	s13 =	simm.s32 $0x370  }
0x15: {  	s14 =	simm.s32 $0xA50;
	[dreg:$0x16] =	wrdreg s13  }
0x16: {  	s0 =	srdreg.scid;
	s16 =	simm.s32 $0x3C0;
	[dreg:$0x17] =	wrdreg s14  }
0x17: {  	s8 =	stileid.u32;
	s18 =	simm.s32 $0xAA0;
	[dreg:$0x18] =	wrdreg s16  }
0x18: {  	s28 =	simm.s32 $0x3;
	s19 =	simm.s32 $0x410;
	[dreg:$0x19] =	wrdreg s18  }
0x19: {  	s29 =	simm.s32 $0x7;
	s21 =	simm.s32 $0xAF0;
	[dreg:$0x1a] =	wrdreg s19  }
0x1a: {  	s30 =	simm.s32 $0x4;
	s23 =	simm.s32 $0xB40;
	[dreg:$0x1b] =	wrdreg s21  }
0x1b: {  	s4 =	smul.u32 $0x4E20, s8;
	s24 =	simm.s32 $0x4B0;
	[dreg:$0x1d] =	wrdreg s23  }
0x1c: {  	s7 =	smul.u32 $0x19000, s8;
	s26 =	simm.s32 $0xB90;
	[dreg:$0x1e] =	wrdreg s24  }
0x1d: {  	s20 =	smul.u32 $0x32000, s8;
	s8 =	simm.s32 $0x500;
	[dreg:$0x1f] =	wrdreg s26  }
0x1e: {  	s31 =	simm.s32 $0x8;
	s10 =	simm.s32 $0xBE0;
	[smem:$0x7E9] =	sst s8  }
0x1f: {  	s0 =	sand.u32 $0x1, s0;
	[smem:$0x7EB] =	sst s10;
	s14 =	simm.s32 $0xC30  }
0x20: {  	s6 =	smul.u32 $0x2710, s0;
	s16 =	simm.s32 $0x5A0;
	[smem:$0x7EF] =	sst s14  }
0x21: {  	s22 =	smul.u32 $0x190000, s0;
	s18 =	simm.s32 $0x5F0;
	[smem:$0x7F2] =	sst s16  }
0x22: {  	s0 =	ssub.s32 $0x2, s0;
	s19 =	simm.s32 $0xCD0;
	[smem:$0x7F4] =	sst s18  }
0x23: {  	s12 =	sshrl.u32 s0, $0x1;
	s21 =	simm.s32 $0xD20;
	[smem:$0x7F5] =	sst s19  }
0x24: {  	s17 =	sshrl.u32 s7, $0x1;
	s23 =	simm.s32 $0xD70;
	[smem:$0x7F7] =	sst s21  }
0x25: {  	s24 =	simm.s32 $0x6E0;
	s4 =	sadd.s32 s6, s4;
	[smem:$0x7F9] =	sst s23  }
0x26: {  	s26 =	simm.s32 $0x730;
	[smem:$0x7FA] =	sst s24;
	s6 =	sshrl.u32 s4, $0x3  }
0x27: {  	[smem:$0x7FC] =	sst s26;
	s4 =	sadd.s32 $0x4E200, s4;
	s6 =	sadd.s32 s6, s1  }
0x28: {  	s10 =	simm.s32 $0xEB0;
	s4 =	sshrl.u32 s4, $0x3;
	[dreg:$0x4] =	wrdreg s6  }
0x29: {  	s1 =	sadd.s32 s4, s1;
	s4 =	sadd.s32 $0x51800, s5;
	s6 =	sadd.s32 s7, s22  }
0x2a: {  	s22 =	simm.s32 $0x460;
	[dreg:$0x5] =	wrdreg s1;
	s6 =	sshrl.u32 s6, $0x4  }
0x2b: {  	[dreg:$0x1c] =	wrdreg s22;
	s22 =	simm.s32 $0x690;
	s5 =	sadd.s32 s6, s5  }
0x2c: {  	s6 =	ssub.s32 s0, s12;
	s12 =	simm.s32 $0x550;
	[smem:$0x7F8] =	sst s22  }
0x2d: {  	s0 =	sadd.s32 s17, s2;
	s17 =	simm.s32 $0xC80;
	[smem:$0x7ED] =	sst s12  }
0x2e: {  	s16 =	simm.s32 $0xB;
	s15 =	sadd.s32 $0x6A800, s5;
	[smem:$0x7F3] =	sst s17  }
0x2f: {  	s18 =	simm.s32 $0x50;
	s6 =	smax.u32 s6, $0x1;
	[smem:$0x7E4] =	sst s15  }
0x30: {  	s5 =	sshrl.u32 s20, $0x2;
	s20 =	simm.s32 $0x640;
	[smem:$0x7E5] =	sst s6  }
0x31: {  	s19 =	simm.s32 $0x28A0;
	s0 =	sshrl.u32 s0, $0x3;
	[smem:$0x7F6] =	sst s20  }
0x32: {  	s21 =	simm.s32 $0x5AA0;
	s5 =	sadd.s32 s5, s2;
	[smem:$0x7FD] =	sst s0  }
0x33: {  	s23 =	simm.s32 $0x73A0;
	s25 =	sadd.s32 $0x1900, s5;
	[smem:$0x7F0] =	sst s5  }
0x34: {  	s24 =	simm.s32 $0x2;
	s7 =	sadd.s32 $0x3200, s5;
	[smem:$0x7E6] =	sst s25  }
0x35: {  	s26 =	simm.s32 $0x6;
	s9 =	sadd.s32 $0x4B00, s5;
	[smem:$0x7E7] =	sst s7  }
0x36: {  	s1 =	simm.s32 $0x5;
	s11 =	sadd.s32 $0x6400, s5;
	[smem:$0x7E8] =	sst s9  }
0x37: {  	s22 =	simm.s32 $0x1;
	s13 =	sadd.s32 $0x7D00, s5;
	[smem:$0x7EA] =	sst s11  }
0x38: {  	s17 =	simm.s32 $0x7D0;
	s15 =	sadd.s32 $0x9600, s5;
	[smem:$0x7EC] =	sst s13  }
0x39: {  	s12 =	simm.s32 $0xF50;
	s5 =	sadd.s32 $0xAF00, s5;
	[smem:$0x7EE] =	sst s15  }
0x3a: {  	s20 =	simm.s32 $0x41A0;
	s0 =	simm.s32 $0x9;
	[smem:$0x7F1] =	sst s5  }
0x3b: {  	s15 =	simm.s32 $0xFA0;
	s25 =	simm.s32 $0xDC0;
	s5 =	simm.s32 $0xA  }
0x3c: {  	v0 =	vimm.s32 $0x0;
	s11 =	simm.s32 $0xF00;
	s7 =	simm.s32 $0x0;
	[smem:$0x7FB] =	sst s25  }
.LBB2_1:
0x3d: {  	s25 =	smul.u32 $0xCCCD, s3;
	_ =	sdelay $0x1  }
0x3e: {  	[smem:$0x7E3] =	sst s7;
	s25 =	sshrl.u32 s25, $0x12  }
0x3f: {  	s14 =	simm.s32 $0x1;
	s7 =	simm.s32 $0x0;
	s13 =	smul.u32 $0x5, s25  }
.LBB2_2:
0x40: {  	s6 =	smul.u32 $0xCCCD, s14;
	s8 =	smov.u32 s14  }
0x41: {  	p0 =	sne.s32 s14, $0x18F;
	s7 =	ssub.s32 s7, s13;
	s13 =	smul.u32 $0x140, s25  }
.Ltmp0:
0x42: {  	(pc) =	sbr.rel @p0 .LBB2_2-.Ltmp0, $4  }
0x43: {  	s14 =	sadd.s32 $0x1, s14;
	s7 =	sand.u32 $0xFFFF, s7  }
0x44: {  	s13 =	sshrl.u32 s13, $0x2;
	s9 =	sshll.u32 s7, $0x4;
	s7 =	smov.u32 s8  }
0x45: {  	s25 =	sshrl.u32 s6, $0x12;
	s6 =	sadd.s32 s9, s13  }
0x46: {  	s13 =	smul.u32 $0x5, s25;
	[tilespmem:s6+$0xFA0] =	vst v0  }
0x47: {  	_ = 	snop  }
0x48: {  	s9 =	smul.u32 $0x140, s25;
	s6 =	ssub.s32 s7, s13  }
0x49: {  	s6 =	sand.u32 $0xFFFF, s6  }
0x4a: {  	s13 =	sld [smem:$0x7F0];
	s7 =	sshrl.u32 s9, $0x2;
	s6 =	sshll.u32 s6, $0x4  }
0x4b: {  	s6 =	sadd.s32 s6, s7  }
0x4c: {  	[tilespmem:s6+$0xFA0] =	vst v0  }
0x4d: {  	[spmem:s13] =	stream.linear.scatter [tilespmem:s15], [sflag:$0xB], $0x1900, $0x38;
	[tilespmem:$0x154A0] =	vst v63  }
0x4e: {  	_ =	swait.ge [sflag:s16], $0x1900  }
0x4f: {  	s14 =	sld [smem:$0x7E6]  }
0x50: {  	[sflag:s16] =	ssyncset.done $0x0  }
0x51: {  	[sflag:s16] =	ssyncadd.s32 $0xFFFFE700  }
0x52: {  	[spmem:s14] =	stream.linear.scatter [tilespmem:s15], [sflag:$0xB], $0x1900, $0x38;
	[tilespmem:$0x154A0] =	vst v63  }
0x53: {  	_ =	swait.ge [sflag:s16], $0x1900  }
0x54: {  	s25 =	sld [smem:$0x7E7]  }
0x55: {  	[sflag:s16] =	ssyncset.done $0x0  }
0x56: {  	[sflag:s16] =	ssyncadd.s32 $0xFFFFE700  }
0x57: {  	[spmem:s25] =	stream.linear.scatter [tilespmem:s15], [sflag:$0xB], $0x1900, $0x38;
	[tilespmem:$0x154A0] =	vst v63  }
0x58: {  	_ =	swait.ge [sflag:s16], $0x1900  }
0x59: {  	s7 =	sld [smem:$0x7E8]  }
0x5a: {  	[sflag:s16] =	ssyncset.done $0x0  }
0x5b: {  	[sflag:s16] =	ssyncadd.s32 $0xFFFFE700  }
0x5c: {  	[spmem:s7] =	stream.linear.scatter [tilespmem:s15], [sflag:$0xB], $0x1900, $0x38;
	[tilespmem:$0x154A0] =	vst v63  }
0x5d: {  	_ =	swait.ge [sflag:s16], $0x1900  }
0x5e: {  	s8 =	sld [smem:$0x7EA]  }
0x5f: {  	[sflag:s16] =	ssyncset.done $0x0  }
0x60: {  	[sflag:s16] =	ssyncadd.s32 $0xFFFFE700  }
0x61: {  	[spmem:s8] =	stream.linear.scatter [tilespmem:s15], [sflag:$0xB], $0x1900, $0x38;
	[tilespmem:$0x154A0] =	vst v63  }
0x62: {  	_ =	swait.ge [sflag:s16], $0x1900  }
0x63: {  	s9 =	sld [smem:$0x7EC]  }
0x64: {  	[sflag:s16] =	ssyncset.done $0x0  }
0x65: {  	[sflag:s16] =	ssyncadd.s32 $0xFFFFE700  }
0x66: {  	[spmem:s9] =	stream.linear.scatter [tilespmem:s15], [sflag:$0xB], $0x1900, $0x38;
	[tilespmem:$0x154A0] =	vst v63  }
0x67: {  	_ =	swait.ge [sflag:s16], $0x1900  }
0x68: {  	s13 =	sld [smem:$0x7EE]  }
0x69: {  	[sflag:s16] =	ssyncset.done $0x0  }
0x6a: {  	[sflag:s16] =	ssyncadd.s32 $0xFFFFE700  }
0x6b: {  	[spmem:s13] =	stream.linear.scatter [tilespmem:s15], [sflag:$0xB], $0x1900, $0x38;
	[tilespmem:$0x154A0] =	vst v63  }
0x6c: {  	_ =	swait.ge [sflag:s16], $0x1900  }
0x6d: {  	s14 =	sld [smem:$0x7F1]  }
0x6e: {  	[sflag:s16] =	ssyncset.done $0x0  }
0x6f: {  	[sflag:s16] =	ssyncadd.s32 $0xFFFFE700  }
0x70: {  	[spmem:s14] =	stream.linear.scatter [tilespmem:s15], [sflag:$0xB], $0x1900, $0x38;
	[tilespmem:$0x154A0] =	vst v63  }
0x71: {  	_ =	swait.ge [sflag:s16], $0x1900  }
0x72: {  	[sflag:s16] =	ssyncset.done $0x0  }
0x73: {  	[sflag:s16] =	ssyncadd.s32 $0xFFFFE700  }
0x74: {  	[bflag:$0x0] =	sbarrier.arrive $0xFFFF  }
0x75: {  	s25 =	rddreg [dreg:$0x4]  }
0x76: {  	s6 =	sadd.s32 $0x0, s25  }
0x77: {  	[tilespmem:s3], [sflag:$0xB] =	stream.linear.gather [hbm4b:s6+s3], $0x7D0, $0x38;
	[tilespmem:$0x154A0] =	vst v63  }
0x78: {  	_ =	swait.ge [sflag:s16], $0x7D0  }
0x79: {  	s7 =	rddreg [dreg:$0x5];
	[sflag:s16] =	ssyncset.done $0x0  }
0x7a: {  	[sflag:s16] =	ssyncadd.s32 $0xFFFFF830;
	s6 =	sadd.s32 $0x0, s7  }
0x7b: {  	[tilespmem:s17], [sflag:$0xB] =	stream.linear.gather [hbm4b:s6+s3], $0x7D0, $0x38;
	[tilespmem:$0x154A0] =	vst v63  }
0x7c: {  	_ =	swait.ge [sflag:s16], $0x7D0  }
0x7d: {  	[sflag:s16] =	ssyncset.done $0x0  }
0x7e: {  	[sflag:s16] =	ssyncadd.s32 $0xFFFFF830  }
0x7f: {  	[tilespmem:s15], [sflag:$0x1] =	stream.indirect.gather [hbm4b:s4+s18], $0x50, s3, s18, $0xb8;
	[tilespmem:$0x154A0] =	vst v63  }
0x80: {  	_ = 	snop  }
0x81: {  	[tilespmem:s19], [sflag:$0x2] =	stream.indirect.gather [hbm4b:s4+s18], $0x50, s18, s18, $0xb8;
	[tilespmem:$0x154A0] =	vst v63  }
0x82: {  	s8 =	rddreg [dreg:$0x6]  }
0x83: {  	[tilespmem:s20], [sflag:$0x3] =	stream.indirect.gather [hbm4b:s4+s18], $0x50, s8, s18, $0xb8;
	[tilespmem:$0x154A0] =	vst v63  }
0x84: {  	s9 =	rddreg [dreg:$0x7]  }
0x85: {  	[tilespmem:s21], [sflag:$0x4] =	stream.indirect.gather [hbm4b:s4+s18], $0x50, s9, s18, $0xb8;
	[tilespmem:$0x154A0] =	vst v63  }
0x86: {  	_ =	swait.ge [sflag:s22], $0x1900  }
0x87: {  	[sflag:s22] =	ssyncset.done $0x0  }
0x88: {  	[sflag:s22] =	ssyncadd.s32 $0xFFFFE700  }
0x89: {  	[spmem:s2] =	stream.indirect.scatter.add.s16 [tilespmem:s15], [sflag:$0x6], $0x50, s17, s18, $0xb8;
	[tilespmem:$0x154A0] =	vst v63  }
0x8a: {  	s13 =	rddreg [dreg:$0x8]  }
0x8b: {  	[tilespmem:s23], [sflag:$0x5] =	stream.indirect.gather [hbm4b:s4+s18], $0x50, s13, s18, $0xb8;
	[tilespmem:$0x154A0] =	vst v63  }
0x8c: {  	_ =	swait.ge [sflag:s24], $0x1900  }
0x8d: {  	[sflag:s24] =	ssyncset.done $0x0  }
0x8e: {  	s14 =	rddreg [dreg:$0x9];
	[sflag:s24] =	ssyncadd.s32 $0xFFFFE700  }
0x8f: {  	[spmem:s2] =	stream.indirect.scatter.add.s16 [tilespmem:s19], [sflag:$0x7], $0x50, s14, s18, $0xb8;
	[tilespmem:$0x154A0] =	vst v63  }
0x90: {  	_ =	swait.ge [sflag:s26], $0x1900  }
0x91: {  	[sflag:s26] =	ssyncset.done $0x0  }
0x92: {  	s25 =	rddreg [dreg:$0xa];
	[sflag:s26] =	ssyncadd.s32 $0xFFFFE700  }
0x93: {  	[tilespmem:s15], [sflag:$0x1] =	stream.indirect.gather [hbm4b:s4+s18], $0x50, s25, s18, $0xb8;
	[tilespmem:$0x154A0] =	vst v63  }
0x94: {  	_ =	swait.ge [sflag:s28], $0x1900  }
0x95: {  	[sflag:s28] =	ssyncset.done $0x0  }
0x96: {  	s7 =	rddreg [dreg:$0xb];
	[sflag:s28] =	ssyncadd.s32 $0xFFFFE700  }
0x97: {  	[spmem:s2] =	stream.indirect.scatter.add.s16 [tilespmem:s20], [sflag:$0x8], $0x50, s7, s18, $0xb8;
	[tilespmem:$0x154A0] =	vst v63  }
0x98: {  	_ =	swait.ge [sflag:s29], $0x1900  }
0x99: {  	[sflag:s29] =	ssyncset.done $0x0  }
0x9a: {  	s8 =	rddreg [dreg:$0xc];
	[sflag:s29] =	ssyncadd.s32 $0xFFFFE700  }
0x9b: {  	[tilespmem:s19], [sflag:$0x2] =	stream.indirect.gather [hbm4b:s4+s18], $0x50, s8, s18, $0xb8;
	[tilespmem:$0x154A0] =	vst v63  }
0x9c: {  	_ =	swait.ge [sflag:s30], $0x1900  }
0x9d: {  	[sflag:s30] =	ssyncset.done $0x0  }
0x9e: {  	s9 =	rddreg [dreg:$0xd];
	[sflag:s30] =	ssyncadd.s32 $0xFFFFE700  }
0x9f: {  	[spmem:s2] =	stream.indirect.scatter.add.s16 [tilespmem:s21], [sflag:$0x9], $0x50, s9, s18, $0xb8;
	[tilespmem:$0x154A0] =	vst v63  }
0xa0: {  	_ =	swait.ge [sflag:s31], $0x1900  }
0xa1: {  	[sflag:s31] =	ssyncset.done $0x0  }
0xa2: {  	s13 =	rddreg [dreg:$0xe];
	[sflag:s31] =	ssyncadd.s32 $0xFFFFE700  }
0xa3: {  	[tilespmem:s20], [sflag:$0x3] =	stream.indirect.gather [hbm4b:s4+s18], $0x50, s13, s18, $0xb8;
	[tilespmem:$0x154A0] =	vst v63  }
0xa4: {  	_ =	swait.ge [sflag:s1], $0x1900  }
0xa5: {  	[sflag:s1] =	ssyncset.done $0x0  }
0xa6: {  	s14 =	rddreg [dreg:$0xf];
	[sflag:s1] =	ssyncadd.s32 $0xFFFFE700  }
0xa7: {  	[spmem:s2] =	stream.indirect.scatter.add.s16 [tilespmem:s23], [sflag:$0xA], $0x50, s14, s18, $0xb8;
	[tilespmem:$0x154A0] =	vst v63  }
0xa8: {  	_ =	swait.ge [sflag:s0], $0x1900  }
0xa9: {  	[sflag:s0] =	ssyncset.done $0x0  }
0xaa: {  	s25 =	rddreg [dreg:$0x10];
	[sflag:s0] =	ssyncadd.s32 $0xFFFFE700  }
0xab: {  	[tilespmem:s21], [sflag:$0x4] =	stream.indirect.gather [hbm4b:s4+s18], $0x50, s25, s18, $0xb8;
	[tilespmem:$0x154A0] =	vst v63  }
0xac: {  	_ =	swait.ge [sflag:s22], $0x1900  }
0xad: {  	[sflag:s22] =	ssyncset.done $0x0  }
0xae: {  	s7 =	rddreg [dreg:$0x11];
	[sflag:s22] =	ssyncadd.s32 $0xFFFFE700  }
0xaf: {  	[spmem:s2] =	stream.indirect.scatter.add.s16 [tilespmem:s15], [sflag:$0x6], $0x50, s7, s18, $0xb8;
	[tilespmem:$0x154A0] =	vst v63  }
0xb0: {  	_ =	swait.ge [sflag:s5], $0x1900  }
0xb1: {  	[sflag:s5] =	ssyncset.done $0x0  }
0xb2: {  	s8 =	rddreg [dreg:$0x12];
	[sflag:s5] =	ssyncadd.s32 $0xFFFFE700  }
0xb3: {  	[tilespmem:s23], [sflag:$0x5] =	stream.indirect.gather [hbm4b:s4+s18], $0x50, s8, s18, $0xb8;
	[tilespmem:$0x154A0] =	vst v63  }
0xb4: {  	_ =	swait.ge [sflag:s24], $0x1900  }
0xb5: {  	[sflag:s24] =	ssyncset.done $0x0  }
0xb6: {  	s9 =	rddreg [dreg:$0x13];
	[sflag:s24] =	ssyncadd.s32 $0xFFFFE700  }
0xb7: {  	[spmem:s2] =	stream.indirect.scatter.add.s16 [tilespmem:s19], [sflag:$0x7], $0x50, s9, s18, $0xb8;
	[tilespmem:$0x154A0] =	vst v63  }
0xb8: {  	_ =	swait.ge [sflag:s26], $0x1900  }
0xb9: {  	[sflag:s26] =	ssyncset.done $0x0  }
0xba: {  	s13 =	rddreg [dreg:$0x14];
	[sflag:s26] =	ssyncadd.s32 $0xFFFFE700  }
0xbb: {  	[tilespmem:s15], [sflag:$0x1] =	stream.indirect.gather [hbm4b:s4+s18], $0x50, s13, s18, $0xb8;
	[tilespmem:$0x154A0] =	vst v63  }
0xbc: {  	_ =	swait.ge [sflag:s28], $0x1900  }
0xbd: {  	[sflag:s28] =	ssyncset.done $0x0  }
0xbe: {  	s14 =	rddreg [dreg:$0x15];
	[sflag:s28] =	ssyncadd.s32 $0xFFFFE700  }
0xbf: {  	[spmem:s2] =	stream.indirect.scatter.add.s16 [tilespmem:s20], [sflag:$0x8], $0x50, s14, s18, $0xb8;
	[tilespmem:$0x154A0] =	vst v63  }
0xc0: {  	_ =	swait.ge [sflag:s29], $0x1900  }
0xc1: {  	[sflag:s29] =	ssyncset.done $0x0  }
0xc2: {  	s25 =	rddreg [dreg:$0x16];
	[sflag:s29] =	ssyncadd.s32 $0xFFFFE700  }
0xc3: {  	[tilespmem:s19], [sflag:$0x2] =	stream.indirect.gather [hbm4b:s4+s18], $0x50, s25, s18, $0xb8;
	[tilespmem:$0x154A0] =	vst v63  }
0xc4: {  	_ =	swait.ge [sflag:s30], $0x1900  }
0xc5: {  	[sflag:s30] =	ssyncset.done $0x0  }
0xc6: {  	s7 =	rddreg [dreg:$0x17];
	[sflag:s30] =	ssyncadd.s32 $0xFFFFE700  }
0xc7: {  	[spmem:s2] =	stream.indirect.scatter.add.s16 [tilespmem:s21], [sflag:$0x9], $0x50, s7, s18, $0xb8;
	[tilespmem:$0x154A0] =	vst v63  }
0xc8: {  	_ =	swait.ge [sflag:s31], $0x1900  }
0xc9: {  	[sflag:s31] =	ssyncset.done $0x0  }
0xca: {  	s8 =	rddreg [dreg:$0x18];
	[sflag:s31] =	ssyncadd.s32 $0xFFFFE700  }
0xcb: {  	[tilespmem:s20], [sflag:$0x3] =	stream.indirect.gather [hbm4b:s4+s18], $0x50, s8, s18, $0xb8;
	[tilespmem:$0x154A0] =	vst v63  }
0xcc: {  	_ =	swait.ge [sflag:s1], $0x1900  }
0xcd: {  	[sflag:s1] =	ssyncset.done $0x0  }
0xce: {  	s9 =	rddreg [dreg:$0x19];
	[sflag:s1] =	ssyncadd.s32 $0xFFFFE700  }
0xcf: {  	[spmem:s2] =	stream.indirect.scatter.add.s16 [tilespmem:s23], [sflag:$0xA], $0x50, s9, s18, $0xb8;
	[tilespmem:$0x154A0] =	vst v63  }
0xd0: {  	_ =	swait.ge [sflag:s0], $0x1900  }
0xd1: {  	[sflag:s0] =	ssyncset.done $0x0  }
0xd2: {  	s13 =	rddreg [dreg:$0x1a];
	[sflag:s0] =	ssyncadd.s32 $0xFFFFE700  }
0xd3: {  	[tilespmem:s21], [sflag:$0x4] =	stream.indirect.gather [hbm4b:s4+s18], $0x50, s13, s18, $0xb8;
	[tilespmem:$0x154A0] =	vst v63  }
0xd4: {  	_ =	swait.ge [sflag:s22], $0x1900  }
0xd5: {  	[sflag:s22] =	ssyncset.done $0x0  }
0xd6: {  	s14 =	rddreg [dreg:$0x1b];
	[sflag:s22] =	ssyncadd.s32 $0xFFFFE700  }
0xd7: {  	[spmem:s2] =	stream.indirect.scatter.add.s16 [tilespmem:s15], [sflag:$0x6], $0x50, s14, s18, $0xb8;
	[tilespmem:$0x154A0] =	vst v63  }
0xd8: {  	_ =	swait.ge [sflag:s5], $0x1900  }
0xd9: {  	[sflag:s5] =	ssyncset.done $0x0  }
0xda: {  	s25 =	rddreg [dreg:$0x1c];
	[sflag:s5] =	ssyncadd.s32 $0xFFFFE700  }
0xdb: {  	[tilespmem:s23], [sflag:$0x5] =	stream.indirect.gather [hbm4b:s4+s18], $0x50, s25, s18, $0xb8;
	[tilespmem:$0x154A0] =	vst v63  }
0xdc: {  	_ =	swait.ge [sflag:s24], $0x1900  }
0xdd: {  	[sflag:s24] =	ssyncset.done $0x0  }
0xde: {  	s7 =	rddreg [dreg:$0x1d];
	[sflag:s24] =	ssyncadd.s32 $0xFFFFE700  }
0xdf: {  	[spmem:s2] =	stream.indirect.scatter.add.s16 [tilespmem:s19], [sflag:$0x7], $0x50, s7, s18, $0xb8;
	[tilespmem:$0x154A0] =	vst v63  }
0xe0: {  	_ =	swait.ge [sflag:s26], $0x1900  }
0xe1: {  	[sflag:s26] =	ssyncset.done $0x0  }
0xe2: {  	s8 =	rddreg [dreg:$0x1e];
	[sflag:s26] =	ssyncadd.s32 $0xFFFFE700  }
0xe3: {  	[tilespmem:s15], [sflag:$0x1] =	stream.indirect.gather [hbm4b:s4+s18], $0x50, s8, s18, $0xb8;
	[tilespmem:$0x154A0] =	vst v63  }
0xe4: {  	_ =	swait.ge [sflag:s28], $0x1900  }
0xe5: {  	[sflag:s28] =	ssyncset.done $0x0  }
0xe6: {  	s9 =	rddreg [dreg:$0x1f];
	[sflag:s28] =	ssyncadd.s32 $0xFFFFE700  }
0xe7: {  	[spmem:s2] =	stream.indirect.scatter.add.s16 [tilespmem:s20], [sflag:$0x8], $0x50, s9, s18, $0xb8;
	[tilespmem:$0x154A0] =	vst v63  }
0xe8: {  	_ =	swait.ge [sflag:s29], $0x1900  }
0xe9: {  	s13 =	sld [smem:$0x7E9]  }
0xea: {  	[sflag:s29] =	ssyncset.done $0x0  }
0xeb: {  	[sflag:s29] =	ssyncadd.s32 $0xFFFFE700  }
0xec: {  	[tilespmem:s19], [sflag:$0x2] =	stream.indirect.gather [hbm4b:s4+s18], $0x50, s13, s18, $0xb8;
	[tilespmem:$0x154A0] =	vst v63  }
0xed: {  	_ =	swait.ge [sflag:s30], $0x1900  }
0xee: {  	s14 =	sld [smem:$0x7EB]  }
0xef: {  	[sflag:s30] =	ssyncset.done $0x0  }
0xf0: {  	[sflag:s30] =	ssyncadd.s32 $0xFFFFE700  }
0xf1: {  	[spmem:s2] =	stream.indirect.scatter.add.s16 [tilespmem:s21], [sflag:$0x9], $0x50, s14, s18, $0xb8;
	[tilespmem:$0x154A0] =	vst v63  }
0xf2: {  	_ =	swait.ge [sflag:s31], $0x1900  }
0xf3: {  	s25 =	sld [smem:$0x7ED]  }
0xf4: {  	[sflag:s31] =	ssyncset.done $0x0  }
0xf5: {  	[sflag:s31] =	ssyncadd.s32 $0xFFFFE700  }
0xf6: {  	[tilespmem:s20], [sflag:$0x3] =	stream.indirect.gather [hbm4b:s4+s18], $0x50, s25, s18, $0xb8;
	[tilespmem:$0x154A0] =	vst v63  }
0xf7: {  	_ =	swait.ge [sflag:s1], $0x1900  }
0xf8: {  	s7 =	sld [smem:$0x7EF]  }
0xf9: {  	[sflag:s1] =	ssyncset.done $0x0  }
0xfa: {  	[sflag:s1] =	ssyncadd.s32 $0xFFFFE700  }
0xfb: {  	[spmem:s2] =	stream.indirect.scatter.add.s16 [tilespmem:s23], [sflag:$0xA], $0x50, s7, s18, $0xb8;
	[tilespmem:$0x154A0] =	vst v63  }
0xfc: {  	_ =	swait.ge [sflag:s0], $0x1900  }
0xfd: {  	s8 =	sld [smem:$0x7F2]  }
0xfe: {  	[sflag:s0] =	ssyncset.done $0x0  }
0xff: {  	[sflag:s0] =	ssyncadd.s32 $0xFFFFE700  }
0x100: {  	[tilespmem:s21], [sflag:$0x4] =	stream.indirect.gather [hbm4b:s4+s18], $0x50, s8, s18, $0xb8;
	[tilespmem:$0x154A0] =	vst v63  }
0x101: {  	_ =	swait.ge [sflag:s22], $0x1900  }
0x102: {  	s9 =	sld [smem:$0x7F3]  }
0x103: {  	[sflag:s22] =	ssyncset.done $0x0  }
0x104: {  	[sflag:s22] =	ssyncadd.s32 $0xFFFFE700  }
0x105: {  	[spmem:s2] =	stream.indirect.scatter.add.s16 [tilespmem:s15], [sflag:$0x6], $0x50, s9, s18, $0xb8;
	[tilespmem:$0x154A0] =	vst v63  }
0x106: {  	_ =	swait.ge [sflag:s5], $0x1900  }
0x107: {  	s13 =	sld [smem:$0x7F4]  }
0x108: {  	[sflag:s5] =	ssyncset.done $0x0  }
0x109: {  	[sflag:s5] =	ssyncadd.s32 $0xFFFFE700  }
0x10a: {  	[tilespmem:s23], [sflag:$0x5] =	stream.indirect.gather [hbm4b:s4+s18], $0x50, s13, s18, $0xb8;
	[tilespmem:$0x154A0] =	vst v63  }
0x10b: {  	_ =	swait.ge [sflag:s24], $0x1900  }
0x10c: {  	s14 =	sld [smem:$0x7F5]  }
0x10d: {  	[sflag:s24] =	ssyncset.done $0x0  }
0x10e: {  	[sflag:s24] =	ssyncadd.s32 $0xFFFFE700  }
0x10f: {  	[spmem:s2] =	stream.indirect.scatter.add.s16 [tilespmem:s19], [sflag:$0x7], $0x50, s14, s18, $0xb8;
	[tilespmem:$0x154A0] =	vst v63  }
0x110: {  	_ =	swait.ge [sflag:s26], $0x1900  }
0x111: {  	s25 =	sld [smem:$0x7F6]  }
0x112: {  	[sflag:s26] =	ssyncset.done $0x0  }
0x113: {  	[sflag:s26] =	ssyncadd.s32 $0xFFFFE700  }
0x114: {  	[tilespmem:s15], [sflag:$0x1] =	stream.indirect.gather [hbm4b:s4+s18], $0x50, s25, s18, $0xb8;
	[tilespmem:$0x154A0] =	vst v63  }
0x115: {  	_ =	swait.ge [sflag:s28], $0x1900  }
0x116: {  	s7 =	sld [smem:$0x7F7]  }
0x117: {  	[sflag:s28] =	ssyncset.done $0x0  }
0x118: {  	[sflag:s28] =	ssyncadd.s32 $0xFFFFE700  }
0x119: {  	[spmem:s2] =	stream.indirect.scatter.add.s16 [tilespmem:s20], [sflag:$0x8], $0x50, s7, s18, $0xb8;
	[tilespmem:$0x154A0] =	vst v63  }
0x11a: {  	_ =	swait.ge [sflag:s29], $0x1900  }
0x11b: {  	s8 =	sld [smem:$0x7F8]  }
0x11c: {  	[sflag:s29] =	ssyncset.done $0x0  }
0x11d: {  	[sflag:s29] =	ssyncadd.s32 $0xFFFFE700  }
0x11e: {  	[tilespmem:s19], [sflag:$0x2] =	stream.indirect.gather [hbm4b:s4+s18], $0x50, s8, s18, $0xb8;
	[tilespmem:$0x154A0] =	vst v63  }
0x11f: {  	_ =	swait.ge [sflag:s30], $0x1900  }
0x120: {  	s9 =	sld [smem:$0x7F9]  }
0x121: {  	[sflag:s30] =	ssyncset.done $0x0  }
0x122: {  	[sflag:s30] =	ssyncadd.s32 $0xFFFFE700  }
0x123: {  	[spmem:s2] =	stream.indirect.scatter.add.s16 [tilespmem:s21], [sflag:$0x9], $0x50, s9, s18, $0xb8;
	[tilespmem:$0x154A0] =	vst v63  }
0x124: {  	_ =	swait.ge [sflag:s31], $0x1900  }
0x125: {  	s13 =	sld [smem:$0x7FA]  }
0x126: {  	[sflag:s31] =	ssyncset.done $0x0  }
0x127: {  	[sflag:s31] =	ssyncadd.s32 $0xFFFFE700  }
0x128: {  	[tilespmem:s20], [sflag:$0x3] =	stream.indirect.gather [hbm4b:s4+s18], $0x50, s13, s18, $0xb8;
	[tilespmem:$0x154A0] =	vst v63  }
0x129: {  	_ =	swait.ge [sflag:s1], $0x1900  }
0x12a: {  	s14 =	sld [smem:$0x7FB]  }
0x12b: {  	[sflag:s1] =	ssyncset.done $0x0  }
0x12c: {  	[sflag:s1] =	ssyncadd.s32 $0xFFFFE700  }
0x12d: {  	[spmem:s2] =	stream.indirect.scatter.add.s16 [tilespmem:s23], [sflag:$0xA], $0x50, s14, s18, $0xb8;
	[tilespmem:$0x154A0] =	vst v63  }
0x12e: {  	_ =	swait.ge [sflag:s0], $0x1900  }
0x12f: {  	s25 =	sld [smem:$0x7FC]  }
0x130: {  	[sflag:s0] =	ssyncset.done $0x0  }
0x131: {  	[sflag:s0] =	ssyncadd.s32 $0xFFFFE700  }
0x132: {  	[tilespmem:s21], [sflag:$0x4] =	stream.indirect.gather [hbm4b:s4+s18], $0x50, s25, s18, $0xb8;
	[tilespmem:$0x154A0] =	vst v63  }
0x133: {  	_ =	swait.ge [sflag:s22], $0x1900  }
0x134: {  	[sflag:s22] =	ssyncset.done $0x0  }
0x135: {  	s8 =	simm.s32 $0xE10;
	[sflag:s22] =	ssyncadd.s32 $0xFFFFE700  }
0x136: {  	[spmem:s2] =	stream.indirect.scatter.add.s16 [tilespmem:s15], [sflag:$0x6], $0x50, s8, s18, $0xb8;
	[tilespmem:$0x154A0] =	vst v63  }
0x137: {  	_ =	swait.ge [sflag:s5], $0x1900  }
0x138: {  	[sflag:s5] =	ssyncset.done $0x0  }
0x139: {  	s9 =	simm.s32 $0x780;
	[sflag:s5] =	ssyncadd.s32 $0xFFFFE700  }
0x13a: {  	[tilespmem:s23], [sflag:$0x5] =	stream.indirect.gather [hbm4b:s4+s18], $0x50, s9, s18, $0xb8;
	[tilespmem:$0x154A0] =	vst v63  }
0x13b: {  	_ =	swait.ge [sflag:s24], $0x1900  }
0x13c: {  	[sflag:s24] =	ssyncset.done $0x0  }
0x13d: {  	s13 =	simm.s32 $0xE60;
	[sflag:s24] =	ssyncadd.s32 $0xFFFFE700  }
0x13e: {  	[spmem:s2] =	stream.indirect.scatter.add.s16 [tilespmem:s19], [sflag:$0x7], $0x50, s13, s18, $0xb8;
	[tilespmem:$0x154A0] =	vst v63  }
0x13f: {  	_ =	swait.ge [sflag:s26], $0x1900  }
0x140: {  	[sflag:s26] =	ssyncset.done $0x0  }
0x141: {  	[sflag:s26] =	ssyncadd.s32 $0xFFFFE700  }
0x142: {  	_ =	swait.ge [sflag:s28], $0x1900  }
0x143: {  	[sflag:s28] =	ssyncset.done $0x0  }
0x144: {  	[sflag:s28] =	ssyncadd.s32 $0xFFFFE700  }
0x145: {  	[spmem:s2] =	stream.indirect.scatter.add.s16 [tilespmem:s20], [sflag:$0x8], $0x50, s10, s18, $0xb8;
	[tilespmem:$0x154A0] =	vst v63  }
0x146: {  	_ =	swait.ge [sflag:s29], $0x1900  }
0x147: {  	[sflag:s29] =	ssyncset.done $0x0  }
0x148: {  	[sflag:s29] =	ssyncadd.s32 $0xFFFFE700  }
0x149: {  	_ =	swait.ge [sflag:s30], $0x1900  }
0x14a: {  	[sflag:s30] =	ssyncset.done $0x0  }
0x14b: {  	[sflag:s30] =	ssyncadd.s32 $0xFFFFE700  }
0x14c: {  	[spmem:s2] =	stream.indirect.scatter.add.s16 [tilespmem:s21], [sflag:$0x9], $0x50, s11, s18, $0xb8;
	[tilespmem:$0x154A0] =	vst v63  }
0x14d: {  	_ =	swait.ge [sflag:s31], $0x1900  }
0x14e: {  	[sflag:s31] =	ssyncset.done $0x0  }
0x14f: {  	[sflag:s31] =	ssyncadd.s32 $0xFFFFE700  }
0x150: {  	_ =	swait.ge [sflag:s1], $0x1900  }
0x151: {  	[sflag:s1] =	ssyncset.done $0x0  }
0x152: {  	[sflag:s1] =	ssyncadd.s32 $0xFFFFE700  }
0x153: {  	[spmem:s2] =	stream.indirect.scatter.add.s16 [tilespmem:s23], [sflag:$0xA], $0x50, s12, s18, $0xb8;
	[tilespmem:$0x154A0] =	vst v63  }
0x154: {  	_ =	swait.ge [sflag:s0], $0x1900  }
0x155: {  	[sflag:s0] =	ssyncset.done $0x0  }
0x156: {  	[sflag:s0] =	ssyncadd.s32 $0xFFFFE700  }
0x157: {  	s14 =	simm.s32 $0xFA;
	_ =	swait.ge [sflag:s5], $0x1900  }
0x158: {  	s25 =	simm.s32 $0x1F4;
	s7 =	rddreg [dreg:$0x4];
	[sflag:s5] =	ssyncset.done $0x0  }
.LBB2_4:
0x159: {  	[sflag:s5] =	ssyncadd.s32 $0xFFFFE700;
	s7 =	sadd.s32 s14, s7  }
0x15a: {  	[tilespmem:s3], [sflag:$0xB] =	stream.linear.gather [hbm4b:s7+s3], $0x7D0, $0x38;
	[tilespmem:$0x154A0] =	vst v63  }
0x15b: {  	_ =	swait.ge [sflag:s16], $0x7D0  }
0x15c: {  	s7 =	rddreg [dreg:$0x5];
	[sflag:s16] =	ssyncset.done $0x0  }
0x15d: {  	[sflag:s16] =	ssyncadd.s32 $0xFFFFF830;
	s7 =	sadd.s32 s14, s7  }
0x15e: {  	[tilespmem:s17], [sflag:$0xB] =	stream.linear.gather [hbm4b:s7+s3], $0x7D0, $0x38;
	[tilespmem:$0x154A0] =	vst v63  }
0x15f: {  	_ =	swait.ge [sflag:s16], $0x7D0  }
0x160: {  	[sflag:s16] =	ssyncset.done $0x0  }
0x161: {  	[sflag:s16] =	ssyncadd.s32 $0xFFFFF830  }
0x162: {  	[tilespmem:s15], [sflag:$0x1] =	stream.indirect.gather [hbm4b:s4+s18], $0x50, s3, s18, $0xb8;
	[tilespmem:$0x154A0] =	vst v63  }
0x163: {  	s6 =	smov.u32 s25  }
0x164: {  	[tilespmem:s19], [sflag:$0x2] =	stream.indirect.gather [hbm4b:s4+s18], $0x50, s18, s18, $0xb8;
	[tilespmem:$0x154A0] =	vst v63  }
0x165: {  	s14 =	smov.u32 s6;
	s6 =	rddreg [dreg:$0x6]  }
0x166: {  	[tilespmem:s20], [sflag:$0x3] =	stream.indirect.gather [hbm4b:s4+s18], $0x50, s6, s18, $0xb8;
	[tilespmem:$0x154A0] =	vst v63  }
0x167: {  	s7 =	rddreg [dreg:$0x7]  }
0x168: {  	[tilespmem:s21], [sflag:$0x4] =	stream.indirect.gather [hbm4b:s4+s18], $0x50, s7, s18, $0xb8;
	[tilespmem:$0x154A0] =	vst v63  }
0x169: {  	_ =	swait.ge [sflag:s22], $0x1900  }
0x16a: {  	[sflag:s22] =	ssyncset.done $0x0  }
0x16b: {  	[sflag:s22] =	ssyncadd.s32 $0xFFFFE700  }
0x16c: {  	[spmem:s2] =	stream.indirect.scatter.add.s16 [tilespmem:s15], [sflag:$0x6], $0x50, s17, s18, $0xb8;
	[tilespmem:$0x154A0] =	vst v63  }
0x16d: {  	s7 =	rddreg [dreg:$0x8]  }
0x16e: {  	[tilespmem:s23], [sflag:$0x5] =	stream.indirect.gather [hbm4b:s4+s18], $0x50, s7, s18, $0xb8;
	[tilespmem:$0x154A0] =	vst v63  }
0x16f: {  	_ =	swait.ge [sflag:s24], $0x1900  }
0x170: {  	[sflag:s24] =	ssyncset.done $0x0  }
0x171: {  	s7 =	rddreg [dreg:$0x9];
	[sflag:s24] =	ssyncadd.s32 $0xFFFFE700  }
0x172: {  	[spmem:s2] =	stream.indirect.scatter.add.s16 [tilespmem:s19], [sflag:$0x7], $0x50, s7, s18, $0xb8;
	[tilespmem:$0x154A0] =	vst v63  }
0x173: {  	_ =	swait.ge [sflag:s26], $0x1900  }
0x174: {  	[sflag:s26] =	ssyncset.done $0x0  }
0x175: {  	s7 =	rddreg [dreg:$0xa];
	[sflag:s26] =	ssyncadd.s32 $0xFFFFE700  }
0x176: {  	[tilespmem:s15], [sflag:$0x1] =	stream.indirect.gather [hbm4b:s4+s18], $0x50, s7, s18, $0xb8;
	[tilespmem:$0x154A0] =	vst v63  }
0x177: {  	_ =	swait.ge [sflag:s28], $0x1900  }
0x178: {  	[sflag:s28] =	ssyncset.done $0x0  }
0x179: {  	s7 =	rddreg [dreg:$0xb];
	[sflag:s28] =	ssyncadd.s32 $0xFFFFE700  }
0x17a: {  	[spmem:s2] =	stream.indirect.scatter.add.s16 [tilespmem:s20], [sflag:$0x8], $0x50, s7, s18, $0xb8;
	[tilespmem:$0x154A0] =	vst v63  }
0x17b: {  	_ =	swait.ge [sflag:s29], $0x1900  }
0x17c: {  	[sflag:s29] =	ssyncset.done $0x0  }
0x17d: {  	s7 =	rddreg [dreg:$0xc];
	[sflag:s29] =	ssyncadd.s32 $0xFFFFE700  }
0x17e: {  	[tilespmem:s19], [sflag:$0x2] =	stream.indirect.gather [hbm4b:s4+s18], $0x50, s7, s18, $0xb8;
	[tilespmem:$0x154A0] =	vst v63  }
0x17f: {  	_ =	swait.ge [sflag:s30], $0x1900  }
0x180: {  	[sflag:s30] =	ssyncset.done $0x0  }
0x181: {  	s7 =	rddreg [dreg:$0xd];
	[sflag:s30] =	ssyncadd.s32 $0xFFFFE700  }
0x182: {  	[spmem:s2] =	stream.indirect.scatter.add.s16 [tilespmem:s21], [sflag:$0x9], $0x50, s7, s18, $0xb8;
	[tilespmem:$0x154A0] =	vst v63  }
0x183: {  	_ =	swait.ge [sflag:s31], $0x1900  }
0x184: {  	[sflag:s31] =	ssyncset.done $0x0  }
0x185: {  	s7 =	rddreg [dreg:$0xe];
	[sflag:s31] =	ssyncadd.s32 $0xFFFFE700  }
0x186: {  	[tilespmem:s20], [sflag:$0x3] =	stream.indirect.gather [hbm4b:s4+s18], $0x50, s7, s18, $0xb8;
	[tilespmem:$0x154A0] =	vst v63  }
0x187: {  	_ =	swait.ge [sflag:s1], $0x1900  }
0x188: {  	[sflag:s1] =	ssyncset.done $0x0  }
0x189: {  	s7 =	rddreg [dreg:$0xf];
	[sflag:s1] =	ssyncadd.s32 $0xFFFFE700  }
0x18a: {  	[spmem:s2] =	stream.indirect.scatter.add.s16 [tilespmem:s23], [sflag:$0xA], $0x50, s7, s18, $0xb8;
	[tilespmem:$0x154A0] =	vst v63  }
0x18b: {  	_ =	swait.ge [sflag:s0], $0x1900  }
0x18c: {  	[sflag:s0] =	ssyncset.done $0x0  }
0x18d: {  	s7 =	rddreg [dreg:$0x10];
	[sflag:s0] =	ssyncadd.s32 $0xFFFFE700  }
0x18e: {  	[tilespmem:s21], [sflag:$0x4] =	stream.indirect.gather [hbm4b:s4+s18], $0x50, s7, s18, $0xb8;
	[tilespmem:$0x154A0] =	vst v63  }
0x18f: {  	_ =	swait.ge [sflag:s22], $0x1900  }
0x190: {  	[sflag:s22] =	ssyncset.done $0x0  }
0x191: {  	s7 =	rddreg [dreg:$0x11];
	[sflag:s22] =	ssyncadd.s32 $0xFFFFE700  }
0x192: {  	[spmem:s2] =	stream.indirect.scatter.add.s16 [tilespmem:s15], [sflag:$0x6], $0x50, s7, s18, $0xb8;
	[tilespmem:$0x154A0] =	vst v63  }
0x193: {  	_ =	swait.ge [sflag:s5], $0x1900  }
0x194: {  	[sflag:s5] =	ssyncset.done $0x0  }
0x195: {  	s7 =	rddreg [dreg:$0x12];
	[sflag:s5] =	ssyncadd.s32 $0xFFFFE700  }
0x196: {  	[tilespmem:s23], [sflag:$0x5] =	stream.indirect.gather [hbm4b:s4+s18], $0x50, s7, s18, $0xb8;
	[tilespmem:$0x154A0] =	vst v63  }
0x197: {  	_ =	swait.ge [sflag:s24], $0x1900  }
0x198: {  	[sflag:s24] =	ssyncset.done $0x0  }
0x199: {  	s7 =	rddreg [dreg:$0x13];
	[sflag:s24] =	ssyncadd.s32 $0xFFFFE700  }
0x19a: {  	[spmem:s2] =	stream.indirect.scatter.add.s16 [tilespmem:s19], [sflag:$0x7], $0x50, s7, s18, $0xb8;
	[tilespmem:$0x154A0] =	vst v63  }
0x19b: {  	_ =	swait.ge [sflag:s26], $0x1900  }
0x19c: {  	[sflag:s26] =	ssyncset.done $0x0  }
0x19d: {  	s7 =	rddreg [dreg:$0x14];
	[sflag:s26] =	ssyncadd.s32 $0xFFFFE700  }
0x19e: {  	[tilespmem:s15], [sflag:$0x1] =	stream.indirect.gather [hbm4b:s4+s18], $0x50, s7, s18, $0xb8;
	[tilespmem:$0x154A0] =	vst v63  }
0x19f: {  	_ =	swait.ge [sflag:s28], $0x1900  }
0x1a0: {  	[sflag:s28] =	ssyncset.done $0x0  }
0x1a1: {  	s7 =	rddreg [dreg:$0x15];
	[sflag:s28] =	ssyncadd.s32 $0xFFFFE700  }
0x1a2: {  	[spmem:s2] =	stream.indirect.scatter.add.s16 [tilespmem:s20], [sflag:$0x8], $0x50, s7, s18, $0xb8;
	[tilespmem:$0x154A0] =	vst v63  }
0x1a3: {  	_ =	swait.ge [sflag:s29], $0x1900  }
0x1a4: {  	[sflag:s29] =	ssyncset.done $0x0  }
0x1a5: {  	s7 =	rddreg [dreg:$0x16];
	[sflag:s29] =	ssyncadd.s32 $0xFFFFE700  }
0x1a6: {  	[tilespmem:s19], [sflag:$0x2] =	stream.indirect.gather [hbm4b:s4+s18], $0x50, s7, s18, $0xb8;
	[tilespmem:$0x154A0] =	vst v63  }
0x1a7: {  	_ =	swait.ge [sflag:s30], $0x1900  }
0x1a8: {  	[sflag:s30] =	ssyncset.done $0x0  }
0x1a9: {  	s7 =	rddreg [dreg:$0x17];
	[sflag:s30] =	ssyncadd.s32 $0xFFFFE700  }
0x1aa: {  	[spmem:s2] =	stream.indirect.scatter.add.s16 [tilespmem:s21], [sflag:$0x9], $0x50, s7, s18, $0xb8;
	[tilespmem:$0x154A0] =	vst v63  }
0x1ab: {  	_ =	swait.ge [sflag:s31], $0x1900  }
0x1ac: {  	[sflag:s31] =	ssyncset.done $0x0  }
0x1ad: {  	s7 =	rddreg [dreg:$0x18];
	[sflag:s31] =	ssyncadd.s32 $0xFFFFE700  }
0x1ae: {  	[tilespmem:s20], [sflag:$0x3] =	stream.indirect.gather [hbm4b:s4+s18], $0x50, s7, s18, $0xb8;
	[tilespmem:$0x154A0] =	vst v63  }
0x1af: {  	_ =	swait.ge [sflag:s1], $0x1900  }
0x1b0: {  	[sflag:s1] =	ssyncset.done $0x0  }
0x1b1: {  	s7 =	rddreg [dreg:$0x19];
	[sflag:s1] =	ssyncadd.s32 $0xFFFFE700  }
0x1b2: {  	[spmem:s2] =	stream.indirect.scatter.add.s16 [tilespmem:s23], [sflag:$0xA], $0x50, s7, s18, $0xb8;
	[tilespmem:$0x154A0] =	vst v63  }
0x1b3: {  	_ =	swait.ge [sflag:s0], $0x1900  }
0x1b4: {  	[sflag:s0] =	ssyncset.done $0x0  }
0x1b5: {  	s7 =	rddreg [dreg:$0x1a];
	[sflag:s0] =	ssyncadd.s32 $0xFFFFE700  }
0x1b6: {  	[tilespmem:s21], [sflag:$0x4] =	stream.indirect.gather [hbm4b:s4+s18], $0x50, s7, s18, $0xb8;
	[tilespmem:$0x154A0] =	vst v63  }
0x1b7: {  	_ =	swait.ge [sflag:s22], $0x1900  }
0x1b8: {  	[sflag:s22] =	ssyncset.done $0x0  }
0x1b9: {  	s7 =	rddreg [dreg:$0x1b];
	[sflag:s22] =	ssyncadd.s32 $0xFFFFE700  }
0x1ba: {  	[spmem:s2] =	stream.indirect.scatter.add.s16 [tilespmem:s15], [sflag:$0x6], $0x50, s7, s18, $0xb8;
	[tilespmem:$0x154A0] =	vst v63  }
0x1bb: {  	_ =	swait.ge [sflag:s5], $0x1900  }
0x1bc: {  	[sflag:s5] =	ssyncset.done $0x0  }
0x1bd: {  	s7 =	rddreg [dreg:$0x1c];
	[sflag:s5] =	ssyncadd.s32 $0xFFFFE700  }
0x1be: {  	[tilespmem:s23], [sflag:$0x5] =	stream.indirect.gather [hbm4b:s4+s18], $0x50, s7, s18, $0xb8;
	[tilespmem:$0x154A0] =	vst v63  }
0x1bf: {  	_ =	swait.ge [sflag:s24], $0x1900  }
0x1c0: {  	[sflag:s24] =	ssyncset.done $0x0  }
0x1c1: {  	s7 =	rddreg [dreg:$0x1d];
	[sflag:s24] =	ssyncadd.s32 $0xFFFFE700  }
0x1c2: {  	[spmem:s2] =	stream.indirect.scatter.add.s16 [tilespmem:s19], [sflag:$0x7], $0x50, s7, s18, $0xb8;
	[tilespmem:$0x154A0] =	vst v63  }
0x1c3: {  	_ =	swait.ge [sflag:s26], $0x1900  }
0x1c4: {  	[sflag:s26] =	ssyncset.done $0x0  }
0x1c5: {  	s7 =	rddreg [dreg:$0x1e];
	[sflag:s26] =	ssyncadd.s32 $0xFFFFE700  }
0x1c6: {  	[tilespmem:s15], [sflag:$0x1] =	stream.indirect.gather [hbm4b:s4+s18], $0x50, s7, s18, $0xb8;
	[tilespmem:$0x154A0] =	vst v63  }
0x1c7: {  	_ =	swait.ge [sflag:s28], $0x1900  }
0x1c8: {  	[sflag:s28] =	ssyncset.done $0x0  }
0x1c9: {  	s7 =	rddreg [dreg:$0x1f];
	[sflag:s28] =	ssyncadd.s32 $0xFFFFE700  }
0x1ca: {  	[spmem:s2] =	stream.indirect.scatter.add.s16 [tilespmem:s20], [sflag:$0x8], $0x50, s7, s18, $0xb8;
	[tilespmem:$0x154A0] =	vst v63  }
0x1cb: {  	_ =	swait.ge [sflag:s29], $0x1900  }
0x1cc: {  	s7 =	sld [smem:$0x7E9]  }
0x1cd: {  	[sflag:s29] =	ssyncset.done $0x0  }
0x1ce: {  	[sflag:s29] =	ssyncadd.s32 $0xFFFFE700  }
0x1cf: {  	[tilespmem:s19], [sflag:$0x2] =	stream.indirect.gather [hbm4b:s4+s18], $0x50, s7, s18, $0xb8;
	[tilespmem:$0x154A0] =	vst v63  }
0x1d0: {  	_ =	swait.ge [sflag:s30], $0x1900  }
0x1d1: {  	s7 =	sld [smem:$0x7EB]  }
0x1d2: {  	[sflag:s30] =	ssyncset.done $0x0  }
0x1d3: {  	[sflag:s30] =	ssyncadd.s32 $0xFFFFE700  }
0x1d4: {  	[spmem:s2] =	stream.indirect.scatter.add.s16 [tilespmem:s21], [sflag:$0x9], $0x50, s7, s18, $0xb8;
	[tilespmem:$0x154A0] =	vst v63  }
0x1d5: {  	_ =	swait.ge [sflag:s31], $0x1900  }
0x1d6: {  	s7 =	sld [smem:$0x7ED]  }
0x1d7: {  	[sflag:s31] =	ssyncset.done $0x0  }
0x1d8: {  	[sflag:s31] =	ssyncadd.s32 $0xFFFFE700  }
0x1d9: {  	[tilespmem:s20], [sflag:$0x3] =	stream.indirect.gather [hbm4b:s4+s18], $0x50, s7, s18, $0xb8;
	[tilespmem:$0x154A0] =	vst v63  }
0x1da: {  	_ =	swait.ge [sflag:s1], $0x1900  }
0x1db: {  	s7 =	sld [smem:$0x7EF]  }
0x1dc: {  	[sflag:s1] =	ssyncset.done $0x0  }
0x1dd: {  	[sflag:s1] =	ssyncadd.s32 $0xFFFFE700  }
0x1de: {  	[spmem:s2] =	stream.indirect.scatter.add.s16 [tilespmem:s23], [sflag:$0xA], $0x50, s7, s18, $0xb8;
	[tilespmem:$0x154A0] =	vst v63  }
0x1df: {  	_ =	swait.ge [sflag:s0], $0x1900  }
0x1e0: {  	s7 =	sld [smem:$0x7F2]  }
0x1e1: {  	[sflag:s0] =	ssyncset.done $0x0  }
0x1e2: {  	[sflag:s0] =	ssyncadd.s32 $0xFFFFE700  }
0x1e3: {  	[tilespmem:s21], [sflag:$0x4] =	stream.indirect.gather [hbm4b:s4+s18], $0x50, s7, s18, $0xb8;
	[tilespmem:$0x154A0] =	vst v63  }
0x1e4: {  	_ =	swait.ge [sflag:s22], $0x1900  }
0x1e5: {  	s7 =	sld [smem:$0x7F3]  }
0x1e6: {  	[sflag:s22] =	ssyncset.done $0x0  }
0x1e7: {  	[sflag:s22] =	ssyncadd.s32 $0xFFFFE700  }
0x1e8: {  	[spmem:s2] =	stream.indirect.scatter.add.s16 [tilespmem:s15], [sflag:$0x6], $0x50, s7, s18, $0xb8;
	[tilespmem:$0x154A0] =	vst v63  }
0x1e9: {  	_ =	swait.ge [sflag:s5], $0x1900  }
0x1ea: {  	s7 =	sld [smem:$0x7F4]  }
0x1eb: {  	[sflag:s5] =	ssyncset.done $0x0  }
0x1ec: {  	[sflag:s5] =	ssyncadd.s32 $0xFFFFE700  }
0x1ed: {  	[tilespmem:s23], [sflag:$0x5] =	stream.indirect.gather [hbm4b:s4+s18], $0x50, s7, s18, $0xb8;
	[tilespmem:$0x154A0] =	vst v63  }
0x1ee: {  	_ =	swait.ge [sflag:s24], $0x1900  }
0x1ef: {  	s7 =	sld [smem:$0x7F5]  }
0x1f0: {  	[sflag:s24] =	ssyncset.done $0x0  }
0x1f1: {  	[sflag:s24] =	ssyncadd.s32 $0xFFFFE700  }
0x1f2: {  	[spmem:s2] =	stream.indirect.scatter.add.s16 [tilespmem:s19], [sflag:$0x7], $0x50, s7, s18, $0xb8;
	[tilespmem:$0x154A0] =	vst v63  }
0x1f3: {  	_ =	swait.ge [sflag:s26], $0x1900  }
0x1f4: {  	s7 =	sld [smem:$0x7F6]  }
0x1f5: {  	[sflag:s26] =	ssyncset.done $0x0  }
0x1f6: {  	[sflag:s26] =	ssyncadd.s32 $0xFFFFE700  }
0x1f7: {  	[tilespmem:s15], [sflag:$0x1] =	stream.indirect.gather [hbm4b:s4+s18], $0x50, s7, s18, $0xb8;
	[tilespmem:$0x154A0] =	vst v63  }
0x1f8: {  	_ =	swait.ge [sflag:s28], $0x1900  }
0x1f9: {  	s7 =	sld [smem:$0x7F7]  }
0x1fa: {  	[sflag:s28] =	ssyncset.done $0x0  }
0x1fb: {  	[sflag:s28] =	ssyncadd.s32 $0xFFFFE700  }
0x1fc: {  	[spmem:s2] =	stream.indirect.scatter.add.s16 [tilespmem:s20], [sflag:$0x8], $0x50, s7, s18, $0xb8;
	[tilespmem:$0x154A0] =	vst v63  }
0x1fd: {  	_ =	swait.ge [sflag:s29], $0x1900  }
0x1fe: {  	s7 =	sld [smem:$0x7F8]  }
0x1ff: {  	[sflag:s29] =	ssyncset.done $0x0  }
0x200: {  	[sflag:s29] =	ssyncadd.s32 $0xFFFFE700  }
0x201: {  	[tilespmem:s19], [sflag:$0x2] =	stream.indirect.gather [hbm4b:s4+s18], $0x50, s7, s18, $0xb8;
	[tilespmem:$0x154A0] =	vst v63  }
0x202: {  	_ =	swait.ge [sflag:s30], $0x1900  }
0x203: {  	s7 =	sld [smem:$0x7F9]  }
0x204: {  	[sflag:s30] =	ssyncset.done $0x0  }
0x205: {  	[sflag:s30] =	ssyncadd.s32 $0xFFFFE700  }
0x206: {  	[spmem:s2] =	stream.indirect.scatter.add.s16 [tilespmem:s21], [sflag:$0x9], $0x50, s7, s18, $0xb8;
	[tilespmem:$0x154A0] =	vst v63  }
0x207: {  	_ =	swait.ge [sflag:s31], $0x1900  }
0x208: {  	s7 =	sld [smem:$0x7FA]  }
0x209: {  	[sflag:s31] =	ssyncset.done $0x0  }
0x20a: {  	[sflag:s31] =	ssyncadd.s32 $0xFFFFE700  }
0x20b: {  	[tilespmem:s20], [sflag:$0x3] =	stream.indirect.gather [hbm4b:s4+s18], $0x50, s7, s18, $0xb8;
	[tilespmem:$0x154A0] =	vst v63  }
0x20c: {  	_ =	swait.ge [sflag:s1], $0x1900  }
0x20d: {  	s7 =	sld [smem:$0x7FB]  }
0x20e: {  	[sflag:s1] =	ssyncset.done $0x0  }
0x20f: {  	[sflag:s1] =	ssyncadd.s32 $0xFFFFE700  }
0x210: {  	[spmem:s2] =	stream.indirect.scatter.add.s16 [tilespmem:s23], [sflag:$0xA], $0x50, s7, s18, $0xb8;
	[tilespmem:$0x154A0] =	vst v63  }
0x211: {  	_ =	swait.ge [sflag:s0], $0x1900  }
0x212: {  	s7 =	sld [smem:$0x7FC]  }
0x213: {  	[sflag:s0] =	ssyncset.done $0x0  }
0x214: {  	[sflag:s0] =	ssyncadd.s32 $0xFFFFE700  }
0x215: {  	[tilespmem:s21], [sflag:$0x4] =	stream.indirect.gather [hbm4b:s4+s18], $0x50, s7, s18, $0xb8;
	[tilespmem:$0x154A0] =	vst v63  }
0x216: {  	_ =	swait.ge [sflag:s22], $0x1900  }
0x217: {  	[sflag:s22] =	ssyncset.done $0x0  }
0x218: {  	[sflag:s22] =	ssyncadd.s32 $0xFFFFE700  }
0x219: {  	[spmem:s2] =	stream.indirect.scatter.add.s16 [tilespmem:s15], [sflag:$0x6], $0x50, s8, s18, $0xb8;
	[tilespmem:$0x154A0] =	vst v63  }
0x21a: {  	_ =	swait.ge [sflag:s5], $0x1900  }
0x21b: {  	[sflag:s5] =	ssyncset.done $0x0  }
0x21c: {  	[sflag:s5] =	ssyncadd.s32 $0xFFFFE700  }
0x21d: {  	[tilespmem:s23], [sflag:$0x5] =	stream.indirect.gather [hbm4b:s4+s18], $0x50, s9, s18, $0xb8;
	[tilespmem:$0x154A0] =	vst v63  }
0x21e: {  	_ =	swait.ge [sflag:s24], $0x1900  }
0x21f: {  	[sflag:s24] =	ssyncset.done $0x0  }
0x220: {  	[sflag:s24] =	ssyncadd.s32 $0xFFFFE700  }
0x221: {  	[spmem:s2] =	stream.indirect.scatter.add.s16 [tilespmem:s19], [sflag:$0x7], $0x50, s13, s18, $0xb8;
	[tilespmem:$0x154A0] =	vst v63  }
0x222: {  	_ =	swait.ge [sflag:s26], $0x1900  }
0x223: {  	[sflag:s26] =	ssyncset.done $0x0  }
0x224: {  	[sflag:s26] =	ssyncadd.s32 $0xFFFFE700  }
0x225: {  	_ =	swait.ge [sflag:s28], $0x1900  }
0x226: {  	[sflag:s28] =	ssyncset.done $0x0  }
0x227: {  	[sflag:s28] =	ssyncadd.s32 $0xFFFFE700  }
0x228: {  	[spmem:s2] =	stream.indirect.scatter.add.s16 [tilespmem:s20], [sflag:$0x8], $0x50, s10, s18, $0xb8;
	[tilespmem:$0x154A0] =	vst v63  }
0x229: {  	_ =	swait.ge [sflag:s29], $0x1900  }
0x22a: {  	[sflag:s29] =	ssyncset.done $0x0  }
0x22b: {  	[sflag:s29] =	ssyncadd.s32 $0xFFFFE700  }
0x22c: {  	_ =	swait.ge [sflag:s30], $0x1900  }
0x22d: {  	[sflag:s30] =	ssyncset.done $0x0  }
0x22e: {  	[sflag:s30] =	ssyncadd.s32 $0xFFFFE700  }
0x22f: {  	[spmem:s2] =	stream.indirect.scatter.add.s16 [tilespmem:s21], [sflag:$0x9], $0x50, s11, s18, $0xb8;
	[tilespmem:$0x154A0] =	vst v63  }
0x230: {  	_ =	swait.ge [sflag:s31], $0x1900  }
0x231: {  	[sflag:s31] =	ssyncset.done $0x0  }
0x232: {  	[sflag:s31] =	ssyncadd.s32 $0xFFFFE700  }
0x233: {  	_ =	swait.ge [sflag:s1], $0x1900  }
0x234: {  	[sflag:s1] =	ssyncset.done $0x0  }
0x235: {  	p0 =	sne.s32 s25, $0x3E8;
	[sflag:s1] =	ssyncadd.s32 $0xFFFFE700  }
0x236: {  	[spmem:s2] =	stream.indirect.scatter.add.s16 [tilespmem:s23], [sflag:$0xA], $0x50, s12, s18, $0xb8;
	[tilespmem:$0x154A0] =	vst v63  }
.Ltmp1:
0x237: {  	_ =	swait.ge [sflag:s0], $0x1900;
	(pc) =	sbr.rel @p0 .LBB2_4-.Ltmp1, $4  }
0x238: {  	[sflag:s0] =	ssyncset.done $0x0  }
0x239: {  	[sflag:s0] =	ssyncadd.s32 $0xFFFFE700  }
0x23a: {  	_ =	swait.ge [sflag:s5], $0x1900  }
0x23b: {  	s25 =	sadd.s32 $0xFA, s25;
	s7 =	rddreg [dreg:$0x4];
	[sflag:s5] =	ssyncset.done $0x0  }
0x23c: {  	[sflag:s5] =	ssyncadd.s32 $0xFFFFE700;
	s6 =	sadd.s32 s14, s7  }
0x23d: {  	[tilespmem:s3], [sflag:$0xB] =	stream.linear.gather [hbm4b:s6+s3], $0x7D0, $0x38;
	[tilespmem:$0x154A0] =	vst v63  }
0x23e: {  	_ =	swait.ge [sflag:s16], $0x7D0  }
0x23f: {  	s7 =	rddreg [dreg:$0x5];
	[sflag:s16] =	ssyncset.done $0x0  }
0x240: {  	[sflag:s16] =	ssyncadd.s32 $0xFFFFF830;
	s6 =	sadd.s32 s14, s7  }
0x241: {  	[tilespmem:s17], [sflag:$0xB] =	stream.linear.gather [hbm4b:s6+s3], $0x7D0, $0x38;
	[tilespmem:$0x154A0] =	vst v63  }
0x242: {  	_ =	swait.ge [sflag:s16], $0x7D0  }
0x243: {  	[sflag:s16] =	ssyncset.done $0x0  }
0x244: {  	[sflag:s16] =	ssyncadd.s32 $0xFFFFF830  }
0x245: {  	[tilespmem:s15], [sflag:$0x1] =	stream.indirect.gather [hbm4b:s4+s18], $0x50, s3, s18, $0xb8;
	[tilespmem:$0x154A0] =	vst v63  }
0x246: {  	_ = 	snop  }
0x247: {  	[tilespmem:s19], [sflag:$0x2] =	stream.indirect.gather [hbm4b:s4+s18], $0x50, s18, s18, $0xb8;
	[tilespmem:$0x154A0] =	vst v63  }
0x248: {  	s14 =	rddreg [dreg:$0x6]  }
0x249: {  	[tilespmem:s20], [sflag:$0x3] =	stream.indirect.gather [hbm4b:s4+s18], $0x50, s14, s18, $0xb8;
	[tilespmem:$0x154A0] =	vst v63  }
0x24a: {  	s25 =	rddreg [dreg:$0x7]  }
0x24b: {  	[tilespmem:s21], [sflag:$0x4] =	stream.indirect.gather [hbm4b:s4+s18], $0x50, s25, s18, $0xb8;
	[tilespmem:$0x154A0] =	vst v63  }
0x24c: {  	_ =	swait.ge [sflag:s22], $0x1900  }
0x24d: {  	[sflag:s22] =	ssyncset.done $0x0  }
0x24e: {  	[sflag:s22] =	ssyncadd.s32 $0xFFFFE700  }
0x24f: {  	[spmem:s2] =	stream.indirect.scatter.add.s16 [tilespmem:s15], [sflag:$0x6], $0x50, s17, s18, $0xb8;
	[tilespmem:$0x154A0] =	vst v63  }
0x250: {  	s14 =	rddreg [dreg:$0x8]  }
0x251: {  	[tilespmem:s23], [sflag:$0x5] =	stream.indirect.gather [hbm4b:s4+s18], $0x50, s14, s18, $0xb8;
	[tilespmem:$0x154A0] =	vst v63  }
0x252: {  	_ =	swait.ge [sflag:s24], $0x1900  }
0x253: {  	[sflag:s24] =	ssyncset.done $0x0  }
0x254: {  	s25 =	rddreg [dreg:$0x9];
	[sflag:s24] =	ssyncadd.s32 $0xFFFFE700  }
0x255: {  	[spmem:s2] =	stream.indirect.scatter.add.s16 [tilespmem:s19], [sflag:$0x7], $0x50, s25, s18, $0xb8;
	[tilespmem:$0x154A0] =	vst v63  }
0x256: {  	_ =	swait.ge [sflag:s26], $0x1900  }
0x257: {  	[sflag:s26] =	ssyncset.done $0x0  }
0x258: {  	s7 =	rddreg [dreg:$0xa];
	[sflag:s26] =	ssyncadd.s32 $0xFFFFE700  }
0x259: {  	[tilespmem:s15], [sflag:$0x1] =	stream.indirect.gather [hbm4b:s4+s18], $0x50, s7, s18, $0xb8;
	[tilespmem:$0x154A0] =	vst v63  }
0x25a: {  	_ =	swait.ge [sflag:s28], $0x1900  }
0x25b: {  	[sflag:s28] =	ssyncset.done $0x0  }
0x25c: {  	s14 =	rddreg [dreg:$0xb];
	[sflag:s28] =	ssyncadd.s32 $0xFFFFE700  }
0x25d: {  	[spmem:s2] =	stream.indirect.scatter.add.s16 [tilespmem:s20], [sflag:$0x8], $0x50, s14, s18, $0xb8;
	[tilespmem:$0x154A0] =	vst v63  }
0x25e: {  	_ =	swait.ge [sflag:s29], $0x1900  }
0x25f: {  	[sflag:s29] =	ssyncset.done $0x0  }
0x260: {  	s25 =	rddreg [dreg:$0xc];
	[sflag:s29] =	ssyncadd.s32 $0xFFFFE700  }
0x261: {  	[tilespmem:s19], [sflag:$0x2] =	stream.indirect.gather [hbm4b:s4+s18], $0x50, s25, s18, $0xb8;
	[tilespmem:$0x154A0] =	vst v63  }
0x262: {  	_ =	swait.ge [sflag:s30], $0x1900  }
0x263: {  	[sflag:s30] =	ssyncset.done $0x0  }
0x264: {  	s7 =	rddreg [dreg:$0xd];
	[sflag:s30] =	ssyncadd.s32 $0xFFFFE700  }
0x265: {  	[spmem:s2] =	stream.indirect.scatter.add.s16 [tilespmem:s21], [sflag:$0x9], $0x50, s7, s18, $0xb8;
	[tilespmem:$0x154A0] =	vst v63  }
0x266: {  	_ =	swait.ge [sflag:s31], $0x1900  }
0x267: {  	[sflag:s31] =	ssyncset.done $0x0  }
0x268: {  	s14 =	rddreg [dreg:$0xe];
	[sflag:s31] =	ssyncadd.s32 $0xFFFFE700  }
0x269: {  	[tilespmem:s20], [sflag:$0x3] =	stream.indirect.gather [hbm4b:s4+s18], $0x50, s14, s18, $0xb8;
	[tilespmem:$0x154A0] =	vst v63  }
0x26a: {  	_ =	swait.ge [sflag:s1], $0x1900  }
0x26b: {  	[sflag:s1] =	ssyncset.done $0x0  }
0x26c: {  	s25 =	rddreg [dreg:$0xf];
	[sflag:s1] =	ssyncadd.s32 $0xFFFFE700  }
0x26d: {  	[spmem:s2] =	stream.indirect.scatter.add.s16 [tilespmem:s23], [sflag:$0xA], $0x50, s25, s18, $0xb8;
	[tilespmem:$0x154A0] =	vst v63  }
0x26e: {  	_ =	swait.ge [sflag:s0], $0x1900  }
0x26f: {  	[sflag:s0] =	ssyncset.done $0x0  }
0x270: {  	s7 =	rddreg [dreg:$0x10];
	[sflag:s0] =	ssyncadd.s32 $0xFFFFE700  }
0x271: {  	[tilespmem:s21], [sflag:$0x4] =	stream.indirect.gather [hbm4b:s4+s18], $0x50, s7, s18, $0xb8;
	[tilespmem:$0x154A0] =	vst v63  }
0x272: {  	_ =	swait.ge [sflag:s22], $0x1900  }
0x273: {  	[sflag:s22] =	ssyncset.done $0x0  }
0x274: {  	s14 =	rddreg [dreg:$0x11];
	[sflag:s22] =	ssyncadd.s32 $0xFFFFE700  }
0x275: {  	[spmem:s2] =	stream.indirect.scatter.add.s16 [tilespmem:s15], [sflag:$0x6], $0x50, s14, s18, $0xb8;
	[tilespmem:$0x154A0] =	vst v63  }
0x276: {  	_ =	swait.ge [sflag:s5], $0x1900  }
0x277: {  	[sflag:s5] =	ssyncset.done $0x0  }
0x278: {  	s25 =	rddreg [dreg:$0x12];
	[sflag:s5] =	ssyncadd.s32 $0xFFFFE700  }
0x279: {  	[tilespmem:s23], [sflag:$0x5] =	stream.indirect.gather [hbm4b:s4+s18], $0x50, s25, s18, $0xb8;
	[tilespmem:$0x154A0] =	vst v63  }
0x27a: {  	_ =	swait.ge [sflag:s24], $0x1900  }
0x27b: {  	[sflag:s24] =	ssyncset.done $0x0  }
0x27c: {  	s7 =	rddreg [dreg:$0x13];
	[sflag:s24] =	ssyncadd.s32 $0xFFFFE700  }
0x27d: {  	[spmem:s2] =	stream.indirect.scatter.add.s16 [tilespmem:s19], [sflag:$0x7], $0x50, s7, s18, $0xb8;
	[tilespmem:$0x154A0] =	vst v63  }
0x27e: {  	_ =	swait.ge [sflag:s26], $0x1900  }
0x27f: {  	[sflag:s26] =	ssyncset.done $0x0  }
0x280: {  	s14 =	rddreg [dreg:$0x14];
	[sflag:s26] =	ssyncadd.s32 $0xFFFFE700  }
0x281: {  	[tilespmem:s15], [sflag:$0x1] =	stream.indirect.gather [hbm4b:s4+s18], $0x50, s14, s18, $0xb8;
	[tilespmem:$0x154A0] =	vst v63  }
0x282: {  	_ =	swait.ge [sflag:s28], $0x1900  }
0x283: {  	[sflag:s28] =	ssyncset.done $0x0  }
0x284: {  	s25 =	rddreg [dreg:$0x15];
	[sflag:s28] =	ssyncadd.s32 $0xFFFFE700  }
0x285: {  	[spmem:s2] =	stream.indirect.scatter.add.s16 [tilespmem:s20], [sflag:$0x8], $0x50, s25, s18, $0xb8;
	[tilespmem:$0x154A0] =	vst v63  }
0x286: {  	_ =	swait.ge [sflag:s29], $0x1900  }
0x287: {  	[sflag:s29] =	ssyncset.done $0x0  }
0x288: {  	s7 =	rddreg [dreg:$0x16];
	[sflag:s29] =	ssyncadd.s32 $0xFFFFE700  }
0x289: {  	[tilespmem:s19], [sflag:$0x2] =	stream.indirect.gather [hbm4b:s4+s18], $0x50, s7, s18, $0xb8;
	[tilespmem:$0x154A0] =	vst v63  }
0x28a: {  	_ =	swait.ge [sflag:s30], $0x1900  }
0x28b: {  	[sflag:s30] =	ssyncset.done $0x0  }
0x28c: {  	s14 =	rddreg [dreg:$0x17];
	[sflag:s30] =	ssyncadd.s32 $0xFFFFE700  }
0x28d: {  	[spmem:s2] =	stream.indirect.scatter.add.s16 [tilespmem:s21], [sflag:$0x9], $0x50, s14, s18, $0xb8;
	[tilespmem:$0x154A0] =	vst v63  }
0x28e: {  	_ =	swait.ge [sflag:s31], $0x1900  }
0x28f: {  	[sflag:s31] =	ssyncset.done $0x0  }
0x290: {  	s25 =	rddreg [dreg:$0x18];
	[sflag:s31] =	ssyncadd.s32 $0xFFFFE700  }
0x291: {  	[tilespmem:s20], [sflag:$0x3] =	stream.indirect.gather [hbm4b:s4+s18], $0x50, s25, s18, $0xb8;
	[tilespmem:$0x154A0] =	vst v63  }
0x292: {  	_ =	swait.ge [sflag:s1], $0x1900  }
0x293: {  	[sflag:s1] =	ssyncset.done $0x0  }
0x294: {  	s7 =	rddreg [dreg:$0x19];
	[sflag:s1] =	ssyncadd.s32 $0xFFFFE700  }
0x295: {  	[spmem:s2] =	stream.indirect.scatter.add.s16 [tilespmem:s23], [sflag:$0xA], $0x50, s7, s18, $0xb8;
	[tilespmem:$0x154A0] =	vst v63  }
0x296: {  	_ =	swait.ge [sflag:s0], $0x1900  }
0x297: {  	[sflag:s0] =	ssyncset.done $0x0  }
0x298: {  	s14 =	rddreg [dreg:$0x1a];
	[sflag:s0] =	ssyncadd.s32 $0xFFFFE700  }
0x299: {  	[tilespmem:s21], [sflag:$0x4] =	stream.indirect.gather [hbm4b:s4+s18], $0x50, s14, s18, $0xb8;
	[tilespmem:$0x154A0] =	vst v63  }
0x29a: {  	_ =	swait.ge [sflag:s22], $0x1900  }
0x29b: {  	[sflag:s22] =	ssyncset.done $0x0  }
0x29c: {  	s25 =	rddreg [dreg:$0x1b];
	[sflag:s22] =	ssyncadd.s32 $0xFFFFE700  }
0x29d: {  	[spmem:s2] =	stream.indirect.scatter.add.s16 [tilespmem:s15], [sflag:$0x6], $0x50, s25, s18, $0xb8;
	[tilespmem:$0x154A0] =	vst v63  }
0x29e: {  	_ =	swait.ge [sflag:s5], $0x1900  }
0x29f: {  	[sflag:s5] =	ssyncset.done $0x0  }
0x2a0: {  	s7 =	rddreg [dreg:$0x1c];
	[sflag:s5] =	ssyncadd.s32 $0xFFFFE700  }
0x2a1: {  	[tilespmem:s23], [sflag:$0x5] =	stream.indirect.gather [hbm4b:s4+s18], $0x50, s7, s18, $0xb8;
	[tilespmem:$0x154A0] =	vst v63  }
0x2a2: {  	_ =	swait.ge [sflag:s24], $0x1900  }
0x2a3: {  	[sflag:s24] =	ssyncset.done $0x0  }
0x2a4: {  	s14 =	rddreg [dreg:$0x1d];
	[sflag:s24] =	ssyncadd.s32 $0xFFFFE700  }
0x2a5: {  	[spmem:s2] =	stream.indirect.scatter.add.s16 [tilespmem:s19], [sflag:$0x7], $0x50, s14, s18, $0xb8;
	[tilespmem:$0x154A0] =	vst v63  }
0x2a6: {  	_ =	swait.ge [sflag:s26], $0x1900  }
0x2a7: {  	[sflag:s26] =	ssyncset.done $0x0  }
0x2a8: {  	s25 =	rddreg [dreg:$0x1e];
	[sflag:s26] =	ssyncadd.s32 $0xFFFFE700  }
0x2a9: {  	[tilespmem:s15], [sflag:$0x1] =	stream.indirect.gather [hbm4b:s4+s18], $0x50, s25, s18, $0xb8;
	[tilespmem:$0x154A0] =	vst v63  }
0x2aa: {  	_ =	swait.ge [sflag:s28], $0x1900  }
0x2ab: {  	[sflag:s28] =	ssyncset.done $0x0  }
0x2ac: {  	s7 =	rddreg [dreg:$0x1f];
	[sflag:s28] =	ssyncadd.s32 $0xFFFFE700  }
0x2ad: {  	[spmem:s2] =	stream.indirect.scatter.add.s16 [tilespmem:s20], [sflag:$0x8], $0x50, s7, s18, $0xb8;
	[tilespmem:$0x154A0] =	vst v63  }
0x2ae: {  	_ =	swait.ge [sflag:s29], $0x1900  }
0x2af: {  	s14 =	sld [smem:$0x7E9]  }
0x2b0: {  	[sflag:s29] =	ssyncset.done $0x0  }
0x2b1: {  	[sflag:s29] =	ssyncadd.s32 $0xFFFFE700  }
0x2b2: {  	[tilespmem:s19], [sflag:$0x2] =	stream.indirect.gather [hbm4b:s4+s18], $0x50, s14, s18, $0xb8;
	[tilespmem:$0x154A0] =	vst v63  }
0x2b3: {  	_ =	swait.ge [sflag:s30], $0x1900  }
0x2b4: {  	s25 =	sld [smem:$0x7EB]  }
0x2b5: {  	[sflag:s30] =	ssyncset.done $0x0  }
0x2b6: {  	[sflag:s30] =	ssyncadd.s32 $0xFFFFE700  }
0x2b7: {  	[spmem:s2] =	stream.indirect.scatter.add.s16 [tilespmem:s21], [sflag:$0x9], $0x50, s25, s18, $0xb8;
	[tilespmem:$0x154A0] =	vst v63  }
0x2b8: {  	_ =	swait.ge [sflag:s31], $0x1900  }
0x2b9: {  	s7 =	sld [smem:$0x7ED]  }
0x2ba: {  	[sflag:s31] =	ssyncset.done $0x0  }
0x2bb: {  	[sflag:s31] =	ssyncadd.s32 $0xFFFFE700  }
0x2bc: {  	[tilespmem:s20], [sflag:$0x3] =	stream.indirect.gather [hbm4b:s4+s18], $0x50, s7, s18, $0xb8;
	[tilespmem:$0x154A0] =	vst v63  }
0x2bd: {  	_ =	swait.ge [sflag:s1], $0x1900  }
0x2be: {  	s14 =	sld [smem:$0x7EF]  }
0x2bf: {  	[sflag:s1] =	ssyncset.done $0x0  }
0x2c0: {  	[sflag:s1] =	ssyncadd.s32 $0xFFFFE700  }
0x2c1: {  	[spmem:s2] =	stream.indirect.scatter.add.s16 [tilespmem:s23], [sflag:$0xA], $0x50, s14, s18, $0xb8;
	[tilespmem:$0x154A0] =	vst v63  }
0x2c2: {  	_ =	swait.ge [sflag:s0], $0x1900  }
0x2c3: {  	s25 =	sld [smem:$0x7F2]  }
0x2c4: {  	[sflag:s0] =	ssyncset.done $0x0  }
0x2c5: {  	[sflag:s0] =	ssyncadd.s32 $0xFFFFE700  }
0x2c6: {  	[tilespmem:s21], [sflag:$0x4] =	stream.indirect.gather [hbm4b:s4+s18], $0x50, s25, s18, $0xb8;
	[tilespmem:$0x154A0] =	vst v63  }
0x2c7: {  	_ =	swait.ge [sflag:s22], $0x1900  }
0x2c8: {  	s7 =	sld [smem:$0x7F3]  }
0x2c9: {  	[sflag:s22] =	ssyncset.done $0x0  }
0x2ca: {  	[sflag:s22] =	ssyncadd.s32 $0xFFFFE700  }
0x2cb: {  	[spmem:s2] =	stream.indirect.scatter.add.s16 [tilespmem:s15], [sflag:$0x6], $0x50, s7, s18, $0xb8;
	[tilespmem:$0x154A0] =	vst v63  }
0x2cc: {  	_ =	swait.ge [sflag:s5], $0x1900  }
0x2cd: {  	s14 =	sld [smem:$0x7F4]  }
0x2ce: {  	[sflag:s5] =	ssyncset.done $0x0  }
0x2cf: {  	[sflag:s5] =	ssyncadd.s32 $0xFFFFE700  }
0x2d0: {  	[tilespmem:s23], [sflag:$0x5] =	stream.indirect.gather [hbm4b:s4+s18], $0x50, s14, s18, $0xb8;
	[tilespmem:$0x154A0] =	vst v63  }
0x2d1: {  	_ =	swait.ge [sflag:s24], $0x1900  }
0x2d2: {  	s25 =	sld [smem:$0x7F5]  }
0x2d3: {  	[sflag:s24] =	ssyncset.done $0x0  }
0x2d4: {  	[sflag:s24] =	ssyncadd.s32 $0xFFFFE700  }
0x2d5: {  	[spmem:s2] =	stream.indirect.scatter.add.s16 [tilespmem:s19], [sflag:$0x7], $0x50, s25, s18, $0xb8;
	[tilespmem:$0x154A0] =	vst v63  }
0x2d6: {  	_ =	swait.ge [sflag:s26], $0x1900  }
0x2d7: {  	s7 =	sld [smem:$0x7F6]  }
0x2d8: {  	[sflag:s26] =	ssyncset.done $0x0  }
0x2d9: {  	[sflag:s26] =	ssyncadd.s32 $0xFFFFE700  }
0x2da: {  	[tilespmem:s15], [sflag:$0x1] =	stream.indirect.gather [hbm4b:s4+s18], $0x50, s7, s18, $0xb8;
	[tilespmem:$0x154A0] =	vst v63  }
0x2db: {  	_ =	swait.ge [sflag:s28], $0x1900  }
0x2dc: {  	s14 =	sld [smem:$0x7F7]  }
0x2dd: {  	[sflag:s28] =	ssyncset.done $0x0  }
0x2de: {  	[sflag:s28] =	ssyncadd.s32 $0xFFFFE700  }
0x2df: {  	[spmem:s2] =	stream.indirect.scatter.add.s16 [tilespmem:s20], [sflag:$0x8], $0x50, s14, s18, $0xb8;
	[tilespmem:$0x154A0] =	vst v63  }
0x2e0: {  	_ =	swait.ge [sflag:s29], $0x1900  }
0x2e1: {  	s25 =	sld [smem:$0x7F8]  }
0x2e2: {  	[sflag:s29] =	ssyncset.done $0x0  }
0x2e3: {  	[sflag:s29] =	ssyncadd.s32 $0xFFFFE700  }
0x2e4: {  	[tilespmem:s19], [sflag:$0x2] =	stream.indirect.gather [hbm4b:s4+s18], $0x50, s25, s18, $0xb8;
	[tilespmem:$0x154A0] =	vst v63  }
0x2e5: {  	_ =	swait.ge [sflag:s30], $0x1900  }
0x2e6: {  	s7 =	sld [smem:$0x7F9]  }
0x2e7: {  	[sflag:s30] =	ssyncset.done $0x0  }
0x2e8: {  	[sflag:s30] =	ssyncadd.s32 $0xFFFFE700  }
0x2e9: {  	[spmem:s2] =	stream.indirect.scatter.add.s16 [tilespmem:s21], [sflag:$0x9], $0x50, s7, s18, $0xb8;
	[tilespmem:$0x154A0] =	vst v63  }
0x2ea: {  	_ =	swait.ge [sflag:s31], $0x1900  }
0x2eb: {  	s14 =	sld [smem:$0x7FA]  }
0x2ec: {  	[sflag:s31] =	ssyncset.done $0x0  }
0x2ed: {  	[sflag:s31] =	ssyncadd.s32 $0xFFFFE700  }
0x2ee: {  	[tilespmem:s20], [sflag:$0x3] =	stream.indirect.gather [hbm4b:s4+s18], $0x50, s14, s18, $0xb8;
	[tilespmem:$0x154A0] =	vst v63  }
0x2ef: {  	_ =	swait.ge [sflag:s1], $0x1900  }
0x2f0: {  	s25 =	sld [smem:$0x7FB]  }
0x2f1: {  	[sflag:s1] =	ssyncset.done $0x0  }
0x2f2: {  	[sflag:s1] =	ssyncadd.s32 $0xFFFFE700  }
0x2f3: {  	[spmem:s2] =	stream.indirect.scatter.add.s16 [tilespmem:s23], [sflag:$0xA], $0x50, s25, s18, $0xb8;
	[tilespmem:$0x154A0] =	vst v63  }
0x2f4: {  	_ =	swait.ge [sflag:s0], $0x1900  }
0x2f5: {  	s7 =	sld [smem:$0x7FC]  }
0x2f6: {  	[sflag:s0] =	ssyncset.done $0x0  }
0x2f7: {  	[sflag:s0] =	ssyncadd.s32 $0xFFFFE700  }
0x2f8: {  	[tilespmem:s21], [sflag:$0x4] =	stream.indirect.gather [hbm4b:s4+s18], $0x50, s7, s18, $0xb8;
	[tilespmem:$0x154A0] =	vst v63  }
0x2f9: {  	_ =	swait.ge [sflag:s22], $0x1900  }
0x2fa: {  	[sflag:s22] =	ssyncset.done $0x0  }
0x2fb: {  	[sflag:s22] =	ssyncadd.s32 $0xFFFFE700  }
0x2fc: {  	[spmem:s2] =	stream.indirect.scatter.add.s16 [tilespmem:s15], [sflag:$0x6], $0x50, s8, s18, $0xb8;
	[tilespmem:$0x154A0] =	vst v63  }
0x2fd: {  	_ =	swait.ge [sflag:s5], $0x1900  }
0x2fe: {  	[sflag:s5] =	ssyncset.done $0x0  }
0x2ff: {  	[sflag:s5] =	ssyncadd.s32 $0xFFFFE700  }
0x300: {  	[tilespmem:s23], [sflag:$0x5] =	stream.indirect.gather [hbm4b:s4+s18], $0x50, s9, s18, $0xb8;
	[tilespmem:$0x154A0] =	vst v63  }
0x301: {  	_ =	swait.ge [sflag:s24], $0x1900  }
0x302: {  	[sflag:s24] =	ssyncset.done $0x0  }
0x303: {  	[sflag:s24] =	ssyncadd.s32 $0xFFFFE700  }
0x304: {  	[spmem:s2] =	stream.indirect.scatter.add.s16 [tilespmem:s19], [sflag:$0x7], $0x50, s13, s18, $0xb8;
	[tilespmem:$0x154A0] =	vst v63  }
0x305: {  	_ =	swait.ge [sflag:s26], $0x1900  }
0x306: {  	[sflag:s26] =	ssyncset.done $0x0  }
0x307: {  	[sflag:s26] =	ssyncadd.s32 $0xFFFFE700  }
0x308: {  	_ =	swait.ge [sflag:s28], $0x1900  }
0x309: {  	[sflag:s28] =	ssyncset.done $0x0  }
0x30a: {  	[sflag:s28] =	ssyncadd.s32 $0xFFFFE700  }
0x30b: {  	[spmem:s2] =	stream.indirect.scatter.add.s16 [tilespmem:s20], [sflag:$0x8], $0x50, s10, s18, $0xb8;
	[tilespmem:$0x154A0] =	vst v63  }
0x30c: {  	_ =	swait.ge [sflag:s29], $0x1900  }
0x30d: {  	[sflag:s29] =	ssyncset.done $0x0  }
0x30e: {  	[sflag:s29] =	ssyncadd.s32 $0xFFFFE700  }
0x30f: {  	_ =	swait.ge [sflag:s30], $0x1900  }
0x310: {  	[sflag:s30] =	ssyncset.done $0x0  }
0x311: {  	[sflag:s30] =	ssyncadd.s32 $0xFFFFE700  }
0x312: {  	[spmem:s2] =	stream.indirect.scatter.add.s16 [tilespmem:s21], [sflag:$0x9], $0x50, s11, s18, $0xb8;
	[tilespmem:$0x154A0] =	vst v63  }
0x313: {  	_ =	swait.ge [sflag:s31], $0x1900  }
0x314: {  	[sflag:s31] =	ssyncset.done $0x0  }
0x315: {  	[sflag:s31] =	ssyncadd.s32 $0xFFFFE700  }
0x316: {  	_ =	swait.ge [sflag:s1], $0x1900  }
0x317: {  	[sflag:s1] =	ssyncset.done $0x0  }
0x318: {  	[sflag:s1] =	ssyncadd.s32 $0xFFFFE700  }
0x319: {  	[spmem:s2] =	stream.indirect.scatter.add.s16 [tilespmem:s23], [sflag:$0xA], $0x50, s12, s18, $0xb8;
	[tilespmem:$0x154A0] =	vst v63  }
0x31a: {  	_ =	swait.ge [sflag:s0], $0x1900  }
0x31b: {  	[sflag:s0] =	ssyncset.done $0x0  }
0x31c: {  	[sflag:s0] =	ssyncadd.s32 $0xFFFFE700  }
0x31d: {  	_ =	swait.ge [sflag:s5], $0x1900  }
0x31e: {  	[sflag:s5] =	ssyncset.done $0x0  }
0x31f: {  	[sflag:s5] =	ssyncadd.s32 $0xFFFFE700  }
0x320: {  	[bflag:$0x0] =	sbarrier.arrive $0xFFFF  }
0x321: {  	s9 =	sld [smem:$0x7E4]  }
0x322: {  	s8 =	stileid.u32;
	s13 =	sld [smem:$0x7FD]  }
0x323: {  	s6 =	sshll.u32 s8, $0x6  }
0x324: {  	s6 =	sor.u32 $0x1C0B, s6  }
0x325: {  	[hbm:s9], [sflag:s6] =	dma.local [spmem:s13], $0x1900  }
0x326: {  	_ =	swait.ge [sflag:s16], $0x1900  }
0x327: {  	s14 =	sld [smem:$0x7E3]  }
0x328: {  	s25 =	sld [smem:$0x7E5];
	_ =	sdelay $0x1  }
0x329: {  	s7 =	sadd.s32 $0x1, s14  }
0x32a: {  	p0 =	sne.s32 s7, s25  }
.Ltmp2:
0x32b: {  	_ = 	snop;
	(pc) =	sbr.rel @p0 .LBB2_1-.Ltmp2, $3  }
0x32c: {  	_ =	sdelay $0x1  }
0x32d: {  	[sflag:s16] =	ssyncset.done $0x0  }
0x32e: {  	[sflag:s16] =	ssyncadd.s32 $0xFFFFE700  }
0x32f: {  	_ =	sfence.sel $0x180000  }
0x330: {  	[bflag:$0x0] =	sbarrier.arrive $0xFFFF  }
0x331: {  	_ =	strace $0x9000004A  }
0x332: {  	s0 =	stileid.u32;
	[bflag:$0x2] =	sbarrier.arrive $0xFFFF  }
0x333: {  	p0 =	sne.s32 s0, $0x0;
	s0 =	rddreg [dreg:$0x3]  }
0x334: {  	s0 =	sadd.s32 @!p0 $0x100000, s0  }
0x335: {  	[sflag:s0] =	ssyncadd.tile.s32 @!p0 $0x1;
	_ =	shalt  }
.Lfunc_end2:
_tile_overlayer_lowered:
.L_overlay_start_2:
0x336: {  	(tag) =	ssettag $0x2  }
0x337: {  	s0 =	rddreg [dreg:$0x0];
	s2 =	stileid.u32  }
0x338: {  	s1 =	rddreg [dreg:$0x1];
	p0 =	sne.s32 s2, $0x0  }
0x339: {  	s3 =	rddreg [dreg:$0x2];
	[bflag:$0x3] =	sbarrier.arrive $0xFFFF;
	s2 =	simm.s32 @!p0 $0x1C0B  }
0x33a: {  	[timem:s3], [sflag:s2] =	dma.local @!p0 [hbm:s0], s1  }
0x33b: {  	s0 =	simm.s32 @!p0 $0xB  }
0x33c: {  	_ =	swait.ge @!p0 [sflag:s0], s1  }
0x33d: {  	s1 =	ssub.s32 @!p0 $0x0, s1;
	[sflag:s0] =	ssyncset.done @!p0 $0x0  }
0x33e: {  	[sflag:s0] =	ssyncadd.s32 @!p0 s1  }
0x33f: {  	[bflag:$0x3] =	sbarrier.arrive $0xFFFF  }
0x340: {  	_ =	shalt  }

// kernel: kernel.15.cloned.1.call-start
scs
__scs_entry_jumppad:
0x0: {  	(pc) =	sbr.rel $0x88, $3  }
0x1: {  	(tag) =	ssettag $0x0;
	lr =	simm.s32 $0x1  }
0x2: {  	[smem:$0x3F9C] =	sst lr;
	_ =	strace $0xD0000000  }
0x3: {  	_ = 	snop  }
0x4: {  	_ = 	snop  }
0x5: {  	_ = 	snop  }
0x6: {  	_ = 	snop  }
0x7: {  	_ = 	snop  }
__scs_overlays_trampoline_lowered:
0x8: {  	[smem:$0x3FAB] =	sst s0  }
0x9: {  	[smem:$0x3FAC] =	sst s1  }
0xa: {  	[smem:$0x3FAD] =	sst s2  }
0xb: {  	[smem:$0x3FAE] =	sst s3  }
0xc: {  	[smem:$0x3FAF] =	sst s4  }
0xd: {  	[smem:$0x3FB0] =	sst s5  }
0xe: {  	[smem:$0x3FB1] =	sst s6  }
0xf: {  	[smem:$0x3FB2] =	sst s7  }
0x10: {  	[smem:$0x3FB3] =	sst s8  }
0x11: {  	[smem:$0x3FB4] =	sst s9;
	s0 =	simm.s32 @!p0 $0x0  }
0x12: {  	s1 =	sld [smem:$0x3F9A];
	s0 =	simm.s32 @p0 $0x1  }
0x13: {  	[smem:$0x3FB5] =	sst s0;
	s0 =	simm.s32 @!p1 $0x0  }
0x14: {  	s2 =	sld [smem:$0x3F99];
	s0 =	simm.s32 @p1 $0x1  }
0x15: {  	[smem:$0x3FB6] =	sst s0;
	s0 =	simm.s32 @!p2 $0x0  }
0x16: {  	s3 =	sld [smem:$0x3FDB];
	s0 =	simm.s32 @p2 $0x1  }
0x17: {  	s4 =	simm.s32 $0x1BF5;
	[smem:$0x3FB8] =	sst s0  }
0x18: {  	s0 =	sld [smem:$0x3F9B];
	_ =	swait.ge [sflag:s4], $0x0  }
0x19: {  	s7 =	sld [smem:$0x3F9C]  }
0x1a: {  	s8 =	sadd.s32 $0xFFFFE003, lr  }
0x1b: {  	s9 =	sadd.s32 $0xFFFFFEF7, lr;
	s5 =	simm.s32 $0xFFFFFFFF;
	p2 =	slt.u32 s8, $0xFFFFF086  }
0x1c: {  	p1 =	slt.u32 s9, $0xF7A;
	s5 =	simm.s32 @!p2 $0x0  }
0x1d: {  	s5 =	simm.s32 @p1 $0x1;
	p0 =	seq.s32 s7, s2  }
0x1e: {  	s7 =	smul.u32 @!p0 $0xF7A, s2;
	p2 =	seq.s32 @!p0 s5, $0x0  }
0x1f: {  	s9 =	smul.u32 $0xF7A, s1;
	s8 =	simm.s32 @!p0 $0x1BF5;
	p2 =	por !p2, p0  }
0x20: {  	[sflag:s8] =	ssyncset.s32 @!p0 $0xFFFFF086;
	s6 =	sadd.s32 @!p0 s3, s7;
	s7 =	simm.s32 @!p0 $0x108  }
0x21: {  	s3 =	sadd.s32 s3, s9;
	s6 =	sadd.s32 @!p0 $0x88, s6;
	s7 =	simm.s32 @p2 $0x1082  }
0x22: {  	[simem:s7], [sflag:s8] =	dma.local @!p0 [hbm:s6], $0xF7A  }
0x23: {  	s9 =	sor.u32 $0xD0000000, s2;
	s6 =	simm.s32 $0x108;
	_ =	swait.ge @!p0 [sflag:s8], $0x0  }
0x24: {  	s3 =	sadd.s32 $0x88, s3;
	s6 =	simm.s32 @!p1 $0x1082;
	[sflag:s4] =	ssyncset.s32 $0xFFFFF086  }
0x25: {  	[simem:s6], [sflag:s4] =	dma.local [hbm:s3], $0xF7A  }
0x26: {  	[smem:$0x3F9C] =	sst s1;
	(tag) =	ssettag s2;
	_ =	strace s9  }
0x27: {  	s1 =	sld [smem:$0x3FAC]  }
0x28: {  	s2 =	sld [smem:$0x3FAD]  }
0x29: {  	s4 =	sld [smem:$0x3FAF]  }
0x2a: {  	p0 =	seq.s32 s5, $0x0;
	s5 =	sld [smem:$0x3FB0]  }
0x2b: {  	s6 =	sld [smem:$0x3FB1]  }
0x2c: {  	s7 =	sld [smem:$0x3FB2]  }
0x2d: {  	s3 =	simm.s32 $0x108;
	s8 =	sld [smem:$0x3FB3]  }
0x2e: {  	s3 =	simm.s32 @!p0 $0x1082;
	s9 =	sld [smem:$0x3FB4]  }
0x2f: {  	lr =	sadd.s32 s0, s3;
	s0 =	sld [smem:$0x3FAB]  }
0x30: {  	s3 =	sld [smem:$0x3FAE]  }
0x31: {  	[smem:$0x3FB7] =	sst s10  }
0x32: {  	s10 =	sld [smem:$0x3FB5];
	_ =	sdelay $0x3  }
0x33: {  	p0 =	seq.s32 s10, $0x1;
	s10 =	sld [smem:$0x3FB7];
	_ =	sdelay $0x3  }
0x34: {  	[smem:$0x3FB7] =	sst s10  }
0x35: {  	s10 =	sld [smem:$0x3FB6];
	_ =	sdelay $0x3  }
0x36: {  	p1 =	seq.s32 s10, $0x1;
	s10 =	sld [smem:$0x3FB7];
	_ =	sdelay $0x3  }
0x37: {  	[smem:$0x3FB7] =	sst s10  }
0x38: {  	s10 =	sld [smem:$0x3FB8]  }
0x39: {  	_ = 	snop;
	(pc) =	sbr.ind lr, $3  }
0x3a: {  	_ = 	snop  }
0x3b: {  	_ = 	snop  }
0x3c: {  	p2 =	seq.s32 s10, $0x1;
	s10 =	sld [smem:$0x3FB7]  }
0x3d: {  	_ =	shalt  }
0x3e: {  	_ =	shalt  }
0x3f: {  	_ =	shalt  }
0x40: {  	_ =	shalt  }
0x41: {  	_ =	shalt  }
0x42: {  	_ =	shalt  }
0x43: {  	_ =	shalt  }
0x44: {  	_ =	shalt  }
0x45: {  	_ =	shalt  }
0x46: {  	_ =	shalt  }
0x47: {  	_ =	shalt  }
0x48: {  	_ =	shalt  }
0x49: {  	_ =	shalt  }
0x4a: {  	_ =	shalt  }
0x4b: {  	_ =	shalt  }
0x4c: {  	_ =	shalt  }
0x4d: {  	_ =	shalt  }
0x4e: {  	_ =	shalt  }
0x4f: {  	_ =	shalt  }
0x50: {  	_ =	shalt  }
0x51: {  	_ =	shalt  }
0x52: {  	_ =	shalt  }
0x53: {  	_ =	shalt  }
0x54: {  	_ =	shalt  }
0x55: {  	_ =	shalt  }
0x56: {  	_ =	shalt  }
0x57: {  	_ =	shalt  }
0x58: {  	_ =	shalt  }
0x59: {  	_ =	shalt  }
0x5a: {  	_ =	shalt  }
0x5b: {  	_ =	shalt  }
0x5c: {  	_ =	shalt  }
0x5d: {  	_ =	shalt  }
0x5e: {  	_ =	shalt  }
0x5f: {  	_ =	shalt  }
0x60: {  	_ =	shalt  }
0x61: {  	_ =	shalt  }
0x62: {  	_ =	shalt  }
0x63: {  	_ =	shalt  }
0x64: {  	_ =	shalt  }
0x65: {  	_ =	shalt  }
0x66: {  	_ =	shalt  }
0x67: {  	_ =	shalt  }
0x68: {  	_ =	shalt  }
0x69: {  	_ =	shalt  }
0x6a: {  	_ =	shalt  }
0x6b: {  	_ =	shalt  }
0x6c: {  	_ =	shalt  }
0x6d: {  	_ =	shalt  }
0x6e: {  	_ =	shalt  }
0x6f: {  	_ =	shalt  }
0x70: {  	_ =	shalt  }
0x71: {  	_ =	shalt  }
0x72: {  	_ =	shalt  }
0x73: {  	_ =	shalt  }
0x74: {  	_ =	shalt  }
0x75: {  	_ =	shalt  }
0x76: {  	_ =	shalt  }
0x77: {  	_ =	shalt  }
0x78: {  	_ =	shalt  }
0x79: {  	_ =	shalt  }
0x7a: {  	_ =	shalt  }
0x7b: {  	_ =	shalt  }
0x7c: {  	_ =	shalt  }
0x7d: {  	_ =	shalt  }
0x7e: {  	_ =	shalt  }
0x7f: {  	_ =	shalt  }
0x80: {  	_ =	shalt  }
0x81: {  	_ =	shalt  }
0x82: {  	_ =	shalt  }
0x83: {  	_ =	shalt  }
0x84: {  	_ =	shalt  }
0x85: {  	_ =	shalt  }
0x86: {  	_ =	shalt  }
0x87: {  	_ =	shalt  }
.Lfunc_end0:
.L_simem_size_0:
called_computation.2_lowered:
.L_overlay_start_0:
0x88: {  	s2 =	sld [smem:$0x3FD9]  }
0x89: {  	s3 =	sld [smem:$0x3FFE];
	_ =	sdelay $0x1  }
0x8a: {  	s1 =	srdreg.scid  }
0x8b: {  	s0 =	sand.u32 $0x1, s1  }
0x8c: {  	s17 =	sshll.u32 s0, $0xA;
	s2 =	sadd.s32 s3, s2  }
0x8d: {  	s2 =	sadd.s32 s2, s17  }
0x8e: {  	[smem:$0x3FC3] =	sst s2  }
0x8f: {  	_ = 	snop  }
0x90: {  	s2 =	sld [smem:$0x3FD0];
	(tm) =	ssettm $0x1  }
0x91: {  	s18 =	sld [smem:$0x3FFB];
	_ =	sdelay $0x3  }
0x92: {  	_ =	strace s18  }
0x93: {  	s3 =	sld [smem:$0x3FFC];
	_ =	sdelay $0x3  }
0x94: {  	_ =	strace s3  }
0x95: {  	s3 =	sld [smem:$0x3FFD];
	_ =	sdelay $0x3  }
0x96: {  	_ =	strace s3  }
0x97: {  	_ =	strace $0x8FFFFFFF  }
0x98: {  	s19 =	sld [smem:$0x3FDB];
	_ =	sdelay $0x1  }
0x99: {  	s4 =	simm.s32 $_scs_section_size  }
0x9a: {  	s5 =	simm.s32 $_size__tile_overlayer_lowered;
	s6 =	simm.s32 $_tile_overlayer_lowered  }
0x9b: {  	s22 =	simm.s32 $0x1BFF;
	s21 =	sshll.u32 s6, $0x1;
	s3 =	sadd.s32 s4, s19  }
0x9c: {  	s7 =	simm.s32 $0x0;
	s20 =	sshll.u32 s5, $0x1;
	s5 =	sadd.s32 s21, s3  }
0x9d: {  	[timem:s7], [sflag:s22] =	dma.local [hbm:s5], s20  }
0x9e: {  	_ =	swait.ge [sflag:s22], s20  }
0x9f: {  	s4 =	ssub.s32 $0x0, s20;
	[sflag:s22] =	ssyncset.done $0x0  }
0xa0: {  	[sflag:s22] =	ssyncadd.s32 s4;
	_ =	sdelay $0x1  }
0xa1: {  	s23 =	simm.s32 $0x1B8B  }
0xa2: {  	_ =	swait.ge [sflag:s23], $0x1  }
0xa3: {  	[sflag:s23] =	ssyncset.done $0x0  }
0xa4: {  	s25 =	simm.s32 $0x1B8E;
	s24 =	sld [smem:$0x3FFE];
	[sflag:s23] =	ssyncadd.s32 $0xFFFFFFFF  }
0xa5: {  	s26 =	simm.s32 $execute0_lowered;
	[smem:$0x3FD2] =	sst s25  }
0xa6: {  	s5 =	sshll.u32 s26, $0x1;
	_ =	strace $0x8000004C;
	[dreg:$0x1] =	wrdreg $0xFFFFFFFF  }
0xa7: {  	s28 =	simm.s32 $_size_execute0_lowered;
	s3 =	sadd.s32 s3, s5;
	[dreg:$0x0] =	wrdreg $0x0  }
0xa8: {  	s5 =	sshll.u32 s28, $0x1;
	[dreg:$0x2] =	wrdreg s3  }
0xa9: {  	[dreg:$0x3] =	wrdreg s5  }
0xaa: {  	[dreg:$0x4] =	wrdreg $0xC0  }
0xab: {  	_ =	task [dreg:s7], $0x5FFFF  }
0xac: {  	[dreg:$0x1] =	wrdreg $0xFFFFFFFF  }
0xad: {  	[dreg:$0x0] =	wrdreg $0x60  }
0xae: {  	[dreg:$0x2] =	wrdreg s2  }
0xaf: {  	[dreg:$0x3] =	wrdreg s24  }
0xb0: {  	[dreg:$0x4] =	wrdreg $0x8CA00  }
0xb1: {  	[dreg:$0x5] =	wrdreg $0x9  }
0xb2: {  	_ =	task.clear_ibuf [dreg:s7], $0x6FFFF;
	_ =	strace $0x9000004C  }
0xb3: {  	s29 =	simm.s32 $0x9;
	_ =	strace $0x8000004E  }
0xb4: {  	_ =	swait.ge [sflag:s29], $0x1  }
0xb5: {  	[sflag:s29] =	ssyncadd.s32 $0xFFFFFFFF  }
0xb6: {  	_ =	strace $0x9000004E  }
0xb7: {  	_ =	sfence  }
0xb8: {  	s30 =	sld [smem:$0x0];
	_ =	sdelay $0x2  }
0xb9: {  	s31 =	sshll.u32 s1, $0xD;
	s1 =	sshrl.u32 s1, $0x2  }
0xba: {  	s3 =	sand.u32 $0x4000, s31;
	s1 =	sadd.s32 s1, s30  }
0xbb: {  	s0 =	sor.u32 s3, s0;
	s1 =	sshll.u32 s1, $0x11  }
0xbc: {  	s0 =	sor.u32 s1, s0  }
0xbd: {  	s0 =	sadd.s32 $0x8F2B, s0  }
0xbe: {  	[sflag:s0] =	ssyncadd.remote.s32 $0x1  }
0xbf: {  	_ =	sfence.sel $0xFFFF  }
0xc0: {  	[dreg:$0x0] =	wrdreg $0xFFFFFFFF;
	(pc) =	sbr.abs _section_cstart, $3  }
0xc1: {  	[dreg:$0x1] =	wrdreg $0xFFFFFFFF  }
0xc2: {  	_ =	task.clear_ibuf [dreg:s7], $0x2FFFF;
	_ =	strace $0x9FFFFFFF  }
0xc3: {  	(tm) =	ssettm $0x7FFFFFFF  }
tec
execute0_lowered:
.L_overlay_start_1:
0x0: {  	(tag) =	ssettag $0x1  }
0x1: {  	s1 =	rddreg [dreg:$0x0]  }
0x2: {  	s5 =	rddreg [dreg:$0x1]  }
0x3: {  	s2 =	rddreg [dreg:$0x2];
	s3 =	simm.s32 $0x0  }
0x4: {  	s13 =	simm.s32 $0xA0;
	[smem:$0x7FF] =	sst s3  }
0x5: {  	s14 =	simm.s32 $0xF0;
	_ =	strace $0x8000004D;
	[dreg:$0x6] =	wrdreg s13  }
0x6: {  	s15 =	simm.s32 $0x140;
	[dreg:$0x7] =	wrdreg s14  }
0x7: {  	s16 =	simm.s32 $0x820;
	[dreg:$0x8] =	wrdreg s15  }
0x8: {  	s17 =	simm.s32 $0x190;
	[dreg:$0x9] =	wrdreg s16  }
0x9: {  	s18 =	simm.s32 $0x870;
	[dreg:$0xa] =	wrdreg s17  }
0xa: {  	s19 =	simm.s32 $0x1E0;
	[dreg:$0xb] =	wrdreg s18  }
0xb: {  	s20 =	simm.s32 $0x8C0;
	[dreg:$0xc] =	wrdreg s19  }
0xc: {  	s21 =	simm.s32 $0x230;
	[dreg:$0xd] =	wrdreg s20  }
0xd: {  	s23 =	simm.s32 $0x910;
	[dreg:$0xe] =	wrdreg s21  }
0xe: {  	s24 =	simm.s32 $0x280;
	[dreg:$0xf] =	wrdreg s23  }
0xf: {  	s25 =	simm.s32 $0x960;
	[dreg:$0x10] =	wrdreg s24  }
0x10: {  	s26 =	simm.s32 $0x2D0;
	[dreg:$0x11] =	wrdreg s25  }
0x11: {  	s9 =	simm.s32 $0x9B0;
	[dreg:$0x12] =	wrdreg s26  }
0x12: {  	s10 =	simm.s32 $0x320;
	[dreg:$0x13] =	wrdreg s9  }
0x13: {  	s11 =	simm.s32 $0xA00;
	[dreg:$0x14] =	wrdreg s10  }
0x14: {  	[dreg:$0x15] =	wrdreg s11;
	s13 =	simm.s32 $0x370  }
0x15: {  	s14 =	simm.s32 $0xA50;
	[dreg:$0x16] =	wrdreg s13  }
0x16: {  	s0 =	srdreg.scid;
	s16 =	simm.s32 $0x3C0;
	[dreg:$0x17] =	wrdreg s14  }
0x17: {  	s8 =	stileid.u32;
	s18 =	simm.s32 $0xAA0;
	[dreg:$0x18] =	wrdreg s16  }
0x18: {  	s28 =	simm.s32 $0x3;
	s19 =	simm.s32 $0x410;
	[dreg:$0x19] =	wrdreg s18  }
0x19: {  	s29 =	simm.s32 $0x7;
	s21 =	simm.s32 $0xAF0;
	[dreg:$0x1a] =	wrdreg s19  }
0x1a: {  	s30 =	simm.s32 $0x4;
	s23 =	simm.s32 $0xB40;
	[dreg:$0x1b] =	wrdreg s21  }
0x1b: {  	s4 =	smul.u32 $0x4E20, s8;
	s24 =	simm.s32 $0x4B0;
	[dreg:$0x1d] =	wrdreg s23  }
0x1c: {  	s7 =	smul.u32 $0x19000, s8;
	s26 =	simm.s32 $0xB90;
	[dreg:$0x1e] =	wrdreg s24  }
0x1d: {  	s20 =	smul.u32 $0x32000, s8;
	s8 =	simm.s32 $0x500;
	[dreg:$0x1f] =	wrdreg s26  }
0x1e: {  	s31 =	simm.s32 $0x8;
	s10 =	simm.s32 $0xBE0;
	[smem:$0x7E9] =	sst s8  }
0x1f: {  	s0 =	sand.u32 $0x1, s0;
	[smem:$0x7EB] =	sst s10;
	s14 =	simm.s32 $0xC30  }
0x20: {  	s6 =	smul.u32 $0x2710, s0;
	s16 =	simm.s32 $0x5A0;
	[smem:$0x7EF] =	sst s14  }
0x21: {  	s22 =	smul.u32 $0x190000, s0;
	s18 =	simm.s32 $0x5F0;
	[smem:$0x7F2] =	sst s16  }
0x22: {  	s0 =	ssub.s32 $0x2, s0;
	s19 =	simm.s32 $0xCD0;
	[smem:$0x7F4] =	sst s18  }
0x23: {  	s12 =	sshrl.u32 s0, $0x1;
	s21 =	simm.s32 $0xD20;
	[smem:$0x7F5] =	sst s19  }
0x24: {  	s17 =	sshrl.u32 s7, $0x1;
	s23 =	simm.s32 $0xD70;
	[smem:$0x7F7] =	sst s21  }
0x25: {  	s24 =	simm.s32 $0x6E0;
	s4 =	sadd.s32 s6, s4;
	[smem:$0x7F9] =	sst s23  }
0x26: {  	s26 =	simm.s32 $0x730;
	[smem:$0x7FA] =	sst s24;
	s6 =	sshrl.u32 s4, $0x3  }
0x27: {  	[smem:$0x7FC] =	sst s26;
	s4 =	sadd.s32 $0x4E200, s4;
	s6 =	sadd.s32 s6, s1  }
0x28: {  	s10 =	simm.s32 $0xEB0;
	s4 =	sshrl.u32 s4, $0x3;
	[dreg:$0x4] =	wrdreg s6  }
0x29: {  	s1 =	sadd.s32 s4, s1;
	s4 =	sadd.s32 $0x51800, s5;
	s6 =	sadd.s32 s7, s22  }
0x2a: {  	s22 =	simm.s32 $0x460;
	[dreg:$0x5] =	wrdreg s1;
	s6 =	sshrl.u32 s6, $0x4  }
0x2b: {  	[dreg:$0x1c] =	wrdreg s22;
	s22 =	simm.s32 $0x690;
	s5 =	sadd.s32 s6, s5  }
0x2c: {  	s6 =	ssub.s32 s0, s12;
	s12 =	simm.s32 $0x550;
	[smem:$0x7F8] =	sst s22  }
0x2d: {  	s0 =	sadd.s32 s17, s2;
	s17 =	simm.s32 $0xC80;
	[smem:$0x7ED] =	sst s12  }
0x2e: {  	s16 =	simm.s32 $0xB;
	s15 =	sadd.s32 $0x6A800, s5;
	[smem:$0x7F3] =	sst s17  }
0x2f: {  	s18 =	simm.s32 $0x50;
	s6 =	smax.u32 s6, $0x1;
	[smem:$0x7E4] =	sst s15  }
0x30: {  	s5 =	sshrl.u32 s20, $0x2;
	s20 =	simm.s32 $0x640;
	[smem:$0x7E5] =	sst s6  }
0x31: {  	s19 =	simm.s32 $0x28A0;
	s0 =	sshrl.u32 s0, $0x3;
	[smem:$0x7F6] =	sst s20  }
0x32: {  	s21 =	simm.s32 $0x5AA0;
	s5 =	sadd.s32 s5, s2;
	[smem:$0x7FD] =	sst s0  }
0x33: {  	s23 =	simm.s32 $0x73A0;
	s25 =	sadd.s32 $0x1900, s5;
	[smem:$0x7F0] =	sst s5  }
0x34: {  	s24 =	simm.s32 $0x2;
	s7 =	sadd.s32 $0x3200, s5;
	[smem:$0x7E6] =	sst s25  }
0x35: {  	s26 =	simm.s32 $0x6;
	s9 =	sadd.s32 $0x4B00, s5;
	[smem:$0x7E7] =	sst s7  }
0x36: {  	s1 =	simm.s32 $0x5;
	s11 =	sadd.s32 $0x6400, s5;
	[smem:$0x7E8] =	sst s9  }
0x37: {  	s22 =	simm.s32 $0x1;
	s13 =	sadd.s32 $0x7D00, s5;
	[smem:$0x7EA] =	sst s11  }
0x38: {  	s17 =	simm.s32 $0x7D0;
	s15 =	sadd.s32 $0x9600, s5;
	[smem:$0x7EC] =	sst s13  }
0x39: {  	s12 =	simm.s32 $0xF50;
	s5 =	sadd.s32 $0xAF00, s5;
	[smem:$0x7EE] =	sst s15  }
0x3a: {  	s20 =	simm.s32 $0x41A0;
	s0 =	simm.s32 $0x9;
	[smem:$0x7F1] =	sst s5  }
0x3b: {  	s15 =	simm.s32 $0xFA0;
	s25 =	simm.s32 $0xDC0;
	s5 =	simm.s32 $0xA  }
0x3c: {  	v0 =	vimm.s32 $0x0;
	s11 =	simm.s32 $0xF00;
	s7 =	simm.s32 $0x0;
	[smem:$0x7FB] =	sst s25  }
.LBB2_1:
0x3d: {  	s25 =	smul.u32 $0xCCCD, s3;
	_ =	sdelay $0x1  }
0x3e: {  	[smem:$0x7E3] =	sst s7;
	s25 =	sshrl.u32 s25, $0x12  }
0x3f: {  	s14 =	simm.s32 $0x1;
	s7 =	simm.s32 $0x0;
	s13 =	smul.u32 $0x5, s25  }
.LBB2_2:
0x40: {  	s6 =	smul.u32 $0xCCCD, s14;
	s8 =	smov.u32 s14  }
0x41: {  	p0 =	sne.s32 s14, $0x18F;
	s7 =	ssub.s32 s7, s13;
	s13 =	smul.u32 $0x140, s25  }
.Ltmp0:
0x42: {  	(pc) =	sbr.rel @p0 .LBB2_2-.Ltmp0, $4  }
0x43: {  	s14 =	sadd.s32 $0x1, s14;
	s7 =	sand.u32 $0xFFFF, s7  }
0x44: {  	s13 =	sshrl.u32 s13, $0x2;
	s9 =	sshll.u32 s7, $0x4;
	s7 =	smov.u32 s8  }
0x45: {  	s25 =	sshrl.u32 s6, $0x12;
	s6 =	sadd.s32 s9, s13  }
0x46: {  	s13 =	smul.u32 $0x5, s25;
	[tilespmem:s6+$0xFA0] =	vst v0  }
0x47: {  	_ = 	snop  }
0x48: {  	s9 =	smul.u32 $0x140, s25;
	s6 =	ssub.s32 s7, s13  }
0x49: {  	s6 =	sand.u32 $0xFFFF, s6  }
0x4a: {  	s13 =	sld [smem:$0x7F0];
	s7 =	sshrl.u32 s9, $0x2;
	s6 =	sshll.u32 s6, $0x4  }
0x4b: {  	s6 =	sadd.s32 s6, s7  }
0x4c: {  	[tilespmem:s6+$0xFA0] =	vst v0  }
0x4d: {  	[spmem:s13] =	stream.linear.scatter [tilespmem:s15], [sflag:$0xB], $0x1900, $0x38;
	[tilespmem:$0x154A0] =	vst v63  }
0x4e: {  	_ =	swait.ge [sflag:s16], $0x1900  }
0x4f: {  	s14 =	sld [smem:$0x7E6]  }
0x50: {  	[sflag:s16] =	ssyncset.done $0x0  }
0x51: {  	[sflag:s16] =	ssyncadd.s32 $0xFFFFE700  }
0x52: {  	[spmem:s14] =	stream.linear.scatter [tilespmem:s15], [sflag:$0xB], $0x1900, $0x38;
	[tilespmem:$0x154A0] =	vst v63  }
0x53: {  	_ =	swait.ge [sflag:s16], $0x1900  }
0x54: {  	s25 =	sld [smem:$0x7E7]  }
0x55: {  	[sflag:s16] =	ssyncset.done $0x0  }
0x56: {  	[sflag:s16] =	ssyncadd.s32 $0xFFFFE700  }
0x57: {  	[spmem:s25] =	stream.linear.scatter [tilespmem:s15], [sflag:$0xB], $0x1900, $0x38;
	[tilespmem:$0x154A0] =	vst v63  }
0x58: {  	_ =	swait.ge [sflag:s16], $0x1900  }
0x59: {  	s7 =	sld [smem:$0x7E8]  }
0x5a: {  	[sflag:s16] =	ssyncset.done $0x0  }
0x5b: {  	[sflag:s16] =	ssyncadd.s32 $0xFFFFE700  }
0x5c: {  	[spmem:s7] =	stream.linear.scatter [tilespmem:s15], [sflag:$0xB], $0x1900, $0x38;
	[tilespmem:$0x154A0] =	vst v63  }
0x5d: {  	_ =	swait.ge [sflag:s16], $0x1900  }
0x5e: {  	s8 =	sld [smem:$0x7EA]  }
0x5f: {  	[sflag:s16] =	ssyncset.done $0x0  }
0x60: {  	[sflag:s16] =	ssyncadd.s32 $0xFFFFE700  }
0x61: {  	[spmem:s8] =	stream.linear.scatter [tilespmem:s15], [sflag:$0xB], $0x1900, $0x38;
	[tilespmem:$0x154A0] =	vst v63  }
0x62: {  	_ =	swait.ge [sflag:s16], $0x1900  }
0x63: {  	s9 =	sld [smem:$0x7EC]  }
0x64: {  	[sflag:s16] =	ssyncset.done $0x0  }
0x65: {  	[sflag:s16] =	ssyncadd.s32 $0xFFFFE700  }
0x66: {  	[spmem:s9] =	stream.linear.scatter [tilespmem:s15], [sflag:$0xB], $0x1900, $0x38;
	[tilespmem:$0x154A0] =	vst v63  }
0x67: {  	_ =	swait.ge [sflag:s16], $0x1900  }
0x68: {  	s13 =	sld [smem:$0x7EE]  }
0x69: {  	[sflag:s16] =	ssyncset.done $0x0  }
0x6a: {  	[sflag:s16] =	ssyncadd.s32 $0xFFFFE700  }
0x6b: {  	[spmem:s13] =	stream.linear.scatter [tilespmem:s15], [sflag:$0xB], $0x1900, $0x38;
	[tilespmem:$0x154A0] =	vst v63  }
0x6c: {  	_ =	swait.ge [sflag:s16], $0x1900  }
0x6d: {  	s14 =	sld [smem:$0x7F1]  }
0x6e: {  	[sflag:s16] =	ssyncset.done $0x0  }
0x6f: {  	[sflag:s16] =	ssyncadd.s32 $0xFFFFE700  }
0x70: {  	[spmem:s14] =	stream.linear.scatter [tilespmem:s15], [sflag:$0xB], $0x1900, $0x38;
	[tilespmem:$0x154A0] =	vst v63  }
0x71: {  	_ =	swait.ge [sflag:s16], $0x1900  }
0x72: {  	[sflag:s16] =	ssyncset.done $0x0  }
0x73: {  	[sflag:s16] =	ssyncadd.s32 $0xFFFFE700  }
0x74: {  	[bflag:$0x0] =	sbarrier.arrive $0xFFFF  }
0x75: {  	s25 =	rddreg [dreg:$0x4]  }
0x76: {  	s6 =	sadd.s32 $0x0, s25  }
0x77: {  	[tilespmem:s3], [sflag:$0xB] =	stream.linear.gather [hbm4b:s6+s3], $0x7D0, $0x38;
	[tilespmem:$0x154A0] =	vst v63  }
0x78: {  	_ =	swait.ge [sflag:s16], $0x7D0  }
0x79: {  	s7 =	rddreg [dreg:$0x5];
	[sflag:s16] =	ssyncset.done $0x0  }
0x7a: {  	[sflag:s16] =	ssyncadd.s32 $0xFFFFF830;
	s6 =	sadd.s32 $0x0, s7  }
0x7b: {  	[tilespmem:s17], [sflag:$0xB] =	stream.linear.gather [hbm4b:s6+s3], $0x7D0, $0x38;
	[tilespmem:$0x154A0] =	vst v63  }
0x7c: {  	_ =	swait.ge [sflag:s16], $0x7D0  }
0x7d: {  	[sflag:s16] =	ssyncset.done $0x0  }
0x7e: {  	[sflag:s16] =	ssyncadd.s32 $0xFFFFF830  }
0x7f: {  	[tilespmem:s15], [sflag:$0x1] =	stream.indirect.gather [hbm4b:s4+s18], $0x50, s3, s18, $0xb8;
	[tilespmem:$0x154A0] =	vst v63  }
0x80: {  	_ = 	snop  }
0x81: {  	[tilespmem:s19], [sflag:$0x2] =	stream.indirect.gather [hbm4b:s4+s18], $0x50, s18, s18, $0xb8;
	[tilespmem:$0x154A0] =	vst v63  }
0x82: {  	s8 =	rddreg [dreg:$0x6]  }
0x83: {  	[tilespmem:s20], [sflag:$0x3] =	stream.indirect.gather [hbm4b:s4+s18], $0x50, s8, s18, $0xb8;
	[tilespmem:$0x154A0] =	vst v63  }
0x84: {  	s9 =	rddreg [dreg:$0x7]  }
0x85: {  	[tilespmem:s21], [sflag:$0x4] =	stream.indirect.gather [hbm4b:s4+s18], $0x50, s9, s18, $0xb8;
	[tilespmem:$0x154A0] =	vst v63  }
0x86: {  	_ =	swait.ge [sflag:s22], $0x1900  }
0x87: {  	[sflag:s22] =	ssyncset.done $0x0  }
0x88: {  	[sflag:s22] =	ssyncadd.s32 $0xFFFFE700  }
0x89: {  	[spmem:s2] =	stream.indirect.scatter.add.s16 [tilespmem:s15], [sflag:$0x6], $0x50, s17, s18, $0xb8;
	[tilespmem:$0x154A0] =	vst v63  }
0x8a: {  	s13 =	rddreg [dreg:$0x8]  }
0x8b: {  	[tilespmem:s23], [sflag:$0x5] =	stream.indirect.gather [hbm4b:s4+s18], $0x50, s13, s18, $0xb8;
	[tilespmem:$0x154A0] =	vst v63  }
0x8c: {  	_ =	swait.ge [sflag:s24], $0x1900  }
0x8d: {  	[sflag:s24] =	ssyncset.done $0x0  }
0x8e: {  	s14 =	rddreg [dreg:$0x9];
	[sflag:s24] =	ssyncadd.s32 $0xFFFFE700  }
0x8f: {  	[spmem:s2] =	stream.indirect.scatter.add.s16 [tilespmem:s19], [sflag:$0x7], $0x50, s14, s18, $0xb8;
	[tilespmem:$0x154A0] =	vst v63  }
0x90: {  	_ =	swait.ge [sflag:s26], $0x1900  }
0x91: {  	[sflag:s26] =	ssyncset.done $0x0  }
0x92: {  	s25 =	rddreg [dreg:$0xa];
	[sflag:s26] =	ssyncadd.s32 $0xFFFFE700  }
0x93: {  	[tilespmem:s15], [sflag:$0x1] =	stream.indirect.gather [hbm4b:s4+s18], $0x50, s25, s18, $0xb8;
	[tilespmem:$0x154A0] =	vst v63  }
0x94: {  	_ =	swait.ge [sflag:s28], $0x1900  }
0x95: {  	[sflag:s28] =	ssyncset.done $0x0  }
0x96: {  	s7 =	rddreg [dreg:$0xb];
	[sflag:s28] =	ssyncadd.s32 $0xFFFFE700  }
0x97: {  	[spmem:s2] =	stream.indirect.scatter.add.s16 [tilespmem:s20], [sflag:$0x8], $0x50, s7, s18, $0xb8;
	[tilespmem:$0x154A0] =	vst v63  }
0x98: {  	_ =	swait.ge [sflag:s29], $0x1900  }
0x99: {  	[sflag:s29] =	ssyncset.done $0x0  }
0x9a: {  	s8 =	rddreg [dreg:$0xc];
	[sflag:s29] =	ssyncadd.s32 $0xFFFFE700  }
0x9b: {  	[tilespmem:s19], [sflag:$0x2] =	stream.indirect.gather [hbm4b:s4+s18], $0x50, s8, s18, $0xb8;
	[tilespmem:$0x154A0] =	vst v63  }
0x9c: {  	_ =	swait.ge [sflag:s30], $0x1900  }
0x9d: {  	[sflag:s30] =	ssyncset.done $0x0  }
0x9e: {  	s9 =	rddreg [dreg:$0xd];
	[sflag:s30] =	ssyncadd.s32 $0xFFFFE700  }
0x9f: {  	[spmem:s2] =	stream.indirect.scatter.add.s16 [tilespmem:s21], [sflag:$0x9], $0x50, s9, s18, $0xb8;
	[tilespmem:$0x154A0] =	vst v63  }
0xa0: {  	_ =	swait.ge [sflag:s31], $0x1900  }
0xa1: {  	[sflag:s31] =	ssyncset.done $0x0  }
0xa2: {  	s13 =	rddreg [dreg:$0xe];
	[sflag:s31] =	ssyncadd.s32 $0xFFFFE700  }
0xa3: {  	[tilespmem:s20], [sflag:$0x3] =	stream.indirect.gather [hbm4b:s4+s18], $0x50, s13, s18, $0xb8;
	[tilespmem:$0x154A0] =	vst v63  }
0xa4: {  	_ =	swait.ge [sflag:s1], $0x1900  }
0xa5: {  	[sflag:s1] =	ssyncset.done $0x0  }
0xa6: {  	s14 =	rddreg [dreg:$0xf];
	[sflag:s1] =	ssyncadd.s32 $0xFFFFE700  }
0xa7: {  	[spmem:s2] =	stream.indirect.scatter.add.s16 [tilespmem:s23], [sflag:$0xA], $0x50, s14, s18, $0xb8;
	[tilespmem:$0x154A0] =	vst v63  }
0xa8: {  	_ =	swait.ge [sflag:s0], $0x1900  }
0xa9: {  	[sflag:s0] =	ssyncset.done $0x0  }
0xaa: {  	s25 =	rddreg [dreg:$0x10];
	[sflag:s0] =	ssyncadd.s32 $0xFFFFE700  }
0xab: {  	[tilespmem:s21], [sflag:$0x4] =	stream.indirect.gather [hbm4b:s4+s18], $0x50, s25, s18, $0xb8;
	[tilespmem:$0x154A0] =	vst v63  }
0xac: {  	_ =	swait.ge [sflag:s22], $0x1900  }
0xad: {  	[sflag:s22] =	ssyncset.done $0x0  }
0xae: {  	s7 =	rddreg [dreg:$0x11];
	[sflag:s22] =	ssyncadd.s32 $0xFFFFE700  }
0xaf: {  	[spmem:s2] =	stream.indirect.scatter.add.s16 [tilespmem:s15], [sflag:$0x6], $0x50, s7, s18, $0xb8;
	[tilespmem:$0x154A0] =	vst v63  }
0xb0: {  	_ =	swait.ge [sflag:s5], $0x1900  }
0xb1: {  	[sflag:s5] =	ssyncset.done $0x0  }
0xb2: {  	s8 =	rddreg [dreg:$0x12];
	[sflag:s5] =	ssyncadd.s32 $0xFFFFE700  }
0xb3: {  	[tilespmem:s23], [sflag:$0x5] =	stream.indirect.gather [hbm4b:s4+s18], $0x50, s8, s18, $0xb8;
	[tilespmem:$0x154A0] =	vst v63  }
0xb4: {  	_ =	swait.ge [sflag:s24], $0x1900  }
0xb5: {  	[sflag:s24] =	ssyncset.done $0x0  }
0xb6: {  	s9 =	rddreg [dreg:$0x13];
	[sflag:s24] =	ssyncadd.s32 $0xFFFFE700  }
0xb7: {  	[spmem:s2] =	stream.indirect.scatter.add.s16 [tilespmem:s19], [sflag:$0x7], $0x50, s9, s18, $0xb8;
	[tilespmem:$0x154A0] =	vst v63  }
0xb8: {  	_ =	swait.ge [sflag:s26], $0x1900  }
0xb9: {  	[sflag:s26] =	ssyncset.done $0x0  }
0xba: {  	s13 =	rddreg [dreg:$0x14];
	[sflag:s26] =	ssyncadd.s32 $0xFFFFE700  }
0xbb: {  	[tilespmem:s15], [sflag:$0x1] =	stream.indirect.gather [hbm4b:s4+s18], $0x50, s13, s18, $0xb8;
	[tilespmem:$0x154A0] =	vst v63  }
0xbc: {  	_ =	swait.ge [sflag:s28], $0x1900  }
0xbd: {  	[sflag:s28] =	ssyncset.done $0x0  }
0xbe: {  	s14 =	rddreg [dreg:$0x15];
	[sflag:s28] =	ssyncadd.s32 $0xFFFFE700  }
0xbf: {  	[spmem:s2] =	stream.indirect.scatter.add.s16 [tilespmem:s20], [sflag:$0x8], $0x50, s14, s18, $0xb8;
	[tilespmem:$0x154A0] =	vst v63  }
0xc0: {  	_ =	swait.ge [sflag:s29], $0x1900  }
0xc1: {  	[sflag:s29] =	ssyncset.done $0x0  }
0xc2: {  	s25 =	rddreg [dreg:$0x16];
	[sflag:s29] =	ssyncadd.s32 $0xFFFFE700  }
0xc3: {  	[tilespmem:s19], [sflag:$0x2] =	stream.indirect.gather [hbm4b:s4+s18], $0x50, s25, s18, $0xb8;
	[tilespmem:$0x154A0] =	vst v63  }
0xc4: {  	_ =	swait.ge [sflag:s30], $0x1900  }
0xc5: {  	[sflag:s30] =	ssyncset.done $0x0  }
0xc6: {  	s7 =	rddreg [dreg:$0x17];
	[sflag:s30] =	ssyncadd.s32 $0xFFFFE700  }
0xc7: {  	[spmem:s2] =	stream.indirect.scatter.add.s16 [tilespmem:s21], [sflag:$0x9], $0x50, s7, s18, $0xb8;
	[tilespmem:$0x154A0] =	vst v63  }
0xc8: {  	_ =	swait.ge [sflag:s31], $0x1900  }
0xc9: {  	[sflag:s31] =	ssyncset.done $0x0  }
0xca: {  	s8 =	rddreg [dreg:$0x18];
	[sflag:s31] =	ssyncadd.s32 $0xFFFFE700  }
0xcb: {  	[tilespmem:s20], [sflag:$0x3] =	stream.indirect.gather [hbm4b:s4+s18], $0x50, s8, s18, $0xb8;
	[tilespmem:$0x154A0] =	vst v63  }
0xcc: {  	_ =	swait.ge [sflag:s1], $0x1900  }
0xcd: {  	[sflag:s1] =	ssyncset.done $0x0  }
0xce: {  	s9 =	rddreg [dreg:$0x19];
	[sflag:s1] =	ssyncadd.s32 $0xFFFFE700  }
0xcf: {  	[spmem:s2] =	stream.indirect.scatter.add.s16 [tilespmem:s23], [sflag:$0xA], $0x50, s9, s18, $0xb8;
	[tilespmem:$0x154A0] =	vst v63  }
0xd0: {  	_ =	swait.ge [sflag:s0], $0x1900  }
0xd1: {  	[sflag:s0] =	ssyncset.done $0x0  }
0xd2: {  	s13 =	rddreg [dreg:$0x1a];
	[sflag:s0] =	ssyncadd.s32 $0xFFFFE700  }
0xd3: {  	[tilespmem:s21], [sflag:$0x4] =	stream.indirect.gather [hbm4b:s4+s18], $0x50, s13, s18, $0xb8;
	[tilespmem:$0x154A0] =	vst v63  }
0xd4: {  	_ =	swait.ge [sflag:s22], $0x1900  }
0xd5: {  	[sflag:s22] =	ssyncset.done $0x0  }
0xd6: {  	s14 =	rddreg [dreg:$0x1b];
	[sflag:s22] =	ssyncadd.s32 $0xFFFFE700  }
0xd7: {  	[spmem:s2] =	stream.indirect.scatter.add.s16 [tilespmem:s15], [sflag:$0x6], $0x50, s14, s18, $0xb8;
	[tilespmem:$0x154A0] =	vst v63  }
0xd8: {  	_ =	swait.ge [sflag:s5], $0x1900  }
0xd9: {  	[sflag:s5] =	ssyncset.done $0x0  }
0xda: {  	s25 =	rddreg [dreg:$0x1c];
	[sflag:s5] =	ssyncadd.s32 $0xFFFFE700  }
0xdb: {  	[tilespmem:s23], [sflag:$0x5] =	stream.indirect.gather [hbm4b:s4+s18], $0x50, s25, s18, $0xb8;
	[tilespmem:$0x154A0] =	vst v63  }
0xdc: {  	_ =	swait.ge [sflag:s24], $0x1900  }
0xdd: {  	[sflag:s24] =	ssyncset.done $0x0  }
0xde: {  	s7 =	rddreg [dreg:$0x1d];
	[sflag:s24] =	ssyncadd.s32 $0xFFFFE700  }
0xdf: {  	[spmem:s2] =	stream.indirect.scatter.add.s16 [tilespmem:s19], [sflag:$0x7], $0x50, s7, s18, $0xb8;
	[tilespmem:$0x154A0] =	vst v63  }
0xe0: {  	_ =	swait.ge [sflag:s26], $0x1900  }
0xe1: {  	[sflag:s26] =	ssyncset.done $0x0  }
0xe2: {  	s8 =	rddreg [dreg:$0x1e];
	[sflag:s26] =	ssyncadd.s32 $0xFFFFE700  }
0xe3: {  	[tilespmem:s15], [sflag:$0x1] =	stream.indirect.gather [hbm4b:s4+s18], $0x50, s8, s18, $0xb8;
	[tilespmem:$0x154A0] =	vst v63  }
0xe4: {  	_ =	swait.ge [sflag:s28], $0x1900  }
0xe5: {  	[sflag:s28] =	ssyncset.done $0x0  }
0xe6: {  	s9 =	rddreg [dreg:$0x1f];
	[sflag:s28] =	ssyncadd.s32 $0xFFFFE700  }
0xe7: {  	[spmem:s2] =	stream.indirect.scatter.add.s16 [tilespmem:s20], [sflag:$0x8], $0x50, s9, s18, $0xb8;
	[tilespmem:$0x154A0] =	vst v63  }
0xe8: {  	_ =	swait.ge [sflag:s29], $0x1900  }
0xe9: {  	s13 =	sld [smem:$0x7E9]  }
0xea: {  	[sflag:s29] =	ssyncset.done $0x0  }
0xeb: {  	[sflag:s29] =	ssyncadd.s32 $0xFFFFE700  }
0xec: {  	[tilespmem:s19], [sflag:$0x2] =	stream.indirect.gather [hbm4b:s4+s18], $0x50, s13, s18, $0xb8;
	[tilespmem:$0x154A0] =	vst v63  }
0xed: {  	_ =	swait.ge [sflag:s30], $0x1900  }
0xee: {  	s14 =	sld [smem:$0x7EB]  }
0xef: {  	[sflag:s30] =	ssyncset.done $0x0  }
0xf0: {  	[sflag:s30] =	ssyncadd.s32 $0xFFFFE700  }
0xf1: {  	[spmem:s2] =	stream.indirect.scatter.add.s16 [tilespmem:s21], [sflag:$0x9], $0x50, s14, s18, $0xb8;
	[tilespmem:$0x154A0] =	vst v63  }
0xf2: {  	_ =	swait.ge [sflag:s31], $0x1900  }
0xf3: {  	s25 =	sld [smem:$0x7ED]  }
0xf4: {  	[sflag:s31] =	ssyncset.done $0x0  }
0xf5: {  	[sflag:s31] =	ssyncadd.s32 $0xFFFFE700  }
0xf6: {  	[tilespmem:s20], [sflag:$0x3] =	stream.indirect.gather [hbm4b:s4+s18], $0x50, s25, s18, $0xb8;
	[tilespmem:$0x154A0] =	vst v63  }
0xf7: {  	_ =	swait.ge [sflag:s1], $0x1900  }
0xf8: {  	s7 =	sld [smem:$0x7EF]  }
0xf9: {  	[sflag:s1] =	ssyncset.done $0x0  }
0xfa: {  	[sflag:s1] =	ssyncadd.s32 $0xFFFFE700  }
0xfb: {  	[spmem:s2] =	stream.indirect.scatter.add.s16 [tilespmem:s23], [sflag:$0xA], $0x50, s7, s18, $0xb8;
	[tilespmem:$0x154A0] =	vst v63  }
0xfc: {  	_ =	swait.ge [sflag:s0], $0x1900  }
0xfd: {  	s8 =	sld [smem:$0x7F2]  }
0xfe: {  	[sflag:s0] =	ssyncset.done $0x0  }
0xff: {  	[sflag:s0] =	ssyncadd.s32 $0xFFFFE700  }
0x100: {  	[tilespmem:s21], [sflag:$0x4] =	stream.indirect.gather [hbm4b:s4+s18], $0x50, s8, s18, $0xb8;
	[tilespmem:$0x154A0] =	vst v63  }
0x101: {  	_ =	swait.ge [sflag:s22], $0x1900  }
0x102: {  	s9 =	sld [smem:$0x7F3]  }
0x103: {  	[sflag:s22] =	ssyncset.done $0x0  }
0x104: {  	[sflag:s22] =	ssyncadd.s32 $0xFFFFE700  }
0x105: {  	[spmem:s2] =	stream.indirect.scatter.add.s16 [tilespmem:s15], [sflag:$0x6], $0x50, s9, s18, $0xb8;
	[tilespmem:$0x154A0] =	vst v63  }
0x106: {  	_ =	swait.ge [sflag:s5], $0x1900  }
0x107: {  	s13 =	sld [smem:$0x7F4]  }
0x108: {  	[sflag:s5] =	ssyncset.done $0x0  }
0x109: {  	[sflag:s5] =	ssyncadd.s32 $0xFFFFE700  }
0x10a: {  	[tilespmem:s23], [sflag:$0x5] =	stream.indirect.gather [hbm4b:s4+s18], $0x50, s13, s18, $0xb8;
	[tilespmem:$0x154A0] =	vst v63  }
0x10b: {  	_ =	swait.ge [sflag:s24], $0x1900  }
0x10c: {  	s14 =	sld [smem:$0x7F5]  }
0x10d: {  	[sflag:s24] =	ssyncset.done $0x0  }
0x10e: {  	[sflag:s24] =	ssyncadd.s32 $0xFFFFE700  }
0x10f: {  	[spmem:s2] =	stream.indirect.scatter.add.s16 [tilespmem:s19], [sflag:$0x7], $0x50, s14, s18, $0xb8;
	[tilespmem:$0x154A0] =	vst v63  }
0x110: {  	_ =	swait.ge [sflag:s26], $0x1900  }
0x111: {  	s25 =	sld [smem:$0x7F6]  }
0x112: {  	[sflag:s26] =	ssyncset.done $0x0  }
0x113: {  	[sflag:s26] =	ssyncadd.s32 $0xFFFFE700  }
0x114: {  	[tilespmem:s15], [sflag:$0x1] =	stream.indirect.gather [hbm4b:s4+s18], $0x50, s25, s18, $0xb8;
	[tilespmem:$0x154A0] =	vst v63  }
0x115: {  	_ =	swait.ge [sflag:s28], $0x1900  }
0x116: {  	s7 =	sld [smem:$0x7F7]  }
0x117: {  	[sflag:s28] =	ssyncset.done $0x0  }
0x118: {  	[sflag:s28] =	ssyncadd.s32 $0xFFFFE700  }
0x119: {  	[spmem:s2] =	stream.indirect.scatter.add.s16 [tilespmem:s20], [sflag:$0x8], $0x50, s7, s18, $0xb8;
	[tilespmem:$0x154A0] =	vst v63  }
0x11a: {  	_ =	swait.ge [sflag:s29], $0x1900  }
0x11b: {  	s8 =	sld [smem:$0x7F8]  }
0x11c: {  	[sflag:s29] =	ssyncset.done $0x0  }
0x11d: {  	[sflag:s29] =	ssyncadd.s32 $0xFFFFE700  }
0x11e: {  	[tilespmem:s19], [sflag:$0x2] =	stream.indirect.gather [hbm4b:s4+s18], $0x50, s8, s18, $0xb8;
	[tilespmem:$0x154A0] =	vst v63  }
0x11f: {  	_ =	swait.ge [sflag:s30], $0x1900  }
0x120: {  	s9 =	sld [smem:$0x7F9]  }
0x121: {  	[sflag:s30] =	ssyncset.done $0x0  }
0x122: {  	[sflag:s30] =	ssyncadd.s32 $0xFFFFE700  }
0x123: {  	[spmem:s2] =	stream.indirect.scatter.add.s16 [tilespmem:s21], [sflag:$0x9], $0x50, s9, s18, $0xb8;
	[tilespmem:$0x154A0] =	vst v63  }
0x124: {  	_ =	swait.ge [sflag:s31], $0x1900  }
0x125: {  	s13 =	sld [smem:$0x7FA]  }
0x126: {  	[sflag:s31] =	ssyncset.done $0x0  }
0x127: {  	[sflag:s31] =	ssyncadd.s32 $0xFFFFE700  }
0x128: {  	[tilespmem:s20], [sflag:$0x3] =	stream.indirect.gather [hbm4b:s4+s18], $0x50, s13, s18, $0xb8;
	[tilespmem:$0x154A0] =	vst v63  }
0x129: {  	_ =	swait.ge [sflag:s1], $0x1900  }
0x12a: {  	s14 =	sld [smem:$0x7FB]  }
0x12b: {  	[sflag:s1] =	ssyncset.done $0x0  }
0x12c: {  	[sflag:s1] =	ssyncadd.s32 $0xFFFFE700  }
0x12d: {  	[spmem:s2] =	stream.indirect.scatter.add.s16 [tilespmem:s23], [sflag:$0xA], $0x50, s14, s18, $0xb8;
	[tilespmem:$0x154A0] =	vst v63  }
0x12e: {  	_ =	swait.ge [sflag:s0], $0x1900  }
0x12f: {  	s25 =	sld [smem:$0x7FC]  }
0x130: {  	[sflag:s0] =	ssyncset.done $0x0  }
0x131: {  	[sflag:s0] =	ssyncadd.s32 $0xFFFFE700  }
0x132: {  	[tilespmem:s21], [sflag:$0x4] =	stream.indirect.gather [hbm4b:s4+s18], $0x50, s25, s18, $0xb8;
	[tilespmem:$0x154A0] =	vst v63  }
0x133: {  	_ =	swait.ge [sflag:s22], $0x1900  }
0x134: {  	[sflag:s22] =	ssyncset.done $0x0  }
0x135: {  	s8 =	simm.s32 $0xE10;
	[sflag:s22] =	ssyncadd.s32 $0xFFFFE700  }
0x136: {  	[spmem:s2] =	stream.indirect.scatter.add.s16 [tilespmem:s15], [sflag:$0x6], $0x50, s8, s18, $0xb8;
	[tilespmem:$0x154A0] =	vst v63  }
0x137: {  	_ =	swait.ge [sflag:s5], $0x1900  }
0x138: {  	[sflag:s5] =	ssyncset.done $0x0  }
0x139: {  	s9 =	simm.s32 $0x780;
	[sflag:s5] =	ssyncadd.s32 $0xFFFFE700  }
0x13a: {  	[tilespmem:s23], [sflag:$0x5] =	stream.indirect.gather [hbm4b:s4+s18], $0x50, s9, s18, $0xb8;
	[tilespmem:$0x154A0] =	vst v63  }
0x13b: {  	_ =	swait.ge [sflag:s24], $0x1900  }
0x13c: {  	[sflag:s24] =	ssyncset.done $0x0  }
0x13d: {  	s13 =	simm.s32 $0xE60;
	[sflag:s24] =	ssyncadd.s32 $0xFFFFE700  }
0x13e: {  	[spmem:s2] =	stream.indirect.scatter.add.s16 [tilespmem:s19], [sflag:$0x7], $0x50, s13, s18, $0xb8;
	[tilespmem:$0x154A0] =	vst v63  }
0x13f: {  	_ =	swait.ge [sflag:s26], $0x1900  }
0x140: {  	[sflag:s26] =	ssyncset.done $0x0  }
0x141: {  	[sflag:s26] =	ssyncadd.s32 $0xFFFFE700  }
0x142: {  	_ =	swait.ge [sflag:s28], $0x1900  }
0x143: {  	[sflag:s28] =	ssyncset.done $0x0  }
0x144: {  	[sflag:s28] =	ssyncadd.s32 $0xFFFFE700  }
0x145: {  	[spmem:s2] =	stream.indirect.scatter.add.s16 [tilespmem:s20], [sflag:$0x8], $0x50, s10, s18, $0xb8;
	[tilespmem:$0x154A0] =	vst v63  }
0x146: {  	_ =	swait.ge [sflag:s29], $0x1900  }
0x147: {  	[sflag:s29] =	ssyncset.done $0x0  }
0x148: {  	[sflag:s29] =	ssyncadd.s32 $0xFFFFE700  }
0x149: {  	_ =	swait.ge [sflag:s30], $0x1900  }
0x14a: {  	[sflag:s30] =	ssyncset.done $0x0  }
0x14b: {  	[sflag:s30] =	ssyncadd.s32 $0xFFFFE700  }
0x14c: {  	[spmem:s2] =	stream.indirect.scatter.add.s16 [tilespmem:s21], [sflag:$0x9], $0x50, s11, s18, $0xb8;
	[tilespmem:$0x154A0] =	vst v63  }
0x14d: {  	_ =	swait.ge [sflag:s31], $0x1900  }
0x14e: {  	[sflag:s31] =	ssyncset.done $0x0  }
0x14f: {  	[sflag:s31] =	ssyncadd.s32 $0xFFFFE700  }
0x150: {  	_ =	swait.ge [sflag:s1], $0x1900  }
0x151: {  	[sflag:s1] =	ssyncset.done $0x0  }
0x152: {  	[sflag:s1] =	ssyncadd.s32 $0xFFFFE700  }
0x153: {  	[spmem:s2] =	stream.indirect.scatter.add.s16 [tilespmem:s23], [sflag:$0xA], $0x50, s12, s18, $0xb8;
	[tilespmem:$0x154A0] =	vst v63  }
0x154: {  	_ =	swait.ge [sflag:s0], $0x1900  }
0x155: {  	[sflag:s0] =	ssyncset.done $0x0  }
0x156: {  	[sflag:s0] =	ssyncadd.s32 $0xFFFFE700  }
0x157: {  	s14 =	simm.s32 $0xFA;
	_ =	swait.ge [sflag:s5], $0x1900  }
0x158: {  	s25 =	simm.s32 $0x1F4;
	s7 =	rddreg [dreg:$0x4];
	[sflag:s5] =	ssyncset.done $0x0  }
.LBB2_4:
0x159: {  	[sflag:s5] =	ssyncadd.s32 $0xFFFFE700;
	s7 =	sadd.s32 s14, s7  }
0x15a: {  	[tilespmem:s3], [sflag:$0xB] =	stream.linear.gather [hbm4b:s7+s3], $0x7D0, $0x38;
	[tilespmem:$0x154A0] =	vst v63  }
0x15b: {  	_ =	swait.ge [sflag:s16], $0x7D0  }
0x15c: {  	s7 =	rddreg [dreg:$0x5];
	[sflag:s16] =	ssyncset.done $0x0  }
0x15d: {  	[sflag:s16] =	ssyncadd.s32 $0xFFFFF830;
	s7 =	sadd.s32 s14, s7  }
0x15e: {  	[tilespmem:s17], [sflag:$0xB] =	stream.linear.gather [hbm4b:s7+s3], $0x7D0, $0x38;
	[tilespmem:$0x154A0] =	vst v63  }
0x15f: {  	_ =	swait.ge [sflag:s16], $0x7D0  }
0x160: {  	[sflag:s16] =	ssyncset.done $0x0  }
0x161: {  	[sflag:s16] =	ssyncadd.s32 $0xFFFFF830  }
0x162: {  	[tilespmem:s15], [sflag:$0x1] =	stream.indirect.gather [hbm4b:s4+s18], $0x50, s3, s18, $0xb8;
	[tilespmem:$0x154A0] =	vst v63  }
0x163: {  	s6 =	smov.u32 s25  }
0x164: {  	[tilespmem:s19], [sflag:$0x2] =	stream.indirect.gather [hbm4b:s4+s18], $0x50, s18, s18, $0xb8;
	[tilespmem:$0x154A0] =	vst v63  }
0x165: {  	s14 =	smov.u32 s6;
	s6 =	rddreg [dreg:$0x6]  }
0x166: {  	[tilespmem:s20], [sflag:$0x3] =	stream.indirect.gather [hbm4b:s4+s18], $0x50, s6, s18, $0xb8;
	[tilespmem:$0x154A0] =	vst v63  }
0x167: {  	s7 =	rddreg [dreg:$0x7]  }
0x168: {  	[tilespmem:s21], [sflag:$0x4] =	stream.indirect.gather [hbm4b:s4+s18], $0x50, s7, s18, $0xb8;
	[tilespmem:$0x154A0] =	vst v63  }
0x169: {  	_ =	swait.ge [sflag:s22], $0x1900  }
0x16a: {  	[sflag:s22] =	ssyncset.done $0x0  }
0x16b: {  	[sflag:s22] =	ssyncadd.s32 $0xFFFFE700  }
0x16c: {  	[spmem:s2] =	stream.indirect.scatter.add.s16 [tilespmem:s15], [sflag:$0x6], $0x50, s17, s18, $0xb8;
	[tilespmem:$0x154A0] =	vst v63  }
0x16d: {  	s7 =	rddreg [dreg:$0x8]  }
0x16e: {  	[tilespmem:s23], [sflag:$0x5] =	stream.indirect.gather [hbm4b:s4+s18], $0x50, s7, s18, $0xb8;
	[tilespmem:$0x154A0] =	vst v63  }
0x16f: {  	_ =	swait.ge [sflag:s24], $0x1900  }
0x170: {  	[sflag:s24] =	ssyncset.done $0x0  }
0x171: {  	s7 =	rddreg [dreg:$0x9];
	[sflag:s24] =	ssyncadd.s32 $0xFFFFE700  }
0x172: {  	[spmem:s2] =	stream.indirect.scatter.add.s16 [tilespmem:s19], [sflag:$0x7], $0x50, s7, s18, $0xb8;
	[tilespmem:$0x154A0] =	vst v63  }
0x173: {  	_ =	swait.ge [sflag:s26], $0x1900  }
0x174: {  	[sflag:s26] =	ssyncset.done $0x0  }
0x175: {  	s7 =	rddreg [dreg:$0xa];
	[sflag:s26] =	ssyncadd.s32 $0xFFFFE700  }
0x176: {  	[tilespmem:s15], [sflag:$0x1] =	stream.indirect.gather [hbm4b:s4+s18], $0x50, s7, s18, $0xb8;
	[tilespmem:$0x154A0] =	vst v63  }
0x177: {  	_ =	swait.ge [sflag:s28], $0x1900  }
0x178: {  	[sflag:s28] =	ssyncset.done $0x0  }
0x179: {  	s7 =	rddreg [dreg:$0xb];
	[sflag:s28] =	ssyncadd.s32 $0xFFFFE700  }
0x17a: {  	[spmem:s2] =	stream.indirect.scatter.add.s16 [tilespmem:s20], [sflag:$0x8], $0x50, s7, s18, $0xb8;
	[tilespmem:$0x154A0] =	vst v63  }
0x17b: {  	_ =	swait.ge [sflag:s29], $0x1900  }
0x17c: {  	[sflag:s29] =	ssyncset.done $0x0  }
0x17d: {  	s7 =	rddreg [dreg:$0xc];
	[sflag:s29] =	ssyncadd.s32 $0xFFFFE700  }
0x17e: {  	[tilespmem:s19], [sflag:$0x2] =	stream.indirect.gather [hbm4b:s4+s18], $0x50, s7, s18, $0xb8;
	[tilespmem:$0x154A0] =	vst v63  }
0x17f: {  	_ =	swait.ge [sflag:s30], $0x1900  }
0x180: {  	[sflag:s30] =	ssyncset.done $0x0  }
0x181: {  	s7 =	rddreg [dreg:$0xd];
	[sflag:s30] =	ssyncadd.s32 $0xFFFFE700  }
0x182: {  	[spmem:s2] =	stream.indirect.scatter.add.s16 [tilespmem:s21], [sflag:$0x9], $0x50, s7, s18, $0xb8;
	[tilespmem:$0x154A0] =	vst v63  }
0x183: {  	_ =	swait.ge [sflag:s31], $0x1900  }
0x184: {  	[sflag:s31] =	ssyncset.done $0x0  }
0x185: {  	s7 =	rddreg [dreg:$0xe];
	[sflag:s31] =	ssyncadd.s32 $0xFFFFE700  }
0x186: {  	[tilespmem:s20], [sflag:$0x3] =	stream.indirect.gather [hbm4b:s4+s18], $0x50, s7, s18, $0xb8;
	[tilespmem:$0x154A0] =	vst v63  }
0x187: {  	_ =	swait.ge [sflag:s1], $0x1900  }
0x188: {  	[sflag:s1] =	ssyncset.done $0x0  }
0x189: {  	s7 =	rddreg [dreg:$0xf];
	[sflag:s1] =	ssyncadd.s32 $0xFFFFE700  }
0x18a: {  	[spmem:s2] =	stream.indirect.scatter.add.s16 [tilespmem:s23], [sflag:$0xA], $0x50, s7, s18, $0xb8;
	[tilespmem:$0x154A0] =	vst v63  }
0x18b: {  	_ =	swait.ge [sflag:s0], $0x1900  }
0x18c: {  	[sflag:s0] =	ssyncset.done $0x0  }
0x18d: {  	s7 =	rddreg [dreg:$0x10];
	[sflag:s0] =	ssyncadd.s32 $0xFFFFE700  }
0x18e: {  	[tilespmem:s21], [sflag:$0x4] =	stream.indirect.gather [hbm4b:s4+s18], $0x50, s7, s18, $0xb8;
	[tilespmem:$0x154A0] =	vst v63  }
0x18f: {  	_ =	swait.ge [sflag:s22], $0x1900  }
0x190: {  	[sflag:s22] =	ssyncset.done $0x0  }
0x191: {  	s7 =	rddreg [dreg:$0x11];
	[sflag:s22] =	ssyncadd.s32 $0xFFFFE700  }
0x192: {  	[spmem:s2] =	stream.indirect.scatter.add.s16 [tilespmem:s15], [sflag:$0x6], $0x50, s7, s18, $0xb8;
	[tilespmem:$0x154A0] =	vst v63  }
0x193: {  	_ =	swait.ge [sflag:s5], $0x1900  }
0x194: {  	[sflag:s5] =	ssyncset.done $0x0  }
0x195: {  	s7 =	rddreg [dreg:$0x12];
	[sflag:s5] =	ssyncadd.s32 $0xFFFFE700  }
0x196: {  	[tilespmem:s23], [sflag:$0x5] =	stream.indirect.gather [hbm4b:s4+s18], $0x50, s7, s18, $0xb8;
	[tilespmem:$0x154A0] =	vst v63  }
0x197: {  	_ =	swait.ge [sflag:s24], $0x1900  }
0x198: {  	[sflag:s24] =	ssyncset.done $0x0  }
0x199: {  	s7 =	rddreg [dreg:$0x13];
	[sflag:s24] =	ssyncadd.s32 $0xFFFFE700  }
0x19a: {  	[spmem:s2] =	stream.indirect.scatter.add.s16 [tilespmem:s19], [sflag:$0x7], $0x50, s7, s18, $0xb8;
	[tilespmem:$0x154A0] =	vst v63  }
0x19b: {  	_ =	swait.ge [sflag:s26], $0x1900  }
0x19c: {  	[sflag:s26] =	ssyncset.done $0x0  }
0x19d: {  	s7 =	rddreg [dreg:$0x14];
	[sflag:s26] =	ssyncadd.s32 $0xFFFFE700  }
0x19e: {  	[tilespmem:s15], [sflag:$0x1] =	stream.indirect.gather [hbm4b:s4+s18], $0x50, s7, s18, $0xb8;
	[tilespmem:$0x154A0] =	vst v63  }
0x19f: {  	_ =	swait.ge [sflag:s28], $0x1900  }
0x1a0: {  	[sflag:s28] =	ssyncset.done $0x0  }
0x1a1: {  	s7 =	rddreg [dreg:$0x15];
	[sflag:s28] =	ssyncadd.s32 $0xFFFFE700  }
0x1a2: {  	[spmem:s2] =	stream.indirect.scatter.add.s16 [tilespmem:s20], [sflag:$0x8], $0x50, s7, s18, $0xb8;
	[tilespmem:$0x154A0] =	vst v63  }
0x1a3: {  	_ =	swait.ge [sflag:s29], $0x1900  }
0x1a4: {  	[sflag:s29] =	ssyncset.done $0x0  }
0x1a5: {  	s7 =	rddreg [dreg:$0x16];
	[sflag:s29] =	ssyncadd.s32 $0xFFFFE700  }
0x1a6: {  	[tilespmem:s19], [sflag:$0x2] =	stream.indirect.gather [hbm4b:s4+s18], $0x50, s7, s18, $0xb8;
	[tilespmem:$0x154A0] =	vst v63  }
0x1a7: {  	_ =	swait.ge [sflag:s30], $0x1900  }
0x1a8: {  	[sflag:s30] =	ssyncset.done $0x0  }
0x1a9: {  	s7 =	rddreg [dreg:$0x17];
	[sflag:s30] =	ssyncadd.s32 $0xFFFFE700  }
0x1aa: {  	[spmem:s2] =	stream.indirect.scatter.add.s16 [tilespmem:s21], [sflag:$0x9], $0x50, s7, s18, $0xb8;
	[tilespmem:$0x154A0] =	vst v63  }
0x1ab: {  	_ =	swait.ge [sflag:s31], $0x1900  }
0x1ac: {  	[sflag:s31] =	ssyncset.done $0x0  }
0x1ad: {  	s7 =	rddreg [dreg:$0x18];
	[sflag:s31] =	ssyncadd.s32 $0xFFFFE700  }
0x1ae: {  	[tilespmem:s20], [sflag:$0x3] =	stream.indirect.gather [hbm4b:s4+s18], $0x50, s7, s18, $0xb8;
	[tilespmem:$0x154A0] =	vst v63  }
0x1af: {  	_ =	swait.ge [sflag:s1], $0x1900  }
0x1b0: {  	[sflag:s1] =	ssyncset.done $0x0  }
0x1b1: {  	s7 =	rddreg [dreg:$0x19];
	[sflag:s1] =	ssyncadd.s32 $0xFFFFE700  }
0x1b2: {  	[spmem:s2] =	stream.indirect.scatter.add.s16 [tilespmem:s23], [sflag:$0xA], $0x50, s7, s18, $0xb8;
	[tilespmem:$0x154A0] =	vst v63  }
0x1b3: {  	_ =	swait.ge [sflag:s0], $0x1900  }
0x1b4: {  	[sflag:s0] =	ssyncset.done $0x0  }
0x1b5: {  	s7 =	rddreg [dreg:$0x1a];
	[sflag:s0] =	ssyncadd.s32 $0xFFFFE700  }
0x1b6: {  	[tilespmem:s21], [sflag:$0x4] =	stream.indirect.gather [hbm4b:s4+s18], $0x50, s7, s18, $0xb8;
	[tilespmem:$0x154A0] =	vst v63  }
0x1b7: {  	_ =	swait.ge [sflag:s22], $0x1900  }
0x1b8: {  	[sflag:s22] =	ssyncset.done $0x0  }
0x1b9: {  	s7 =	rddreg [dreg:$0x1b];
	[sflag:s22] =	ssyncadd.s32 $0xFFFFE700  }
0x1ba: {  	[spmem:s2] =	stream.indirect.scatter.add.s16 [tilespmem:s15], [sflag:$0x6], $0x50, s7, s18, $0xb8;
	[tilespmem:$0x154A0] =	vst v63  }
0x1bb: {  	_ =	swait.ge [sflag:s5], $0x1900  }
0x1bc: {  	[sflag:s5] =	ssyncset.done $0x0  }
0x1bd: {  	s7 =	rddreg [dreg:$0x1c];
	[sflag:s5] =	ssyncadd.s32 $0xFFFFE700  }
0x1be: {  	[tilespmem:s23], [sflag:$0x5] =	stream.indirect.gather [hbm4b:s4+s18], $0x50, s7, s18, $0xb8;
	[tilespmem:$0x154A0] =	vst v63  }
0x1bf: {  	_ =	swait.ge [sflag:s24], $0x1900  }
0x1c0: {  	[sflag:s24] =	ssyncset.done $0x0  }
0x1c1: {  	s7 =	rddreg [dreg:$0x1d];
	[sflag:s24] =	ssyncadd.s32 $0xFFFFE700  }
0x1c2: {  	[spmem:s2] =	stream.indirect.scatter.add.s16 [tilespmem:s19], [sflag:$0x7], $0x50, s7, s18, $0xb8;
	[tilespmem:$0x154A0] =	vst v63  }
0x1c3: {  	_ =	swait.ge [sflag:s26], $0x1900  }
0x1c4: {  	[sflag:s26] =	ssyncset.done $0x0  }
0x1c5: {  	s7 =	rddreg [dreg:$0x1e];
	[sflag:s26] =	ssyncadd.s32 $0xFFFFE700  }
0x1c6: {  	[tilespmem:s15], [sflag:$0x1] =	stream.indirect.gather [hbm4b:s4+s18], $0x50, s7, s18, $0xb8;
	[tilespmem:$0x154A0] =	vst v63  }
0x1c7: {  	_ =	swait.ge [sflag:s28], $0x1900  }
0x1c8: {  	[sflag:s28] =	ssyncset.done $0x0  }
0x1c9: {  	s7 =	rddreg [dreg:$0x1f];
	[sflag:s28] =	ssyncadd.s32 $0xFFFFE700  }
0x1ca: {  	[spmem:s2] =	stream.indirect.scatter.add.s16 [tilespmem:s20], [sflag:$0x8], $0x50, s7, s18, $0xb8;
	[tilespmem:$0x154A0] =	vst v63  }
0x1cb: {  	_ =	swait.ge [sflag:s29], $0x1900  }
0x1cc: {  	s7 =	sld [smem:$0x7E9]  }
0x1cd: {  	[sflag:s29] =	ssyncset.done $0x0  }
0x1ce: {  	[sflag:s29] =	ssyncadd.s32 $0xFFFFE700  }
0x1cf: {  	[tilespmem:s19], [sflag:$0x2] =	stream.indirect.gather [hbm4b:s4+s18], $0x50, s7, s18, $0xb8;
	[tilespmem:$0x154A0] =	vst v63  }
0x1d0: {  	_ =	swait.ge [sflag:s30], $0x1900  }
0x1d1: {  	s7 =	sld [smem:$0x7EB]  }
0x1d2: {  	[sflag:s30] =	ssyncset.done $0x0  }
0x1d3: {  	[sflag:s30] =	ssyncadd.s32 $0xFFFFE700  }
0x1d4: {  	[spmem:s2] =	stream.indirect.scatter.add.s16 [tilespmem:s21], [sflag:$0x9], $0x50, s7, s18, $0xb8;
	[tilespmem:$0x154A0] =	vst v63  }
0x1d5: {  	_ =	swait.ge [sflag:s31], $0x1900  }
0x1d6: {  	s7 =	sld [smem:$0x7ED]  }
0x1d7: {  	[sflag:s31] =	ssyncset.done $0x0  }
0x1d8: {  	[sflag:s31] =	ssyncadd.s32 $0xFFFFE700  }
0x1d9: {  	[tilespmem:s20], [sflag:$0x3] =	stream.indirect.gather [hbm4b:s4+s18], $0x50, s7, s18, $0xb8;
	[tilespmem:$0x154A0] =	vst v63  }
0x1da: {  	_ =	swait.ge [sflag:s1], $0x1900  }
0x1db: {  	s7 =	sld [smem:$0x7EF]  }
0x1dc: {  	[sflag:s1] =	ssyncset.done $0x0  }
0x1dd: {  	[sflag:s1] =	ssyncadd.s32 $0xFFFFE700  }
0x1de: {  	[spmem:s2] =	stream.indirect.scatter.add.s16 [tilespmem:s23], [sflag:$0xA], $0x50, s7, s18, $0xb8;
	[tilespmem:$0x154A0] =	vst v63  }
0x1df: {  	_ =	swait.ge [sflag:s0], $0x1900  }
0x1e0: {  	s7 =	sld [smem:$0x7F2]  }
0x1e1: {  	[sflag:s0] =	ssyncset.done $0x0  }
0x1e2: {  	[sflag:s0] =	ssyncadd.s32 $0xFFFFE700  }
0x1e3: {  	[tilespmem:s21], [sflag:$0x4] =	stream.indirect.gather [hbm4b:s4+s18], $0x50, s7, s18, $0xb8;
	[tilespmem:$0x154A0] =	vst v63  }
0x1e4: {  	_ =	swait.ge [sflag:s22], $0x1900  }
0x1e5: {  	s7 =	sld [smem:$0x7F3]  }
0x1e6: {  	[sflag:s22] =	ssyncset.done $0x0  }
0x1e7: {  	[sflag:s22] =	ssyncadd.s32 $0xFFFFE700  }
0x1e8: {  	[spmem:s2] =	stream.indirect.scatter.add.s16 [tilespmem:s15], [sflag:$0x6], $0x50, s7, s18, $0xb8;
	[tilespmem:$0x154A0] =	vst v63  }
0x1e9: {  	_ =	swait.ge [sflag:s5], $0x1900  }
0x1ea: {  	s7 =	sld [smem:$0x7F4]  }
0x1eb: {  	[sflag:s5] =	ssyncset.done $0x0  }
0x1ec: {  	[sflag:s5] =	ssyncadd.s32 $0xFFFFE700  }
0x1ed: {  	[tilespmem:s23], [sflag:$0x5] =	stream.indirect.gather [hbm4b:s4+s18], $0x50, s7, s18, $0xb8;
	[tilespmem:$0x154A0] =	vst v63  }
0x1ee: {  	_ =	swait.ge [sflag:s24], $0x1900  }
0x1ef: {  	s7 =	sld [smem:$0x7F5]  }
0x1f0: {  	[sflag:s24] =	ssyncset.done $0x0  }
0x1f1: {  	[sflag:s24] =	ssyncadd.s32 $0xFFFFE700  }
0x1f2: {  	[spmem:s2] =	stream.indirect.scatter.add.s16 [tilespmem:s19], [sflag:$0x7], $0x50, s7, s18, $0xb8;
	[tilespmem:$0x154A0] =	vst v63  }
0x1f3: {  	_ =	swait.ge [sflag:s26], $0x1900  }
0x1f4: {  	s7 =	sld [smem:$0x7F6]  }
0x1f5: {  	[sflag:s26] =	ssyncset.done $0x0  }
0x1f6: {  	[sflag:s26] =	ssyncadd.s32 $0xFFFFE700  }
0x1f7: {  	[tilespmem:s15], [sflag:$0x1] =	stream.indirect.gather [hbm4b:s4+s18], $0x50, s7, s18, $0xb8;
	[tilespmem:$0x154A0] =	vst v63  }
0x1f8: {  	_ =	swait.ge [sflag:s28], $0x1900  }
0x1f9: {  	s7 =	sld [smem:$0x7F7]  }
0x1fa: {  	[sflag:s28] =	ssyncset.done $0x0  }
0x1fb: {  	[sflag:s28] =	ssyncadd.s32 $0xFFFFE700  }
0x1fc: {  	[spmem:s2] =	stream.indirect.scatter.add.s16 [tilespmem:s20], [sflag:$0x8], $0x50, s7, s18, $0xb8;
	[tilespmem:$0x154A0] =	vst v63  }
0x1fd: {  	_ =	swait.ge [sflag:s29], $0x1900  }
0x1fe: {  	s7 =	sld [smem:$0x7F8]  }
0x1ff: {  	[sflag:s29] =	ssyncset.done $0x0  }
0x200: {  	[sflag:s29] =	ssyncadd.s32 $0xFFFFE700  }
0x201: {  	[tilespmem:s19], [sflag:$0x2] =	stream.indirect.gather [hbm4b:s4+s18], $0x50, s7, s18, $0xb8;
	[tilespmem:$0x154A0] =	vst v63  }
0x202: {  	_ =	swait.ge [sflag:s30], $0x1900  }
0x203: {  	s7 =	sld [smem:$0x7F9]  }
0x204: {  	[sflag:s30] =	ssyncset.done $0x0  }
0x205: {  	[sflag:s30] =	ssyncadd.s32 $0xFFFFE700  }
0x206: {  	[spmem:s2] =	stream.indirect.scatter.add.s16 [tilespmem:s21], [sflag:$0x9], $0x50, s7, s18, $0xb8;
	[tilespmem:$0x154A0] =	vst v63  }
0x207: {  	_ =	swait.ge [sflag:s31], $0x1900  }
0x208: {  	s7 =	sld [smem:$0x7FA]  }
0x209: {  	[sflag:s31] =	ssyncset.done $0x0  }
0x20a: {  	[sflag:s31] =	ssyncadd.s32 $0xFFFFE700  }
0x20b: {  	[tilespmem:s20], [sflag:$0x3] =	stream.indirect.gather [hbm4b:s4+s18], $0x50, s7, s18, $0xb8;
	[tilespmem:$0x154A0] =	vst v63  }
0x20c: {  	_ =	swait.ge [sflag:s1], $0x1900  }
0x20d: {  	s7 =	sld [smem:$0x7FB]  }
0x20e: {  	[sflag:s1] =	ssyncset.done $0x0  }
0x20f: {  	[sflag:s1] =	ssyncadd.s32 $0xFFFFE700  }
0x210: {  	[spmem:s2] =	stream.indirect.scatter.add.s16 [tilespmem:s23], [sflag:$0xA], $0x50, s7, s18, $0xb8;
	[tilespmem:$0x154A0] =	vst v63  }
0x211: {  	_ =	swait.ge [sflag:s0], $0x1900  }
0x212: {  	s7 =	sld [smem:$0x7FC]  }
0x213: {  	[sflag:s0] =	ssyncset.done $0x0  }
0x214: {  	[sflag:s0] =	ssyncadd.s32 $0xFFFFE700  }
0x215: {  	[tilespmem:s21], [sflag:$0x4] =	stream.indirect.gather [hbm4b:s4+s18], $0x50, s7, s18, $0xb8;
	[tilespmem:$0x154A0] =	vst v63  }
0x216: {  	_ =	swait.ge [sflag:s22], $0x1900  }
0x217: {  	[sflag:s22] =	ssyncset.done $0x0  }
0x218: {  	[sflag:s22] =	ssyncadd.s32 $0xFFFFE700  }
0x219: {  	[spmem:s2] =	stream.indirect.scatter.add.s16 [tilespmem:s15], [sflag:$0x6], $0x50, s8, s18, $0xb8;
	[tilespmem:$0x154A0] =	vst v63  }
0x21a: {  	_ =	swait.ge [sflag:s5], $0x1900  }
0x21b: {  	[sflag:s5] =	ssyncset.done $0x0  }
0x21c: {  	[sflag:s5] =	ssyncadd.s32 $0xFFFFE700  }
0x21d: {  	[tilespmem:s23], [sflag:$0x5] =	stream.indirect.gather [hbm4b:s4+s18], $0x50, s9, s18, $0xb8;
	[tilespmem:$0x154A0] =	vst v63  }
0x21e: {  	_ =	swait.ge [sflag:s24], $0x1900  }
0x21f: {  	[sflag:s24] =	ssyncset.done $0x0  }
0x220: {  	[sflag:s24] =	ssyncadd.s32 $0xFFFFE700  }
0x221: {  	[spmem:s2] =	stream.indirect.scatter.add.s16 [tilespmem:s19], [sflag:$0x7], $0x50, s13, s18, $0xb8;
	[tilespmem:$0x154A0] =	vst v63  }
0x222: {  	_ =	swait.ge [sflag:s26], $0x1900  }
0x223: {  	[sflag:s26] =	ssyncset.done $0x0  }
0x224: {  	[sflag:s26] =	ssyncadd.s32 $0xFFFFE700  }
0x225: {  	_ =	swait.ge [sflag:s28], $0x1900  }
0x226: {  	[sflag:s28] =	ssyncset.done $0x0  }
0x227: {  	[sflag:s28] =	ssyncadd.s32 $0xFFFFE700  }
0x228: {  	[spmem:s2] =	stream.indirect.scatter.add.s16 [tilespmem:s20], [sflag:$0x8], $0x50, s10, s18, $0xb8;
	[tilespmem:$0x154A0] =	vst v63  }
0x229: {  	_ =	swait.ge [sflag:s29], $0x1900  }
0x22a: {  	[sflag:s29] =	ssyncset.done $0x0  }
0x22b: {  	[sflag:s29] =	ssyncadd.s32 $0xFFFFE700  }
0x22c: {  	_ =	swait.ge [sflag:s30], $0x1900  }
0x22d: {  	[sflag:s30] =	ssyncset.done $0x0  }
0x22e: {  	[sflag:s30] =	ssyncadd.s32 $0xFFFFE700  }
0x22f: {  	[spmem:s2] =	stream.indirect.scatter.add.s16 [tilespmem:s21], [sflag:$0x9], $0x50, s11, s18, $0xb8;
	[tilespmem:$0x154A0] =	vst v63  }
0x230: {  	_ =	swait.ge [sflag:s31], $0x1900  }
0x231: {  	[sflag:s31] =	ssyncset.done $0x0  }
0x232: {  	[sflag:s31] =	ssyncadd.s32 $0xFFFFE700  }
0x233: {  	_ =	swait.ge [sflag:s1], $0x1900  }
0x234: {  	[sflag:s1] =	ssyncset.done $0x0  }
0x235: {  	p0 =	sne.s32 s25, $0x3E8;
	[sflag:s1] =	ssyncadd.s32 $0xFFFFE700  }
0x236: {  	[spmem:s2] =	stream.indirect.scatter.add.s16 [tilespmem:s23], [sflag:$0xA], $0x50, s12, s18, $0xb8;
	[tilespmem:$0x154A0] =	vst v63  }
.Ltmp1:
0x237: {  	_ =	swait.ge [sflag:s0], $0x1900;
	(pc) =	sbr.rel @p0 .LBB2_4-.Ltmp1, $4  }
0x238: {  	[sflag:s0] =	ssyncset.done $0x0  }
0x239: {  	[sflag:s0] =	ssyncadd.s32 $0xFFFFE700  }
0x23a: {  	_ =	swait.ge [sflag:s5], $0x1900  }
0x23b: {  	s25 =	sadd.s32 $0xFA, s25;
	s7 =	rddreg [dreg:$0x4];
	[sflag:s5] =	ssyncset.done $0x0  }
0x23c: {  	[sflag:s5] =	ssyncadd.s32 $0xFFFFE700;
	s6 =	sadd.s32 s14, s7  }
0x23d: {  	[tilespmem:s3], [sflag:$0xB] =	stream.linear.gather [hbm4b:s6+s3], $0x7D0, $0x38;
	[tilespmem:$0x154A0] =	vst v63  }
0x23e: {  	_ =	swait.ge [sflag:s16], $0x7D0  }
0x23f: {  	s7 =	rddreg [dreg:$0x5];
	[sflag:s16] =	ssyncset.done $0x0  }
0x240: {  	[sflag:s16] =	ssyncadd.s32 $0xFFFFF830;
	s6 =	sadd.s32 s14, s7  }
0x241: {  	[tilespmem:s17], [sflag:$0xB] =	stream.linear.gather [hbm4b:s6+s3], $0x7D0, $0x38;
	[tilespmem:$0x154A0] =	vst v63  }
0x242: {  	_ =	swait.ge [sflag:s16], $0x7D0  }
0x243: {  	[sflag:s16] =	ssyncset.done $0x0  }
0x244: {  	[sflag:s16] =	ssyncadd.s32 $0xFFFFF830  }
0x245: {  	[tilespmem:s15], [sflag:$0x1] =	stream.indirect.gather [hbm4b:s4+s18], $0x50, s3, s18, $0xb8;
	[tilespmem:$0x154A0] =	vst v63  }
0x246: {  	_ = 	snop  }
0x247: {  	[tilespmem:s19], [sflag:$0x2] =	stream.indirect.gather [hbm4b:s4+s18], $0x50, s18, s18, $0xb8;
	[tilespmem:$0x154A0] =	vst v63  }
0x248: {  	s14 =	rddreg [dreg:$0x6]  }
0x249: {  	[tilespmem:s20], [sflag:$0x3] =	stream.indirect.gather [hbm4b:s4+s18], $0x50, s14, s18, $0xb8;
	[tilespmem:$0x154A0] =	vst v63  }
0x24a: {  	s25 =	rddreg [dreg:$0x7]  }
0x24b: {  	[tilespmem:s21], [sflag:$0x4] =	stream.indirect.gather [hbm4b:s4+s18], $0x50, s25, s18, $0xb8;
	[tilespmem:$0x154A0] =	vst v63  }
0x24c: {  	_ =	swait.ge [sflag:s22], $0x1900  }
0x24d: {  	[sflag:s22] =	ssyncset.done $0x0  }
0x24e: {  	[sflag:s22] =	ssyncadd.s32 $0xFFFFE700  }
0x24f: {  	[spmem:s2] =	stream.indirect.scatter.add.s16 [tilespmem:s15], [sflag:$0x6], $0x50, s17, s18, $0xb8;
	[tilespmem:$0x154A0] =	vst v63  }
0x250: {  	s14 =	rddreg [dreg:$0x8]  }
0x251: {  	[tilespmem:s23], [sflag:$0x5] =	stream.indirect.gather [hbm4b:s4+s18], $0x50, s14, s18, $0xb8;
	[tilespmem:$0x154A0] =	vst v63  }
0x252: {  	_ =	swait.ge [sflag:s24], $0x1900  }
0x253: {  	[sflag:s24] =	ssyncset.done $0x0  }
0x254: {  	s25 =	rddreg [dreg:$0x9];
	[sflag:s24] =	ssyncadd.s32 $0xFFFFE700  }
0x255: {  	[spmem:s2] =	stream.indirect.scatter.add.s16 [tilespmem:s19], [sflag:$0x7], $0x50, s25, s18, $0xb8;
	[tilespmem:$0x154A0] =	vst v63  }
0x256: {  	_ =	swait.ge [sflag:s26], $0x1900  }
0x257: {  	[sflag:s26] =	ssyncset.done $0x0  }
0x258: {  	s7 =	rddreg [dreg:$0xa];
	[sflag:s26] =	ssyncadd.s32 $0xFFFFE700  }
0x259: {  	[tilespmem:s15], [sflag:$0x1] =	stream.indirect.gather [hbm4b:s4+s18], $0x50, s7, s18, $0xb8;
	[tilespmem:$0x154A0] =	vst v63  }
0x25a: {  	_ =	swait.ge [sflag:s28], $0x1900  }
0x25b: {  	[sflag:s28] =	ssyncset.done $0x0  }
0x25c: {  	s14 =	rddreg [dreg:$0xb];
	[sflag:s28] =	ssyncadd.s32 $0xFFFFE700  }
0x25d: {  	[spmem:s2] =	stream.indirect.scatter.add.s16 [tilespmem:s20], [sflag:$0x8], $0x50, s14, s18, $0xb8;
	[tilespmem:$0x154A0] =	vst v63  }
0x25e: {  	_ =	swait.ge [sflag:s29], $0x1900  }
0x25f: {  	[sflag:s29] =	ssyncset.done $0x0  }
0x260: {  	s25 =	rddreg [dreg:$0xc];
	[sflag:s29] =	ssyncadd.s32 $0xFFFFE700  }
0x261: {  	[tilespmem:s19], [sflag:$0x2] =	stream.indirect.gather [hbm4b:s4+s18], $0x50, s25, s18, $0xb8;
	[tilespmem:$0x154A0] =	vst v63  }
0x262: {  	_ =	swait.ge [sflag:s30], $0x1900  }
0x263: {  	[sflag:s30] =	ssyncset.done $0x0  }
0x264: {  	s7 =	rddreg [dreg:$0xd];
	[sflag:s30] =	ssyncadd.s32 $0xFFFFE700  }
0x265: {  	[spmem:s2] =	stream.indirect.scatter.add.s16 [tilespmem:s21], [sflag:$0x9], $0x50, s7, s18, $0xb8;
	[tilespmem:$0x154A0] =	vst v63  }
0x266: {  	_ =	swait.ge [sflag:s31], $0x1900  }
0x267: {  	[sflag:s31] =	ssyncset.done $0x0  }
0x268: {  	s14 =	rddreg [dreg:$0xe];
	[sflag:s31] =	ssyncadd.s32 $0xFFFFE700  }
0x269: {  	[tilespmem:s20], [sflag:$0x3] =	stream.indirect.gather [hbm4b:s4+s18], $0x50, s14, s18, $0xb8;
	[tilespmem:$0x154A0] =	vst v63  }
0x26a: {  	_ =	swait.ge [sflag:s1], $0x1900  }
0x26b: {  	[sflag:s1] =	ssyncset.done $0x0  }
0x26c: {  	s25 =	rddreg [dreg:$0xf];
	[sflag:s1] =	ssyncadd.s32 $0xFFFFE700  }
0x26d: {  	[spmem:s2] =	stream.indirect.scatter.add.s16 [tilespmem:s23], [sflag:$0xA], $0x50, s25, s18, $0xb8;
	[tilespmem:$0x154A0] =	vst v63  }
0x26e: {  	_ =	swait.ge [sflag:s0], $0x1900  }
0x26f: {  	[sflag:s0] =	ssyncset.done $0x0  }
0x270: {  	s7 =	rddreg [dreg:$0x10];
	[sflag:s0] =	ssyncadd.s32 $0xFFFFE700  }
0x271: {  	[tilespmem:s21], [sflag:$0x4] =	stream.indirect.gather [hbm4b:s4+s18], $0x50, s7, s18, $0xb8;
	[tilespmem:$0x154A0] =	vst v63  }
0x272: {  	_ =	swait.ge [sflag:s22], $0x1900  }
0x273: {  	[sflag:s22] =	ssyncset.done $0x0  }
0x274: {  	s14 =	rddreg [dreg:$0x11];
	[sflag:s22] =	ssyncadd.s32 $0xFFFFE700  }
0x275: {  	[spmem:s2] =	stream.indirect.scatter.add.s16 [tilespmem:s15], [sflag:$0x6], $0x50, s14, s18, $0xb8;
	[tilespmem:$0x154A0] =	vst v63  }
0x276: {  	_ =	swait.ge [sflag:s5], $0x1900  }
0x277: {  	[sflag:s5] =	ssyncset.done $0x0  }
0x278: {  	s25 =	rddreg [dreg:$0x12];
	[sflag:s5] =	ssyncadd.s32 $0xFFFFE700  }
0x279: {  	[tilespmem:s23], [sflag:$0x5] =	stream.indirect.gather [hbm4b:s4+s18], $0x50, s25, s18, $0xb8;
	[tilespmem:$0x154A0] =	vst v63  }
0x27a: {  	_ =	swait.ge [sflag:s24], $0x1900  }
0x27b: {  	[sflag:s24] =	ssyncset.done $0x0  }
0x27c: {  	s7 =	rddreg [dreg:$0x13];
	[sflag:s24] =	ssyncadd.s32 $0xFFFFE700  }
0x27d: {  	[spmem:s2] =	stream.indirect.scatter.add.s16 [tilespmem:s19], [sflag:$0x7], $0x50, s7, s18, $0xb8;
	[tilespmem:$0x154A0] =	vst v63  }
0x27e: {  	_ =	swait.ge [sflag:s26], $0x1900  }
0x27f: {  	[sflag:s26] =	ssyncset.done $0x0  }
0x280: {  	s14 =	rddreg [dreg:$0x14];
	[sflag:s26] =	ssyncadd.s32 $0xFFFFE700  }
0x281: {  	[tilespmem:s15], [sflag:$0x1] =	stream.indirect.gather [hbm4b:s4+s18], $0x50, s14, s18, $0xb8;
	[tilespmem:$0x154A0] =	vst v63  }
0x282: {  	_ =	swait.ge [sflag:s28], $0x1900  }
0x283: {  	[sflag:s28] =	ssyncset.done $0x0  }
0x284: {  	s25 =	rddreg [dreg:$0x15];
	[sflag:s28] =	ssyncadd.s32 $0xFFFFE700  }
0x285: {  	[spmem:s2] =	stream.indirect.scatter.add.s16 [tilespmem:s20], [sflag:$0x8], $0x50, s25, s18, $0xb8;
	[tilespmem:$0x154A0] =	vst v63  }
0x286: {  	_ =	swait.ge [sflag:s29], $0x1900  }
0x287: {  	[sflag:s29] =	ssyncset.done $0x0  }
0x288: {  	s7 =	rddreg [dreg:$0x16];
	[sflag:s29] =	ssyncadd.s32 $0xFFFFE700  }
0x289: {  	[tilespmem:s19], [sflag:$0x2] =	stream.indirect.gather [hbm4b:s4+s18], $0x50, s7, s18, $0xb8;
	[tilespmem:$0x154A0] =	vst v63  }
0x28a: {  	_ =	swait.ge [sflag:s30], $0x1900  }
0x28b: {  	[sflag:s30] =	ssyncset.done $0x0  }
0x28c: {  	s14 =	rddreg [dreg:$0x17];
	[sflag:s30] =	ssyncadd.s32 $0xFFFFE700  }
0x28d: {  	[spmem:s2] =	stream.indirect.scatter.add.s16 [tilespmem:s21], [sflag:$0x9], $0x50, s14, s18, $0xb8;
	[tilespmem:$0x154A0] =	vst v63  }
0x28e: {  	_ =	swait.ge [sflag:s31], $0x1900  }
0x28f: {  	[sflag:s31] =	ssyncset.done $0x0  }
0x290: {  	s25 =	rddreg [dreg:$0x18];
	[sflag:s31] =	ssyncadd.s32 $0xFFFFE700  }
0x291: {  	[tilespmem:s20], [sflag:$0x3] =	stream.indirect.gather [hbm4b:s4+s18], $0x50, s25, s18, $0xb8;
	[tilespmem:$0x154A0] =	vst v63  }
0x292: {  	_ =	swait.ge [sflag:s1], $0x1900  }
0x293: {  	[sflag:s1] =	ssyncset.done $0x0  }
0x294: {  	s7 =	rddreg [dreg:$0x19];
	[sflag:s1] =	ssyncadd.s32 $0xFFFFE700  }
0x295: {  	[spmem:s2] =	stream.indirect.scatter.add.s16 [tilespmem:s23], [sflag:$0xA], $0x50, s7, s18, $0xb8;
	[tilespmem:$0x154A0] =	vst v63  }
0x296: {  	_ =	swait.ge [sflag:s0], $0x1900  }
0x297: {  	[sflag:s0] =	ssyncset.done $0x0  }
0x298: {  	s14 =	rddreg [dreg:$0x1a];
	[sflag:s0] =	ssyncadd.s32 $0xFFFFE700  }
0x299: {  	[tilespmem:s21], [sflag:$0x4] =	stream.indirect.gather [hbm4b:s4+s18], $0x50, s14, s18, $0xb8;
	[tilespmem:$0x154A0] =	vst v63  }
0x29a: {  	_ =	swait.ge [sflag:s22], $0x1900  }
0x29b: {  	[sflag:s22] =	ssyncset.done $0x0  }
0x29c: {  	s25 =	rddreg [dreg:$0x1b];
	[sflag:s22] =	ssyncadd.s32 $0xFFFFE700  }
0x29d: {  	[spmem:s2] =	stream.indirect.scatter.add.s16 [tilespmem:s15], [sflag:$0x6], $0x50, s25, s18, $0xb8;
	[tilespmem:$0x154A0] =	vst v63  }
0x29e: {  	_ =	swait.ge [sflag:s5], $0x1900  }
0x29f: {  	[sflag:s5] =	ssyncset.done $0x0  }
0x2a0: {  	s7 =	rddreg [dreg:$0x1c];
	[sflag:s5] =	ssyncadd.s32 $0xFFFFE700  }
0x2a1: {  	[tilespmem:s23], [sflag:$0x5] =	stream.indirect.gather [hbm4b:s4+s18], $0x50, s7, s18, $0xb8;
	[tilespmem:$0x154A0] =	vst v63  }
0x2a2: {  	_ =	swait.ge [sflag:s24], $0x1900  }
0x2a3: {  	[sflag:s24] =	ssyncset.done $0x0  }
0x2a4: {  	s14 =	rddreg [dreg:$0x1d];
	[sflag:s24] =	ssyncadd.s32 $0xFFFFE700  }
0x2a5: {  	[spmem:s2] =	stream.indirect.scatter.add.s16 [tilespmem:s19], [sflag:$0x7], $0x50, s14, s18, $0xb8;
	[tilespmem:$0x154A0] =	vst v63  }
0x2a6: {  	_ =	swait.ge [sflag:s26], $0x1900  }
0x2a7: {  	[sflag:s26] =	ssyncset.done $0x0  }
0x2a8: {  	s25 =	rddreg [dreg:$0x1e];
	[sflag:s26] =	ssyncadd.s32 $0xFFFFE700  }
0x2a9: {  	[tilespmem:s15], [sflag:$0x1] =	stream.indirect.gather [hbm4b:s4+s18], $0x50, s25, s18, $0xb8;
	[tilespmem:$0x154A0] =	vst v63  }
0x2aa: {  	_ =	swait.ge [sflag:s28], $0x1900  }
0x2ab: {  	[sflag:s28] =	ssyncset.done $0x0  }
0x2ac: {  	s7 =	rddreg [dreg:$0x1f];
	[sflag:s28] =	ssyncadd.s32 $0xFFFFE700  }
0x2ad: {  	[spmem:s2] =	stream.indirect.scatter.add.s16 [tilespmem:s20], [sflag:$0x8], $0x50, s7, s18, $0xb8;
	[tilespmem:$0x154A0] =	vst v63  }
0x2ae: {  	_ =	swait.ge [sflag:s29], $0x1900  }
0x2af: {  	s14 =	sld [smem:$0x7E9]  }
0x2b0: {  	[sflag:s29] =	ssyncset.done $0x0  }
0x2b1: {  	[sflag:s29] =	ssyncadd.s32 $0xFFFFE700  }
0x2b2: {  	[tilespmem:s19], [sflag:$0x2] =	stream.indirect.gather [hbm4b:s4+s18], $0x50, s14, s18, $0xb8;
	[tilespmem:$0x154A0] =	vst v63  }
0x2b3: {  	_ =	swait.ge [sflag:s30], $0x1900  }
0x2b4: {  	s25 =	sld [smem:$0x7EB]  }
0x2b5: {  	[sflag:s30] =	ssyncset.done $0x0  }
0x2b6: {  	[sflag:s30] =	ssyncadd.s32 $0xFFFFE700  }
0x2b7: {  	[spmem:s2] =	stream.indirect.scatter.add.s16 [tilespmem:s21], [sflag:$0x9], $0x50, s25, s18, $0xb8;
	[tilespmem:$0x154A0] =	vst v63  }
0x2b8: {  	_ =	swait.ge [sflag:s31], $0x1900  }
0x2b9: {  	s7 =	sld [smem:$0x7ED]  }
0x2ba: {  	[sflag:s31] =	ssyncset.done $0x0  }
0x2bb: {  	[sflag:s31] =	ssyncadd.s32 $0xFFFFE700  }
0x2bc: {  	[tilespmem:s20], [sflag:$0x3] =	stream.indirect.gather [hbm4b:s4+s18], $0x50, s7, s18, $0xb8;
	[tilespmem:$0x154A0] =	vst v63  }
0x2bd: {  	_ =	swait.ge [sflag:s1], $0x1900  }
0x2be: {  	s14 =	sld [smem:$0x7EF]  }
0x2bf: {  	[sflag:s1] =	ssyncset.done $0x0  }
0x2c0: {  	[sflag:s1] =	ssyncadd.s32 $0xFFFFE700  }
0x2c1: {  	[spmem:s2] =	stream.indirect.scatter.add.s16 [tilespmem:s23], [sflag:$0xA], $0x50, s14, s18, $0xb8;
	[tilespmem:$0x154A0] =	vst v63  }
0x2c2: {  	_ =	swait.ge [sflag:s0], $0x1900  }
0x2c3: {  	s25 =	sld [smem:$0x7F2]  }
0x2c4: {  	[sflag:s0] =	ssyncset.done $0x0  }
0x2c5: {  	[sflag:s0] =	ssyncadd.s32 $0xFFFFE700  }
0x2c6: {  	[tilespmem:s21], [sflag:$0x4] =	stream.indirect.gather [hbm4b:s4+s18], $0x50, s25, s18, $0xb8;
	[tilespmem:$0x154A0] =	vst v63  }
0x2c7: {  	_ =	swait.ge [sflag:s22], $0x1900  }
0x2c8: {  	s7 =	sld [smem:$0x7F3]  }
0x2c9: {  	[sflag:s22] =	ssyncset.done $0x0  }
0x2ca: {  	[sflag:s22] =	ssyncadd.s32 $0xFFFFE700  }
0x2cb: {  	[spmem:s2] =	stream.indirect.scatter.add.s16 [tilespmem:s15], [sflag:$0x6], $0x50, s7, s18, $0xb8;
	[tilespmem:$0x154A0] =	vst v63  }
0x2cc: {  	_ =	swait.ge [sflag:s5], $0x1900  }
0x2cd: {  	s14 =	sld [smem:$0x7F4]  }
0x2ce: {  	[sflag:s5] =	ssyncset.done $0x0  }
0x2cf: {  	[sflag:s5] =	ssyncadd.s32 $0xFFFFE700  }
0x2d0: {  	[tilespmem:s23], [sflag:$0x5] =	stream.indirect.gather [hbm4b:s4+s18], $0x50, s14, s18, $0xb8;
	[tilespmem:$0x154A0] =	vst v63  }
0x2d1: {  	_ =	swait.ge [sflag:s24], $0x1900  }
0x2d2: {  	s25 =	sld [smem:$0x7F5]  }
0x2d3: {  	[sflag:s24] =	ssyncset.done $0x0  }
0x2d4: {  	[sflag:s24] =	ssyncadd.s32 $0xFFFFE700  }
0x2d5: {  	[spmem:s2] =	stream.indirect.scatter.add.s16 [tilespmem:s19], [sflag:$0x7], $0x50, s25, s18, $0xb8;
	[tilespmem:$0x154A0] =	vst v63  }
0x2d6: {  	_ =	swait.ge [sflag:s26], $0x1900  }
0x2d7: {  	s7 =	sld [smem:$0x7F6]  }
0x2d8: {  	[sflag:s26] =	ssyncset.done $0x0  }
0x2d9: {  	[sflag:s26] =	ssyncadd.s32 $0xFFFFE700  }
0x2da: {  	[tilespmem:s15], [sflag:$0x1] =	stream.indirect.gather [hbm4b:s4+s18], $0x50, s7, s18, $0xb8;
	[tilespmem:$0x154A0] =	vst v63  }
0x2db: {  	_ =	swait.ge [sflag:s28], $0x1900  }
0x2dc: {  	s14 =	sld [smem:$0x7F7]  }
0x2dd: {  	[sflag:s28] =	ssyncset.done $0x0  }
0x2de: {  	[sflag:s28] =	ssyncadd.s32 $0xFFFFE700  }
0x2df: {  	[spmem:s2] =	stream.indirect.scatter.add.s16 [tilespmem:s20], [sflag:$0x8], $0x50, s14, s18, $0xb8;
	[tilespmem:$0x154A0] =	vst v63  }
0x2e0: {  	_ =	swait.ge [sflag:s29], $0x1900  }
0x2e1: {  	s25 =	sld [smem:$0x7F8]  }
0x2e2: {  	[sflag:s29] =	ssyncset.done $0x0  }
0x2e3: {  	[sflag:s29] =	ssyncadd.s32 $0xFFFFE700  }
0x2e4: {  	[tilespmem:s19], [sflag:$0x2] =	stream.indirect.gather [hbm4b:s4+s18], $0x50, s25, s18, $0xb8;
	[tilespmem:$0x154A0] =	vst v63  }
0x2e5: {  	_ =	swait.ge [sflag:s30], $0x1900  }
0x2e6: {  	s7 =	sld [smem:$0x7F9]  }
0x2e7: {  	[sflag:s30] =	ssyncset.done $0x0  }
0x2e8: {  	[sflag:s30] =	ssyncadd.s32 $0xFFFFE700  }
0x2e9: {  	[spmem:s2] =	stream.indirect.scatter.add.s16 [tilespmem:s21], [sflag:$0x9], $0x50, s7, s18, $0xb8;
	[tilespmem:$0x154A0] =	vst v63  }
0x2ea: {  	_ =	swait.ge [sflag:s31], $0x1900  }
0x2eb: {  	s14 =	sld [smem:$0x7FA]  }
0x2ec: {  	[sflag:s31] =	ssyncset.done $0x0  }
0x2ed: {  	[sflag:s31] =	ssyncadd.s32 $0xFFFFE700  }
0x2ee: {  	[tilespmem:s20], [sflag:$0x3] =	stream.indirect.gather [hbm4b:s4+s18], $0x50, s14, s18, $0xb8;
	[tilespmem:$0x154A0] =	vst v63  }
0x2ef: {  	_ =	swait.ge [sflag:s1], $0x1900  }
0x2f0: {  	s25 =	sld [smem:$0x7FB]  }
0x2f1: {  	[sflag:s1] =	ssyncset.done $0x0  }
0x2f2: {  	[sflag:s1] =	ssyncadd.s32 $0xFFFFE700  }
0x2f3: {  	[spmem:s2] =	stream.indirect.scatter.add.s16 [tilespmem:s23], [sflag:$0xA], $0x50, s25, s18, $0xb8;
	[tilespmem:$0x154A0] =	vst v63  }
0x2f4: {  	_ =	swait.ge [sflag:s0], $0x1900  }
0x2f5: {  	s7 =	sld [smem:$0x7FC]  }
0x2f6: {  	[sflag:s0] =	ssyncset.done $0x0  }
0x2f7: {  	[sflag:s0] =	ssyncadd.s32 $0xFFFFE700  }
0x2f8: {  	[tilespmem:s21], [sflag:$0x4] =	stream.indirect.gather [hbm4b:s4+s18], $0x50, s7, s18, $0xb8;
	[tilespmem:$0x154A0] =	vst v63  }
0x2f9: {  	_ =	swait.ge [sflag:s22], $0x1900  }
0x2fa: {  	[sflag:s22] =	ssyncset.done $0x0  }
0x2fb: {  	[sflag:s22] =	ssyncadd.s32 $0xFFFFE700  }
0x2fc: {  	[spmem:s2] =	stream.indirect.scatter.add.s16 [tilespmem:s15], [sflag:$0x6], $0x50, s8, s18, $0xb8;
	[tilespmem:$0x154A0] =	vst v63  }
0x2fd: {  	_ =	swait.ge [sflag:s5], $0x1900  }
0x2fe: {  	[sflag:s5] =	ssyncset.done $0x0  }
0x2ff: {  	[sflag:s5] =	ssyncadd.s32 $0xFFFFE700  }
0x300: {  	[tilespmem:s23], [sflag:$0x5] =	stream.indirect.gather [hbm4b:s4+s18], $0x50, s9, s18, $0xb8;
	[tilespmem:$0x154A0] =	vst v63  }
0x301: {  	_ =	swait.ge [sflag:s24], $0x1900  }
0x302: {  	[sflag:s24] =	ssyncset.done $0x0  }
0x303: {  	[sflag:s24] =	ssyncadd.s32 $0xFFFFE700  }
0x304: {  	[spmem:s2] =	stream.indirect.scatter.add.s16 [tilespmem:s19], [sflag:$0x7], $0x50, s13, s18, $0xb8;
	[tilespmem:$0x154A0] =	vst v63  }
0x305: {  	_ =	swait.ge [sflag:s26], $0x1900  }
0x306: {  	[sflag:s26] =	ssyncset.done $0x0  }
0x307: {  	[sflag:s26] =	ssyncadd.s32 $0xFFFFE700  }
0x308: {  	_ =	swait.ge [sflag:s28], $0x1900  }
0x309: {  	[sflag:s28] =	ssyncset.done $0x0  }
0x30a: {  	[sflag:s28] =	ssyncadd.s32 $0xFFFFE700  }
0x30b: {  	[spmem:s2] =	stream.indirect.scatter.add.s16 [tilespmem:s20], [sflag:$0x8], $0x50, s10, s18, $0xb8;
	[tilespmem:$0x154A0] =	vst v63  }
0x30c: {  	_ =	swait.ge [sflag:s29], $0x1900  }
0x30d: {  	[sflag:s29] =	ssyncset.done $0x0  }
0x30e: {  	[sflag:s29] =	ssyncadd.s32 $0xFFFFE700  }
0x30f: {  	_ =	swait.ge [sflag:s30], $0x1900  }
0x310: {  	[sflag:s30] =	ssyncset.done $0x0  }
0x311: {  	[sflag:s30] =	ssyncadd.s32 $0xFFFFE700  }
0x312: {  	[spmem:s2] =	stream.indirect.scatter.add.s16 [tilespmem:s21], [sflag:$0x9], $0x50, s11, s18, $0xb8;
	[tilespmem:$0x154A0] =	vst v63  }
0x313: {  	_ =	swait.ge [sflag:s31], $0x1900  }
0x314: {  	[sflag:s31] =	ssyncset.done $0x0  }
0x315: {  	[sflag:s31] =	ssyncadd.s32 $0xFFFFE700  }
0x316: {  	_ =	swait.ge [sflag:s1], $0x1900  }
0x317: {  	[sflag:s1] =	ssyncset.done $0x0  }
0x318: {  	[sflag:s1] =	ssyncadd.s32 $0xFFFFE700  }
0x319: {  	[spmem:s2] =	stream.indirect.scatter.add.s16 [tilespmem:s23], [sflag:$0xA], $0x50, s12, s18, $0xb8;
	[tilespmem:$0x154A0] =	vst v63  }
0x31a: {  	_ =	swait.ge [sflag:s0], $0x1900  }
0x31b: {  	[sflag:s0] =	ssyncset.done $0x0  }
0x31c: {  	[sflag:s0] =	ssyncadd.s32 $0xFFFFE700  }
0x31d: {  	_ =	swait.ge [sflag:s5], $0x1900  }
0x31e: {  	[sflag:s5] =	ssyncset.done $0x0  }
0x31f: {  	[sflag:s5] =	ssyncadd.s32 $0xFFFFE700  }
0x320: {  	[bflag:$0x0] =	sbarrier.arrive $0xFFFF  }
0x321: {  	s9 =	sld [smem:$0x7E4]  }
0x322: {  	s8 =	stileid.u32;
	s13 =	sld [smem:$0x7FD]  }
0x323: {  	s6 =	sshll.u32 s8, $0x6  }
0x324: {  	s6 =	sor.u32 $0x1C0B, s6  }
0x325: {  	[hbm:s9], [sflag:s6] =	dma.local [spmem:s13], $0x1900  }
0x326: {  	_ =	swait.ge [sflag:s16], $0x1900  }
0x327: {  	s14 =	sld [smem:$0x7E3]  }
0x328: {  	s25 =	sld [smem:$0x7E5];
	_ =	sdelay $0x1  }
0x329: {  	s7 =	sadd.s32 $0x1, s14  }
0x32a: {  	p0 =	sne.s32 s7, s25  }
.Ltmp2:
0x32b: {  	_ = 	snop;
	(pc) =	sbr.rel @p0 .LBB2_1-.Ltmp2, $3  }
0x32c: {  	_ =	sdelay $0x1  }
0x32d: {  	[sflag:s16] =	ssyncset.done $0x0  }
0x32e: {  	[sflag:s16] =	ssyncadd.s32 $0xFFFFE700  }
0x32f: {  	_ =	sfence.sel $0x180000  }
0x330: {  	[bflag:$0x0] =	sbarrier.arrive $0xFFFF  }
0x331: {  	_ =	strace $0x9000004D  }
0x332: {  	s0 =	stileid.u32;
	[bflag:$0x2] =	sbarrier.arrive $0xFFFF  }
0x333: {  	p0 =	sne.s32 s0, $0x0;
	s0 =	rddreg [dreg:$0x3]  }
0x334: {  	s0 =	sadd.s32 @!p0 $0x100000, s0  }
0x335: {  	[sflag:s0] =	ssyncadd.tile.s32 @!p0 $0x1;
	_ =	shalt  }
.Lfunc_end2:
_tile_overlayer_lowered:
.L_overlay_start_2:
0x336: {  	(tag) =	ssettag $0x2  }
0x337: {  	s0 =	rddreg [dreg:$0x0];
	s2 =	stileid.u32  }
0x338: {  	s1 =	rddreg [dreg:$0x1];
	p0 =	sne.s32 s2, $0x0  }
0x339: {  	s3 =	rddreg [dreg:$0x2];
	[bflag:$0x3] =	sbarrier.arrive $0xFFFF;
	s2 =	simm.s32 @!p0 $0x1C0B  }
0x33a: {  	[timem:s3], [sflag:s2] =	dma.local @!p0 [hbm:s0], s1  }
0x33b: {  	s0 =	simm.s32 @!p0 $0xB  }
0x33c: {  	_ =	swait.ge @!p0 [sflag:s0], s1  }
0x33d: {  	s1 =	ssub.s32 @!p0 $0x0, s1;
	[sflag:s0] =	ssyncset.done @!p0 $0x0  }
0x33e: {  	[sflag:s0] =	ssyncadd.s32 @!p0 s1  }
0x33f: {  	[bflag:$0x3] =	sbarrier.arrive $0xFFFF  }
0x340: {  	_ =	shalt  }

// kernel: kernel.9.cloned.1.call-start
scs
__scs_entry_jumppad:
0x0: {  	(pc) =	sbr.rel $0x88, $3  }
0x1: {  	(tag) =	ssettag $0x0;
	lr =	simm.s32 $0x1  }
0x2: {  	[smem:$0x3F9C] =	sst lr;
	_ =	strace $0xD0000000  }
0x3: {  	_ = 	snop  }
0x4: {  	_ = 	snop  }
0x5: {  	_ = 	snop  }
0x6: {  	_ = 	snop  }
0x7: {  	_ = 	snop  }
__scs_overlays_trampoline_lowered:
0x8: {  	[smem:$0x3FAB] =	sst s0  }
0x9: {  	[smem:$0x3FAC] =	sst s1  }
0xa: {  	[smem:$0x3FAD] =	sst s2  }
0xb: {  	[smem:$0x3FAE] =	sst s3  }
0xc: {  	[smem:$0x3FAF] =	sst s4  }
0xd: {  	[smem:$0x3FB0] =	sst s5  }
0xe: {  	[smem:$0x3FB1] =	sst s6  }
0xf: {  	[smem:$0x3FB2] =	sst s7  }
0x10: {  	[smem:$0x3FB3] =	sst s8  }
0x11: {  	[smem:$0x3FB4] =	sst s9;
	s0 =	simm.s32 @!p0 $0x0  }
0x12: {  	s1 =	sld [smem:$0x3F9A];
	s0 =	simm.s32 @p0 $0x1  }
0x13: {  	[smem:$0x3FB5] =	sst s0;
	s0 =	simm.s32 @!p1 $0x0  }
0x14: {  	s2 =	sld [smem:$0x3F99];
	s0 =	simm.s32 @p1 $0x1  }
0x15: {  	[smem:$0x3FB6] =	sst s0;
	s0 =	simm.s32 @!p2 $0x0  }
0x16: {  	s3 =	sld [smem:$0x3FDB];
	s0 =	simm.s32 @p2 $0x1  }
0x17: {  	s4 =	simm.s32 $0x1BF5;
	[smem:$0x3FB8] =	sst s0  }
0x18: {  	s0 =	sld [smem:$0x3F9B];
	_ =	swait.ge [sflag:s4], $0x0  }
0x19: {  	s7 =	sld [smem:$0x3F9C]  }
0x1a: {  	s8 =	sadd.s32 $0xFFFFE003, lr  }
0x1b: {  	s9 =	sadd.s32 $0xFFFFFEF7, lr;
	s5 =	simm.s32 $0xFFFFFFFF;
	p2 =	slt.u32 s8, $0xFFFFF086  }
0x1c: {  	p1 =	slt.u32 s9, $0xF7A;
	s5 =	simm.s32 @!p2 $0x0  }
0x1d: {  	s5 =	simm.s32 @p1 $0x1;
	p0 =	seq.s32 s7, s2  }
0x1e: {  	s7 =	smul.u32 @!p0 $0xF7A, s2;
	p2 =	seq.s32 @!p0 s5, $0x0  }
0x1f: {  	s9 =	smul.u32 $0xF7A, s1;
	s8 =	simm.s32 @!p0 $0x1BF5;
	p2 =	por !p2, p0  }
0x20: {  	[sflag:s8] =	ssyncset.s32 @!p0 $0xFFFFF086;
	s6 =	sadd.s32 @!p0 s3, s7;
	s7 =	simm.s32 @!p0 $0x108  }
0x21: {  	s3 =	sadd.s32 s3, s9;
	s6 =	sadd.s32 @!p0 $0x88, s6;
	s7 =	simm.s32 @p2 $0x1082  }
0x22: {  	[simem:s7], [sflag:s8] =	dma.local @!p0 [hbm:s6], $0xF7A  }
0x23: {  	s9 =	sor.u32 $0xD0000000, s2;
	s6 =	simm.s32 $0x108;
	_ =	swait.ge @!p0 [sflag:s8], $0x0  }
0x24: {  	s3 =	sadd.s32 $0x88, s3;
	s6 =	simm.s32 @!p1 $0x1082;
	[sflag:s4] =	ssyncset.s32 $0xFFFFF086  }
0x25: {  	[simem:s6], [sflag:s4] =	dma.local [hbm:s3], $0xF7A  }
0x26: {  	[smem:$0x3F9C] =	sst s1;
	(tag) =	ssettag s2;
	_ =	strace s9  }
0x27: {  	s1 =	sld [smem:$0x3FAC]  }
0x28: {  	s2 =	sld [smem:$0x3FAD]  }
0x29: {  	s4 =	sld [smem:$0x3FAF]  }
0x2a: {  	p0 =	seq.s32 s5, $0x0;
	s5 =	sld [smem:$0x3FB0]  }
0x2b: {  	s6 =	sld [smem:$0x3FB1]  }
0x2c: {  	s7 =	sld [smem:$0x3FB2]  }
0x2d: {  	s3 =	simm.s32 $0x108;
	s8 =	sld [smem:$0x3FB3]  }
0x2e: {  	s3 =	simm.s32 @!p0 $0x1082;
	s9 =	sld [smem:$0x3FB4]  }
0x2f: {  	lr =	sadd.s32 s0, s3;
	s0 =	sld [smem:$0x3FAB]  }
0x30: {  	s3 =	sld [smem:$0x3FAE]  }
0x31: {  	[smem:$0x3FB7] =	sst s10  }
0x32: {  	s10 =	sld [smem:$0x3FB5];
	_ =	sdelay $0x3  }
0x33: {  	p0 =	seq.s32 s10, $0x1;
	s10 =	sld [smem:$0x3FB7];
	_ =	sdelay $0x3  }
0x34: {  	[smem:$0x3FB7] =	sst s10  }
0x35: {  	s10 =	sld [smem:$0x3FB6];
	_ =	sdelay $0x3  }
0x36: {  	p1 =	seq.s32 s10, $0x1;
	s10 =	sld [smem:$0x3FB7];
	_ =	sdelay $0x3  }
0x37: {  	[smem:$0x3FB7] =	sst s10  }
0x38: {  	s10 =	sld [smem:$0x3FB8]  }
0x39: {  	_ = 	snop;
	(pc) =	sbr.ind lr, $3  }
0x3a: {  	_ = 	snop  }
0x3b: {  	_ = 	snop  }
0x3c: {  	p2 =	seq.s32 s10, $0x1;
	s10 =	sld [smem:$0x3FB7]  }
0x3d: {  	_ =	shalt  }
0x3e: {  	_ =	shalt  }
0x3f: {  	_ =	shalt  }
0x40: {  	_ =	shalt  }
0x41: {  	_ =	shalt  }
0x42: {  	_ =	shalt  }
0x43: {  	_ =	shalt  }
0x44: {  	_ =	shalt  }
0x45: {  	_ =	shalt  }
0x46: {  	_ =	shalt  }
0x47: {  	_ =	shalt  }
0x48: {  	_ =	shalt  }
0x49: {  	_ =	shalt  }
0x4a: {  	_ =	shalt  }
0x4b: {  	_ =	shalt  }
0x4c: {  	_ =	shalt  }
0x4d: {  	_ =	shalt  }
0x4e: {  	_ =	shalt  }
0x4f: {  	_ =	shalt  }
0x50: {  	_ =	shalt  }
0x51: {  	_ =	shalt  }
0x52: {  	_ =	shalt  }
0x53: {  	_ =	shalt  }
0x54: {  	_ =	shalt  }
0x55: {  	_ =	shalt  }
0x56: {  	_ =	shalt  }
0x57: {  	_ =	shalt  }
0x58: {  	_ =	shalt  }
0x59: {  	_ =	shalt  }
0x5a: {  	_ =	shalt  }
0x5b: {  	_ =	shalt  }
0x5c: {  	_ =	shalt  }
0x5d: {  	_ =	shalt  }
0x5e: {  	_ =	shalt  }
0x5f: {  	_ =	shalt  }
0x60: {  	_ =	shalt  }
0x61: {  	_ =	shalt  }
0x62: {  	_ =	shalt  }
0x63: {  	_ =	shalt  }
0x64: {  	_ =	shalt  }
0x65: {  	_ =	shalt  }
0x66: {  	_ =	shalt  }
0x67: {  	_ =	shalt  }
0x68: {  	_ =	shalt  }
0x69: {  	_ =	shalt  }
0x6a: {  	_ =	shalt  }
0x6b: {  	_ =	shalt  }
0x6c: {  	_ =	shalt  }
0x6d: {  	_ =	shalt  }
0x6e: {  	_ =	shalt  }
0x6f: {  	_ =	shalt  }
0x70: {  	_ =	shalt  }
0x71: {  	_ =	shalt  }
0x72: {  	_ =	shalt  }
0x73: {  	_ =	shalt  }
0x74: {  	_ =	shalt  }
0x75: {  	_ =	shalt  }
0x76: {  	_ =	shalt  }
0x77: {  	_ =	shalt  }
0x78: {  	_ =	shalt  }
0x79: {  	_ =	shalt  }
0x7a: {  	_ =	shalt  }
0x7b: {  	_ =	shalt  }
0x7c: {  	_ =	shalt  }
0x7d: {  	_ =	shalt  }
0x7e: {  	_ =	shalt  }
0x7f: {  	_ =	shalt  }
0x80: {  	_ =	shalt  }
0x81: {  	_ =	shalt  }
0x82: {  	_ =	shalt  }
0x83: {  	_ =	shalt  }
0x84: {  	_ =	shalt  }
0x85: {  	_ =	shalt  }
0x86: {  	_ =	shalt  }
0x87: {  	_ =	shalt  }
.Lfunc_end0:
.L_simem_size_0:
called_computation_lowered:
.L_overlay_start_0:
0x88: {  	s2 =	sld [smem:$0x3FD9]  }
0x89: {  	s3 =	sld [smem:$0x3FFE];
	_ =	sdelay $0x1  }
0x8a: {  	s1 =	srdreg.scid  }
0x8b: {  	s0 =	sand.u32 $0x1, s1  }
0x8c: {  	s17 =	sshll.u32 s0, $0xA;
	s2 =	sadd.s32 s3, s2  }
0x8d: {  	s2 =	sadd.s32 s2, s17  }
0x8e: {  	[smem:$0x3FC3] =	sst s2  }
0x8f: {  	_ = 	snop  }
0x90: {  	s2 =	sld [smem:$0x3FD0];
	(tm) =	ssettm $0x1  }
0x91: {  	s18 =	sld [smem:$0x3FFB];
	_ =	sdelay $0x3  }
0x92: {  	_ =	strace s18  }
0x93: {  	s3 =	sld [smem:$0x3FFC];
	_ =	sdelay $0x3  }
0x94: {  	_ =	strace s3  }
0x95: {  	s3 =	sld [smem:$0x3FFD];
	_ =	sdelay $0x3  }
0x96: {  	_ =	strace s3  }
0x97: {  	_ =	strace $0x8FFFFFFF  }
0x98: {  	s19 =	sld [smem:$0x3FDB];
	_ =	sdelay $0x1  }
0x99: {  	s4 =	simm.s32 $_scs_section_size  }
0x9a: {  	s5 =	simm.s32 $_size__tile_overlayer_lowered;
	s6 =	simm.s32 $_tile_overlayer_lowered  }
0x9b: {  	s22 =	simm.s32 $0x1BFF;
	s21 =	sshll.u32 s6, $0x1;
	s3 =	sadd.s32 s4, s19  }
0x9c: {  	s7 =	simm.s32 $0x0;
	s20 =	sshll.u32 s5, $0x1;
	s5 =	sadd.s32 s21, s3  }
0x9d: {  	[timem:s7], [sflag:s22] =	dma.local [hbm:s5], s20  }
0x9e: {  	_ =	swait.ge [sflag:s22], s20  }
0x9f: {  	s4 =	ssub.s32 $0x0, s20;
	[sflag:s22] =	ssyncset.done $0x0  }
0xa0: {  	[sflag:s22] =	ssyncadd.s32 s4;
	_ =	sdelay $0x1  }
0xa1: {  	s23 =	simm.s32 $0x1B8B  }
0xa2: {  	_ =	swait.ge [sflag:s23], $0x1  }
0xa3: {  	[sflag:s23] =	ssyncset.done $0x0  }
0xa4: {  	s25 =	simm.s32 $0x1B8E;
	s24 =	sld [smem:$0x3FFE];
	[sflag:s23] =	ssyncadd.s32 $0xFFFFFFFF  }
0xa5: {  	s26 =	simm.s32 $execute0_lowered;
	[smem:$0x3FD2] =	sst s25  }
0xa6: {  	s5 =	sshll.u32 s26, $0x1;
	_ =	strace $0x80000046;
	[dreg:$0x1] =	wrdreg $0xFFFFFFFF  }
0xa7: {  	s28 =	simm.s32 $_size_execute0_lowered;
	s3 =	sadd.s32 s3, s5;
	[dreg:$0x0] =	wrdreg $0x0  }
0xa8: {  	s5 =	sshll.u32 s28, $0x1;
	[dreg:$0x2] =	wrdreg s3  }
0xa9: {  	[dreg:$0x3] =	wrdreg s5  }
0xaa: {  	[dreg:$0x4] =	wrdreg $0xC0  }
0xab: {  	_ =	task [dreg:s7], $0x5FFFF  }
0xac: {  	[dreg:$0x1] =	wrdreg $0xFFFFFFFF  }
0xad: {  	[dreg:$0x0] =	wrdreg $0x60  }
0xae: {  	[dreg:$0x2] =	wrdreg s2  }
0xaf: {  	[dreg:$0x3] =	wrdreg s24  }
0xb0: {  	[dreg:$0x4] =	wrdreg $0x80200  }
0xb1: {  	[dreg:$0x5] =	wrdreg $0x9  }
0xb2: {  	_ =	task.clear_ibuf [dreg:s7], $0x6FFFF;
	_ =	strace $0x90000046  }
0xb3: {  	s29 =	simm.s32 $0x9;
	_ =	strace $0x80000048  }
0xb4: {  	_ =	swait.ge [sflag:s29], $0x1  }
0xb5: {  	[sflag:s29] =	ssyncadd.s32 $0xFFFFFFFF  }
0xb6: {  	_ =	strace $0x90000048  }
0xb7: {  	_ =	sfence  }
0xb8: {  	s30 =	sld [smem:$0x0];
	_ =	sdelay $0x2  }
0xb9: {  	s31 =	sshll.u32 s1, $0xD;
	s1 =	sshrl.u32 s1, $0x2  }
0xba: {  	s3 =	sand.u32 $0x4000, s31;
	s1 =	sadd.s32 s1, s30  }
0xbb: {  	s0 =	sor.u32 s3, s0;
	s1 =	sshll.u32 s1, $0x11  }
0xbc: {  	s0 =	sor.u32 s1, s0  }
0xbd: {  	s0 =	sadd.s32 $0x8F2B, s0  }
0xbe: {  	[sflag:s0] =	ssyncadd.remote.s32 $0x1  }
0xbf: {  	_ =	sfence.sel $0xFFFF  }
0xc0: {  	[dreg:$0x0] =	wrdreg $0xFFFFFFFF;
	(pc) =	sbr.abs _section_cstart, $3  }
0xc1: {  	[dreg:$0x1] =	wrdreg $0xFFFFFFFF  }
0xc2: {  	_ =	task.clear_ibuf [dreg:s7], $0x2FFFF;
	_ =	strace $0x9FFFFFFF  }
0xc3: {  	(tm) =	ssettm $0x7FFFFFFF  }
tec
execute0_lowered:
.L_overlay_start_1:
0x0: {  	(tag) =	ssettag $0x1  }
0x1: {  	s0 =	rddreg [dreg:$0x1];
	s1 =	srdreg.scid  }
0x2: {  	s3 =	rddreg [dreg:$0x2];
	s8 =	stileid.u32;
	s5 =	simm.s32 $0x0  }
0x3: {  	s28 =	simm.s32 $0xB;
	s29 =	simm.s32 $0x7D0;
	s7 =	smul.u32 $0x5A000, s8  }
0x4: {  	s30 =	simm.s32 $0x28;
	s31 =	simm.s32 $0x2620;
	s9 =	simm.s32 $0x1  }
0x5: {  	s1 =	sand.u32 $0x1, s1;
	s4 =	smul.u32 $0x16800, s8;
	s7 =	sshrl.u32 s7, $0x2  }
0x6: {  	[smem:$0x7FF] =	sst s5;
	s5 =	sadd.s32 $0x1800, s0;
	s11 =	sadd.s32 s7, s3  }
0x7: {  	_ =	strace $0x80000047;
	s13 =	sadd.s32 $0x1680, s11;
	[dreg:$0x5] =	wrdreg s11  }
0x8: {  	s8 =	sshll.u32 s8, $0x1;
	s14 =	sadd.s32 $0x2D00, s11;
	[dreg:$0x7] =	wrdreg s13  }
0x9: {  	s2 =	smul.u32 $0x168000, s1;
	s15 =	sadd.s32 $0x4380, s11;
	[dreg:$0x8] =	wrdreg s14  }
0xa: {  	s6 =	ssub.s32 $0x2, s1;
	s16 =	sadd.s32 $0x5A00, s11;
	[dreg:$0x9] =	wrdreg s15  }
0xb: {  	s1 =	sor.u32 s1, s8;
	s17 =	sadd.s32 $0x7080, s11;
	[dreg:$0xa] =	wrdreg s16  }
0xc: {  	s8 =	simm.s32 $0x9;
	s18 =	sadd.s32 $0x8700, s11;
	[dreg:$0xb] =	wrdreg s17  }
0xd: {  	s10 =	sshrl.u32 s6, $0x1;
	s19 =	sadd.s32 $0x9D80, s11;
	[dreg:$0xc] =	wrdreg s18  }
0xe: {  	s12 =	sadd.s32 s4, s3;
	s20 =	sadd.s32 $0xB400, s11;
	[dreg:$0xd] =	wrdreg s19  }
0xf: {  	s2 =	sadd.s32 s4, s2;
	s21 =	sadd.s32 $0xCA80, s11;
	[dreg:$0xe] =	wrdreg s20  }
0x10: {  	s4 =	simm.s32 $0x3CA0;
	s22 =	sadd.s32 $0xE100, s11;
	[dreg:$0xf] =	wrdreg s21  }
0x11: {  	s7 =	simm.s32 $0x5320;
	s23 =	sadd.s32 $0xF780, s11;
	[dreg:$0x10] =	wrdreg s22  }
0x12: {  	s2 =	sshrl.u32 s2, $0x3;
	s24 =	sadd.s32 $0x10E00, s11;
	[dreg:$0x11] =	wrdreg s23  }
0x13: {  	s25 =	sadd.s32 $0x12480, s11;
	s26 =	sadd.s32 $0x13B00, s11;
	[dreg:$0x12] =	wrdreg s24  }
0x14: {  	s0 =	sadd.s32 s2, s0;
	s2 =	ssub.s32 s6, s10;
	[dreg:$0x13] =	wrdreg s25  }
0x15: {  	s6 =	smul.u32 $0x2710, s1;
	[dreg:$0x14] =	wrdreg s26;
	s1 =	sadd.s32 $0x15180, s11  }
0x16: {  	s26 =	simm.s32 $0xFA0;
	s11 =	simm.s32 $0x69A0;
	s14 =	simm.s32 $0x6  }
0x17: {  	s16 =	simm.s32 $0x3;
	s18 =	simm.s32 $0x7;
	s20 =	simm.s32 $0x4  }
.Ltmp0:
0x18: {  	s22 =	simm.s32 $0x8;
	s24 =	simm.s32 $0x5;
	(pc) =	sbr.rel .LBB2_1-.Ltmp0, $4  }
0x19: {  	s25 =	simm.s32 $0x870;
	s0 =	sadd.s32 $0x2E800, s0;
	[dreg:$0x15] =	wrdreg s1  }
0x1a: {  	s10 =	simm.s32 $0x0;
	s2 =	smax.u32 s2, $0x1;
	[dreg:$0x4] =	wrdreg s0  }
0x1b: {  	s1 =	simm.s32 $0xA;
	[dreg:$0x6] =	wrdreg s2;
	s0 =	sshrl.u32 s12, $0x3  }
0x1c: {  	v0 =	vimm.f32 $0.0e+00;
	s12 =	simm.s32 $0x2;
	[dreg:$0x16] =	wrdreg s0;
	s0 =	simm.s32 $0x140  }
.LBB2_8:
0x1d: {  	s2 =	stileid.u32;
	[bflag:$0x0] =	sbarrier.arrive $0xFFFF  }
0x1e: {  	s2 =	sshll.u32 s2, $0x6;
	s10 =	rddreg [dreg:$0x4]  }
0x1f: {  	s13 =	rddreg [dreg:$0x16];
	s2 =	sor.u32 $0x1C0B, s2  }
0x20: {  	[hbm:s10], [sflag:s2] =	dma.local [spmem:s13], $0x2D00  }
0x21: {  	_ =	swait.ge [sflag:s28], $0x2D00  }
0x22: {  	s21 =	rddreg [dreg:$0x17]  }
0x23: {  	s23 =	rddreg [dreg:$0x6];
	s10 =	sadd.s32 $0x1, s21  }
0x24: {  	p0 =	sne.s32 s10, s23  }
.Ltmp1:
0x25: {  	_ = 	snop;
	(pc) =	sbr.rel @!p0 .LBB2_9-.Ltmp1, $3  }
0x26: {  	_ =	sdelay $0x1  }
0x27: {  	[sflag:s28] =	ssyncset.done $0x0  }
0x28: {  	[sflag:s28] =	ssyncadd.s32 $0xFFFFD300  }
.LBB2_1:
0x29: {  	s2 =	simm.s32 $0x0  }
0x2a: {  	s2 =	smul.u32 $0xE38F, s2;
	_ =	sdelay $0x1  }
0x2b: {  	[dreg:$0x17] =	wrdreg s10;
	s10 =	sshrl.u32 s2, $0x13  }
0x2c: {  	s13 =	simm.s32 $0x0;
	s2 =	simm.s32 $0x1;
	s15 =	smul.u32 $0x9, s10  }
.LBB2_2:
0x2d: {  	s17 =	smul.u32 $0xE38F, s2  }
0x2e: {  	s19 =	smov.u32 s2;
	s10 =	smul.u32 $0x240, s10;
	p0 =	sne.s32 s2, $0x167  }
.Ltmp2:
0x2f: {  	s13 =	ssub.s32 s13, s15;
	(pc) =	sbr.rel @p0 .LBB2_2-.Ltmp2, $4  }
0x30: {  	s2 =	sadd.s32 $0x1, s2;
	s13 =	sand.u32 $0xFFFF, s13  }
0x31: {  	s15 =	sshrl.u32 s10, $0x2;
	s21 =	sshll.u32 s13, $0x4;
	s13 =	smov.u32 s19  }
0x32: {  	s10 =	sshrl.u32 s17, $0x13;
	s17 =	sadd.s32 s21, s15  }
0x33: {  	s15 =	smul.u32 $0x9, s10;
	[tilespmem:s17+$0xFA0] =	vst v0  }
0x34: {  	_ = 	snop  }
0x35: {  	s10 =	smul.u32 $0x240, s10;
	s2 =	ssub.s32 s13, s15  }
0x36: {  	s2 =	sand.u32 $0xFFFF, s2  }
0x37: {  	s10 =	sshrl.u32 s10, $0x2;
	s2 =	sshll.u32 s2, $0x4  }
0x38: {  	s2 =	sadd.s32 s2, s10  }
0x39: {  	s21 =	rddreg [dreg:$0x5];
	[tilespmem:s2+$0xFA0] =	vst v0  }
0x3a: {  	[spmem:s21] =	stream.linear.scatter [tilespmem:s26], [sflag:$0xB], $0x1680, $0x38;
	[tilespmem:$0x1E820] =	vst v63  }
0x3b: {  	_ =	swait.ge [sflag:s28], $0x1680  }
0x3c: {  	[sflag:s28] =	ssyncset.done $0x0  }
0x3d: {  	s23 =	rddreg [dreg:$0x7];
	[sflag:s28] =	ssyncadd.s32 $0xFFFFE980  }
0x3e: {  	[spmem:s23] =	stream.linear.scatter [tilespmem:s26], [sflag:$0xB], $0x1680, $0x38;
	[tilespmem:$0x1E820] =	vst v63  }
0x3f: {  	_ =	swait.ge [sflag:s28], $0x1680  }
0x40: {  	[sflag:s28] =	ssyncset.done $0x0  }
0x41: {  	s10 =	rddreg [dreg:$0x8];
	[sflag:s28] =	ssyncadd.s32 $0xFFFFE980  }
0x42: {  	[spmem:s10] =	stream.linear.scatter [tilespmem:s26], [sflag:$0xB], $0x1680, $0x38;
	[tilespmem:$0x1E820] =	vst v63  }
0x43: {  	_ =	swait.ge [sflag:s28], $0x1680  }
0x44: {  	[sflag:s28] =	ssyncset.done $0x0  }
0x45: {  	s13 =	rddreg [dreg:$0x9];
	[sflag:s28] =	ssyncadd.s32 $0xFFFFE980  }
0x46: {  	[spmem:s13] =	stream.linear.scatter [tilespmem:s26], [sflag:$0xB], $0x1680, $0x38;
	[tilespmem:$0x1E820] =	vst v63  }
0x47: {  	_ =	swait.ge [sflag:s28], $0x1680  }
0x48: {  	[sflag:s28] =	ssyncset.done $0x0  }
0x49: {  	s15 =	rddreg [dreg:$0xa];
	[sflag:s28] =	ssyncadd.s32 $0xFFFFE980  }
0x4a: {  	[spmem:s15] =	stream.linear.scatter [tilespmem:s26], [sflag:$0xB], $0x1680, $0x38;
	[tilespmem:$0x1E820] =	vst v63  }
0x4b: {  	_ =	swait.ge [sflag:s28], $0x1680  }
0x4c: {  	[sflag:s28] =	ssyncset.done $0x0  }
0x4d: {  	s17 =	rddreg [dreg:$0xb];
	[sflag:s28] =	ssyncadd.s32 $0xFFFFE980  }
0x4e: {  	[spmem:s17] =	stream.linear.scatter [tilespmem:s26], [sflag:$0xB], $0x1680, $0x38;
	[tilespmem:$0x1E820] =	vst v63  }
0x4f: {  	_ =	swait.ge [sflag:s28], $0x1680  }
0x50: {  	[sflag:s28] =	ssyncset.done $0x0  }
0x51: {  	s19 =	rddreg [dreg:$0xc];
	[sflag:s28] =	ssyncadd.s32 $0xFFFFE980  }
0x52: {  	[spmem:s19] =	stream.linear.scatter [tilespmem:s26], [sflag:$0xB], $0x1680, $0x38;
	[tilespmem:$0x1E820] =	vst v63  }
0x53: {  	_ =	swait.ge [sflag:s28], $0x1680  }
0x54: {  	[sflag:s28] =	ssyncset.done $0x0  }
0x55: {  	s21 =	rddreg [dreg:$0xd];
	[sflag:s28] =	ssyncadd.s32 $0xFFFFE980  }
0x56: {  	[spmem:s21] =	stream.linear.scatter [tilespmem:s26], [sflag:$0xB], $0x1680, $0x38;
	[tilespmem:$0x1E820] =	vst v63  }
0x57: {  	_ =	swait.ge [sflag:s28], $0x1680  }
0x58: {  	[sflag:s28] =	ssyncset.done $0x0  }
0x59: {  	s23 =	rddreg [dreg:$0xe];
	[sflag:s28] =	ssyncadd.s32 $0xFFFFE980  }
0x5a: {  	[spmem:s23] =	stream.linear.scatter [tilespmem:s26], [sflag:$0xB], $0x1680, $0x38;
	[tilespmem:$0x1E820] =	vst v63  }
0x5b: {  	_ =	swait.ge [sflag:s28], $0x1680  }
0x5c: {  	[sflag:s28] =	ssyncset.done $0x0  }
0x5d: {  	s10 =	rddreg [dreg:$0xf];
	[sflag:s28] =	ssyncadd.s32 $0xFFFFE980  }
0x5e: {  	[spmem:s10] =	stream.linear.scatter [tilespmem:s26], [sflag:$0xB], $0x1680, $0x38;
	[tilespmem:$0x1E820] =	vst v63  }
0x5f: {  	_ =	swait.ge [sflag:s28], $0x1680  }
0x60: {  	[sflag:s28] =	ssyncset.done $0x0  }
0x61: {  	s13 =	rddreg [dreg:$0x10];
	[sflag:s28] =	ssyncadd.s32 $0xFFFFE980  }
0x62: {  	[spmem:s13] =	stream.linear.scatter [tilespmem:s26], [sflag:$0xB], $0x1680, $0x38;
	[tilespmem:$0x1E820] =	vst v63  }
0x63: {  	_ =	swait.ge [sflag:s28], $0x1680  }
0x64: {  	[sflag:s28] =	ssyncset.done $0x0  }
0x65: {  	s15 =	rddreg [dreg:$0x11];
	[sflag:s28] =	ssyncadd.s32 $0xFFFFE980  }
0x66: {  	[spmem:s15] =	stream.linear.scatter [tilespmem:s26], [sflag:$0xB], $0x1680, $0x38;
	[tilespmem:$0x1E820] =	vst v63  }
0x67: {  	_ =	swait.ge [sflag:s28], $0x1680  }
0x68: {  	[sflag:s28] =	ssyncset.done $0x0  }
0x69: {  	s17 =	rddreg [dreg:$0x12];
	[sflag:s28] =	ssyncadd.s32 $0xFFFFE980  }
0x6a: {  	[spmem:s17] =	stream.linear.scatter [tilespmem:s26], [sflag:$0xB], $0x1680, $0x38;
	[tilespmem:$0x1E820] =	vst v63  }
0x6b: {  	_ =	swait.ge [sflag:s28], $0x1680  }
0x6c: {  	[sflag:s28] =	ssyncset.done $0x0  }
0x6d: {  	s19 =	rddreg [dreg:$0x13];
	[sflag:s28] =	ssyncadd.s32 $0xFFFFE980  }
0x6e: {  	[spmem:s19] =	stream.linear.scatter [tilespmem:s26], [sflag:$0xB], $0x1680, $0x38;
	[tilespmem:$0x1E820] =	vst v63  }
0x6f: {  	_ =	swait.ge [sflag:s28], $0x1680  }
0x70: {  	[sflag:s28] =	ssyncset.done $0x0  }
0x71: {  	s21 =	rddreg [dreg:$0x14];
	[sflag:s28] =	ssyncadd.s32 $0xFFFFE980  }
0x72: {  	[spmem:s21] =	stream.linear.scatter [tilespmem:s26], [sflag:$0xB], $0x1680, $0x38;
	[tilespmem:$0x1E820] =	vst v63  }
0x73: {  	_ =	swait.ge [sflag:s28], $0x1680  }
0x74: {  	[sflag:s28] =	ssyncset.done $0x0  }
0x75: {  	s23 =	rddreg [dreg:$0x15];
	[sflag:s28] =	ssyncadd.s32 $0xFFFFE980  }
0x76: {  	[spmem:s23] =	stream.linear.scatter [tilespmem:s26], [sflag:$0xB], $0x1680, $0x38;
	[tilespmem:$0x1E820] =	vst v63  }
.Ltmp3:
0x77: {  	_ =	swait.ge [sflag:s28], $0x1680;
	(pc) =	sbr.rel .LBB2_4-.Ltmp3, $4  }
0x78: {  	[sflag:s28] =	ssyncset.done $0x0  }
0x79: {  	[sflag:s28] =	ssyncadd.s32 $0xFFFFE980  }
0x7a: {  	[bflag:$0x0] =	sbarrier.arrive $0xFFFF  }
0x7b: {  	s2 =	simm.s32 $0x0;
	s10 =	simm.s32 $0x0  }
.LBB2_7:
0x7c: {  	_ =	swait.ge [sflag:s24], $0x1680  }
0x7d: {  	[sflag:s24] =	ssyncset.done $0x0  }
0x7e: {  	s10 =	sadd.s32 $0x1, s10;
	[sflag:s24] =	ssyncadd.s32 $0xFFFFE980  }
0x7f: {  	[spmem:s3] =	stream.indirect.scatter.add.f32 [tilespmem:s11], [sflag:$0xA], $0x90, s17, s30, $0xb8;
	[tilespmem:$0x1E820] =	vst v63  }
0x80: {  	p0 =	sne.s32 s10, $0x5;
	_ =	swait.ge [sflag:s8], $0x1680  }
.Ltmp4:
0x81: {  	[sflag:s8] =	ssyncset.done $0x0;
	(pc) =	sbr.rel @!p0 .LBB2_8-.Ltmp4, $4  }
0x82: {  	[sflag:s8] =	ssyncadd.s32 $0xFFFFE980  }
0x83: {  	_ =	swait.ge [sflag:s1], $0x1680  }
0x84: {  	[sflag:s1] =	ssyncset.done $0x0  }
0x85: {  	[sflag:s1] =	ssyncadd.s32 $0xFFFFE980  }
.LBB2_4:
0x86: {  	s13 =	smul.u32 $0x7D0, s10;
	_ =	sdelay $0x1  }
0x87: {  	s13 =	sadd.s32 s6, s13  }
0x88: {  	s15 =	rddreg [dreg:$0x0];
	s13 =	sshrl.u32 s13, $0x3  }
0x89: {  	s13 =	sadd.s32 s15, s13  }
0x8a: {  	[tilespmem:s2], [sflag:$0xB] =	stream.linear.gather [hbm4b:s13+s2], $0x7D0, $0x38;
	[tilespmem:$0x1E820] =	vst v63  }
0x8b: {  	_ =	swait.ge [sflag:s28], $0x7D0  }
0x8c: {  	[sflag:s28] =	ssyncset.done $0x0  }
0x8d: {  	s13 =	sadd.s32 $0x9C40, s13;
	[sflag:s28] =	ssyncadd.s32 $0xFFFFF830  }
0x8e: {  	[tilespmem:s29], [sflag:$0xB] =	stream.linear.gather [hbm4b:s13+s2], $0x7D0, $0x38;
	[tilespmem:$0x1E820] =	vst v63  }
0x8f: {  	_ =	swait.ge [sflag:s28], $0x7D0  }
0x90: {  	[sflag:s28] =	ssyncset.done $0x0  }
0x91: {  	[sflag:s28] =	ssyncadd.s32 $0xFFFFF830  }
0x92: {  	[tilespmem:s26], [sflag:$0x1] =	stream.indirect.gather [hbm4b:s5+s30], $0x90, s2, s30, $0xb8;
	[tilespmem:$0x1E820] =	vst v63  }
0x93: {  	_ = 	snop  }
0x94: {  	[tilespmem:s31], [sflag:$0x2] =	stream.indirect.gather [hbm4b:s5+s30], $0x90, s30, s30, $0xb8;
	[tilespmem:$0x1E820] =	vst v63  }
0x95: {  	s17 =	simm.s32 $0x50  }
0x96: {  	[tilespmem:s4], [sflag:$0x3] =	stream.indirect.gather [hbm4b:s5+s30], $0x90, s17, s30, $0xb8;
	[tilespmem:$0x1E820] =	vst v63  }
0x97: {  	s19 =	simm.s32 $0x78  }
0x98: {  	[tilespmem:s7], [sflag:$0x4] =	stream.indirect.gather [hbm4b:s5+s30], $0x90, s19, s30, $0xb8;
	[tilespmem:$0x1E820] =	vst v63  }
0x99: {  	_ =	swait.ge [sflag:s9], $0x1680  }
0x9a: {  	[sflag:s9] =	ssyncset.done $0x0  }
0x9b: {  	[sflag:s9] =	ssyncadd.s32 $0xFFFFE980  }
0x9c: {  	[spmem:s3] =	stream.indirect.scatter.add.f32 [tilespmem:s26], [sflag:$0x6], $0x90, s29, s30, $0xb8;
	[tilespmem:$0x1E820] =	vst v63  }
0x9d: {  	s21 =	simm.s32 $0xA0  }
0x9e: {  	[tilespmem:s11], [sflag:$0x5] =	stream.indirect.gather [hbm4b:s5+s30], $0x90, s21, s30, $0xb8;
	[tilespmem:$0x1E820] =	vst v63  }
0x9f: {  	_ =	swait.ge [sflag:s12], $0x1680  }
0xa0: {  	[sflag:s12] =	ssyncset.done $0x0  }
0xa1: {  	s23 =	simm.s32 $0x7F8;
	[sflag:s12] =	ssyncadd.s32 $0xFFFFE980  }
0xa2: {  	[spmem:s3] =	stream.indirect.scatter.add.f32 [tilespmem:s31], [sflag:$0x7], $0x90, s23, s30, $0xb8;
	[tilespmem:$0x1E820] =	vst v63  }
0xa3: {  	_ =	swait.ge [sflag:s14], $0x1680  }
0xa4: {  	[sflag:s14] =	ssyncset.done $0x0  }
0xa5: {  	s15 =	simm.s32 $0xC8;
	[sflag:s14] =	ssyncadd.s32 $0xFFFFE980  }
0xa6: {  	[tilespmem:s26], [sflag:$0x1] =	stream.indirect.gather [hbm4b:s5+s30], $0x90, s15, s30, $0xb8;
	[tilespmem:$0x1E820] =	vst v63  }
0xa7: {  	_ =	swait.ge [sflag:s16], $0x1680  }
0xa8: {  	[sflag:s16] =	ssyncset.done $0x0  }
0xa9: {  	s17 =	simm.s32 $0x820;
	[sflag:s16] =	ssyncadd.s32 $0xFFFFE980  }
0xaa: {  	[spmem:s3] =	stream.indirect.scatter.add.f32 [tilespmem:s4], [sflag:$0x8], $0x90, s17, s30, $0xb8;
	[tilespmem:$0x1E820] =	vst v63  }
0xab: {  	_ =	swait.ge [sflag:s18], $0x1680  }
0xac: {  	[sflag:s18] =	ssyncset.done $0x0  }
0xad: {  	s19 =	simm.s32 $0xF0;
	[sflag:s18] =	ssyncadd.s32 $0xFFFFE980  }
0xae: {  	[tilespmem:s31], [sflag:$0x2] =	stream.indirect.gather [hbm4b:s5+s30], $0x90, s19, s30, $0xb8;
	[tilespmem:$0x1E820] =	vst v63  }
0xaf: {  	_ =	swait.ge [sflag:s20], $0x1680  }
0xb0: {  	[sflag:s20] =	ssyncset.done $0x0  }
0xb1: {  	s21 =	simm.s32 $0x848;
	[sflag:s20] =	ssyncadd.s32 $0xFFFFE980  }
0xb2: {  	[spmem:s3] =	stream.indirect.scatter.add.f32 [tilespmem:s7], [sflag:$0x9], $0x90, s21, s30, $0xb8;
	[tilespmem:$0x1E820] =	vst v63  }
0xb3: {  	_ =	swait.ge [sflag:s22], $0x1680  }
0xb4: {  	[sflag:s22] =	ssyncset.done $0x0  }
0xb5: {  	s23 =	simm.s32 $0x118;
	[sflag:s22] =	ssyncadd.s32 $0xFFFFE980  }
0xb6: {  	[tilespmem:s4], [sflag:$0x3] =	stream.indirect.gather [hbm4b:s5+s30], $0x90, s23, s30, $0xb8;
	[tilespmem:$0x1E820] =	vst v63  }
0xb7: {  	_ =	swait.ge [sflag:s24], $0x1680  }
0xb8: {  	[sflag:s24] =	ssyncset.done $0x0  }
0xb9: {  	[sflag:s24] =	ssyncadd.s32 $0xFFFFE980  }
0xba: {  	[spmem:s3] =	stream.indirect.scatter.add.f32 [tilespmem:s11], [sflag:$0xA], $0x90, s25, s30, $0xb8;
	[tilespmem:$0x1E820] =	vst v63  }
0xbb: {  	_ =	swait.ge [sflag:s8], $0x1680  }
0xbc: {  	[sflag:s8] =	ssyncset.done $0x0  }
0xbd: {  	s13 =	simm.s32 $0x0;
	[sflag:s8] =	ssyncadd.s32 $0xFFFFE980  }
0xbe: {  	[tilespmem:s7], [sflag:$0x4] =	stream.indirect.gather [hbm4b:s5+s30], $0x90, s0, s30, $0xb8;
	[tilespmem:$0x1E820] =	vst v63  }
.LBB2_5:
0xbf: {  	_ =	swait.ge [sflag:s9], $0x1680  }
0xc0: {  	s15 =	sshra.s32 s13, $0x2;
	[sflag:s9] =	ssyncset.done $0x0  }
0xc1: {  	s17 =	sadd.s32 $0x898, s15;
	[sflag:s9] =	ssyncadd.s32 $0xFFFFE980  }
0xc2: {  	[spmem:s3] =	stream.indirect.scatter.add.f32 [tilespmem:s26], [sflag:$0x6], $0x90, s17, s30, $0xb8;
	[tilespmem:$0x1E820] =	vst v63  }
0xc3: {  	_ =	swait.ge [sflag:s1], $0x1680  }
0xc4: {  	[sflag:s1] =	ssyncset.done $0x0  }
0xc5: {  	s19 =	sadd.s32 $0x168, s15;
	[sflag:s1] =	ssyncadd.s32 $0xFFFFE980  }
0xc6: {  	[tilespmem:s11], [sflag:$0x5] =	stream.indirect.gather [hbm4b:s5+s30], $0x90, s19, s30, $0xb8;
	[tilespmem:$0x1E820] =	vst v63  }
0xc7: {  	_ =	swait.ge [sflag:s12], $0x1680  }
0xc8: {  	[sflag:s12] =	ssyncset.done $0x0  }
0xc9: {  	s21 =	sadd.s32 $0x8C0, s15;
	[sflag:s12] =	ssyncadd.s32 $0xFFFFE980  }
0xca: {  	[spmem:s3] =	stream.indirect.scatter.add.f32 [tilespmem:s31], [sflag:$0x7], $0x90, s21, s30, $0xb8;
	[tilespmem:$0x1E820] =	vst v63  }
0xcb: {  	_ =	swait.ge [sflag:s14], $0x1680  }
0xcc: {  	p0 =	seq.s32 s13, $0x1900;
	[sflag:s14] =	ssyncset.done $0x0  }
0xcd: {  	s17 =	simm.s32 @p0 $0x3;
	[sflag:s14] =	ssyncadd.s32 $0xFFFFE980  }
0xce: {  	_ =	swait.ge @p0 [sflag:s17], $0x1680  }
0xcf: {  	[sflag:s17] =	ssyncset.done @p0 $0x0  }
0xd0: {  	[sflag:s17] =	ssyncadd.s32 @p0 $0xFFFFE980;
	s17 =	sshra.s32 @p0 s13, $0x2  }
0xd1: {  	s19 =	simm.s32 @p0 $0x28;
	s21 =	simm.s32 @p0 $0x3CA0;
	s17 =	sadd.s32 @p0 $0x8E8, s17  }
0xd2: {  	[spmem:s3] =	stream.indirect.scatter.add.f32 @p0 [tilespmem:s21], [sflag:$0x8], $0x90, s17, s19, $0xb8;
	[tilespmem:$0x1E820] =	vst v63  }
0xd3: {  	s17 =	simm.s32 @p0 $0x7  }
0xd4: {  	_ =	swait.ge @p0 [sflag:s17], $0x1680  }
0xd5: {  	[sflag:s17] =	ssyncset.done @p0 $0x0  }
0xd6: {  	[sflag:s17] =	ssyncadd.s32 @p0 $0xFFFFE980;
	s17 =	sshra.s32 @!p0 s13, $0x2  }
0xd7: {  	s23 =	simm.s32 @!p0 $0xFA0;
	s21 =	simm.s32 @!p0 $0x28;
	s19 =	sadd.s32 @!p0 $0x190, s17  }
0xd8: {  	[tilespmem:s23], [sflag:$0x1] =	stream.indirect.gather @!p0 [hbm4b:s5+s21], $0x90, s19, s21, $0xb8;
	[tilespmem:$0x1E820] =	vst v63  }
0xd9: {  	s19 =	simm.s32 @!p0 $0x3  }
0xda: {  	_ =	swait.ge @!p0 [sflag:s19], $0x1680  }
0xdb: {  	[sflag:s19] =	ssyncset.done @!p0 $0x0  }
0xdc: {  	s23 =	simm.s32 @!p0 $0x3CA0;
	[sflag:s19] =	ssyncadd.s32 @!p0 $0xFFFFE980;
	s19 =	sadd.s32 @!p0 $0x8E8, s17  }
0xdd: {  	[spmem:s3] =	stream.indirect.scatter.add.f32 @!p0 [tilespmem:s23], [sflag:$0x8], $0x90, s19, s21, $0xb8;
	[tilespmem:$0x1E820] =	vst v63  }
0xde: {  	s19 =	simm.s32 @!p0 $0x7  }
0xdf: {  	_ =	swait.ge @!p0 [sflag:s19], $0x1680  }
0xe0: {  	[sflag:s19] =	ssyncset.done @!p0 $0x0  }
0xe1: {  	s17 =	sadd.s32 @!p0 $0x1B8, s17;
	[sflag:s19] =	ssyncadd.s32 @!p0 $0xFFFFE980;
	s19 =	simm.s32 @!p0 $0x2620  }
0xe2: {  	[tilespmem:s19], [sflag:$0x2] =	stream.indirect.gather @!p0 [hbm4b:s5+s21], $0x90, s17, s21, $0xb8;
	[tilespmem:$0x1E820] =	vst v63  }
0xe3: {  	_ =	swait.ge [sflag:s20], $0x1680  }
0xe4: {  	[sflag:s20] =	ssyncset.done $0x0  }
.Ltmp5:
0xe5: {  	s23 =	sadd.s32 $0x910, s15;
	[sflag:s20] =	ssyncadd.s32 $0xFFFFE980;
	(pc) =	sbr.rel @p0 .LBB2_7-.Ltmp5, $4  }
0xe6: {  	[spmem:s3] =	stream.indirect.scatter.add.f32 [tilespmem:s7], [sflag:$0x9], $0x90, s23, s30, $0xb8;
	[tilespmem:$0x1E820] =	vst v63  }
0xe7: {  	_ =	swait.ge [sflag:s22], $0x1680  }
0xe8: {  	[sflag:s22] =	ssyncset.done $0x0  }
0xe9: {  	s17 =	sadd.s32 $0x938, s15;
	[sflag:s22] =	ssyncadd.s32 $0xFFFFE980  }
0xea: {  	s19 =	sadd.s32 $0x1E0, s15  }
0xeb: {  	[tilespmem:s4], [sflag:$0x3] =	stream.indirect.gather [hbm4b:s5+s30], $0x90, s19, s30, $0xb8;
	[tilespmem:$0x1E820] =	vst v63  }
0xec: {  	_ =	swait.ge [sflag:s24], $0x1680  }
0xed: {  	[sflag:s24] =	ssyncset.done $0x0  }
0xee: {  	[sflag:s24] =	ssyncadd.s32 $0xFFFFE980  }
0xef: {  	[spmem:s3] =	stream.indirect.scatter.add.f32 [tilespmem:s11], [sflag:$0xA], $0x90, s17, s30, $0xb8;
	[tilespmem:$0x1E820] =	vst v63  }
.Ltmp6:
0xf0: {  	_ = 	snop;
	(pc) =	sbr.rel .LBB2_5-.Ltmp6, $4  }
0xf1: {  	_ =	swait.ge [sflag:s8], $0x1680  }
0xf2: {  	[sflag:s8] =	ssyncset.done $0x0  }
0xf3: {  	s23 =	sadd.s32 $0x208, s15;
	s13 =	sadd.s32 $0x320, s13;
	[sflag:s8] =	ssyncadd.s32 $0xFFFFE980  }
0xf4: {  	[tilespmem:s7], [sflag:$0x4] =	stream.indirect.gather [hbm4b:s5+s30], $0x90, s23, s30, $0xb8;
	[tilespmem:$0x1E820] =	vst v63  }
.LBB2_9:
0xf5: {  	_ =	sfence.sel $0x180000  }
0xf6: {  	[bflag:$0x0] =	sbarrier.arrive $0xFFFF  }
0xf7: {  	_ =	strace $0x90000047  }
0xf8: {  	s0 =	stileid.u32;
	[bflag:$0x2] =	sbarrier.arrive $0xFFFF  }
0xf9: {  	p0 =	sne.s32 s0, $0x0;
	s0 =	rddreg [dreg:$0x3]  }
0xfa: {  	s0 =	sadd.s32 @!p0 $0x100000, s0  }
0xfb: {  	[sflag:s0] =	ssyncadd.tile.s32 @!p0 $0x1;
	_ =	shalt  }
.Lfunc_end2:
_tile_overlayer_lowered:
.L_overlay_start_2:
0xfc: {  	(tag) =	ssettag $0x2  }
0xfd: {  	s0 =	rddreg [dreg:$0x0];
	s2 =	stileid.u32  }
0xfe: {  	s1 =	rddreg [dreg:$0x1];
	p0 =	sne.s32 s2, $0x0  }
0xff: {  	s3 =	rddreg [dreg:$0x2];
	[bflag:$0x3] =	sbarrier.arrive $0xFFFF;
	s2 =	simm.s32 @!p0 $0x1C0B  }
0x100: {  	[timem:s3], [sflag:s2] =	dma.local @!p0 [hbm:s0], s1  }
0x101: {  	s0 =	simm.s32 @!p0 $0xB  }
0x102: {  	_ =	swait.ge @!p0 [sflag:s0], s1  }
0x103: {  	s1 =	ssub.s32 @!p0 $0x0, s1;
	[sflag:s0] =	ssyncset.done @!p0 $0x0  }
0x104: {  	[sflag:s0] =	ssyncadd.s32 @!p0 s1  }
0x105: {  	[bflag:$0x3] =	sbarrier.arrive $0xFFFF  }
0x106: {  	_ =	shalt  }

</sc_bundles>
